<compile_context>
chip_gen: v7x
topology: tpu7x:2x2x1
jax: 0.10.2.dev20260603
libtpu: 0.0.44.dev20260713+nightly
codegen_flags: <defaults>
</compile_context>

<pallas_src>
import functools

import jax
import jax.numpy as jnp
from jax import lax
from jax.experimental import pallas as pl
from jax.experimental.pallas import tpu as pltpu
from jax.experimental.pallas import tpu_sc as plsc

NC = 2
NS = 16
NT = NC * NS
CHUNK = 128
VEC = 16
W_WIN = 8192
RANGE = 320
CL = 7680


def _sc_mesh():
    return plsc.VectorSubcoreMesh(core_axis_name="c", subcore_axis_name="s")



def _build_prep(N, R, E_pad):
    n_win = E_pad // W_WIN
    garb0 = NT * RANGE
    z0 = R * N

    def body(src_hbm, typ_hbm, dst_hbm, gl_hbm, dl_hbm, deg_hbm,
             wsrc, wtyp, wdst, pbufg, pbufd, hist, tgl, tdl, degf):
        c = lax.axis_index("c")
        s = lax.axis_index("s")
        t = s * NC + c
        lo = t * RANGE
        hi = lo + RANGE
        lane = lax.iota(jnp.int32, VEC)

        def fill_tmpl(i, _):
            iv = i * VEC + lane
            tgl[pl.ds(i * VEC, VEC)] = z0 + (iv % 128)
            tdl[pl.ds(i * VEC, VEC)] = jnp.broadcast_to(garb0, (VEC,)
                                                        ).astype(jnp.int32)
            return 0
        lax.fori_loop(0, 1280 // VEC, fill_tmpl, 0)
        def zero_hist(i, _):
            hist[pl.ds(i * VEC, VEC)] = jnp.zeros((VEC,), jnp.int32)
            return 0
        lax.fori_loop(0, RANGE // VEC, zero_hist, 0)

        def pre_body(k, _):
            off = pl.multiple_of(t * CL + k * 1280, 1280)
            pltpu.sync_copy(tgl, gl_hbm.at[pl.ds(off, 1280)])
            pltpu.sync_copy(tdl, dl_hbm.at[pl.ds(off, 1280)])
            return 0
        lax.fori_loop(0, CL // 1280, pre_body, 0)

        def win_body(win, flushed):
            wb = pl.multiple_of(win * W_WIN, W_WIN)
            pltpu.sync_copy(src_hbm.at[pl.ds(wb, W_WIN)], wsrc)
            pltpu.sync_copy(typ_hbm.at[pl.ds(wb, W_WIN)], wtyp)
            pltpu.sync_copy(dst_hbm.at[pl.ds(wb, W_WIN)], wdst)

            def grp_body(g, cnt):
                sl = pl.ds(g * VEC, VEC)
                dv = wdst[sl]
                own = (dv >= lo) & (dv < hi)
                gv = wtyp[sl] * N + wsrc[sl]
                ec = jnp.zeros((VEC,), jnp.int32)
                lc = jnp.zeros((VEC,), jnp.int32)
                for k in range(1, VEC):
                    re_idx = (lane - k) % VEC
                    rl_idx = (lane + k) % VEC
                    eqe = (dv == dv[re_idx]) & (lane >= k)
                    eql = (dv == dv[rl_idx]) & (lane < VEC - k)
                    ec = ec + eqe.astype(jnp.int32)
                    lc = lc + eql.astype(jnp.int32)
                dloc = jnp.where(own, dv - lo, 0)
                hbase = plsc.load_gather(hist, [dloc])
                is_last = own & (lc == 0)
                plsc.store_scatter(hist, [dloc], hbase + ec + lc + 1,
                                   mask=is_last)
                pref = plsc.cumsum(own.astype(jnp.int32))
                pos = cnt + pref - 1
                plsc.store_scatter(pbufg, [pos], gv, mask=own)
                plsc.store_scatter(pbufd, [pos], dv, mask=own)
                return cnt + jnp.max(pref)
            cnt = lax.fori_loop(0, W_WIN // VEC, grp_body, 0)

            for k in range(CHUNK // VEC):
                pos = cnt + k * VEC + lane
                plsc.store_scatter(pbufg, [pos], z0 + ((lane + k * VEC) % 128))
                plsc.store_scatter(pbufd, [pos],
                                   jnp.broadcast_to(garb0, (VEC,)
                                                    ).astype(jnp.int32))
            cntp = ((cnt + CHUNK - 1) // CHUNK) * CHUNK

            nfl = jnp.minimum(cntp, CL - flushed) // CHUNK

            def flush_body(k, _):
                src_sl = pl.ds(k * CHUNK, CHUNK)
                dst_off = pl.multiple_of(t * CL + flushed + k * CHUNK, CHUNK)
                pltpu.sync_copy(pbufg.at[src_sl],
                                gl_hbm.at[pl.ds(dst_off, CHUNK)])
                pltpu.sync_copy(pbufd.at[src_sl],
                                dl_hbm.at[pl.ds(dst_off, CHUNK)])
                return 0
            lax.fori_loop(0, nfl, flush_body, 0)
            return flushed + nfl * CHUNK

        lax.fori_loop(0, n_win, win_body, 0)

        def deg_cvt(i, _):
            degf[pl.ds(i * VEC, VEC)] = hist[pl.ds(i * VEC, VEC)].astype(
                jnp.float32)
            return 0
        lax.fori_loop(0, RANGE // VEC, deg_cvt, 0)
        pltpu.sync_copy(degf, deg_hbm.at[pl.ds(pl.multiple_of(lo, RANGE),
                                               RANGE)])

    return pl.kernel(
        body,
        out_type=(jax.ShapeDtypeStruct((NT * CL,), jnp.int32),
                  jax.ShapeDtypeStruct((NT * CL,), jnp.int32),
                  jax.ShapeDtypeStruct((NT * RANGE,), jnp.float32)),
        mesh=_sc_mesh(),
        scratch_types=[
            pltpu.VMEM((W_WIN,), jnp.int32),
            pltpu.VMEM((W_WIN,), jnp.int32),
            pltpu.VMEM((W_WIN,), jnp.int32),
            pltpu.VMEM((W_WIN + CHUNK,), jnp.int32),
            pltpu.VMEM((W_WIN + CHUNK,), jnp.int32),
            pltpu.VMEM((RANGE,), jnp.int32),
            pltpu.VMEM((1280,), jnp.int32),
            pltpu.VMEM((1280,), jnp.int32),
            pltpu.VMEM((RANGE,), jnp.float32),
        ],
        compiler_params=pltpu.CompilerParams(needs_layout_passes=False),
    )


def _build_gather_m(D):

    def body(xr_hbm, gl_hbm, m_hbm, gbuf, rows_v, sem):
        c = lax.axis_index("c")
        s = lax.axis_index("s")
        t = s * NC + c

        def chunk_body(k, _):
            base = pl.multiple_of(t * CL + k * CHUNK, CHUNK)
            pltpu.sync_copy(gl_hbm.at[pl.ds(base, CHUNK)], gbuf)
            pltpu.async_copy(xr_hbm.at[gbuf], rows_v, sem).wait()
            pltpu.sync_copy(rows_v, m_hbm.at[pl.ds(base, CHUNK)])
            return 0
        lax.fori_loop(0, CL // CHUNK, chunk_body, 0)

    return pl.kernel(
        body,
        out_type=jax.ShapeDtypeStruct((NT * CL, D), jnp.float32),
        mesh=_sc_mesh(),
        scratch_types=[
            pltpu.VMEM((CHUNK,), jnp.int32),
            pltpu.VMEM((CHUNK, D), jnp.float32),
            pltpu.SemaphoreType.DMA,
        ],
    )


def _build_pair_gather(N, D, B):
    per_w = B // NT

    def body(x_hbm, heads_hbm, tails_hbm, zh_hbm, zt_hbm, ibuf, rows_v, sem):
        c = lax.axis_index("c")
        s = lax.axis_index("s")
        w = s * NC + c
        base = pl.multiple_of(w * per_w, per_w)
        pltpu.sync_copy(heads_hbm.at[pl.ds(base, per_w)], ibuf)
        pltpu.async_copy(x_hbm.at[ibuf], rows_v, sem).wait()
        pltpu.sync_copy(rows_v, zh_hbm.at[pl.ds(base, per_w)])
        pltpu.sync_copy(tails_hbm.at[pl.ds(base, per_w)], ibuf)
        pltpu.async_copy(x_hbm.at[ibuf], rows_v, sem).wait()
        pltpu.sync_copy(rows_v, zt_hbm.at[pl.ds(base, per_w)])

    return pl.kernel(
        body,
        out_type=(jax.ShapeDtypeStruct((B, D), jnp.float32),
                  jax.ShapeDtypeStruct((B, D), jnp.float32)),
        mesh=_sc_mesh(),
        scratch_types=[
            pltpu.VMEM((per_w,), jnp.int32),
            pltpu.VMEM((per_w, D), jnp.float32),
            pltpu.SemaphoreType.DMA,
        ],
    )



def _xr_body(nb, x_ref, w_ref, out_ref):
    j = pl.program_id(0)

    @pl.when(j < nb)
    def _():
        out_ref[...] = jnp.dot(x_ref[...], w_ref[0],
                               preferred_element_type=jnp.float32)

    @pl.when(j >= nb)
    def _():
        out_ref[...] = jnp.zeros_like(out_ref)


def _relation_transform(x, w_l, bn):
    N, D = x.shape
    R = w_l.shape[0]
    npb = N // bn
    nb = R * npb
    return pl.pallas_call(
        functools.partial(_xr_body, nb),
        grid=(nb + 1,),
        in_specs=[
            pl.BlockSpec((bn, D), lambda j, npb=npb: (j % npb, 0)),
            pl.BlockSpec((1, D, D),
                         lambda j, npb=npb, R=R: (jnp.minimum(j // npb,
                                                              R - 1), 0, 0)),
        ],
        out_specs=pl.BlockSpec((bn, D), lambda j: (j, 0)),
        out_shape=jax.ShapeDtypeStruct((R * N + bn, D), jnp.float32),
    )(x, w_l)


def _reduce_body(m_ref, dst_ref, out_ref):
    t = pl.program_id(0)
    k = pl.program_id(1)
    cb = m_ref.shape[0]
    local = dst_ref[...] - t * RANGE
    oh = (local == lax.broadcasted_iota(jnp.int32, (cb, RANGE), 1)
          ).astype(jnp.float32)
    part = lax.dot_general(oh, m_ref[...], (((0,), (0,)), ((), ())),
                           preferred_element_type=jnp.float32)

    @pl.when(k == 0)
    def _():
        out_ref[...] = part

    @pl.when(k > 0)
    def _():
        out_ref[...] = out_ref[...] + part


def _segment_reduce(m, dst2d, D, cb):
    nch = CL // cb
    return pl.pallas_call(
        _reduce_body,
        grid=(NT, nch),
        in_specs=[
            pl.BlockSpec((cb, D), lambda t, k, nch=nch: (t * nch + k, 0)),
            pl.BlockSpec((cb, 1), lambda t, k, nch=nch: (t * nch + k, 0)),
        ],
        out_specs=pl.BlockSpec((RANGE, D), lambda t, k: (t, 0)),
        out_shape=jax.ShapeDtypeStruct((NT * RANGE, D), jnp.float32),
    )(m, dst2d)


def _comb_body(a_ref, d_ref, x_ref, w_ref, b_ref, out_ref):
    deg = jnp.maximum(d_ref[...], 1.0)
    h = a_ref[...] / deg
    h = h + jnp.dot(x_ref[...], w_ref[...],
                    preferred_element_type=jnp.float32) + b_ref[...]
    out_ref[...] = jnp.maximum(h, 0.0)


def _combine(agg, deg, x, w_l, b_l, bn):
    N, D = x.shape
    grid = (N // bn,)
    return pl.pallas_call(
        _comb_body,
        grid=grid,
        in_specs=[
            pl.BlockSpec((bn, D), lambda i: (i, 0)),
            pl.BlockSpec((bn, 1), lambda i: (i, 0)),
            pl.BlockSpec((bn, D), lambda i: (i, 0)),
            pl.BlockSpec((D, D), lambda i: (0, 0)),
            pl.BlockSpec((1, D), lambda i: (0, 0)),
        ],
        out_specs=pl.BlockSpec((bn, D), lambda i: (i, 0)),
        out_shape=jax.ShapeDtypeStruct((N, D), jnp.float32),
    )(agg, deg, x, w_l, b_l)


def _score_body(zh_ref, zt_ref, mp_ref, rel_ref,
                w1_ref, b1_ref, w2_ref, b2_ref, g_ref, bb_ref,
                wga_ref, wgb_ref, bg_ref, remb_ref, out_ref):
    f32 = jnp.float32
    h1 = jnp.maximum(
        jnp.dot(mp_ref[...], w1_ref[...], preferred_element_type=f32)
        + b1_ref[...], 0.0)
    h2 = jnp.dot(h1, w2_ref[...], preferred_element_type=f32) + b2_ref[...]
    mu = jnp.mean(h2, axis=-1, keepdims=True)
    var = jnp.mean((h2 - mu) ** 2, axis=-1, keepdims=True)
    h3 = (h2 - mu) / jnp.sqrt(var + 1e-5) * g_ref[...] + bb_ref[...]
    zm = jnp.maximum(h3, 0.0)
    zt = zt_ref[...]
    logits = (jnp.dot(zt, wga_ref[...], preferred_element_type=f32)
              + jnp.dot(zm, wgb_ref[...], preferred_element_type=f32)
              + bg_ref[...])
    alpha = jax.nn.sigmoid(logits)
    ztf = zt + alpha * zm
    R = remb_ref.shape[0]
    rel = rel_ref[...]
    oh = (rel == lax.broadcasted_iota(jnp.int32, (rel.shape[0], R), 1)
          ).astype(f32)
    r = jnp.dot(oh, remb_ref[...], preferred_element_type=f32)
    out_ref[...] = jnp.sum(zh_ref[...] * r * ztf, axis=-1, keepdims=True)


def _score(zh, zt, mp, rels, W1, b1, W2, b2, ln_g, ln_b, Wga, Wgb, bg,
           relation_emb, bb):
    B, D = zh.shape
    M = mp.shape[1]
    R = relation_emb.shape[0]
    grid = (B // bb,)
    full = lambda shape: pl.BlockSpec(shape, lambda i: tuple(0 for _ in shape))
    return pl.pallas_call(
        _score_body,
        grid=grid,
        in_specs=[
            pl.BlockSpec((bb, D), lambda i: (i, 0)),
            pl.BlockSpec((bb, D), lambda i: (i, 0)),
            pl.BlockSpec((bb, M), lambda i: (i, 0)),
            pl.BlockSpec((bb, 1), lambda i: (i, 0)),
            full((M, D)), full((1, D)), full((D, D)), full((1, D)),
            full((1, D)), full((1, D)), full((D, D)), full((D, D)),
            full((1, D)), full((R, D)),
        ],
        out_specs=pl.BlockSpec((bb, 1), lambda i: (i, 0)),
        out_shape=jax.ShapeDtypeStruct((B, 1), jnp.float32),
    )(zh, zt, mp, rels, W1, b1, W2, b2, ln_g, ln_b, Wga, Wgb, bg,
      relation_emb)



def kernel(node_ids, edge_index, edge_type, heads, rels, tails,
           metapath_feats, entity_emb, W_rel, W_self, b_layer, relation_emb,
           W1, b1, W2, b2, ln_g, ln_b, Wg, bg):
    N, D = entity_emb.shape
    E = edge_index.shape[1]
    L, R = W_rel.shape[0], W_rel.shape[1]
    B = heads.shape[0]

    E_pad = -(-E // W_WIN) * W_WIN
    pad = E_pad - E

    src = edge_index[0]
    dst = edge_index[1]
    if pad:
        pad_i = jnp.arange(pad, dtype=jnp.int32)
        src = jnp.concatenate([src, pad_i % N])
        dst = jnp.concatenate([dst, jnp.full((pad,), NT * RANGE + 1,
                                             jnp.int32)])
        edge_type = jnp.concatenate([edge_type, jnp.zeros((pad,), jnp.int32)])

    prep = _build_prep(N, R, E_pad)
    gl, dl, deg = prep(src, edge_type, dst)
    dl2d = dl.reshape(NT * CL, 1)
    deg2d = deg.reshape(NT * RANGE, 1)

    bn = 400
    gather_m = _build_gather_m(D)

    x = entity_emb
    for l in range(L):
        xr = _relation_transform(x, W_rel[l], bn)
        m = gather_m(xr, gl)
        agg = _segment_reduce(m, dl2d, D, cb=512)
        x = _combine(agg, deg2d, x, W_self[l], b_layer[l].reshape(1, D), bn)

    pair = _build_pair_gather(N, D, B)
    zh, zt = pair(x, heads, tails)

    score = _score(zh, zt, metapath_feats, rels.reshape(B, 1),
                   W1, b1.reshape(1, D), W2, b2.reshape(1, D),
                   ln_g.reshape(1, D), ln_b.reshape(1, D),
                   Wg[:D], Wg[D:], bg.reshape(1, D), relation_emb, bb=512)
    return score.reshape(B)

# --- scband reference (transcript-rebuilt; emitter-appended) ---
"""Pipeline reference for scband-metapath-subgraph-model-3238405341338 (READ-ONLY COPY).

The authoritative reference and input builder live on the scoring server;
editing this copy changes nothing except your own understanding.
"""

import jax, jax.numpy as jnp
import numpy as np

N = 10000
E = 160000
D = 256
R = 8
L = 2
B = 4096
M = 5


def setup_inputs(seed: int = 0) -> dict:
    key = jax.random.key(seed)
    ks = jax.random.split(key, 24)
    inp = {}
    # forward args
    inp["node_ids"] = jnp.arange(N, dtype=jnp.int32)
    inp["edge_index"] = jax.random.randint(ks[0], (2, E), 0, N, dtype=jnp.int32)
    inp["edge_type"] = jax.random.randint(ks[1], (E,), 0, R, dtype=jnp.int32)
    inp["heads"] = jax.random.randint(ks[2], (B,), 0, N, dtype=jnp.int32)
    inp["rels"] = jax.random.randint(ks[3], (B,), 0, R, dtype=jnp.int32)
    inp["tails"] = jax.random.randint(ks[4], (B,), 0, N, dtype=jnp.int32)
    inp["metapath_feats"] = jax.random.uniform(ks[5], (B, M), dtype=jnp.float32)
    # learned parameters
    s = 1.0 / np.sqrt(D)
    inp["entity_emb"] = jax.random.normal(ks[6], (N, D), dtype=jnp.float32) * s
    inp["W_rel"] = jax.random.normal(ks[7], (L, R, D, D), dtype=jnp.float32) * s
    inp["W_self"] = jax.random.normal(ks[8], (L, D, D), dtype=jnp.float32) * s
    inp["b_layer"] = jnp.zeros((L, D), dtype=jnp.float32)
    inp["relation_emb"] = jax.random.normal(ks[9], (R, D), dtype=jnp.float32) * s
    inp["W1"] = jax.random.normal(ks[10], (M, D), dtype=jnp.float32) * (1.0 / np.sqrt(M))
    inp["b1"] = jnp.zeros((D,), dtype=jnp.float32)
    inp["W2"] = jax.random.normal(ks[11], (D, D), dtype=jnp.float32) * s
    inp["b2"] = jnp.zeros((D,), dtype=jnp.float32)
    inp["ln_g"] = jnp.ones((D,), dtype=jnp.float32)
    inp["ln_b"] = jnp.zeros((D,), dtype=jnp.float32)
    inp["Wg"] = jax.random.normal(ks[12], (2 * D, D), dtype=jnp.float32) * (1.0 / np.sqrt(2 * D))
    inp["bg"] = jnp.zeros((D,), dtype=jnp.float32)
    return inp


def reference(node_ids, edge_index, edge_type, heads, rels, tails, metapath_feats,
              entity_emb, W_rel, W_self, b_layer, relation_emb,
              W1, b1, W2, b2, ln_g, ln_b, Wg, bg):
    # LocalRGCNEncoder: relation-typed message passing with mean aggregation
    x = entity_emb[node_ids]
    src = edge_index[0]
    dst = edge_index[1]
    n = x.shape[0]
    for l in range(L):
        # relation-specific transform of all nodes, then per-edge gather
        xr = jnp.einsum('nd,rdh->nrh', x, W_rel[l])  # [n, R, D]
        msg = xr[src, edge_type]                      # [E, D]
        agg = jnp.zeros((n, D), dtype=x.dtype).at[dst].add(msg)
        deg = jnp.zeros((n,), dtype=x.dtype).at[dst].add(1.0)
        agg = agg / jnp.maximum(deg, 1.0)[:, None]
        x = jax.nn.relu(agg + x @ W_self[l] + b_layer[l])
    z_local = x
    # node_ids == arange(N), so global2local is the identity mapping
    z_h = z_local[heads]
    z_t_struct = z_local[tails]
    # metapath encoder: Linear -> ReLU -> (Dropout eval=id) -> Linear -> LayerNorm -> ReLU
    h1 = jax.nn.relu(metapath_feats @ W1 + b1)
    h2 = h1 @ W2 + b2
    mu = jnp.mean(h2, axis=-1, keepdims=True)
    var = jnp.var(h2, axis=-1, keepdims=True)
    h3 = (h2 - mu) / jnp.sqrt(var + 1e-5) * ln_g + ln_b
    z_meta = jax.nn.relu(h3)
    gate_in = jnp.concatenate([z_t_struct, z_meta], axis=-1)
    alpha = jax.nn.sigmoid(gate_in @ Wg + bg)
    z_t = z_t_struct + alpha * z_meta
    r = relation_emb[rels]
    score = jnp.sum(z_h * r * z_t, axis=-1)
    return score

if __name__ == "__main__":
    import jax
    _d = setup_inputs()
    print(jax.jit(kernel)(*tuple(_d.values())))

</pallas_src>

<mosaic_0001>
#map = affine_map<(d0, d1) -> (0)>
module attributes {stable_mosaic.version = 14 : i64} {
  func.func @body(%arg0: i32, %arg1: i32, %arg2: memref<163840xi32, #tpu.memory_space<hbm>>, %arg3: memref<163840xi32, #tpu.memory_space<hbm>>, %arg4: memref<163840xi32, #tpu.memory_space<hbm>>, %arg5: memref<245760xi32, #tpu.memory_space<hbm>>, %arg6: memref<245760xi32, #tpu.memory_space<hbm>>, %arg7: memref<10240xf32, #tpu.memory_space<hbm>>, %arg8: memref<8192xi32, #tpu.memory_space<vmem>>, %arg9: memref<8192xi32, #tpu.memory_space<vmem>>, %arg10: memref<8192xi32, #tpu.memory_space<vmem>>, %arg11: memref<8320xi32, #tpu.memory_space<vmem>>, %arg12: memref<8320xi32, #tpu.memory_space<vmem>>, %arg13: memref<320xi32, #tpu.memory_space<vmem>>, %arg14: memref<1280xi32, #tpu.memory_space<vmem>>, %arg15: memref<1280xi32, #tpu.memory_space<vmem>>, %arg16: memref<320xf32, #tpu.memory_space<vmem>>) attributes {dimension_semantics = [#tpu.dimension_semantics<core_parallel>, #tpu.dimension_semantics<subcore_parallel>], iteration_bounds = array<i64: 2, 16>, scalar_prefetch = 0 : i64, scratch_operands = 9 : i64, tpu.core_type = #tpu.core_type<sc_vector_subcore>, window_params = [{transform_indices = #map}, {transform_indices = #map}, {transform_indices = #map}, {transform_indices = #map}, {transform_indices = #map}, {transform_indices = #map}]} {
    %mul3A = arith.constant 2 : i32
    %mul3A_0 = arith.muli %arg1, %mul3A : i32
    %add3A = arith.addi %mul3A_0, %arg0 : i32
    %mul3A_1 = arith.constant 320 : i32
    %mul3A_2 = arith.muli %add3A, %mul3A_1 : i32
    %add3A_3 = arith.constant 320 : i32
    %add3A_4 = arith.addi %mul3A_2, %add3A_3 : i32
    %iota3A = tpu.iota {dimensions = array<i32: 0>} : vector<16xi32>
    %scan3A = arith.constant 0 : i32
    %scan3A_5 = arith.constant 0 : i32
    %scan3A_6 = arith.constant 80 : i32
    %scan3A_7 = arith.addi %scan3A_5, %scan3A_6 : i32
    %scan3A_8 = arith.constant 1 : i32
    %scan3A_9 = scf.for %scan3A_39 = %scan3A_5 to %scan3A_7 step %scan3A_8 iter_args(%scan3A_40 = %scan3A) -> (i32)  : i32 {
      %mul3A_41 = arith.constant 16 : i32
      %mul3A_42 = arith.muli %scan3A_39, %mul3A_41 : i32
      %add3A_43 = vector.broadcast %mul3A_42 : i32 to vector<16xi32>
      %add3A_44 = arith.addi %add3A_43, %iota3A : vector<16xi32>
      %jit3A = arith.constant 128 : i32
      %eq3A = arith.constant 0 : i32
      %eq3A_45 = arith.cmpi eq, %jit3A, %eq3A : i32
      %jit3A_46 = arith.constant 1 : i32
      %select_n3A = arith.select %eq3A_45, %jit3A_46, %jit3A : i32
      %rem3A = vector.broadcast %select_n3A : i32 to vector<16xi32>
      %rem3A_47 = arith.remsi %add3A_44, %rem3A : vector<16xi32>
      %ne3A = arith.constant 0 : i32
      %ne3A_48 = vector.broadcast %ne3A : i32 to vector<16xi32>
      %ne3A_49 = arith.cmpi ne, %rem3A_47, %ne3A_48 : vector<16xi32>
      %lt3A = arith.constant 0 : i32
      %lt3A_50 = vector.broadcast %lt3A : i32 to vector<16xi32>
      %lt3A_51 = arith.cmpi slt, %rem3A_47, %lt3A_50 : vector<16xi32>
      %lt3A_52 = arith.constant 0 : i32
      %lt3A_53 = arith.cmpi slt, %select_n3A, %lt3A_52 : i32
      %ne3A_54 = vector.broadcast %lt3A_53 : i1 to vector<16xi1>
      %ne3A_55 = vector.broadcast %ne3A_54 : vector<16xi1> to vector<16xi1>
      %ne3A_56 = arith.xori %lt3A_51, %ne3A_55 : vector<16xi1>
      %and3A = arith.andi %ne3A_56, %ne3A_49 : vector<16xi1>
      %add3A_57 = vector.broadcast %select_n3A : i32 to vector<16xi32>
      %add3A_58 = arith.addi %rem3A_47, %add3A_57 : vector<16xi32>
      %select_n3A_59 = arith.select %and3A, %add3A_58, %rem3A_47 : vector<16xi1>, vector<16xi32>
      %add3A_60 = arith.constant 80000 : i32
      %add3A_61 = vector.broadcast %add3A_60 : i32 to vector<16xi32>
      %add3A_62 = arith.addi %add3A_61, %select_n3A_59 : vector<16xi32>
      %mul3A_63 = arith.constant 16 : i32
      %mul3A_64 = arith.muli %scan3A_39, %mul3A_63 : i32
      %swap3A = arith.index_cast %mul3A_64 : i32 to index
      %swap3A_65 = tpu.vector_load %arg14[%swap3A] {strides = array<i32>} : memref<1280xi32, #tpu.memory_space<vmem>>, vector<16xi32>,
      tpu.vector_store %arg14[%swap3A], %add3A_62 {strides = array<i32>} : memref<1280xi32, #tpu.memory_space<vmem>>, vector<16xi32>,
      %broadcast_in_dim3A = arith.constant 10240 : i32
      %broadcast_in_dim3A_66 = vector.broadcast %broadcast_in_dim3A : i32 to vector<16xi32>
      %mul3A_67 = arith.constant 16 : i32
      %mul3A_68 = arith.muli %scan3A_39, %mul3A_67 : i32
      %swap3A_69 = arith.index_cast %mul3A_68 : i32 to index
      %swap3A_70 = tpu.vector_load %arg15[%swap3A_69] {strides = array<i32>} : memref<1280xi32, #tpu.memory_space<vmem>>, vector<16xi32>,
      tpu.vector_store %arg15[%swap3A_69], %broadcast_in_dim3A_66 {strides = array<i32>} : memref<1280xi32, #tpu.memory_space<vmem>>, vector<16xi32>,
      %scan3A_71 = arith.constant 0 : i32
      scf.yield %scan3A_71 : i32
    }
    %scan3A_10 = arith.constant 80 : i32
    %scan3A_11 = arith.constant 0 : i32
    %scan3A_12 = arith.constant 0 : i32
    %scan3A_13 = arith.constant 20 : i32
    %scan3A_14 = arith.addi %scan3A_12, %scan3A_13 : i32
    %scan3A_15 = arith.constant 1 : i32
    %scan3A_16 = scf.for %scan3A_39 = %scan3A_12 to %scan3A_14 step %scan3A_15 iter_args(%scan3A_40 = %scan3A_11) -> (i32)  : i32 {
      %broadcast_in_dim3A = arith.constant 0 : i32
      %broadcast_in_dim3A_41 = vector.broadcast %broadcast_in_dim3A : i32 to vector<16xi32>
      %mul3A_42 = arith.constant 16 : i32
      %mul3A_43 = arith.muli %scan3A_39, %mul3A_42 : i32
      %swap3A = arith.index_cast %mul3A_43 : i32 to index
      %swap3A_44 = tpu.vector_load %arg13[%swap3A] {strides = array<i32>} : memref<320xi32, #tpu.memory_space<vmem>>, vector<16xi32>,
      tpu.vector_store %arg13[%swap3A], %broadcast_in_dim3A_41 {strides = array<i32>} : memref<320xi32, #tpu.memory_space<vmem>>, vector<16xi32>,
      %scan3A_45 = arith.constant 0 : i32
      scf.yield %scan3A_45 : i32
    }
    %scan3A_17 = arith.constant 20 : i32
    %scan3A_18 = arith.constant 0 : i32
    %scan3A_19 = arith.constant 0 : i32
    %scan3A_20 = arith.constant 6 : i32
    %scan3A_21 = arith.addi %scan3A_19, %scan3A_20 : i32
    %scan3A_22 = arith.constant 1 : i32
    %scan3A_23 = scf.for %scan3A_39 = %scan3A_19 to %scan3A_21 step %scan3A_22 iter_args(%scan3A_40 = %scan3A_18) -> (i32)  : i32 {
      %mul3A_41 = arith.constant 7680 : i32
      %mul3A_42 = arith.muli %add3A, %mul3A_41 : i32
      %mul3A_43 = arith.constant 1280 : i32
      %mul3A_44 = arith.muli %scan3A_39, %mul3A_43 : i32
      %add3A_45 = arith.addi %mul3A_42, %mul3A_44 : i32
      %multiple_of3A_46 = tpu.assume_multiple %add3A_45, 1280 : i32
      "tpu.region"() ({
        %run_scoped3A = tpu.sem_alloc : memref<!tpu.dma_semaphore, #tpu.memory_space<semaphore_mem>>
        %dma_start3A = tpu.memref_slice %arg5[%multiple_of3A_46] : memref<245760xi32, #tpu.memory_space<hbm>> -> memref<1280xi32, #tpu.memory_space<hbm>>
        %dma_start3A_48 = tpu.memref_slice %arg5[%multiple_of3A_46] : memref<245760xi32, #tpu.memory_space<hbm>> -> memref<1280xi32, #tpu.memory_space<hbm>>
        tpu.enqueue_dma source(%arg14 : memref<1280xi32, #tpu.memory_space<vmem>>) target(%dma_start3A_48 : memref<1280xi32, #tpu.memory_space<hbm>>) target_semaphore(%run_scoped3A : memref<!tpu.dma_semaphore, #tpu.memory_space<semaphore_mem>>)
        %dma_wait3A = tpu.memref_slice %arg5[%multiple_of3A_46] : memref<245760xi32, #tpu.memory_space<hbm>> -> memref<1280xi32, #tpu.memory_space<hbm>>
        %dma_wait3A_49 = tpu.memref_slice %arg5[%multiple_of3A_46] : memref<245760xi32, #tpu.memory_space<hbm>> -> memref<1280xi32, #tpu.memory_space<hbm>>
        tpu.wait_dma2 semaphore(%run_scoped3A : memref<!tpu.dma_semaphore, #tpu.memory_space<semaphore_mem>>) src(%arg14 : memref<1280xi32, #tpu.memory_space<vmem>>) dst(%dma_wait3A_49 : memref<1280xi32, #tpu.memory_space<hbm>>)
        tpu.yield
      }) : () -> ()
      "tpu.region"() ({
        %run_scoped3A = tpu.sem_alloc : memref<!tpu.dma_semaphore, #tpu.memory_space<semaphore_mem>>
        %dma_start3A = tpu.memref_slice %arg6[%multiple_of3A_46] : memref<245760xi32, #tpu.memory_space<hbm>> -> memref<1280xi32, #tpu.memory_space<hbm>>
        %dma_start3A_48 = tpu.memref_slice %arg6[%multiple_of3A_46] : memref<245760xi32, #tpu.memory_space<hbm>> -> memref<1280xi32, #tpu.memory_space<hbm>>
        tpu.enqueue_dma source(%arg15 : memref<1280xi32, #tpu.memory_space<vmem>>) target(%dma_start3A_48 : memref<1280xi32, #tpu.memory_space<hbm>>) target_semaphore(%run_scoped3A : memref<!tpu.dma_semaphore, #tpu.memory_space<semaphore_mem>>)
        %dma_wait3A = tpu.memref_slice %arg6[%multiple_of3A_46] : memref<245760xi32, #tpu.memory_space<hbm>> -> memref<1280xi32, #tpu.memory_space<hbm>>
        %dma_wait3A_49 = tpu.memref_slice %arg6[%multiple_of3A_46] : memref<245760xi32, #tpu.memory_space<hbm>> -> memref<1280xi32, #tpu.memory_space<hbm>>
        tpu.wait_dma2 semaphore(%run_scoped3A : memref<!tpu.dma_semaphore, #tpu.memory_space<semaphore_mem>>) src(%arg15 : memref<1280xi32, #tpu.memory_space<vmem>>) dst(%dma_wait3A_49 : memref<1280xi32, #tpu.memory_space<hbm>>)
        tpu.yield
      }) : () -> ()
      %scan3A_47 = arith.constant 0 : i32
      scf.yield %scan3A_47 : i32
    }
    %scan3A_24 = arith.constant 6 : i32
    %scan3A_25 = arith.constant 0 : i32
    %scan3A_26 = arith.constant 0 : i32
    %scan3A_27 = arith.constant 20 : i32
    %scan3A_28 = arith.addi %scan3A_26, %scan3A_27 : i32
    %scan3A_29 = arith.constant 1 : i32
    %scan3A_30 = scf.for %scan3A_39 = %scan3A_26 to %scan3A_28 step %scan3A_29 iter_args(%scan3A_40 = %scan3A_25) -> (i32)  : i32 {
      %mul3A_41 = arith.constant 8192 : i32
      %mul3A_42 = arith.muli %scan3A_39, %mul3A_41 : i32
      %multiple_of3A_43 = tpu.assume_multiple %mul3A_42, 8192 : i32
      "tpu.region"() ({
        %run_scoped3A = tpu.sem_alloc : memref<!tpu.dma_semaphore, #tpu.memory_space<semaphore_mem>>
        %dma_start3A = tpu.memref_slice %arg2[%multiple_of3A_43] : memref<163840xi32, #tpu.memory_space<hbm>> -> memref<8192xi32, #tpu.memory_space<hbm>>
        %dma_start3A_382 = tpu.memref_slice %arg2[%multiple_of3A_43] : memref<163840xi32, #tpu.memory_space<hbm>> -> memref<8192xi32, #tpu.memory_space<hbm>>
        tpu.enqueue_dma source(%dma_start3A_382 : memref<8192xi32, #tpu.memory_space<hbm>>) target(%arg8 : memref<8192xi32, #tpu.memory_space<vmem>>) target_semaphore(%run_scoped3A : memref<!tpu.dma_semaphore, #tpu.memory_space<semaphore_mem>>)
        %dma_wait3A = tpu.memref_slice %arg2[%multiple_of3A_43] : memref<163840xi32, #tpu.memory_space<hbm>> -> memref<8192xi32, #tpu.memory_space<hbm>>
        %dma_wait3A_383 = tpu.memref_slice %arg2[%multiple_of3A_43] : memref<163840xi32, #tpu.memory_space<hbm>> -> memref<8192xi32, #tpu.memory_space<hbm>>
        tpu.wait_dma2 semaphore(%run_scoped3A : memref<!tpu.dma_semaphore, #tpu.memory_space<semaphore_mem>>) src(%dma_wait3A_383 : memref<8192xi32, #tpu.memory_space<hbm>>) dst(%arg8 : memref<8192xi32, #tpu.memory_space<vmem>>)
        tpu.yield
      }) : () -> ()
      "tpu.region"() ({
        %run_scoped3A = tpu.sem_alloc : memref<!tpu.dma_semaphore, #tpu.memory_space<semaphore_mem>>
        %dma_start3A = tpu.memref_slice %arg3[%multiple_of3A_43] : memref<163840xi32, #tpu.memory_space<hbm>> -> memref<8192xi32, #tpu.memory_space<hbm>>
        %dma_start3A_382 = tpu.memref_slice %arg3[%multiple_of3A_43] : memref<163840xi32, #tpu.memory_space<hbm>> -> memref<8192xi32, #tpu.memory_space<hbm>>
        tpu.enqueue_dma source(%dma_start3A_382 : memref<8192xi32, #tpu.memory_space<hbm>>) target(%arg9 : memref<8192xi32, #tpu.memory_space<vmem>>) target_semaphore(%run_scoped3A : memref<!tpu.dma_semaphore, #tpu.memory_space<semaphore_mem>>)
        %dma_wait3A = tpu.memref_slice %arg3[%multiple_of3A_43] : memref<163840xi32, #tpu.memory_space<hbm>> -> memref<8192xi32, #tpu.memory_space<hbm>>
        %dma_wait3A_383 = tpu.memref_slice %arg3[%multiple_of3A_43] : memref<163840xi32, #tpu.memory_space<hbm>> -> memref<8192xi32, #tpu.memory_space<hbm>>
        tpu.wait_dma2 semaphore(%run_scoped3A : memref<!tpu.dma_semaphore, #tpu.memory_space<semaphore_mem>>) src(%dma_wait3A_383 : memref<8192xi32, #tpu.memory_space<hbm>>) dst(%arg9 : memref<8192xi32, #tpu.memory_space<vmem>>)
        tpu.yield
      }) : () -> ()
      "tpu.region"() ({
        %run_scoped3A = tpu.sem_alloc : memref<!tpu.dma_semaphore, #tpu.memory_space<semaphore_mem>>
        %dma_start3A = tpu.memref_slice %arg4[%multiple_of3A_43] : memref<163840xi32, #tpu.memory_space<hbm>> -> memref<8192xi32, #tpu.memory_space<hbm>>
        %dma_start3A_382 = tpu.memref_slice %arg4[%multiple_of3A_43] : memref<163840xi32, #tpu.memory_space<hbm>> -> memref<8192xi32, #tpu.memory_space<hbm>>
        tpu.enqueue_dma source(%dma_start3A_382 : memref<8192xi32, #tpu.memory_space<hbm>>) target(%arg10 : memref<8192xi32, #tpu.memory_space<vmem>>) target_semaphore(%run_scoped3A : memref<!tpu.dma_semaphore, #tpu.memory_space<semaphore_mem>>)
        %dma_wait3A = tpu.memref_slice %arg4[%multiple_of3A_43] : memref<163840xi32, #tpu.memory_space<hbm>> -> memref<8192xi32, #tpu.memory_space<hbm>>
        %dma_wait3A_383 = tpu.memref_slice %arg4[%multiple_of3A_43] : memref<163840xi32, #tpu.memory_space<hbm>> -> memref<8192xi32, #tpu.memory_space<hbm>>
        tpu.wait_dma2 semaphore(%run_scoped3A : memref<!tpu.dma_semaphore, #tpu.memory_space<semaphore_mem>>) src(%dma_wait3A_383 : memref<8192xi32, #tpu.memory_space<hbm>>) dst(%arg10 : memref<8192xi32, #tpu.memory_space<vmem>>)
        tpu.yield
      }) : () -> ()
      %scan3A_44 = arith.constant 0 : i32
      %scan3A_45 = arith.constant 0 : i32
      %scan3A_46 = arith.constant 512 : i32
      %scan3A_47 = arith.addi %scan3A_45, %scan3A_46 : i32
      %scan3A_48 = arith.constant 1 : i32
      %scan3A_49 = scf.for %scan3A_382 = %scan3A_45 to %scan3A_47 step %scan3A_48 iter_args(%scan3A_383 = %scan3A_44) -> (i32)  : i32 {
        %mul3A_384 = arith.constant 16 : i32
        %mul3A_385 = arith.muli %scan3A_382, %mul3A_384 : i32
        %get3A = arith.index_cast %mul3A_385 : i32 to index
        %get3A_386 = tpu.vector_load %arg10[%get3A] {strides = array<i32>} : memref<8192xi32, #tpu.memory_space<vmem>>, vector<16xi32>,
        %ge3A = vector.broadcast %mul3A_2 : i32 to vector<16xi32>
        %ge3A_387 = arith.cmpi sge, %get3A_386, %ge3A : vector<16xi32>
        %lt3A_388 = vector.broadcast %add3A_4 : i32 to vector<16xi32>
        %lt3A_389 = arith.cmpi slt, %get3A_386, %lt3A_388 : vector<16xi32>
        %and3A_390 = arith.andi %ge3A_387, %lt3A_389 : vector<16xi1>
        %get3A_391 = arith.index_cast %mul3A_385 : i32 to index
        %get3A_392 = tpu.vector_load %arg9[%get3A_391] {strides = array<i32>} : memref<8192xi32, #tpu.memory_space<vmem>>, vector<16xi32>,
        %mul3A_393 = arith.constant 10000 : i32
        %mul3A_394 = vector.broadcast %mul3A_393 : i32 to vector<16xi32>
        %mul3A_395 = arith.muli %get3A_392, %mul3A_394 : vector<16xi32>
        %get3A_396 = arith.index_cast %mul3A_385 : i32 to index
        %get3A_397 = tpu.vector_load %arg8[%get3A_396] {strides = array<i32>} : memref<8192xi32, #tpu.memory_space<vmem>>, vector<16xi32>,
        %add3A_398 = arith.addi %mul3A_395, %get3A_397 : vector<16xi32>
        %broadcast_in_dim3A_399 = arith.constant 0 : i32
        %broadcast_in_dim3A_400 = vector.broadcast %broadcast_in_dim3A_399 : i32 to vector<16xi32>
        %broadcast_in_dim3A_401 = arith.constant 0 : i32
        %broadcast_in_dim3A_402 = vector.broadcast %broadcast_in_dim3A_401 : i32 to vector<16xi32>
        %sub3A_403 = arith.constant 1 : i32
        %sub3A_404 = vector.broadcast %sub3A_403 : i32 to vector<16xi32>
        %sub3A_405 = arith.subi %iota3A, %sub3A_404 : vector<16xi32>
        %jit3A_406 = arith.constant 16 : i32
        %eq3A_407 = arith.constant 0 : i32
        %eq3A_408 = arith.cmpi eq, %jit3A_406, %eq3A_407 : i32
        %jit3A_409 = arith.constant 1 : i32
        %select_n3A_410 = arith.select %eq3A_408, %jit3A_409, %jit3A_406 : i32
        %rem3A_411 = vector.broadcast %select_n3A_410 : i32 to vector<16xi32>
        %rem3A_412 = arith.remsi %sub3A_405, %rem3A_411 : vector<16xi32>
        %ne3A_413 = arith.constant 0 : i32
        %ne3A_414 = vector.broadcast %ne3A_413 : i32 to vector<16xi32>
        %ne3A_415 = arith.cmpi ne, %rem3A_412, %ne3A_414 : vector<16xi32>
        %lt3A_416 = arith.constant 0 : i32
        %lt3A_417 = vector.broadcast %lt3A_416 : i32 to vector<16xi32>
        %lt3A_418 = arith.cmpi slt, %rem3A_412, %lt3A_417 : vector<16xi32>
        %lt3A_419 = arith.constant 0 : i32
        %lt3A_420 = arith.cmpi slt, %select_n3A_410, %lt3A_419 : i32
        %ne3A_421 = vector.broadcast %lt3A_420 : i1 to vector<16xi1>
        %ne3A_422 = vector.broadcast %ne3A_421 : vector<16xi1> to vector<16xi1>
        %ne3A_423 = arith.xori %lt3A_418, %ne3A_422 : vector<16xi1>
        %and3A_424 = arith.andi %ne3A_423, %ne3A_415 : vector<16xi1>
        %add3A_425 = vector.broadcast %select_n3A_410 : i32 to vector<16xi32>
        %add3A_426 = arith.addi %rem3A_412, %add3A_425 : vector<16xi32>
        %select_n3A_427 = arith.select %and3A_424, %add3A_426, %rem3A_412 : vector<16xi1>, vector<16xi32>
        %add3A_428 = arith.constant 1 : i32
        %add3A_429 = vector.broadcast %add3A_428 : i32 to vector<16xi32>
        %add3A_430 = arith.addi %iota3A, %add3A_429 : vector<16xi32>
        %jit3A_431 = arith.constant 16 : i32
        %eq3A_432 = arith.constant 0 : i32
        %eq3A_433 = arith.cmpi eq, %jit3A_431, %eq3A_432 : i32
        %jit3A_434 = arith.constant 1 : i32
        %select_n3A_435 = arith.select %eq3A_433, %jit3A_434, %jit3A_431 : i32
        %rem3A_436 = vector.broadcast %select_n3A_435 : i32 to vector<16xi32>
        %rem3A_437 = arith.remsi %add3A_430, %rem3A_436 : vector<16xi32>
        %ne3A_438 = arith.constant 0 : i32
        %ne3A_439 = vector.broadcast %ne3A_438 : i32 to vector<16xi32>
        %ne3A_440 = arith.cmpi ne, %rem3A_437, %ne3A_439 : vector<16xi32>
        %lt3A_441 = arith.constant 0 : i32
        %lt3A_442 = vector.broadcast %lt3A_441 : i32 to vector<16xi32>
        %lt3A_443 = arith.cmpi slt, %rem3A_437, %lt3A_442 : vector<16xi32>
        %lt3A_444 = arith.constant 0 : i32
        %lt3A_445 = arith.cmpi slt, %select_n3A_435, %lt3A_444 : i32
        %ne3A_446 = vector.broadcast %lt3A_445 : i1 to vector<16xi1>
        %ne3A_447 = vector.broadcast %ne3A_446 : vector<16xi1> to vector<16xi1>
        %ne3A_448 = arith.xori %lt3A_443, %ne3A_447 : vector<16xi1>
        %and3A_449 = arith.andi %ne3A_448, %ne3A_440 : vector<16xi1>
        %add3A_450 = vector.broadcast %select_n3A_435 : i32 to vector<16xi32>
        %add3A_451 = arith.addi %rem3A_437, %add3A_450 : vector<16xi32>
        %select_n3A_452 = arith.select %and3A_449, %add3A_451, %rem3A_437 : vector<16xi1>, vector<16xi32>
        %lt3A_453 = arith.constant 0 : i32
        %lt3A_454 = vector.broadcast %lt3A_453 : i32 to vector<16xi32>
        %lt3A_455 = arith.cmpi slt, %select_n3A_427, %lt3A_454 : vector<16xi32>
        %add3A_456 = arith.constant 16 : i32
        %add3A_457 = vector.broadcast %add3A_456 : i32 to vector<16xi32>
        %add3A_458 = arith.addi %select_n3A_427, %add3A_457 : vector<16xi32>
        %select_n3A_459 = arith.select %lt3A_455, %add3A_458, %select_n3A_427 : vector<16xi1>, vector<16xi32>
        %broadcast_in_dim3A_460 = vector.shape_cast %select_n3A_459 : vector<16xi32> to vector<16x1xi32>
        %gather3A = vector.shape_cast %broadcast_in_dim3A_460 : vector<16x1xi32> to vector<16xi32>
        %gather3A_461 = tpu.dynamic_gather %get3A_386[%gather3A] in [0] : vector<16xi32>, vector<16xi32> -> vector<16xi32>
        %eq3A_462 = arith.cmpi eq, %get3A_386, %gather3A_461 : vector<16xi32>
        %ge3A_463 = arith.constant 1 : i32
        %ge3A_464 = vector.broadcast %ge3A_463 : i32 to vector<16xi32>
        %ge3A_465 = arith.cmpi sge, %iota3A, %ge3A_464 : vector<16xi32>
        %and3A_466 = arith.andi %eq3A_462, %ge3A_465 : vector<16xi1>
        %lt3A_467 = arith.constant 0 : i32
        %lt3A_468 = vector.broadcast %lt3A_467 : i32 to vector<16xi32>
        %lt3A_469 = arith.cmpi slt, %select_n3A_452, %lt3A_468 : vector<16xi32>
        %add3A_470 = arith.constant 16 : i32
        %add3A_471 = vector.broadcast %add3A_470 : i32 to vector<16xi32>
        %add3A_472 = arith.addi %select_n3A_452, %add3A_471 : vector<16xi32>
        %select_n3A_473 = arith.select %lt3A_469, %add3A_472, %select_n3A_452 : vector<16xi1>, vector<16xi32>
        %broadcast_in_dim3A_474 = vector.shape_cast %select_n3A_473 : vector<16xi32> to vector<16x1xi32>
        %gather3A_475 = vector.shape_cast %broadcast_in_dim3A_474 : vector<16x1xi32> to vector<16xi32>
        %gather3A_476 = tpu.dynamic_gather %get3A_386[%gather3A_475] in [0] : vector<16xi32>, vector<16xi32> -> vector<16xi32>
        %eq3A_477 = arith.cmpi eq, %get3A_386, %gather3A_476 : vector<16xi32>
        %lt3A_478 = arith.constant 15 : i32
        %lt3A_479 = vector.broadcast %lt3A_478 : i32 to vector<16xi32>
        %lt3A_480 = arith.cmpi slt, %iota3A, %lt3A_479 : vector<16xi32>
        %and3A_481 = arith.andi %eq3A_477, %lt3A_480 : vector<16xi1>
        %convert_element_type3A = arith.extui %and3A_466 : vector<16xi1> to vector<16xi32>
        %add3A_482 = arith.addi %broadcast_in_dim3A_400, %convert_element_type3A : vector<16xi32>
        %convert_element_type3A_483 = arith.extui %and3A_481 : vector<16xi1> to vector<16xi32>
        %add3A_484 = arith.addi %broadcast_in_dim3A_402, %convert_element_type3A_483 : vector<16xi32>
        %sub3A_485 = arith.constant 2 : i32
        %sub3A_486 = vector.broadcast %sub3A_485 : i32 to vector<16xi32>
        %sub3A_487 = arith.subi %iota3A, %sub3A_486 : vector<16xi32>
        %jit3A_488 = arith.constant 16 : i32
        %eq3A_489 = arith.constant 0 : i32
        %eq3A_490 = arith.cmpi eq, %jit3A_488, %eq3A_489 : i32
        %jit3A_491 = arith.constant 1 : i32
        %select_n3A_492 = arith.select %eq3A_490, %jit3A_491, %jit3A_488 : i32
        %rem3A_493 = vector.broadcast %select_n3A_492 : i32 to vector<16xi32>
        %rem3A_494 = arith.remsi %sub3A_487, %rem3A_493 : vector<16xi32>
        %ne3A_495 = arith.constant 0 : i32
        %ne3A_496 = vector.broadcast %ne3A_495 : i32 to vector<16xi32>
        %ne3A_497 = arith.cmpi ne, %rem3A_494, %ne3A_496 : vector<16xi32>
        %lt3A_498 = arith.constant 0 : i32
        %lt3A_499 = vector.broadcast %lt3A_498 : i32 to vector<16xi32>
        %lt3A_500 = arith.cmpi slt, %rem3A_494, %lt3A_499 : vector<16xi32>
        %lt3A_501 = arith.constant 0 : i32
        %lt3A_502 = arith.cmpi slt, %select_n3A_492, %lt3A_501 : i32
        %ne3A_503 = vector.broadcast %lt3A_502 : i1 to vector<16xi1>
        %ne3A_504 = vector.broadcast %ne3A_503 : vector<16xi1> to vector<16xi1>
        %ne3A_505 = arith.xori %lt3A_500, %ne3A_504 : vector<16xi1>
        %and3A_506 = arith.andi %ne3A_505, %ne3A_497 : vector<16xi1>
        %add3A_507 = vector.broadcast %select_n3A_492 : i32 to vector<16xi32>
        %add3A_508 = arith.addi %rem3A_494, %add3A_507 : vector<16xi32>
        %select_n3A_509 = arith.select %and3A_506, %add3A_508, %rem3A_494 : vector<16xi1>, vector<16xi32>
        %add3A_510 = arith.constant 2 : i32
        %add3A_511 = vector.broadcast %add3A_510 : i32 to vector<16xi32>
        %add3A_512 = arith.addi %iota3A, %add3A_511 : vector<16xi32>
        %jit3A_513 = arith.constant 16 : i32
        %eq3A_514 = arith.constant 0 : i32
        %eq3A_515 = arith.cmpi eq, %jit3A_513, %eq3A_514 : i32
        %jit3A_516 = arith.constant 1 : i32
        %select_n3A_517 = arith.select %eq3A_515, %jit3A_516, %jit3A_513 : i32
        %rem3A_518 = vector.broadcast %select_n3A_517 : i32 to vector<16xi32>
        %rem3A_519 = arith.remsi %add3A_512, %rem3A_518 : vector<16xi32>
        %ne3A_520 = arith.constant 0 : i32
        %ne3A_521 = vector.broadcast %ne3A_520 : i32 to vector<16xi32>
        %ne3A_522 = arith.cmpi ne, %rem3A_519, %ne3A_521 : vector<16xi32>
        %lt3A_523 = arith.constant 0 : i32
        %lt3A_524 = vector.broadcast %lt3A_523 : i32 to vector<16xi32>
        %lt3A_525 = arith.cmpi slt, %rem3A_519, %lt3A_524 : vector<16xi32>
        %lt3A_526 = arith.constant 0 : i32
        %lt3A_527 = arith.cmpi slt, %select_n3A_517, %lt3A_526 : i32
        %ne3A_528 = vector.broadcast %lt3A_527 : i1 to vector<16xi1>
        %ne3A_529 = vector.broadcast %ne3A_528 : vector<16xi1> to vector<16xi1>
        %ne3A_530 = arith.xori %lt3A_525, %ne3A_529 : vector<16xi1>
        %and3A_531 = arith.andi %ne3A_530, %ne3A_522 : vector<16xi1>
        %add3A_532 = vector.broadcast %select_n3A_517 : i32 to vector<16xi32>
        %add3A_533 = arith.addi %rem3A_519, %add3A_532 : vector<16xi32>
        %select_n3A_534 = arith.select %and3A_531, %add3A_533, %rem3A_519 : vector<16xi1>, vector<16xi32>
        %lt3A_535 = arith.constant 0 : i32
        %lt3A_536 = vector.broadcast %lt3A_535 : i32 to vector<16xi32>
        %lt3A_537 = arith.cmpi slt, %select_n3A_509, %lt3A_536 : vector<16xi32>
        %add3A_538 = arith.constant 16 : i32
        %add3A_539 = vector.broadcast %add3A_538 : i32 to vector<16xi32>
        %add3A_540 = arith.addi %select_n3A_509, %add3A_539 : vector<16xi32>
        %select_n3A_541 = arith.select %lt3A_537, %add3A_540, %select_n3A_509 : vector<16xi1>, vector<16xi32>
        %broadcast_in_dim3A_542 = vector.shape_cast %select_n3A_541 : vector<16xi32> to vector<16x1xi32>
        %gather3A_543 = vector.shape_cast %broadcast_in_dim3A_542 : vector<16x1xi32> to vector<16xi32>
        %gather3A_544 = tpu.dynamic_gather %get3A_386[%gather3A_543] in [0] : vector<16xi32>, vector<16xi32> -> vector<16xi32>
        %eq3A_545 = arith.cmpi eq, %get3A_386, %gather3A_544 : vector<16xi32>
        %ge3A_546 = arith.constant 2 : i32
        %ge3A_547 = vector.broadcast %ge3A_546 : i32 to vector<16xi32>
        %ge3A_548 = arith.cmpi sge, %iota3A, %ge3A_547 : vector<16xi32>
        %and3A_549 = arith.andi %eq3A_545, %ge3A_548 : vector<16xi1>
        %lt3A_550 = arith.constant 0 : i32
        %lt3A_551 = vector.broadcast %lt3A_550 : i32 to vector<16xi32>
        %lt3A_552 = arith.cmpi slt, %select_n3A_534, %lt3A_551 : vector<16xi32>
        %add3A_553 = arith.constant 16 : i32
        %add3A_554 = vector.broadcast %add3A_553 : i32 to vector<16xi32>
        %add3A_555 = arith.addi %select_n3A_534, %add3A_554 : vector<16xi32>
        %select_n3A_556 = arith.select %lt3A_552, %add3A_555, %select_n3A_534 : vector<16xi1>, vector<16xi32>
        %broadcast_in_dim3A_557 = vector.shape_cast %select_n3A_556 : vector<16xi32> to vector<16x1xi32>
        %gather3A_558 = vector.shape_cast %broadcast_in_dim3A_557 : vector<16x1xi32> to vector<16xi32>
        %gather3A_559 = tpu.dynamic_gather %get3A_386[%gather3A_558] in [0] : vector<16xi32>, vector<16xi32> -> vector<16xi32>
        %eq3A_560 = arith.cmpi eq, %get3A_386, %gather3A_559 : vector<16xi32>
        %lt3A_561 = arith.constant 14 : i32
        %lt3A_562 = vector.broadcast %lt3A_561 : i32 to vector<16xi32>
        %lt3A_563 = arith.cmpi slt, %iota3A, %lt3A_562 : vector<16xi32>
        %and3A_564 = arith.andi %eq3A_560, %lt3A_563 : vector<16xi1>
        %convert_element_type3A_565 = arith.extui %and3A_549 : vector<16xi1> to vector<16xi32>
        %add3A_566 = arith.addi %add3A_482, %convert_element_type3A_565 : vector<16xi32>
        %convert_element_type3A_567 = arith.extui %and3A_564 : vector<16xi1> to vector<16xi32>
        %add3A_568 = arith.addi %add3A_484, %convert_element_type3A_567 : vector<16xi32>
        %sub3A_569 = arith.constant 3 : i32
        %sub3A_570 = vector.broadcast %sub3A_569 : i32 to vector<16xi32>
        %sub3A_571 = arith.subi %iota3A, %sub3A_570 : vector<16xi32>
        %jit3A_572 = arith.constant 16 : i32
        %eq3A_573 = arith.constant 0 : i32
        %eq3A_574 = arith.cmpi eq, %jit3A_572, %eq3A_573 : i32
        %jit3A_575 = arith.constant 1 : i32
        %select_n3A_576 = arith.select %eq3A_574, %jit3A_575, %jit3A_572 : i32
        %rem3A_577 = vector.broadcast %select_n3A_576 : i32 to vector<16xi32>
        %rem3A_578 = arith.remsi %sub3A_571, %rem3A_577 : vector<16xi32>
        %ne3A_579 = arith.constant 0 : i32
        %ne3A_580 = vector.broadcast %ne3A_579 : i32 to vector<16xi32>
        %ne3A_581 = arith.cmpi ne, %rem3A_578, %ne3A_580 : vector<16xi32>
        %lt3A_582 = arith.constant 0 : i32
        %lt3A_583 = vector.broadcast %lt3A_582 : i32 to vector<16xi32>
        %lt3A_584 = arith.cmpi slt, %rem3A_578, %lt3A_583 : vector<16xi32>
        %lt3A_585 = arith.constant 0 : i32
        %lt3A_586 = arith.cmpi slt, %select_n3A_576, %lt3A_585 : i32
        %ne3A_587 = vector.broadcast %lt3A_586 : i1 to vector<16xi1>
        %ne3A_588 = vector.broadcast %ne3A_587 : vector<16xi1> to vector<16xi1>
        %ne3A_589 = arith.xori %lt3A_584, %ne3A_588 : vector<16xi1>
        %and3A_590 = arith.andi %ne3A_589, %ne3A_581 : vector<16xi1>
        %add3A_591 = vector.broadcast %select_n3A_576 : i32 to vector<16xi32>
        %add3A_592 = arith.addi %rem3A_578, %add3A_591 : vector<16xi32>
        %select_n3A_593 = arith.select %and3A_590, %add3A_592, %rem3A_578 : vector<16xi1>, vector<16xi32>
        %add3A_594 = arith.constant 3 : i32
        %add3A_595 = vector.broadcast %add3A_594 : i32 to vector<16xi32>
        %add3A_596 = arith.addi %iota3A, %add3A_595 : vector<16xi32>
        %jit3A_597 = arith.constant 16 : i32
        %eq3A_598 = arith.constant 0 : i32
        %eq3A_599 = arith.cmpi eq, %jit3A_597, %eq3A_598 : i32
        %jit3A_600 = arith.constant 1 : i32
        %select_n3A_601 = arith.select %eq3A_599, %jit3A_600, %jit3A_597 : i32
        %rem3A_602 = vector.broadcast %select_n3A_601 : i32 to vector<16xi32>
        %rem3A_603 = arith.remsi %add3A_596, %rem3A_602 : vector<16xi32>
        %ne3A_604 = arith.constant 0 : i32
        %ne3A_605 = vector.broadcast %ne3A_604 : i32 to vector<16xi32>
        %ne3A_606 = arith.cmpi ne, %rem3A_603, %ne3A_605 : vector<16xi32>
        %lt3A_607 = arith.constant 0 : i32
        %lt3A_608 = vector.broadcast %lt3A_607 : i32 to vector<16xi32>
        %lt3A_609 = arith.cmpi slt, %rem3A_603, %lt3A_608 : vector<16xi32>
        %lt3A_610 = arith.constant 0 : i32
        %lt3A_611 = arith.cmpi slt, %select_n3A_601, %lt3A_610 : i32
        %ne3A_612 = vector.broadcast %lt3A_611 : i1 to vector<16xi1>
        %ne3A_613 = vector.broadcast %ne3A_612 : vector<16xi1> to vector<16xi1>
        %ne3A_614 = arith.xori %lt3A_609, %ne3A_613 : vector<16xi1>
        %and3A_615 = arith.andi %ne3A_614, %ne3A_606 : vector<16xi1>
        %add3A_616 = vector.broadcast %select_n3A_601 : i32 to vector<16xi32>
        %add3A_617 = arith.addi %rem3A_603, %add3A_616 : vector<16xi32>
        %select_n3A_618 = arith.select %and3A_615, %add3A_617, %rem3A_603 : vector<16xi1>, vector<16xi32>
        %lt3A_619 = arith.constant 0 : i32
        %lt3A_620 = vector.broadcast %lt3A_619 : i32 to vector<16xi32>
        %lt3A_621 = arith.cmpi slt, %select_n3A_593, %lt3A_620 : vector<16xi32>
        %add3A_622 = arith.constant 16 : i32
        %add3A_623 = vector.broadcast %add3A_622 : i32 to vector<16xi32>
        %add3A_624 = arith.addi %select_n3A_593, %add3A_623 : vector<16xi32>
        %select_n3A_625 = arith.select %lt3A_621, %add3A_624, %select_n3A_593 : vector<16xi1>, vector<16xi32>
        %broadcast_in_dim3A_626 = vector.shape_cast %select_n3A_625 : vector<16xi32> to vector<16x1xi32>
        %gather3A_627 = vector.shape_cast %broadcast_in_dim3A_626 : vector<16x1xi32> to vector<16xi32>
        %gather3A_628 = tpu.dynamic_gather %get3A_386[%gather3A_627] in [0] : vector<16xi32>, vector<16xi32> -> vector<16xi32>
        %eq3A_629 = arith.cmpi eq, %get3A_386, %gather3A_628 : vector<16xi32>
        %ge3A_630 = arith.constant 3 : i32
        %ge3A_631 = vector.broadcast %ge3A_630 : i32 to vector<16xi32>
        %ge3A_632 = arith.cmpi sge, %iota3A, %ge3A_631 : vector<16xi32>
        %and3A_633 = arith.andi %eq3A_629, %ge3A_632 : vector<16xi1>
        %lt3A_634 = arith.constant 0 : i32
        %lt3A_635 = vector.broadcast %lt3A_634 : i32 to vector<16xi32>
        %lt3A_636 = arith.cmpi slt, %select_n3A_618, %lt3A_635 : vector<16xi32>
        %add3A_637 = arith.constant 16 : i32
        %add3A_638 = vector.broadcast %add3A_637 : i32 to vector<16xi32>
        %add3A_639 = arith.addi %select_n3A_618, %add3A_638 : vector<16xi32>
        %select_n3A_640 = arith.select %lt3A_636, %add3A_639, %select_n3A_618 : vector<16xi1>, vector<16xi32>
        %broadcast_in_dim3A_641 = vector.shape_cast %select_n3A_640 : vector<16xi32> to vector<16x1xi32>
        %gather3A_642 = vector.shape_cast %broadcast_in_dim3A_641 : vector<16x1xi32> to vector<16xi32>
        %gather3A_643 = tpu.dynamic_gather %get3A_386[%gather3A_642] in [0] : vector<16xi32>, vector<16xi32> -> vector<16xi32>
        %eq3A_644 = arith.cmpi eq, %get3A_386, %gather3A_643 : vector<16xi32>
        %lt3A_645 = arith.constant 13 : i32
        %lt3A_646 = vector.broadcast %lt3A_645 : i32 to vector<16xi32>
        %lt3A_647 = arith.cmpi slt, %iota3A, %lt3A_646 : vector<16xi32>
        %and3A_648 = arith.andi %eq3A_644, %lt3A_647 : vector<16xi1>
        %convert_element_type3A_649 = arith.extui %and3A_633 : vector<16xi1> to vector<16xi32>
        %add3A_650 = arith.addi %add3A_566, %convert_element_type3A_649 : vector<16xi32>
        %convert_element_type3A_651 = arith.extui %and3A_648 : vector<16xi1> to vector<16xi32>
        %add3A_652 = arith.addi %add3A_568, %convert_element_type3A_651 : vector<16xi32>
        %sub3A_653 = arith.constant 4 : i32
        %sub3A_654 = vector.broadcast %sub3A_653 : i32 to vector<16xi32>
        %sub3A_655 = arith.subi %iota3A, %sub3A_654 : vector<16xi32>
        %jit3A_656 = arith.constant 16 : i32
        %eq3A_657 = arith.constant 0 : i32
        %eq3A_658 = arith.cmpi eq, %jit3A_656, %eq3A_657 : i32
        %jit3A_659 = arith.constant 1 : i32
        %select_n3A_660 = arith.select %eq3A_658, %jit3A_659, %jit3A_656 : i32
        %rem3A_661 = vector.broadcast %select_n3A_660 : i32 to vector<16xi32>
        %rem3A_662 = arith.remsi %sub3A_655, %rem3A_661 : vector<16xi32>
        %ne3A_663 = arith.constant 0 : i32
        %ne3A_664 = vector.broadcast %ne3A_663 : i32 to vector<16xi32>
        %ne3A_665 = arith.cmpi ne, %rem3A_662, %ne3A_664 : vector<16xi32>
        %lt3A_666 = arith.constant 0 : i32
        %lt3A_667 = vector.broadcast %lt3A_666 : i32 to vector<16xi32>
        %lt3A_668 = arith.cmpi slt, %rem3A_662, %lt3A_667 : vector<16xi32>
        %lt3A_669 = arith.constant 0 : i32
        %lt3A_670 = arith.cmpi slt, %select_n3A_660, %lt3A_669 : i32
        %ne3A_671 = vector.broadcast %lt3A_670 : i1 to vector<16xi1>
        %ne3A_672 = vector.broadcast %ne3A_671 : vector<16xi1> to vector<16xi1>
        %ne3A_673 = arith.xori %lt3A_668, %ne3A_672 : vector<16xi1>
        %and3A_674 = arith.andi %ne3A_673, %ne3A_665 : vector<16xi1>
        %add3A_675 = vector.broadcast %select_n3A_660 : i32 to vector<16xi32>
        %add3A_676 = arith.addi %rem3A_662, %add3A_675 : vector<16xi32>
        %select_n3A_677 = arith.select %and3A_674, %add3A_676, %rem3A_662 : vector<16xi1>, vector<16xi32>
        %add3A_678 = arith.constant 4 : i32
        %add3A_679 = vector.broadcast %add3A_678 : i32 to vector<16xi32>
        %add3A_680 = arith.addi %iota3A, %add3A_679 : vector<16xi32>
        %jit3A_681 = arith.constant 16 : i32
        %eq3A_682 = arith.constant 0 : i32
        %eq3A_683 = arith.cmpi eq, %jit3A_681, %eq3A_682 : i32
        %jit3A_684 = arith.constant 1 : i32
        %select_n3A_685 = arith.select %eq3A_683, %jit3A_684, %jit3A_681 : i32
        %rem3A_686 = vector.broadcast %select_n3A_685 : i32 to vector<16xi32>
        %rem3A_687 = arith.remsi %add3A_680, %rem3A_686 : vector<16xi32>
        %ne3A_688 = arith.constant 0 : i32
        %ne3A_689 = vector.broadcast %ne3A_688 : i32 to vector<16xi32>
        %ne3A_690 = arith.cmpi ne, %rem3A_687, %ne3A_689 : vector<16xi32>
        %lt3A_691 = arith.constant 0 : i32
        %lt3A_692 = vector.broadcast %lt3A_691 : i32 to vector<16xi32>
        %lt3A_693 = arith.cmpi slt, %rem3A_687, %lt3A_692 : vector<16xi32>
        %lt3A_694 = arith.constant 0 : i32
        %lt3A_695 = arith.cmpi slt, %select_n3A_685, %lt3A_694 : i32
        %ne3A_696 = vector.broadcast %lt3A_695 : i1 to vector<16xi1>
        %ne3A_697 = vector.broadcast %ne3A_696 : vector<16xi1> to vector<16xi1>
        %ne3A_698 = arith.xori %lt3A_693, %ne3A_697 : vector<16xi1>
        %and3A_699 = arith.andi %ne3A_698, %ne3A_690 : vector<16xi1>
        %add3A_700 = vector.broadcast %select_n3A_685 : i32 to vector<16xi32>
        %add3A_701 = arith.addi %rem3A_687, %add3A_700 : vector<16xi32>
        %select_n3A_702 = arith.select %and3A_699, %add3A_701, %rem3A_687 : vector<16xi1>, vector<16xi32>
        %lt3A_703 = arith.constant 0 : i32
        %lt3A_704 = vector.broadcast %lt3A_703 : i32 to vector<16xi32>
        %lt3A_705 = arith.cmpi slt, %select_n3A_677, %lt3A_704 : vector<16xi32>
        %add3A_706 = arith.constant 16 : i32
        %add3A_707 = vector.broadcast %add3A_706 : i32 to vector<16xi32>
        %add3A_708 = arith.addi %select_n3A_677, %add3A_707 : vector<16xi32>
        %select_n3A_709 = arith.select %lt3A_705, %add3A_708, %select_n3A_677 : vector<16xi1>, vector<16xi32>
        %broadcast_in_dim3A_710 = vector.shape_cast %select_n3A_709 : vector<16xi32> to vector<16x1xi32>
        %gather3A_711 = vector.shape_cast %broadcast_in_dim3A_710 : vector<16x1xi32> to vector<16xi32>
        %gather3A_712 = tpu.dynamic_gather %get3A_386[%gather3A_711] in [0] : vector<16xi32>, vector<16xi32> -> vector<16xi32>
        %eq3A_713 = arith.cmpi eq, %get3A_386, %gather3A_712 : vector<16xi32>
        %ge3A_714 = arith.constant 4 : i32
        %ge3A_715 = vector.broadcast %ge3A_714 : i32 to vector<16xi32>
        %ge3A_716 = arith.cmpi sge, %iota3A, %ge3A_715 : vector<16xi32>
        %and3A_717 = arith.andi %eq3A_713, %ge3A_716 : vector<16xi1>
        %lt3A_718 = arith.constant 0 : i32
        %lt3A_719 = vector.broadcast %lt3A_718 : i32 to vector<16xi32>
        %lt3A_720 = arith.cmpi slt, %select_n3A_702, %lt3A_719 : vector<16xi32>
        %add3A_721 = arith.constant 16 : i32
        %add3A_722 = vector.broadcast %add3A_721 : i32 to vector<16xi32>
        %add3A_723 = arith.addi %select_n3A_702, %add3A_722 : vector<16xi32>
        %select_n3A_724 = arith.select %lt3A_720, %add3A_723, %select_n3A_702 : vector<16xi1>, vector<16xi32>
        %broadcast_in_dim3A_725 = vector.shape_cast %select_n3A_724 : vector<16xi32> to vector<16x1xi32>
        %gather3A_726 = vector.shape_cast %broadcast_in_dim3A_725 : vector<16x1xi32> to vector<16xi32>
        %gather3A_727 = tpu.dynamic_gather %get3A_386[%gather3A_726] in [0] : vector<16xi32>, vector<16xi32> -> vector<16xi32>
        %eq3A_728 = arith.cmpi eq, %get3A_386, %gather3A_727 : vector<16xi32>
        %lt3A_729 = arith.constant 12 : i32
        %lt3A_730 = vector.broadcast %lt3A_729 : i32 to vector<16xi32>
        %lt3A_731 = arith.cmpi slt, %iota3A, %lt3A_730 : vector<16xi32>
        %and3A_732 = arith.andi %eq3A_728, %lt3A_731 : vector<16xi1>
        %convert_element_type3A_733 = arith.extui %and3A_717 : vector<16xi1> to vector<16xi32>
        %add3A_734 = arith.addi %add3A_650, %convert_element_type3A_733 : vector<16xi32>
        %convert_element_type3A_735 = arith.extui %and3A_732 : vector<16xi1> to vector<16xi32>
        %add3A_736 = arith.addi %add3A_652, %convert_element_type3A_735 : vector<16xi32>
        %sub3A_737 = arith.constant 5 : i32
        %sub3A_738 = vector.broadcast %sub3A_737 : i32 to vector<16xi32>
        %sub3A_739 = arith.subi %iota3A, %sub3A_738 : vector<16xi32>
        %jit3A_740 = arith.constant 16 : i32
        %eq3A_741 = arith.constant 0 : i32
        %eq3A_742 = arith.cmpi eq, %jit3A_740, %eq3A_741 : i32
        %jit3A_743 = arith.constant 1 : i32
        %select_n3A_744 = arith.select %eq3A_742, %jit3A_743, %jit3A_740 : i32
        %rem3A_745 = vector.broadcast %select_n3A_744 : i32 to vector<16xi32>
        %rem3A_746 = arith.remsi %sub3A_739, %rem3A_745 : vector<16xi32>
        %ne3A_747 = arith.constant 0 : i32
        %ne3A_748 = vector.broadcast %ne3A_747 : i32 to vector<16xi32>
        %ne3A_749 = arith.cmpi ne, %rem3A_746, %ne3A_748 : vector<16xi32>
        %lt3A_750 = arith.constant 0 : i32
        %lt3A_751 = vector.broadcast %lt3A_750 : i32 to vector<16xi32>
        %lt3A_752 = arith.cmpi slt, %rem3A_746, %lt3A_751 : vector<16xi32>
        %lt3A_753 = arith.constant 0 : i32
        %lt3A_754 = arith.cmpi slt, %select_n3A_744, %lt3A_753 : i32
        %ne3A_755 = vector.broadcast %lt3A_754 : i1 to vector<16xi1>
        %ne3A_756 = vector.broadcast %ne3A_755 : vector<16xi1> to vector<16xi1>
        %ne3A_757 = arith.xori %lt3A_752, %ne3A_756 : vector<16xi1>
        %and3A_758 = arith.andi %ne3A_757, %ne3A_749 : vector<16xi1>
        %add3A_759 = vector.broadcast %select_n3A_744 : i32 to vector<16xi32>
        %add3A_760 = arith.addi %rem3A_746, %add3A_759 : vector<16xi32>
        %select_n3A_761 = arith.select %and3A_758, %add3A_760, %rem3A_746 : vector<16xi1>, vector<16xi32>
        %add3A_762 = arith.constant 5 : i32
        %add3A_763 = vector.broadcast %add3A_762 : i32 to vector<16xi32>
        %add3A_764 = arith.addi %iota3A, %add3A_763 : vector<16xi32>
        %jit3A_765 = arith.constant 16 : i32
        %eq3A_766 = arith.constant 0 : i32
        %eq3A_767 = arith.cmpi eq, %jit3A_765, %eq3A_766 : i32
        %jit3A_768 = arith.constant 1 : i32
        %select_n3A_769 = arith.select %eq3A_767, %jit3A_768, %jit3A_765 : i32
        %rem3A_770 = vector.broadcast %select_n3A_769 : i32 to vector<16xi32>
        %rem3A_771 = arith.remsi %add3A_764, %rem3A_770 : vector<16xi32>
        %ne3A_772 = arith.constant 0 : i32
        %ne3A_773 = vector.broadcast %ne3A_772 : i32 to vector<16xi32>
        %ne3A_774 = arith.cmpi ne, %rem3A_771, %ne3A_773 : vector<16xi32>
        %lt3A_775 = arith.constant 0 : i32
        %lt3A_776 = vector.broadcast %lt3A_775 : i32 to vector<16xi32>
        %lt3A_777 = arith.cmpi slt, %rem3A_771, %lt3A_776 : vector<16xi32>
        %lt3A_778 = arith.constant 0 : i32
        %lt3A_779 = arith.cmpi slt, %select_n3A_769, %lt3A_778 : i32
        %ne3A_780 = vector.broadcast %lt3A_779 : i1 to vector<16xi1>
        %ne3A_781 = vector.broadcast %ne3A_780 : vector<16xi1> to vector<16xi1>
        %ne3A_782 = arith.xori %lt3A_777, %ne3A_781 : vector<16xi1>
        %and3A_783 = arith.andi %ne3A_782, %ne3A_774 : vector<16xi1>
        %add3A_784 = vector.broadcast %select_n3A_769 : i32 to vector<16xi32>
        %add3A_785 = arith.addi %rem3A_771, %add3A_784 : vector<16xi32>
        %select_n3A_786 = arith.select %and3A_783, %add3A_785, %rem3A_771 : vector<16xi1>, vector<16xi32>
        %lt3A_787 = arith.constant 0 : i32
        %lt3A_788 = vector.broadcast %lt3A_787 : i32 to vector<16xi32>
        %lt3A_789 = arith.cmpi slt, %select_n3A_761, %lt3A_788 : vector<16xi32>
        %add3A_790 = arith.constant 16 : i32
        %add3A_791 = vector.broadcast %add3A_790 : i32 to vector<16xi32>
        %add3A_792 = arith.addi %select_n3A_761, %add3A_791 : vector<16xi32>
        %select_n3A_793 = arith.select %lt3A_789, %add3A_792, %select_n3A_761 : vector<16xi1>, vector<16xi32>
        %broadcast_in_dim3A_794 = vector.shape_cast %select_n3A_793 : vector<16xi32> to vector<16x1xi32>
        %gather3A_795 = vector.shape_cast %broadcast_in_dim3A_794 : vector<16x1xi32> to vector<16xi32>
        %gather3A_796 = tpu.dynamic_gather %get3A_386[%gather3A_795] in [0] : vector<16xi32>, vector<16xi32> -> vector<16xi32>
        %eq3A_797 = arith.cmpi eq, %get3A_386, %gather3A_796 : vector<16xi32>
        %ge3A_798 = arith.constant 5 : i32
        %ge3A_799 = vector.broadcast %ge3A_798 : i32 to vector<16xi32>
        %ge3A_800 = arith.cmpi sge, %iota3A, %ge3A_799 : vector<16xi32>
        %and3A_801 = arith.andi %eq3A_797, %ge3A_800 : vector<16xi1>
        %lt3A_802 = arith.constant 0 : i32
        %lt3A_803 = vector.broadcast %lt3A_802 : i32 to vector<16xi32>
        %lt3A_804 = arith.cmpi slt, %select_n3A_786, %lt3A_803 : vector<16xi32>
        %add3A_805 = arith.constant 16 : i32
        %add3A_806 = vector.broadcast %add3A_805 : i32 to vector<16xi32>
        %add3A_807 = arith.addi %select_n3A_786, %add3A_806 : vector<16xi32>
        %select_n3A_808 = arith.select %lt3A_804, %add3A_807, %select_n3A_786 : vector<16xi1>, vector<16xi32>
        %broadcast_in_dim3A_809 = vector.shape_cast %select_n3A_808 : vector<16xi32> to vector<16x1xi32>
        %gather3A_810 = vector.shape_cast %broadcast_in_dim3A_809 : vector<16x1xi32> to vector<16xi32>
        %gather3A_811 = tpu.dynamic_gather %get3A_386[%gather3A_810] in [0] : vector<16xi32>, vector<16xi32> -> vector<16xi32>
        %eq3A_812 = arith.cmpi eq, %get3A_386, %gather3A_811 : vector<16xi32>
        %lt3A_813 = arith.constant 11 : i32
        %lt3A_814 = vector.broadcast %lt3A_813 : i32 to vector<16xi32>
        %lt3A_815 = arith.cmpi slt, %iota3A, %lt3A_814 : vector<16xi32>
        %and3A_816 = arith.andi %eq3A_812, %lt3A_815 : vector<16xi1>
        %convert_element_type3A_817 = arith.extui %and3A_801 : vector<16xi1> to vector<16xi32>
        %add3A_818 = arith.addi %add3A_734, %convert_element_type3A_817 : vector<16xi32>
        %convert_element_type3A_819 = arith.extui %and3A_816 : vector<16xi1> to vector<16xi32>
        %add3A_820 = arith.addi %add3A_736, %convert_element_type3A_819 : vector<16xi32>
        %sub3A_821 = arith.constant 6 : i32
        %sub3A_822 = vector.broadcast %sub3A_821 : i32 to vector<16xi32>
        %sub3A_823 = arith.subi %iota3A, %sub3A_822 : vector<16xi32>
        %jit3A_824 = arith.constant 16 : i32
        %eq3A_825 = arith.constant 0 : i32
        %eq3A_826 = arith.cmpi eq, %jit3A_824, %eq3A_825 : i32
        %jit3A_827 = arith.constant 1 : i32
        %select_n3A_828 = arith.select %eq3A_826, %jit3A_827, %jit3A_824 : i32
        %rem3A_829 = vector.broadcast %select_n3A_828 : i32 to vector<16xi32>
        %rem3A_830 = arith.remsi %sub3A_823, %rem3A_829 : vector<16xi32>
        %ne3A_831 = arith.constant 0 : i32
        %ne3A_832 = vector.broadcast %ne3A_831 : i32 to vector<16xi32>
        %ne3A_833 = arith.cmpi ne, %rem3A_830, %ne3A_832 : vector<16xi32>
        %lt3A_834 = arith.constant 0 : i32
        %lt3A_835 = vector.broadcast %lt3A_834 : i32 to vector<16xi32>
        %lt3A_836 = arith.cmpi slt, %rem3A_830, %lt3A_835 : vector<16xi32>
        %lt3A_837 = arith.constant 0 : i32
        %lt3A_838 = arith.cmpi slt, %select_n3A_828, %lt3A_837 : i32
        %ne3A_839 = vector.broadcast %lt3A_838 : i1 to vector<16xi1>
        %ne3A_840 = vector.broadcast %ne3A_839 : vector<16xi1> to vector<16xi1>
        %ne3A_841 = arith.xori %lt3A_836, %ne3A_840 : vector<16xi1>
        %and3A_842 = arith.andi %ne3A_841, %ne3A_833 : vector<16xi1>
        %add3A_843 = vector.broadcast %select_n3A_828 : i32 to vector<16xi32>
        %add3A_844 = arith.addi %rem3A_830, %add3A_843 : vector<16xi32>
        %select_n3A_845 = arith.select %and3A_842, %add3A_844, %rem3A_830 : vector<16xi1>, vector<16xi32>
        %add3A_846 = arith.constant 6 : i32
        %add3A_847 = vector.broadcast %add3A_846 : i32 to vector<16xi32>
        %add3A_848 = arith.addi %iota3A, %add3A_847 : vector<16xi32>
        %jit3A_849 = arith.constant 16 : i32
        %eq3A_850 = arith.constant 0 : i32
        %eq3A_851 = arith.cmpi eq, %jit3A_849, %eq3A_850 : i32
        %jit3A_852 = arith.constant 1 : i32
        %select_n3A_853 = arith.select %eq3A_851, %jit3A_852, %jit3A_849 : i32
        %rem3A_854 = vector.broadcast %select_n3A_853 : i32 to vector<16xi32>
        %rem3A_855 = arith.remsi %add3A_848, %rem3A_854 : vector<16xi32>
        %ne3A_856 = arith.constant 0 : i32
        %ne3A_857 = vector.broadcast %ne3A_856 : i32 to vector<16xi32>
        %ne3A_858 = arith.cmpi ne, %rem3A_855, %ne3A_857 : vector<16xi32>
        %lt3A_859 = arith.constant 0 : i32
        %lt3A_860 = vector.broadcast %lt3A_859 : i32 to vector<16xi32>
        %lt3A_861 = arith.cmpi slt, %rem3A_855, %lt3A_860 : vector<16xi32>
        %lt3A_862 = arith.constant 0 : i32
        %lt3A_863 = arith.cmpi slt, %select_n3A_853, %lt3A_862 : i32
        %ne3A_864 = vector.broadcast %lt3A_863 : i1 to vector<16xi1>
        %ne3A_865 = vector.broadcast %ne3A_864 : vector<16xi1> to vector<16xi1>
        %ne3A_866 = arith.xori %lt3A_861, %ne3A_865 : vector<16xi1>
        %and3A_867 = arith.andi %ne3A_866, %ne3A_858 : vector<16xi1>
        %add3A_868 = vector.broadcast %select_n3A_853 : i32 to vector<16xi32>
        %add3A_869 = arith.addi %rem3A_855, %add3A_868 : vector<16xi32>
        %select_n3A_870 = arith.select %and3A_867, %add3A_869, %rem3A_855 : vector<16xi1>, vector<16xi32>
        %lt3A_871 = arith.constant 0 : i32
        %lt3A_872 = vector.broadcast %lt3A_871 : i32 to vector<16xi32>
        %lt3A_873 = arith.cmpi slt, %select_n3A_845, %lt3A_872 : vector<16xi32>
        %add3A_874 = arith.constant 16 : i32
        %add3A_875 = vector.broadcast %add3A_874 : i32 to vector<16xi32>
        %add3A_876 = arith.addi %select_n3A_845, %add3A_875 : vector<16xi32>
        %select_n3A_877 = arith.select %lt3A_873, %add3A_876, %select_n3A_845 : vector<16xi1>, vector<16xi32>
        %broadcast_in_dim3A_878 = vector.shape_cast %select_n3A_877 : vector<16xi32> to vector<16x1xi32>
        %gather3A_879 = vector.shape_cast %broadcast_in_dim3A_878 : vector<16x1xi32> to vector<16xi32>
        %gather3A_880 = tpu.dynamic_gather %get3A_386[%gather3A_879] in [0] : vector<16xi32>, vector<16xi32> -> vector<16xi32>
        %eq3A_881 = arith.cmpi eq, %get3A_386, %gather3A_880 : vector<16xi32>
        %ge3A_882 = arith.constant 6 : i32
        %ge3A_883 = vector.broadcast %ge3A_882 : i32 to vector<16xi32>
        %ge3A_884 = arith.cmpi sge, %iota3A, %ge3A_883 : vector<16xi32>
        %and3A_885 = arith.andi %eq3A_881, %ge3A_884 : vector<16xi1>
        %lt3A_886 = arith.constant 0 : i32
        %lt3A_887 = vector.broadcast %lt3A_886 : i32 to vector<16xi32>
        %lt3A_888 = arith.cmpi slt, %select_n3A_870, %lt3A_887 : vector<16xi32>
        %add3A_889 = arith.constant 16 : i32
        %add3A_890 = vector.broadcast %add3A_889 : i32 to vector<16xi32>
        %add3A_891 = arith.addi %select_n3A_870, %add3A_890 : vector<16xi32>
        %select_n3A_892 = arith.select %lt3A_888, %add3A_891, %select_n3A_870 : vector<16xi1>, vector<16xi32>
        %broadcast_in_dim3A_893 = vector.shape_cast %select_n3A_892 : vector<16xi32> to vector<16x1xi32>
        %gather3A_894 = vector.shape_cast %broadcast_in_dim3A_893 : vector<16x1xi32> to vector<16xi32>
        %gather3A_895 = tpu.dynamic_gather %get3A_386[%gather3A_894] in [0] : vector<16xi32>, vector<16xi32> -> vector<16xi32>
        %eq3A_896 = arith.cmpi eq, %get3A_386, %gather3A_895 : vector<16xi32>
        %lt3A_897 = arith.constant 10 : i32
        %lt3A_898 = vector.broadcast %lt3A_897 : i32 to vector<16xi32>
        %lt3A_899 = arith.cmpi slt, %iota3A, %lt3A_898 : vector<16xi32>
        %and3A_900 = arith.andi %eq3A_896, %lt3A_899 : vector<16xi1>
        %convert_element_type3A_901 = arith.extui %and3A_885 : vector<16xi1> to vector<16xi32>
        %add3A_902 = arith.addi %add3A_818, %convert_element_type3A_901 : vector<16xi32>
        %convert_element_type3A_903 = arith.extui %and3A_900 : vector<16xi1> to vector<16xi32>
        %add3A_904 = arith.addi %add3A_820, %convert_element_type3A_903 : vector<16xi32>
        %sub3A_905 = arith.constant 7 : i32
        %sub3A_906 = vector.broadcast %sub3A_905 : i32 to vector<16xi32>
        %sub3A_907 = arith.subi %iota3A, %sub3A_906 : vector<16xi32>
        %jit3A_908 = arith.constant 16 : i32
        %eq3A_909 = arith.constant 0 : i32
        %eq3A_910 = arith.cmpi eq, %jit3A_908, %eq3A_909 : i32
        %jit3A_911 = arith.constant 1 : i32
        %select_n3A_912 = arith.select %eq3A_910, %jit3A_911, %jit3A_908 : i32
        %rem3A_913 = vector.broadcast %select_n3A_912 : i32 to vector<16xi32>
        %rem3A_914 = arith.remsi %sub3A_907, %rem3A_913 : vector<16xi32>
        %ne3A_915 = arith.constant 0 : i32
        %ne3A_916 = vector.broadcast %ne3A_915 : i32 to vector<16xi32>
        %ne3A_917 = arith.cmpi ne, %rem3A_914, %ne3A_916 : vector<16xi32>
        %lt3A_918 = arith.constant 0 : i32
        %lt3A_919 = vector.broadcast %lt3A_918 : i32 to vector<16xi32>
        %lt3A_920 = arith.cmpi slt, %rem3A_914, %lt3A_919 : vector<16xi32>
        %lt3A_921 = arith.constant 0 : i32
        %lt3A_922 = arith.cmpi slt, %select_n3A_912, %lt3A_921 : i32
        %ne3A_923 = vector.broadcast %lt3A_922 : i1 to vector<16xi1>
        %ne3A_924 = vector.broadcast %ne3A_923 : vector<16xi1> to vector<16xi1>
        %ne3A_925 = arith.xori %lt3A_920, %ne3A_924 : vector<16xi1>
        %and3A_926 = arith.andi %ne3A_925, %ne3A_917 : vector<16xi1>
        %add3A_927 = vector.broadcast %select_n3A_912 : i32 to vector<16xi32>
        %add3A_928 = arith.addi %rem3A_914, %add3A_927 : vector<16xi32>
        %select_n3A_929 = arith.select %and3A_926, %add3A_928, %rem3A_914 : vector<16xi1>, vector<16xi32>
        %add3A_930 = arith.constant 7 : i32
        %add3A_931 = vector.broadcast %add3A_930 : i32 to vector<16xi32>
        %add3A_932 = arith.addi %iota3A, %add3A_931 : vector<16xi32>
        %jit3A_933 = arith.constant 16 : i32
        %eq3A_934 = arith.constant 0 : i32
        %eq3A_935 = arith.cmpi eq, %jit3A_933, %eq3A_934 : i32
        %jit3A_936 = arith.constant 1 : i32
        %select_n3A_937 = arith.select %eq3A_935, %jit3A_936, %jit3A_933 : i32
        %rem3A_938 = vector.broadcast %select_n3A_937 : i32 to vector<16xi32>
        %rem3A_939 = arith.remsi %add3A_932, %rem3A_938 : vector<16xi32>
        %ne3A_940 = arith.constant 0 : i32
        %ne3A_941 = vector.broadcast %ne3A_940 : i32 to vector<16xi32>
        %ne3A_942 = arith.cmpi ne, %rem3A_939, %ne3A_941 : vector<16xi32>
        %lt3A_943 = arith.constant 0 : i32
        %lt3A_944 = vector.broadcast %lt3A_943 : i32 to vector<16xi32>
        %lt3A_945 = arith.cmpi slt, %rem3A_939, %lt3A_944 : vector<16xi32>
        %lt3A_946 = arith.constant 0 : i32
        %lt3A_947 = arith.cmpi slt, %select_n3A_937, %lt3A_946 : i32
        %ne3A_948 = vector.broadcast %lt3A_947 : i1 to vector<16xi1>
        %ne3A_949 = vector.broadcast %ne3A_948 : vector<16xi1> to vector<16xi1>
        %ne3A_950 = arith.xori %lt3A_945, %ne3A_949 : vector<16xi1>
        %and3A_951 = arith.andi %ne3A_950, %ne3A_942 : vector<16xi1>
        %add3A_952 = vector.broadcast %select_n3A_937 : i32 to vector<16xi32>
        %add3A_953 = arith.addi %rem3A_939, %add3A_952 : vector<16xi32>
        %select_n3A_954 = arith.select %and3A_951, %add3A_953, %rem3A_939 : vector<16xi1>, vector<16xi32>
        %lt3A_955 = arith.constant 0 : i32
        %lt3A_956 = vector.broadcast %lt3A_955 : i32 to vector<16xi32>
        %lt3A_957 = arith.cmpi slt, %select_n3A_929, %lt3A_956 : vector<16xi32>
        %add3A_958 = arith.constant 16 : i32
        %add3A_959 = vector.broadcast %add3A_958 : i32 to vector<16xi32>
        %add3A_960 = arith.addi %select_n3A_929, %add3A_959 : vector<16xi32>
        %select_n3A_961 = arith.select %lt3A_957, %add3A_960, %select_n3A_929 : vector<16xi1>, vector<16xi32>
        %broadcast_in_dim3A_962 = vector.shape_cast %select_n3A_961 : vector<16xi32> to vector<16x1xi32>
        %gather3A_963 = vector.shape_cast %broadcast_in_dim3A_962 : vector<16x1xi32> to vector<16xi32>
        %gather3A_964 = tpu.dynamic_gather %get3A_386[%gather3A_963] in [0] : vector<16xi32>, vector<16xi32> -> vector<16xi32>
        %eq3A_965 = arith.cmpi eq, %get3A_386, %gather3A_964 : vector<16xi32>
        %ge3A_966 = arith.constant 7 : i32
        %ge3A_967 = vector.broadcast %ge3A_966 : i32 to vector<16xi32>
        %ge3A_968 = arith.cmpi sge, %iota3A, %ge3A_967 : vector<16xi32>
        %and3A_969 = arith.andi %eq3A_965, %ge3A_968 : vector<16xi1>
        %lt3A_970 = arith.constant 0 : i32
        %lt3A_971 = vector.broadcast %lt3A_970 : i32 to vector<16xi32>
        %lt3A_972 = arith.cmpi slt, %select_n3A_954, %lt3A_971 : vector<16xi32>
        %add3A_973 = arith.constant 16 : i32
        %add3A_974 = vector.broadcast %add3A_973 : i32 to vector<16xi32>
        %add3A_975 = arith.addi %select_n3A_954, %add3A_974 : vector<16xi32>
        %select_n3A_976 = arith.select %lt3A_972, %add3A_975, %select_n3A_954 : vector<16xi1>, vector<16xi32>
        %broadcast_in_dim3A_977 = vector.shape_cast %select_n3A_976 : vector<16xi32> to vector<16x1xi32>
        %gather3A_978 = vector.shape_cast %broadcast_in_dim3A_977 : vector<16x1xi32> to vector<16xi32>
        %gather3A_979 = tpu.dynamic_gather %get3A_386[%gather3A_978] in [0] : vector<16xi32>, vector<16xi32> -> vector<16xi32>
        %eq3A_980 = arith.cmpi eq, %get3A_386, %gather3A_979 : vector<16xi32>
        %lt3A_981 = arith.constant 9 : i32
        %lt3A_982 = vector.broadcast %lt3A_981 : i32 to vector<16xi32>
        %lt3A_983 = arith.cmpi slt, %iota3A, %lt3A_982 : vector<16xi32>
        %and3A_984 = arith.andi %eq3A_980, %lt3A_983 : vector<16xi1>
        %convert_element_type3A_985 = arith.extui %and3A_969 : vector<16xi1> to vector<16xi32>
        %add3A_986 = arith.addi %add3A_902, %convert_element_type3A_985 : vector<16xi32>
        %convert_element_type3A_987 = arith.extui %and3A_984 : vector<16xi1> to vector<16xi32>
        %add3A_988 = arith.addi %add3A_904, %convert_element_type3A_987 : vector<16xi32>
        %sub3A_989 = arith.constant 8 : i32
        %sub3A_990 = vector.broadcast %sub3A_989 : i32 to vector<16xi32>
        %sub3A_991 = arith.subi %iota3A, %sub3A_990 : vector<16xi32>
        %jit3A_992 = arith.constant 16 : i32
        %eq3A_993 = arith.constant 0 : i32
        %eq3A_994 = arith.cmpi eq, %jit3A_992, %eq3A_993 : i32
        %jit3A_995 = arith.constant 1 : i32
        %select_n3A_996 = arith.select %eq3A_994, %jit3A_995, %jit3A_992 : i32
        %rem3A_997 = vector.broadcast %select_n3A_996 : i32 to vector<16xi32>
        %rem3A_998 = arith.remsi %sub3A_991, %rem3A_997 : vector<16xi32>
        %ne3A_999 = arith.constant 0 : i32
        %ne3A_1000 = vector.broadcast %ne3A_999 : i32 to vector<16xi32>
        %ne3A_1001 = arith.cmpi ne, %rem3A_998, %ne3A_1000 : vector<16xi32>
        %lt3A_1002 = arith.constant 0 : i32
        %lt3A_1003 = vector.broadcast %lt3A_1002 : i32 to vector<16xi32>
        %lt3A_1004 = arith.cmpi slt, %rem3A_998, %lt3A_1003 : vector<16xi32>
        %lt3A_1005 = arith.constant 0 : i32
        %lt3A_1006 = arith.cmpi slt, %select_n3A_996, %lt3A_1005 : i32
        %ne3A_1007 = vector.broadcast %lt3A_1006 : i1 to vector<16xi1>
        %ne3A_1008 = vector.broadcast %ne3A_1007 : vector<16xi1> to vector<16xi1>
        %ne3A_1009 = arith.xori %lt3A_1004, %ne3A_1008 : vector<16xi1>
        %and3A_1010 = arith.andi %ne3A_1009, %ne3A_1001 : vector<16xi1>
        %add3A_1011 = vector.broadcast %select_n3A_996 : i32 to vector<16xi32>
        %add3A_1012 = arith.addi %rem3A_998, %add3A_1011 : vector<16xi32>
        %select_n3A_1013 = arith.select %and3A_1010, %add3A_1012, %rem3A_998 : vector<16xi1>, vector<16xi32>
        %add3A_1014 = arith.constant 8 : i32
        %add3A_1015 = vector.broadcast %add3A_1014 : i32 to vector<16xi32>
        %add3A_1016 = arith.addi %iota3A, %add3A_1015 : vector<16xi32>
        %jit3A_1017 = arith.constant 16 : i32
        %eq3A_1018 = arith.constant 0 : i32
        %eq3A_1019 = arith.cmpi eq, %jit3A_1017, %eq3A_1018 : i32
        %jit3A_1020 = arith.constant 1 : i32
        %select_n3A_1021 = arith.select %eq3A_1019, %jit3A_1020, %jit3A_1017 : i32
        %rem3A_1022 = vector.broadcast %select_n3A_1021 : i32 to vector<16xi32>
        %rem3A_1023 = arith.remsi %add3A_1016, %rem3A_1022 : vector<16xi32>
        %ne3A_1024 = arith.constant 0 : i32
        %ne3A_1025 = vector.broadcast %ne3A_1024 : i32 to vector<16xi32>
        %ne3A_1026 = arith.cmpi ne, %rem3A_1023, %ne3A_1025 : vector<16xi32>
        %lt3A_1027 = arith.constant 0 : i32
        %lt3A_1028 = vector.broadcast %lt3A_1027 : i32 to vector<16xi32>
        %lt3A_1029 = arith.cmpi slt, %rem3A_1023, %lt3A_1028 : vector<16xi32>
        %lt3A_1030 = arith.constant 0 : i32
        %lt3A_1031 = arith.cmpi slt, %select_n3A_1021, %lt3A_1030 : i32
        %ne3A_1032 = vector.broadcast %lt3A_1031 : i1 to vector<16xi1>
        %ne3A_1033 = vector.broadcast %ne3A_1032 : vector<16xi1> to vector<16xi1>
        %ne3A_1034 = arith.xori %lt3A_1029, %ne3A_1033 : vector<16xi1>
        %and3A_1035 = arith.andi %ne3A_1034, %ne3A_1026 : vector<16xi1>
        %add3A_1036 = vector.broadcast %select_n3A_1021 : i32 to vector<16xi32>
        %add3A_1037 = arith.addi %rem3A_1023, %add3A_1036 : vector<16xi32>
        %select_n3A_1038 = arith.select %and3A_1035, %add3A_1037, %rem3A_1023 : vector<16xi1>, vector<16xi32>
        %lt3A_1039 = arith.constant 0 : i32
        %lt3A_1040 = vector.broadcast %lt3A_1039 : i32 to vector<16xi32>
        %lt3A_1041 = arith.cmpi slt, %select_n3A_1013, %lt3A_1040 : vector<16xi32>
        %add3A_1042 = arith.constant 16 : i32
        %add3A_1043 = vector.broadcast %add3A_1042 : i32 to vector<16xi32>
        %add3A_1044 = arith.addi %select_n3A_1013, %add3A_1043 : vector<16xi32>
        %select_n3A_1045 = arith.select %lt3A_1041, %add3A_1044, %select_n3A_1013 : vector<16xi1>, vector<16xi32>
        %broadcast_in_dim3A_1046 = vector.shape_cast %select_n3A_1045 : vector<16xi32> to vector<16x1xi32>
        %gather3A_1047 = vector.shape_cast %broadcast_in_dim3A_1046 : vector<16x1xi32> to vector<16xi32>
        %gather3A_1048 = tpu.dynamic_gather %get3A_386[%gather3A_1047] in [0] : vector<16xi32>, vector<16xi32> -> vector<16xi32>
        %eq3A_1049 = arith.cmpi eq, %get3A_386, %gather3A_1048 : vector<16xi32>
        %ge3A_1050 = arith.constant 8 : i32
        %ge3A_1051 = vector.broadcast %ge3A_1050 : i32 to vector<16xi32>
        %ge3A_1052 = arith.cmpi sge, %iota3A, %ge3A_1051 : vector<16xi32>
        %and3A_1053 = arith.andi %eq3A_1049, %ge3A_1052 : vector<16xi1>
        %lt3A_1054 = arith.constant 0 : i32
        %lt3A_1055 = vector.broadcast %lt3A_1054 : i32 to vector<16xi32>
        %lt3A_1056 = arith.cmpi slt, %select_n3A_1038, %lt3A_1055 : vector<16xi32>
        %add3A_1057 = arith.constant 16 : i32
        %add3A_1058 = vector.broadcast %add3A_1057 : i32 to vector<16xi32>
        %add3A_1059 = arith.addi %select_n3A_1038, %add3A_1058 : vector<16xi32>
        %select_n3A_1060 = arith.select %lt3A_1056, %add3A_1059, %select_n3A_1038 : vector<16xi1>, vector<16xi32>
        %broadcast_in_dim3A_1061 = vector.shape_cast %select_n3A_1060 : vector<16xi32> to vector<16x1xi32>
        %gather3A_1062 = vector.shape_cast %broadcast_in_dim3A_1061 : vector<16x1xi32> to vector<16xi32>
        %gather3A_1063 = tpu.dynamic_gather %get3A_386[%gather3A_1062] in [0] : vector<16xi32>, vector<16xi32> -> vector<16xi32>
        %eq3A_1064 = arith.cmpi eq, %get3A_386, %gather3A_1063 : vector<16xi32>
        %lt3A_1065 = arith.constant 8 : i32
        %lt3A_1066 = vector.broadcast %lt3A_1065 : i32 to vector<16xi32>
        %lt3A_1067 = arith.cmpi slt, %iota3A, %lt3A_1066 : vector<16xi32>
        %and3A_1068 = arith.andi %eq3A_1064, %lt3A_1067 : vector<16xi1>
        %convert_element_type3A_1069 = arith.extui %and3A_1053 : vector<16xi1> to vector<16xi32>
        %add3A_1070 = arith.addi %add3A_986, %convert_element_type3A_1069 : vector<16xi32>
        %convert_element_type3A_1071 = arith.extui %and3A_1068 : vector<16xi1> to vector<16xi32>
        %add3A_1072 = arith.addi %add3A_988, %convert_element_type3A_1071 : vector<16xi32>
        %sub3A_1073 = arith.constant 9 : i32
        %sub3A_1074 = vector.broadcast %sub3A_1073 : i32 to vector<16xi32>
        %sub3A_1075 = arith.subi %iota3A, %sub3A_1074 : vector<16xi32>
        %jit3A_1076 = arith.constant 16 : i32
        %eq3A_1077 = arith.constant 0 : i32
        %eq3A_1078 = arith.cmpi eq, %jit3A_1076, %eq3A_1077 : i32
        %jit3A_1079 = arith.constant 1 : i32
        %select_n3A_1080 = arith.select %eq3A_1078, %jit3A_1079, %jit3A_1076 : i32
        %rem3A_1081 = vector.broadcast %select_n3A_1080 : i32 to vector<16xi32>
        %rem3A_1082 = arith.remsi %sub3A_1075, %rem3A_1081 : vector<16xi32>
        %ne3A_1083 = arith.constant 0 : i32
        %ne3A_1084 = vector.broadcast %ne3A_1083 : i32 to vector<16xi32>
        %ne3A_1085 = arith.cmpi ne, %rem3A_1082, %ne3A_1084 : vector<16xi32>
        %lt3A_1086 = arith.constant 0 : i32
        %lt3A_1087 = vector.broadcast %lt3A_1086 : i32 to vector<16xi32>
        %lt3A_1088 = arith.cmpi slt, %rem3A_1082, %lt3A_1087 : vector<16xi32>
        %lt3A_1089 = arith.constant 0 : i32
        %lt3A_1090 = arith.cmpi slt, %select_n3A_1080, %lt3A_1089 : i32
        %ne3A_1091 = vector.broadcast %lt3A_1090 : i1 to vector<16xi1>
        %ne3A_1092 = vector.broadcast %ne3A_1091 : vector<16xi1> to vector<16xi1>
        %ne3A_1093 = arith.xori %lt3A_1088, %ne3A_1092 : vector<16xi1>
        %and3A_1094 = arith.andi %ne3A_1093, %ne3A_1085 : vector<16xi1>
        %add3A_1095 = vector.broadcast %select_n3A_1080 : i32 to vector<16xi32>
        %add3A_1096 = arith.addi %rem3A_1082, %add3A_1095 : vector<16xi32>
        %select_n3A_1097 = arith.select %and3A_1094, %add3A_1096, %rem3A_1082 : vector<16xi1>, vector<16xi32>
        %add3A_1098 = arith.constant 9 : i32
        %add3A_1099 = vector.broadcast %add3A_1098 : i32 to vector<16xi32>
        %add3A_1100 = arith.addi %iota3A, %add3A_1099 : vector<16xi32>
        %jit3A_1101 = arith.constant 16 : i32
        %eq3A_1102 = arith.constant 0 : i32
        %eq3A_1103 = arith.cmpi eq, %jit3A_1101, %eq3A_1102 : i32
        %jit3A_1104 = arith.constant 1 : i32
        %select_n3A_1105 = arith.select %eq3A_1103, %jit3A_1104, %jit3A_1101 : i32
        %rem3A_1106 = vector.broadcast %select_n3A_1105 : i32 to vector<16xi32>
        %rem3A_1107 = arith.remsi %add3A_1100, %rem3A_1106 : vector<16xi32>
        %ne3A_1108 = arith.constant 0 : i32
        %ne3A_1109 = vector.broadcast %ne3A_1108 : i32 to vector<16xi32>
        %ne3A_1110 = arith.cmpi ne, %rem3A_1107, %ne3A_1109 : vector<16xi32>
        %lt3A_1111 = arith.constant 0 : i32
        %lt3A_1112 = vector.broadcast %lt3A_1111 : i32 to vector<16xi32>
        %lt3A_1113 = arith.cmpi slt, %rem3A_1107, %lt3A_1112 : vector<16xi32>
        %lt3A_1114 = arith.constant 0 : i32
        %lt3A_1115 = arith.cmpi slt, %select_n3A_1105, %lt3A_1114 : i32
        %ne3A_1116 = vector.broadcast %lt3A_1115 : i1 to vector<16xi1>
        %ne3A_1117 = vector.broadcast %ne3A_1116 : vector<16xi1> to vector<16xi1>
        %ne3A_1118 = arith.xori %lt3A_1113, %ne3A_1117 : vector<16xi1>
        %and3A_1119 = arith.andi %ne3A_1118, %ne3A_1110 : vector<16xi1>
        %add3A_1120 = vector.broadcast %select_n3A_1105 : i32 to vector<16xi32>
        %add3A_1121 = arith.addi %rem3A_1107, %add3A_1120 : vector<16xi32>
        %select_n3A_1122 = arith.select %and3A_1119, %add3A_1121, %rem3A_1107 : vector<16xi1>, vector<16xi32>
        %lt3A_1123 = arith.constant 0 : i32
        %lt3A_1124 = vector.broadcast %lt3A_1123 : i32 to vector<16xi32>
        %lt3A_1125 = arith.cmpi slt, %select_n3A_1097, %lt3A_1124 : vector<16xi32>
        %add3A_1126 = arith.constant 16 : i32
        %add3A_1127 = vector.broadcast %add3A_1126 : i32 to vector<16xi32>
        %add3A_1128 = arith.addi %select_n3A_1097, %add3A_1127 : vector<16xi32>
        %select_n3A_1129 = arith.select %lt3A_1125, %add3A_1128, %select_n3A_1097 : vector<16xi1>, vector<16xi32>
        %broadcast_in_dim3A_1130 = vector.shape_cast %select_n3A_1129 : vector<16xi32> to vector<16x1xi32>
        %gather3A_1131 = vector.shape_cast %broadcast_in_dim3A_1130 : vector<16x1xi32> to vector<16xi32>
        %gather3A_1132 = tpu.dynamic_gather %get3A_386[%gather3A_1131] in [0] : vector<16xi32>, vector<16xi32> -> vector<16xi32>
        %eq3A_1133 = arith.cmpi eq, %get3A_386, %gather3A_1132 : vector<16xi32>
        %ge3A_1134 = arith.constant 9 : i32
        %ge3A_1135 = vector.broadcast %ge3A_1134 : i32 to vector<16xi32>
        %ge3A_1136 = arith.cmpi sge, %iota3A, %ge3A_1135 : vector<16xi32>
        %and3A_1137 = arith.andi %eq3A_1133, %ge3A_1136 : vector<16xi1>
        %lt3A_1138 = arith.constant 0 : i32
        %lt3A_1139 = vector.broadcast %lt3A_1138 : i32 to vector<16xi32>
        %lt3A_1140 = arith.cmpi slt, %select_n3A_1122, %lt3A_1139 : vector<16xi32>
        %add3A_1141 = arith.constant 16 : i32
        %add3A_1142 = vector.broadcast %add3A_1141 : i32 to vector<16xi32>
        %add3A_1143 = arith.addi %select_n3A_1122, %add3A_1142 : vector<16xi32>
        %select_n3A_1144 = arith.select %lt3A_1140, %add3A_1143, %select_n3A_1122 : vector<16xi1>, vector<16xi32>
        %broadcast_in_dim3A_1145 = vector.shape_cast %select_n3A_1144 : vector<16xi32> to vector<16x1xi32>
        %gather3A_1146 = vector.shape_cast %broadcast_in_dim3A_1145 : vector<16x1xi32> to vector<16xi32>
        %gather3A_1147 = tpu.dynamic_gather %get3A_386[%gather3A_1146] in [0] : vector<16xi32>, vector<16xi32> -> vector<16xi32>
        %eq3A_1148 = arith.cmpi eq, %get3A_386, %gather3A_1147 : vector<16xi32>
        %lt3A_1149 = arith.constant 7 : i32
        %lt3A_1150 = vector.broadcast %lt3A_1149 : i32 to vector<16xi32>
        %lt3A_1151 = arith.cmpi slt, %iota3A, %lt3A_1150 : vector<16xi32>
        %and3A_1152 = arith.andi %eq3A_1148, %lt3A_1151 : vector<16xi1>
        %convert_element_type3A_1153 = arith.extui %and3A_1137 : vector<16xi1> to vector<16xi32>
        %add3A_1154 = arith.addi %add3A_1070, %convert_element_type3A_1153 : vector<16xi32>
        %convert_element_type3A_1155 = arith.extui %and3A_1152 : vector<16xi1> to vector<16xi32>
        %add3A_1156 = arith.addi %add3A_1072, %convert_element_type3A_1155 : vector<16xi32>
        %sub3A_1157 = arith.constant 10 : i32
        %sub3A_1158 = vector.broadcast %sub3A_1157 : i32 to vector<16xi32>
        %sub3A_1159 = arith.subi %iota3A, %sub3A_1158 : vector<16xi32>
        %jit3A_1160 = arith.constant 16 : i32
        %eq3A_1161 = arith.constant 0 : i32
        %eq3A_1162 = arith.cmpi eq, %jit3A_1160, %eq3A_1161 : i32
        %jit3A_1163 = arith.constant 1 : i32
        %select_n3A_1164 = arith.select %eq3A_1162, %jit3A_1163, %jit3A_1160 : i32
        %rem3A_1165 = vector.broadcast %select_n3A_1164 : i32 to vector<16xi32>
        %rem3A_1166 = arith.remsi %sub3A_1159, %rem3A_1165 : vector<16xi32>
        %ne3A_1167 = arith.constant 0 : i32
        %ne3A_1168 = vector.broadcast %ne3A_1167 : i32 to vector<16xi32>
        %ne3A_1169 = arith.cmpi ne, %rem3A_1166, %ne3A_1168 : vector<16xi32>
        %lt3A_1170 = arith.constant 0 : i32
        %lt3A_1171 = vector.broadcast %lt3A_1170 : i32 to vector<16xi32>
        %lt3A_1172 = arith.cmpi slt, %rem3A_1166, %lt3A_1171 : vector<16xi32>
        %lt3A_1173 = arith.constant 0 : i32
        %lt3A_1174 = arith.cmpi slt, %select_n3A_1164, %lt3A_1173 : i32
        %ne3A_1175 = vector.broadcast %lt3A_1174 : i1 to vector<16xi1>
        %ne3A_1176 = vector.broadcast %ne3A_1175 : vector<16xi1> to vector<16xi1>
        %ne3A_1177 = arith.xori %lt3A_1172, %ne3A_1176 : vector<16xi1>
        %and3A_1178 = arith.andi %ne3A_1177, %ne3A_1169 : vector<16xi1>
        %add3A_1179 = vector.broadcast %select_n3A_1164 : i32 to vector<16xi32>
        %add3A_1180 = arith.addi %rem3A_1166, %add3A_1179 : vector<16xi32>
        %select_n3A_1181 = arith.select %and3A_1178, %add3A_1180, %rem3A_1166 : vector<16xi1>, vector<16xi32>
        %add3A_1182 = arith.constant 10 : i32
        %add3A_1183 = vector.broadcast %add3A_1182 : i32 to vector<16xi32>
        %add3A_1184 = arith.addi %iota3A, %add3A_1183 : vector<16xi32>
        %jit3A_1185 = arith.constant 16 : i32
        %eq3A_1186 = arith.constant 0 : i32
        %eq3A_1187 = arith.cmpi eq, %jit3A_1185, %eq3A_1186 : i32
        %jit3A_1188 = arith.constant 1 : i32
        %select_n3A_1189 = arith.select %eq3A_1187, %jit3A_1188, %jit3A_1185 : i32
        %rem3A_1190 = vector.broadcast %select_n3A_1189 : i32 to vector<16xi32>
        %rem3A_1191 = arith.remsi %add3A_1184, %rem3A_1190 : vector<16xi32>
        %ne3A_1192 = arith.constant 0 : i32
        %ne3A_1193 = vector.broadcast %ne3A_1192 : i32 to vector<16xi32>
        %ne3A_1194 = arith.cmpi ne, %rem3A_1191, %ne3A_1193 : vector<16xi32>
        %lt3A_1195 = arith.constant 0 : i32
        %lt3A_1196 = vector.broadcast %lt3A_1195 : i32 to vector<16xi32>
        %lt3A_1197 = arith.cmpi slt, %rem3A_1191, %lt3A_1196 : vector<16xi32>
        %lt3A_1198 = arith.constant 0 : i32
        %lt3A_1199 = arith.cmpi slt, %select_n3A_1189, %lt3A_1198 : i32
        %ne3A_1200 = vector.broadcast %lt3A_1199 : i1 to vector<16xi1>
        %ne3A_1201 = vector.broadcast %ne3A_1200 : vector<16xi1> to vector<16xi1>
        %ne3A_1202 = arith.xori %lt3A_1197, %ne3A_1201 : vector<16xi1>
        %and3A_1203 = arith.andi %ne3A_1202, %ne3A_1194 : vector<16xi1>
        %add3A_1204 = vector.broadcast %select_n3A_1189 : i32 to vector<16xi32>
        %add3A_1205 = arith.addi %rem3A_1191, %add3A_1204 : vector<16xi32>
        %select_n3A_1206 = arith.select %and3A_1203, %add3A_1205, %rem3A_1191 : vector<16xi1>, vector<16xi32>
        %lt3A_1207 = arith.constant 0 : i32
        %lt3A_1208 = vector.broadcast %lt3A_1207 : i32 to vector<16xi32>
        %lt3A_1209 = arith.cmpi slt, %select_n3A_1181, %lt3A_1208 : vector<16xi32>
        %add3A_1210 = arith.constant 16 : i32
        %add3A_1211 = vector.broadcast %add3A_1210 : i32 to vector<16xi32>
        %add3A_1212 = arith.addi %select_n3A_1181, %add3A_1211 : vector<16xi32>
        %select_n3A_1213 = arith.select %lt3A_1209, %add3A_1212, %select_n3A_1181 : vector<16xi1>, vector<16xi32>
        %broadcast_in_dim3A_1214 = vector.shape_cast %select_n3A_1213 : vector<16xi32> to vector<16x1xi32>
        %gather3A_1215 = vector.shape_cast %broadcast_in_dim3A_1214 : vector<16x1xi32> to vector<16xi32>
        %gather3A_1216 = tpu.dynamic_gather %get3A_386[%gather3A_1215] in [0] : vector<16xi32>, vector<16xi32> -> vector<16xi32>
        %eq3A_1217 = arith.cmpi eq, %get3A_386, %gather3A_1216 : vector<16xi32>
        %ge3A_1218 = arith.constant 10 : i32
        %ge3A_1219 = vector.broadcast %ge3A_1218 : i32 to vector<16xi32>
        %ge3A_1220 = arith.cmpi sge, %iota3A, %ge3A_1219 : vector<16xi32>
        %and3A_1221 = arith.andi %eq3A_1217, %ge3A_1220 : vector<16xi1>
        %lt3A_1222 = arith.constant 0 : i32
        %lt3A_1223 = vector.broadcast %lt3A_1222 : i32 to vector<16xi32>
        %lt3A_1224 = arith.cmpi slt, %select_n3A_1206, %lt3A_1223 : vector<16xi32>
        %add3A_1225 = arith.constant 16 : i32
        %add3A_1226 = vector.broadcast %add3A_1225 : i32 to vector<16xi32>
        %add3A_1227 = arith.addi %select_n3A_1206, %add3A_1226 : vector<16xi32>
        %select_n3A_1228 = arith.select %lt3A_1224, %add3A_1227, %select_n3A_1206 : vector<16xi1>, vector<16xi32>
        %broadcast_in_dim3A_1229 = vector.shape_cast %select_n3A_1228 : vector<16xi32> to vector<16x1xi32>
        %gather3A_1230 = vector.shape_cast %broadcast_in_dim3A_1229 : vector<16x1xi32> to vector<16xi32>
        %gather3A_1231 = tpu.dynamic_gather %get3A_386[%gather3A_1230] in [0] : vector<16xi32>, vector<16xi32> -> vector<16xi32>
        %eq3A_1232 = arith.cmpi eq, %get3A_386, %gather3A_1231 : vector<16xi32>
        %lt3A_1233 = arith.constant 6 : i32
        %lt3A_1234 = vector.broadcast %lt3A_1233 : i32 to vector<16xi32>
        %lt3A_1235 = arith.cmpi slt, %iota3A, %lt3A_1234 : vector<16xi32>
        %and3A_1236 = arith.andi %eq3A_1232, %lt3A_1235 : vector<16xi1>
        %convert_element_type3A_1237 = arith.extui %and3A_1221 : vector<16xi1> to vector<16xi32>
        %add3A_1238 = arith.addi %add3A_1154, %convert_element_type3A_1237 : vector<16xi32>
        %convert_element_type3A_1239 = arith.extui %and3A_1236 : vector<16xi1> to vector<16xi32>
        %add3A_1240 = arith.addi %add3A_1156, %convert_element_type3A_1239 : vector<16xi32>
        %sub3A_1241 = arith.constant 11 : i32
        %sub3A_1242 = vector.broadcast %sub3A_1241 : i32 to vector<16xi32>
        %sub3A_1243 = arith.subi %iota3A, %sub3A_1242 : vector<16xi32>
        %jit3A_1244 = arith.constant 16 : i32
        %eq3A_1245 = arith.constant 0 : i32
        %eq3A_1246 = arith.cmpi eq, %jit3A_1244, %eq3A_1245 : i32
        %jit3A_1247 = arith.constant 1 : i32
        %select_n3A_1248 = arith.select %eq3A_1246, %jit3A_1247, %jit3A_1244 : i32
        %rem3A_1249 = vector.broadcast %select_n3A_1248 : i32 to vector<16xi32>
        %rem3A_1250 = arith.remsi %sub3A_1243, %rem3A_1249 : vector<16xi32>
        %ne3A_1251 = arith.constant 0 : i32
        %ne3A_1252 = vector.broadcast %ne3A_1251 : i32 to vector<16xi32>
        %ne3A_1253 = arith.cmpi ne, %rem3A_1250, %ne3A_1252 : vector<16xi32>
        %lt3A_1254 = arith.constant 0 : i32
        %lt3A_1255 = vector.broadcast %lt3A_1254 : i32 to vector<16xi32>
        %lt3A_1256 = arith.cmpi slt, %rem3A_1250, %lt3A_1255 : vector<16xi32>
        %lt3A_1257 = arith.constant 0 : i32
        %lt3A_1258 = arith.cmpi slt, %select_n3A_1248, %lt3A_1257 : i32
        %ne3A_1259 = vector.broadcast %lt3A_1258 : i1 to vector<16xi1>
        %ne3A_1260 = vector.broadcast %ne3A_1259 : vector<16xi1> to vector<16xi1>
        %ne3A_1261 = arith.xori %lt3A_1256, %ne3A_1260 : vector<16xi1>
        %and3A_1262 = arith.andi %ne3A_1261, %ne3A_1253 : vector<16xi1>
        %add3A_1263 = vector.broadcast %select_n3A_1248 : i32 to vector<16xi32>
        %add3A_1264 = arith.addi %rem3A_1250, %add3A_1263 : vector<16xi32>
        %select_n3A_1265 = arith.select %and3A_1262, %add3A_1264, %rem3A_1250 : vector<16xi1>, vector<16xi32>
        %add3A_1266 = arith.constant 11 : i32
        %add3A_1267 = vector.broadcast %add3A_1266 : i32 to vector<16xi32>
        %add3A_1268 = arith.addi %iota3A, %add3A_1267 : vector<16xi32>
        %jit3A_1269 = arith.constant 16 : i32
        %eq3A_1270 = arith.constant 0 : i32
        %eq3A_1271 = arith.cmpi eq, %jit3A_1269, %eq3A_1270 : i32
        %jit3A_1272 = arith.constant 1 : i32
        %select_n3A_1273 = arith.select %eq3A_1271, %jit3A_1272, %jit3A_1269 : i32
        %rem3A_1274 = vector.broadcast %select_n3A_1273 : i32 to vector<16xi32>
        %rem3A_1275 = arith.remsi %add3A_1268, %rem3A_1274 : vector<16xi32>
        %ne3A_1276 = arith.constant 0 : i32
        %ne3A_1277 = vector.broadcast %ne3A_1276 : i32 to vector<16xi32>
        %ne3A_1278 = arith.cmpi ne, %rem3A_1275, %ne3A_1277 : vector<16xi32>
        %lt3A_1279 = arith.constant 0 : i32
        %lt3A_1280 = vector.broadcast %lt3A_1279 : i32 to vector<16xi32>
        %lt3A_1281 = arith.cmpi slt, %rem3A_1275, %lt3A_1280 : vector<16xi32>
        %lt3A_1282 = arith.constant 0 : i32
        %lt3A_1283 = arith.cmpi slt, %select_n3A_1273, %lt3A_1282 : i32
        %ne3A_1284 = vector.broadcast %lt3A_1283 : i1 to vector<16xi1>
        %ne3A_1285 = vector.broadcast %ne3A_1284 : vector<16xi1> to vector<16xi1>
        %ne3A_1286 = arith.xori %lt3A_1281, %ne3A_1285 : vector<16xi1>
        %and3A_1287 = arith.andi %ne3A_1286, %ne3A_1278 : vector<16xi1>
        %add3A_1288 = vector.broadcast %select_n3A_1273 : i32 to vector<16xi32>
        %add3A_1289 = arith.addi %rem3A_1275, %add3A_1288 : vector<16xi32>
        %select_n3A_1290 = arith.select %and3A_1287, %add3A_1289, %rem3A_1275 : vector<16xi1>, vector<16xi32>
        %lt3A_1291 = arith.constant 0 : i32
        %lt3A_1292 = vector.broadcast %lt3A_1291 : i32 to vector<16xi32>
        %lt3A_1293 = arith.cmpi slt, %select_n3A_1265, %lt3A_1292 : vector<16xi32>
        %add3A_1294 = arith.constant 16 : i32
        %add3A_1295 = vector.broadcast %add3A_1294 : i32 to vector<16xi32>
        %add3A_1296 = arith.addi %select_n3A_1265, %add3A_1295 : vector<16xi32>
        %select_n3A_1297 = arith.select %lt3A_1293, %add3A_1296, %select_n3A_1265 : vector<16xi1>, vector<16xi32>
        %broadcast_in_dim3A_1298 = vector.shape_cast %select_n3A_1297 : vector<16xi32> to vector<16x1xi32>
        %gather3A_1299 = vector.shape_cast %broadcast_in_dim3A_1298 : vector<16x1xi32> to vector<16xi32>
        %gather3A_1300 = tpu.dynamic_gather %get3A_386[%gather3A_1299] in [0] : vector<16xi32>, vector<16xi32> -> vector<16xi32>
        %eq3A_1301 = arith.cmpi eq, %get3A_386, %gather3A_1300 : vector<16xi32>
        %ge3A_1302 = arith.constant 11 : i32
        %ge3A_1303 = vector.broadcast %ge3A_1302 : i32 to vector<16xi32>
        %ge3A_1304 = arith.cmpi sge, %iota3A, %ge3A_1303 : vector<16xi32>
        %and3A_1305 = arith.andi %eq3A_1301, %ge3A_1304 : vector<16xi1>
        %lt3A_1306 = arith.constant 0 : i32
        %lt3A_1307 = vector.broadcast %lt3A_1306 : i32 to vector<16xi32>
        %lt3A_1308 = arith.cmpi slt, %select_n3A_1290, %lt3A_1307 : vector<16xi32>
        %add3A_1309 = arith.constant 16 : i32
        %add3A_1310 = vector.broadcast %add3A_1309 : i32 to vector<16xi32>
        %add3A_1311 = arith.addi %select_n3A_1290, %add3A_1310 : vector<16xi32>
        %select_n3A_1312 = arith.select %lt3A_1308, %add3A_1311, %select_n3A_1290 : vector<16xi1>, vector<16xi32>
        %broadcast_in_dim3A_1313 = vector.shape_cast %select_n3A_1312 : vector<16xi32> to vector<16x1xi32>
        %gather3A_1314 = vector.shape_cast %broadcast_in_dim3A_1313 : vector<16x1xi32> to vector<16xi32>
        %gather3A_1315 = tpu.dynamic_gather %get3A_386[%gather3A_1314] in [0] : vector<16xi32>, vector<16xi32> -> vector<16xi32>
        %eq3A_1316 = arith.cmpi eq, %get3A_386, %gather3A_1315 : vector<16xi32>
        %lt3A_1317 = arith.constant 5 : i32
        %lt3A_1318 = vector.broadcast %lt3A_1317 : i32 to vector<16xi32>
        %lt3A_1319 = arith.cmpi slt, %iota3A, %lt3A_1318 : vector<16xi32>
        %and3A_1320 = arith.andi %eq3A_1316, %lt3A_1319 : vector<16xi1>
        %convert_element_type3A_1321 = arith.extui %and3A_1305 : vector<16xi1> to vector<16xi32>
        %add3A_1322 = arith.addi %add3A_1238, %convert_element_type3A_1321 : vector<16xi32>
        %convert_element_type3A_1323 = arith.extui %and3A_1320 : vector<16xi1> to vector<16xi32>
        %add3A_1324 = arith.addi %add3A_1240, %convert_element_type3A_1323 : vector<16xi32>
        %sub3A_1325 = arith.constant 12 : i32
        %sub3A_1326 = vector.broadcast %sub3A_1325 : i32 to vector<16xi32>
        %sub3A_1327 = arith.subi %iota3A, %sub3A_1326 : vector<16xi32>
        %jit3A_1328 = arith.constant 16 : i32
        %eq3A_1329 = arith.constant 0 : i32
        %eq3A_1330 = arith.cmpi eq, %jit3A_1328, %eq3A_1329 : i32
        %jit3A_1331 = arith.constant 1 : i32
        %select_n3A_1332 = arith.select %eq3A_1330, %jit3A_1331, %jit3A_1328 : i32
        %rem3A_1333 = vector.broadcast %select_n3A_1332 : i32 to vector<16xi32>
        %rem3A_1334 = arith.remsi %sub3A_1327, %rem3A_1333 : vector<16xi32>
        %ne3A_1335 = arith.constant 0 : i32
        %ne3A_1336 = vector.broadcast %ne3A_1335 : i32 to vector<16xi32>
        %ne3A_1337 = arith.cmpi ne, %rem3A_1334, %ne3A_1336 : vector<16xi32>
        %lt3A_1338 = arith.constant 0 : i32
        %lt3A_1339 = vector.broadcast %lt3A_1338 : i32 to vector<16xi32>
        %lt3A_1340 = arith.cmpi slt, %rem3A_1334, %lt3A_1339 : vector<16xi32>
        %lt3A_1341 = arith.constant 0 : i32
        %lt3A_1342 = arith.cmpi slt, %select_n3A_1332, %lt3A_1341 : i32
        %ne3A_1343 = vector.broadcast %lt3A_1342 : i1 to vector<16xi1>
        %ne3A_1344 = vector.broadcast %ne3A_1343 : vector<16xi1> to vector<16xi1>
        %ne3A_1345 = arith.xori %lt3A_1340, %ne3A_1344 : vector<16xi1>
        %and3A_1346 = arith.andi %ne3A_1345, %ne3A_1337 : vector<16xi1>
        %add3A_1347 = vector.broadcast %select_n3A_1332 : i32 to vector<16xi32>
        %add3A_1348 = arith.addi %rem3A_1334, %add3A_1347 : vector<16xi32>
        %select_n3A_1349 = arith.select %and3A_1346, %add3A_1348, %rem3A_1334 : vector<16xi1>, vector<16xi32>
        %add3A_1350 = arith.constant 12 : i32
        %add3A_1351 = vector.broadcast %add3A_1350 : i32 to vector<16xi32>
        %add3A_1352 = arith.addi %iota3A, %add3A_1351 : vector<16xi32>
        %jit3A_1353 = arith.constant 16 : i32
        %eq3A_1354 = arith.constant 0 : i32
        %eq3A_1355 = arith.cmpi eq, %jit3A_1353, %eq3A_1354 : i32
        %jit3A_1356 = arith.constant 1 : i32
        %select_n3A_1357 = arith.select %eq3A_1355, %jit3A_1356, %jit3A_1353 : i32
        %rem3A_1358 = vector.broadcast %select_n3A_1357 : i32 to vector<16xi32>
        %rem3A_1359 = arith.remsi %add3A_1352, %rem3A_1358 : vector<16xi32>
        %ne3A_1360 = arith.constant 0 : i32
        %ne3A_1361 = vector.broadcast %ne3A_1360 : i32 to vector<16xi32>
        %ne3A_1362 = arith.cmpi ne, %rem3A_1359, %ne3A_1361 : vector<16xi32>
        %lt3A_1363 = arith.constant 0 : i32
        %lt3A_1364 = vector.broadcast %lt3A_1363 : i32 to vector<16xi32>
        %lt3A_1365 = arith.cmpi slt, %rem3A_1359, %lt3A_1364 : vector<16xi32>
        %lt3A_1366 = arith.constant 0 : i32
        %lt3A_1367 = arith.cmpi slt, %select_n3A_1357, %lt3A_1366 : i32
        %ne3A_1368 = vector.broadcast %lt3A_1367 : i1 to vector<16xi1>
        %ne3A_1369 = vector.broadcast %ne3A_1368 : vector<16xi1> to vector<16xi1>
        %ne3A_1370 = arith.xori %lt3A_1365, %ne3A_1369 : vector<16xi1>
        %and3A_1371 = arith.andi %ne3A_1370, %ne3A_1362 : vector<16xi1>
        %add3A_1372 = vector.broadcast %select_n3A_1357 : i32 to vector<16xi32>
        %add3A_1373 = arith.addi %rem3A_1359, %add3A_1372 : vector<16xi32>
        %select_n3A_1374 = arith.select %and3A_1371, %add3A_1373, %rem3A_1359 : vector<16xi1>, vector<16xi32>
        %lt3A_1375 = arith.constant 0 : i32
        %lt3A_1376 = vector.broadcast %lt3A_1375 : i32 to vector<16xi32>
        %lt3A_1377 = arith.cmpi slt, %select_n3A_1349, %lt3A_1376 : vector<16xi32>
        %add3A_1378 = arith.constant 16 : i32
        %add3A_1379 = vector.broadcast %add3A_1378 : i32 to vector<16xi32>
        %add3A_1380 = arith.addi %select_n3A_1349, %add3A_1379 : vector<16xi32>
        %select_n3A_1381 = arith.select %lt3A_1377, %add3A_1380, %select_n3A_1349 : vector<16xi1>, vector<16xi32>
        %broadcast_in_dim3A_1382 = vector.shape_cast %select_n3A_1381 : vector<16xi32> to vector<16x1xi32>
        %gather3A_1383 = vector.shape_cast %broadcast_in_dim3A_1382 : vector<16x1xi32> to vector<16xi32>
        %gather3A_1384 = tpu.dynamic_gather %get3A_386[%gather3A_1383] in [0] : vector<16xi32>, vector<16xi32> -> vector<16xi32>
        %eq3A_1385 = arith.cmpi eq, %get3A_386, %gather3A_1384 : vector<16xi32>
        %ge3A_1386 = arith.constant 12 : i32
        %ge3A_1387 = vector.broadcast %ge3A_1386 : i32 to vector<16xi32>
        %ge3A_1388 = arith.cmpi sge, %iota3A, %ge3A_1387 : vector<16xi32>
        %and3A_1389 = arith.andi %eq3A_1385, %ge3A_1388 : vector<16xi1>
        %lt3A_1390 = arith.constant 0 : i32
        %lt3A_1391 = vector.broadcast %lt3A_1390 : i32 to vector<16xi32>
        %lt3A_1392 = arith.cmpi slt, %select_n3A_1374, %lt3A_1391 : vector<16xi32>
        %add3A_1393 = arith.constant 16 : i32
        %add3A_1394 = vector.broadcast %add3A_1393 : i32 to vector<16xi32>
        %add3A_1395 = arith.addi %select_n3A_1374, %add3A_1394 : vector<16xi32>
        %select_n3A_1396 = arith.select %lt3A_1392, %add3A_1395, %select_n3A_1374 : vector<16xi1>, vector<16xi32>
        %broadcast_in_dim3A_1397 = vector.shape_cast %select_n3A_1396 : vector<16xi32> to vector<16x1xi32>
        %gather3A_1398 = vector.shape_cast %broadcast_in_dim3A_1397 : vector<16x1xi32> to vector<16xi32>
        %gather3A_1399 = tpu.dynamic_gather %get3A_386[%gather3A_1398] in [0] : vector<16xi32>, vector<16xi32> -> vector<16xi32>
        %eq3A_1400 = arith.cmpi eq, %get3A_386, %gather3A_1399 : vector<16xi32>
        %lt3A_1401 = arith.constant 4 : i32
        %lt3A_1402 = vector.broadcast %lt3A_1401 : i32 to vector<16xi32>
        %lt3A_1403 = arith.cmpi slt, %iota3A, %lt3A_1402 : vector<16xi32>
        %and3A_1404 = arith.andi %eq3A_1400, %lt3A_1403 : vector<16xi1>
        %convert_element_type3A_1405 = arith.extui %and3A_1389 : vector<16xi1> to vector<16xi32>
        %add3A_1406 = arith.addi %add3A_1322, %convert_element_type3A_1405 : vector<16xi32>
        %convert_element_type3A_1407 = arith.extui %and3A_1404 : vector<16xi1> to vector<16xi32>
        %add3A_1408 = arith.addi %add3A_1324, %convert_element_type3A_1407 : vector<16xi32>
        %sub3A_1409 = arith.constant 13 : i32
        %sub3A_1410 = vector.broadcast %sub3A_1409 : i32 to vector<16xi32>
        %sub3A_1411 = arith.subi %iota3A, %sub3A_1410 : vector<16xi32>
        %jit3A_1412 = arith.constant 16 : i32
        %eq3A_1413 = arith.constant 0 : i32
        %eq3A_1414 = arith.cmpi eq, %jit3A_1412, %eq3A_1413 : i32
        %jit3A_1415 = arith.constant 1 : i32
        %select_n3A_1416 = arith.select %eq3A_1414, %jit3A_1415, %jit3A_1412 : i32
        %rem3A_1417 = vector.broadcast %select_n3A_1416 : i32 to vector<16xi32>
        %rem3A_1418 = arith.remsi %sub3A_1411, %rem3A_1417 : vector<16xi32>
        %ne3A_1419 = arith.constant 0 : i32
        %ne3A_1420 = vector.broadcast %ne3A_1419 : i32 to vector<16xi32>
        %ne3A_1421 = arith.cmpi ne, %rem3A_1418, %ne3A_1420 : vector<16xi32>
        %lt3A_1422 = arith.constant 0 : i32
        %lt3A_1423 = vector.broadcast %lt3A_1422 : i32 to vector<16xi32>
        %lt3A_1424 = arith.cmpi slt, %rem3A_1418, %lt3A_1423 : vector<16xi32>
        %lt3A_1425 = arith.constant 0 : i32
        %lt3A_1426 = arith.cmpi slt, %select_n3A_1416, %lt3A_1425 : i32
        %ne3A_1427 = vector.broadcast %lt3A_1426 : i1 to vector<16xi1>
        %ne3A_1428 = vector.broadcast %ne3A_1427 : vector<16xi1> to vector<16xi1>
        %ne3A_1429 = arith.xori %lt3A_1424, %ne3A_1428 : vector<16xi1>
        %and3A_1430 = arith.andi %ne3A_1429, %ne3A_1421 : vector<16xi1>
        %add3A_1431 = vector.broadcast %select_n3A_1416 : i32 to vector<16xi32>
        %add3A_1432 = arith.addi %rem3A_1418, %add3A_1431 : vector<16xi32>
        %select_n3A_1433 = arith.select %and3A_1430, %add3A_1432, %rem3A_1418 : vector<16xi1>, vector<16xi32>
        %add3A_1434 = arith.constant 13 : i32
        %add3A_1435 = vector.broadcast %add3A_1434 : i32 to vector<16xi32>
        %add3A_1436 = arith.addi %iota3A, %add3A_1435 : vector<16xi32>
        %jit3A_1437 = arith.constant 16 : i32
        %eq3A_1438 = arith.constant 0 : i32
        %eq3A_1439 = arith.cmpi eq, %jit3A_1437, %eq3A_1438 : i32
        %jit3A_1440 = arith.constant 1 : i32
        %select_n3A_1441 = arith.select %eq3A_1439, %jit3A_1440, %jit3A_1437 : i32
        %rem3A_1442 = vector.broadcast %select_n3A_1441 : i32 to vector<16xi32>
        %rem3A_1443 = arith.remsi %add3A_1436, %rem3A_1442 : vector<16xi32>
        %ne3A_1444 = arith.constant 0 : i32
        %ne3A_1445 = vector.broadcast %ne3A_1444 : i32 to vector<16xi32>
        %ne3A_1446 = arith.cmpi ne, %rem3A_1443, %ne3A_1445 : vector<16xi32>
        %lt3A_1447 = arith.constant 0 : i32
        %lt3A_1448 = vector.broadcast %lt3A_1447 : i32 to vector<16xi32>
        %lt3A_1449 = arith.cmpi slt, %rem3A_1443, %lt3A_1448 : vector<16xi32>
        %lt3A_1450 = arith.constant 0 : i32
        %lt3A_1451 = arith.cmpi slt, %select_n3A_1441, %lt3A_1450 : i32
        %ne3A_1452 = vector.broadcast %lt3A_1451 : i1 to vector<16xi1>
        %ne3A_1453 = vector.broadcast %ne3A_1452 : vector<16xi1> to vector<16xi1>
        %ne3A_1454 = arith.xori %lt3A_1449, %ne3A_1453 : vector<16xi1>
        %and3A_1455 = arith.andi %ne3A_1454, %ne3A_1446 : vector<16xi1>
        %add3A_1456 = vector.broadcast %select_n3A_1441 : i32 to vector<16xi32>
        %add3A_1457 = arith.addi %rem3A_1443, %add3A_1456 : vector<16xi32>
        %select_n3A_1458 = arith.select %and3A_1455, %add3A_1457, %rem3A_1443 : vector<16xi1>, vector<16xi32>
        %lt3A_1459 = arith.constant 0 : i32
        %lt3A_1460 = vector.broadcast %lt3A_1459 : i32 to vector<16xi32>
        %lt3A_1461 = arith.cmpi slt, %select_n3A_1433, %lt3A_1460 : vector<16xi32>
        %add3A_1462 = arith.constant 16 : i32
        %add3A_1463 = vector.broadcast %add3A_1462 : i32 to vector<16xi32>
        %add3A_1464 = arith.addi %select_n3A_1433, %add3A_1463 : vector<16xi32>
        %select_n3A_1465 = arith.select %lt3A_1461, %add3A_1464, %select_n3A_1433 : vector<16xi1>, vector<16xi32>
        %broadcast_in_dim3A_1466 = vector.shape_cast %select_n3A_1465 : vector<16xi32> to vector<16x1xi32>
        %gather3A_1467 = vector.shape_cast %broadcast_in_dim3A_1466 : vector<16x1xi32> to vector<16xi32>
        %gather3A_1468 = tpu.dynamic_gather %get3A_386[%gather3A_1467] in [0] : vector<16xi32>, vector<16xi32> -> vector<16xi32>
        %eq3A_1469 = arith.cmpi eq, %get3A_386, %gather3A_1468 : vector<16xi32>
        %ge3A_1470 = arith.constant 13 : i32
        %ge3A_1471 = vector.broadcast %ge3A_1470 : i32 to vector<16xi32>
        %ge3A_1472 = arith.cmpi sge, %iota3A, %ge3A_1471 : vector<16xi32>
        %and3A_1473 = arith.andi %eq3A_1469, %ge3A_1472 : vector<16xi1>
        %lt3A_1474 = arith.constant 0 : i32
        %lt3A_1475 = vector.broadcast %lt3A_1474 : i32 to vector<16xi32>
        %lt3A_1476 = arith.cmpi slt, %select_n3A_1458, %lt3A_1475 : vector<16xi32>
        %add3A_1477 = arith.constant 16 : i32
        %add3A_1478 = vector.broadcast %add3A_1477 : i32 to vector<16xi32>
        %add3A_1479 = arith.addi %select_n3A_1458, %add3A_1478 : vector<16xi32>
        %select_n3A_1480 = arith.select %lt3A_1476, %add3A_1479, %select_n3A_1458 : vector<16xi1>, vector<16xi32>
        %broadcast_in_dim3A_1481 = vector.shape_cast %select_n3A_1480 : vector<16xi32> to vector<16x1xi32>
        %gather3A_1482 = vector.shape_cast %broadcast_in_dim3A_1481 : vector<16x1xi32> to vector<16xi32>
        %gather3A_1483 = tpu.dynamic_gather %get3A_386[%gather3A_1482] in [0] : vector<16xi32>, vector<16xi32> -> vector<16xi32>
        %eq3A_1484 = arith.cmpi eq, %get3A_386, %gather3A_1483 : vector<16xi32>
        %lt3A_1485 = arith.constant 3 : i32
        %lt3A_1486 = vector.broadcast %lt3A_1485 : i32 to vector<16xi32>
        %lt3A_1487 = arith.cmpi slt, %iota3A, %lt3A_1486 : vector<16xi32>
        %and3A_1488 = arith.andi %eq3A_1484, %lt3A_1487 : vector<16xi1>
        %convert_element_type3A_1489 = arith.extui %and3A_1473 : vector<16xi1> to vector<16xi32>
        %add3A_1490 = arith.addi %add3A_1406, %convert_element_type3A_1489 : vector<16xi32>
        %convert_element_type3A_1491 = arith.extui %and3A_1488 : vector<16xi1> to vector<16xi32>
        %add3A_1492 = arith.addi %add3A_1408, %convert_element_type3A_1491 : vector<16xi32>
        %sub3A_1493 = arith.constant 14 : i32
        %sub3A_1494 = vector.broadcast %sub3A_1493 : i32 to vector<16xi32>
        %sub3A_1495 = arith.subi %iota3A, %sub3A_1494 : vector<16xi32>
        %jit3A_1496 = arith.constant 16 : i32
        %eq3A_1497 = arith.constant 0 : i32
        %eq3A_1498 = arith.cmpi eq, %jit3A_1496, %eq3A_1497 : i32
        %jit3A_1499 = arith.constant 1 : i32
        %select_n3A_1500 = arith.select %eq3A_1498, %jit3A_1499, %jit3A_1496 : i32
        %rem3A_1501 = vector.broadcast %select_n3A_1500 : i32 to vector<16xi32>
        %rem3A_1502 = arith.remsi %sub3A_1495, %rem3A_1501 : vector<16xi32>
        %ne3A_1503 = arith.constant 0 : i32
        %ne3A_1504 = vector.broadcast %ne3A_1503 : i32 to vector<16xi32>
        %ne3A_1505 = arith.cmpi ne, %rem3A_1502, %ne3A_1504 : vector<16xi32>
        %lt3A_1506 = arith.constant 0 : i32
        %lt3A_1507 = vector.broadcast %lt3A_1506 : i32 to vector<16xi32>
        %lt3A_1508 = arith.cmpi slt, %rem3A_1502, %lt3A_1507 : vector<16xi32>
        %lt3A_1509 = arith.constant 0 : i32
        %lt3A_1510 = arith.cmpi slt, %select_n3A_1500, %lt3A_1509 : i32
        %ne3A_1511 = vector.broadcast %lt3A_1510 : i1 to vector<16xi1>
        %ne3A_1512 = vector.broadcast %ne3A_1511 : vector<16xi1> to vector<16xi1>
        %ne3A_1513 = arith.xori %lt3A_1508, %ne3A_1512 : vector<16xi1>
        %and3A_1514 = arith.andi %ne3A_1513, %ne3A_1505 : vector<16xi1>
        %add3A_1515 = vector.broadcast %select_n3A_1500 : i32 to vector<16xi32>
        %add3A_1516 = arith.addi %rem3A_1502, %add3A_1515 : vector<16xi32>
        %select_n3A_1517 = arith.select %and3A_1514, %add3A_1516, %rem3A_1502 : vector<16xi1>, vector<16xi32>
        %add3A_1518 = arith.constant 14 : i32
        %add3A_1519 = vector.broadcast %add3A_1518 : i32 to vector<16xi32>
        %add3A_1520 = arith.addi %iota3A, %add3A_1519 : vector<16xi32>
        %jit3A_1521 = arith.constant 16 : i32
        %eq3A_1522 = arith.constant 0 : i32
        %eq3A_1523 = arith.cmpi eq, %jit3A_1521, %eq3A_1522 : i32
        %jit3A_1524 = arith.constant 1 : i32
        %select_n3A_1525 = arith.select %eq3A_1523, %jit3A_1524, %jit3A_1521 : i32
        %rem3A_1526 = vector.broadcast %select_n3A_1525 : i32 to vector<16xi32>
        %rem3A_1527 = arith.remsi %add3A_1520, %rem3A_1526 : vector<16xi32>
        %ne3A_1528 = arith.constant 0 : i32
        %ne3A_1529 = vector.broadcast %ne3A_1528 : i32 to vector<16xi32>
        %ne3A_1530 = arith.cmpi ne, %rem3A_1527, %ne3A_1529 : vector<16xi32>
        %lt3A_1531 = arith.constant 0 : i32
        %lt3A_1532 = vector.broadcast %lt3A_1531 : i32 to vector<16xi32>
        %lt3A_1533 = arith.cmpi slt, %rem3A_1527, %lt3A_1532 : vector<16xi32>
        %lt3A_1534 = arith.constant 0 : i32
        %lt3A_1535 = arith.cmpi slt, %select_n3A_1525, %lt3A_1534 : i32
        %ne3A_1536 = vector.broadcast %lt3A_1535 : i1 to vector<16xi1>
        %ne3A_1537 = vector.broadcast %ne3A_1536 : vector<16xi1> to vector<16xi1>
        %ne3A_1538 = arith.xori %lt3A_1533, %ne3A_1537 : vector<16xi1>
        %and3A_1539 = arith.andi %ne3A_1538, %ne3A_1530 : vector<16xi1>
        %add3A_1540 = vector.broadcast %select_n3A_1525 : i32 to vector<16xi32>
        %add3A_1541 = arith.addi %rem3A_1527, %add3A_1540 : vector<16xi32>
        %select_n3A_1542 = arith.select %and3A_1539, %add3A_1541, %rem3A_1527 : vector<16xi1>, vector<16xi32>
        %lt3A_1543 = arith.constant 0 : i32
        %lt3A_1544 = vector.broadcast %lt3A_1543 : i32 to vector<16xi32>
        %lt3A_1545 = arith.cmpi slt, %select_n3A_1517, %lt3A_1544 : vector<16xi32>
        %add3A_1546 = arith.constant 16 : i32
        %add3A_1547 = vector.broadcast %add3A_1546 : i32 to vector<16xi32>
        %add3A_1548 = arith.addi %select_n3A_1517, %add3A_1547 : vector<16xi32>
        %select_n3A_1549 = arith.select %lt3A_1545, %add3A_1548, %select_n3A_1517 : vector<16xi1>, vector<16xi32>
        %broadcast_in_dim3A_1550 = vector.shape_cast %select_n3A_1549 : vector<16xi32> to vector<16x1xi32>
        %gather3A_1551 = vector.shape_cast %broadcast_in_dim3A_1550 : vector<16x1xi32> to vector<16xi32>
        %gather3A_1552 = tpu.dynamic_gather %get3A_386[%gather3A_1551] in [0] : vector<16xi32>, vector<16xi32> -> vector<16xi32>
        %eq3A_1553 = arith.cmpi eq, %get3A_386, %gather3A_1552 : vector<16xi32>
        %ge3A_1554 = arith.constant 14 : i32
        %ge3A_1555 = vector.broadcast %ge3A_1554 : i32 to vector<16xi32>
        %ge3A_1556 = arith.cmpi sge, %iota3A, %ge3A_1555 : vector<16xi32>
        %and3A_1557 = arith.andi %eq3A_1553, %ge3A_1556 : vector<16xi1>
        %lt3A_1558 = arith.constant 0 : i32
        %lt3A_1559 = vector.broadcast %lt3A_1558 : i32 to vector<16xi32>
        %lt3A_1560 = arith.cmpi slt, %select_n3A_1542, %lt3A_1559 : vector<16xi32>
        %add3A_1561 = arith.constant 16 : i32
        %add3A_1562 = vector.broadcast %add3A_1561 : i32 to vector<16xi32>
        %add3A_1563 = arith.addi %select_n3A_1542, %add3A_1562 : vector<16xi32>
        %select_n3A_1564 = arith.select %lt3A_1560, %add3A_1563, %select_n3A_1542 : vector<16xi1>, vector<16xi32>
        %broadcast_in_dim3A_1565 = vector.shape_cast %select_n3A_1564 : vector<16xi32> to vector<16x1xi32>
        %gather3A_1566 = vector.shape_cast %broadcast_in_dim3A_1565 : vector<16x1xi32> to vector<16xi32>
        %gather3A_1567 = tpu.dynamic_gather %get3A_386[%gather3A_1566] in [0] : vector<16xi32>, vector<16xi32> -> vector<16xi32>
        %eq3A_1568 = arith.cmpi eq, %get3A_386, %gather3A_1567 : vector<16xi32>
        %lt3A_1569 = arith.constant 2 : i32
        %lt3A_1570 = vector.broadcast %lt3A_1569 : i32 to vector<16xi32>
        %lt3A_1571 = arith.cmpi slt, %iota3A, %lt3A_1570 : vector<16xi32>
        %and3A_1572 = arith.andi %eq3A_1568, %lt3A_1571 : vector<16xi1>
        %convert_element_type3A_1573 = arith.extui %and3A_1557 : vector<16xi1> to vector<16xi32>
        %add3A_1574 = arith.addi %add3A_1490, %convert_element_type3A_1573 : vector<16xi32>
        %convert_element_type3A_1575 = arith.extui %and3A_1572 : vector<16xi1> to vector<16xi32>
        %add3A_1576 = arith.addi %add3A_1492, %convert_element_type3A_1575 : vector<16xi32>
        %sub3A_1577 = arith.constant 15 : i32
        %sub3A_1578 = vector.broadcast %sub3A_1577 : i32 to vector<16xi32>
        %sub3A_1579 = arith.subi %iota3A, %sub3A_1578 : vector<16xi32>
        %jit3A_1580 = arith.constant 16 : i32
        %eq3A_1581 = arith.constant 0 : i32
        %eq3A_1582 = arith.cmpi eq, %jit3A_1580, %eq3A_1581 : i32
        %jit3A_1583 = arith.constant 1 : i32
        %select_n3A_1584 = arith.select %eq3A_1582, %jit3A_1583, %jit3A_1580 : i32
        %rem3A_1585 = vector.broadcast %select_n3A_1584 : i32 to vector<16xi32>
        %rem3A_1586 = arith.remsi %sub3A_1579, %rem3A_1585 : vector<16xi32>
        %ne3A_1587 = arith.constant 0 : i32
        %ne3A_1588 = vector.broadcast %ne3A_1587 : i32 to vector<16xi32>
        %ne3A_1589 = arith.cmpi ne, %rem3A_1586, %ne3A_1588 : vector<16xi32>
        %lt3A_1590 = arith.constant 0 : i32
        %lt3A_1591 = vector.broadcast %lt3A_1590 : i32 to vector<16xi32>
        %lt3A_1592 = arith.cmpi slt, %rem3A_1586, %lt3A_1591 : vector<16xi32>
        %lt3A_1593 = arith.constant 0 : i32
        %lt3A_1594 = arith.cmpi slt, %select_n3A_1584, %lt3A_1593 : i32
        %ne3A_1595 = vector.broadcast %lt3A_1594 : i1 to vector<16xi1>
        %ne3A_1596 = vector.broadcast %ne3A_1595 : vector<16xi1> to vector<16xi1>
        %ne3A_1597 = arith.xori %lt3A_1592, %ne3A_1596 : vector<16xi1>
        %and3A_1598 = arith.andi %ne3A_1597, %ne3A_1589 : vector<16xi1>
        %add3A_1599 = vector.broadcast %select_n3A_1584 : i32 to vector<16xi32>
        %add3A_1600 = arith.addi %rem3A_1586, %add3A_1599 : vector<16xi32>
        %select_n3A_1601 = arith.select %and3A_1598, %add3A_1600, %rem3A_1586 : vector<16xi1>, vector<16xi32>
        %add3A_1602 = arith.constant 15 : i32
        %add3A_1603 = vector.broadcast %add3A_1602 : i32 to vector<16xi32>
        %add3A_1604 = arith.addi %iota3A, %add3A_1603 : vector<16xi32>
        %jit3A_1605 = arith.constant 16 : i32
        %eq3A_1606 = arith.constant 0 : i32
        %eq3A_1607 = arith.cmpi eq, %jit3A_1605, %eq3A_1606 : i32
        %jit3A_1608 = arith.constant 1 : i32
        %select_n3A_1609 = arith.select %eq3A_1607, %jit3A_1608, %jit3A_1605 : i32
        %rem3A_1610 = vector.broadcast %select_n3A_1609 : i32 to vector<16xi32>
        %rem3A_1611 = arith.remsi %add3A_1604, %rem3A_1610 : vector<16xi32>
        %ne3A_1612 = arith.constant 0 : i32
        %ne3A_1613 = vector.broadcast %ne3A_1612 : i32 to vector<16xi32>
        %ne3A_1614 = arith.cmpi ne, %rem3A_1611, %ne3A_1613 : vector<16xi32>
        %lt3A_1615 = arith.constant 0 : i32
        %lt3A_1616 = vector.broadcast %lt3A_1615 : i32 to vector<16xi32>
        %lt3A_1617 = arith.cmpi slt, %rem3A_1611, %lt3A_1616 : vector<16xi32>
        %lt3A_1618 = arith.constant 0 : i32
        %lt3A_1619 = arith.cmpi slt, %select_n3A_1609, %lt3A_1618 : i32
        %ne3A_1620 = vector.broadcast %lt3A_1619 : i1 to vector<16xi1>
        %ne3A_1621 = vector.broadcast %ne3A_1620 : vector<16xi1> to vector<16xi1>
        %ne3A_1622 = arith.xori %lt3A_1617, %ne3A_1621 : vector<16xi1>
        %and3A_1623 = arith.andi %ne3A_1622, %ne3A_1614 : vector<16xi1>
        %add3A_1624 = vector.broadcast %select_n3A_1609 : i32 to vector<16xi32>
        %add3A_1625 = arith.addi %rem3A_1611, %add3A_1624 : vector<16xi32>
        %select_n3A_1626 = arith.select %and3A_1623, %add3A_1625, %rem3A_1611 : vector<16xi1>, vector<16xi32>
        %lt3A_1627 = arith.constant 0 : i32
        %lt3A_1628 = vector.broadcast %lt3A_1627 : i32 to vector<16xi32>
        %lt3A_1629 = arith.cmpi slt, %select_n3A_1601, %lt3A_1628 : vector<16xi32>
        %add3A_1630 = arith.constant 16 : i32
        %add3A_1631 = vector.broadcast %add3A_1630 : i32 to vector<16xi32>
        %add3A_1632 = arith.addi %select_n3A_1601, %add3A_1631 : vector<16xi32>
        %select_n3A_1633 = arith.select %lt3A_1629, %add3A_1632, %select_n3A_1601 : vector<16xi1>, vector<16xi32>
        %broadcast_in_dim3A_1634 = vector.shape_cast %select_n3A_1633 : vector<16xi32> to vector<16x1xi32>
        %gather3A_1635 = vector.shape_cast %broadcast_in_dim3A_1634 : vector<16x1xi32> to vector<16xi32>
        %gather3A_1636 = tpu.dynamic_gather %get3A_386[%gather3A_1635] in [0] : vector<16xi32>, vector<16xi32> -> vector<16xi32>
        %eq3A_1637 = arith.cmpi eq, %get3A_386, %gather3A_1636 : vector<16xi32>
        %ge3A_1638 = arith.constant 15 : i32
        %ge3A_1639 = vector.broadcast %ge3A_1638 : i32 to vector<16xi32>
        %ge3A_1640 = arith.cmpi sge, %iota3A, %ge3A_1639 : vector<16xi32>
        %and3A_1641 = arith.andi %eq3A_1637, %ge3A_1640 : vector<16xi1>
        %lt3A_1642 = arith.constant 0 : i32
        %lt3A_1643 = vector.broadcast %lt3A_1642 : i32 to vector<16xi32>
        %lt3A_1644 = arith.cmpi slt, %select_n3A_1626, %lt3A_1643 : vector<16xi32>
        %add3A_1645 = arith.constant 16 : i32
        %add3A_1646 = vector.broadcast %add3A_1645 : i32 to vector<16xi32>
        %add3A_1647 = arith.addi %select_n3A_1626, %add3A_1646 : vector<16xi32>
        %select_n3A_1648 = arith.select %lt3A_1644, %add3A_1647, %select_n3A_1626 : vector<16xi1>, vector<16xi32>
        %broadcast_in_dim3A_1649 = vector.shape_cast %select_n3A_1648 : vector<16xi32> to vector<16x1xi32>
        %gather3A_1650 = vector.shape_cast %broadcast_in_dim3A_1649 : vector<16x1xi32> to vector<16xi32>
        %gather3A_1651 = tpu.dynamic_gather %get3A_386[%gather3A_1650] in [0] : vector<16xi32>, vector<16xi32> -> vector<16xi32>
        %eq3A_1652 = arith.cmpi eq, %get3A_386, %gather3A_1651 : vector<16xi32>
        %lt3A_1653 = arith.constant 1 : i32
        %lt3A_1654 = vector.broadcast %lt3A_1653 : i32 to vector<16xi32>
        %lt3A_1655 = arith.cmpi slt, %iota3A, %lt3A_1654 : vector<16xi32>
        %and3A_1656 = arith.andi %eq3A_1652, %lt3A_1655 : vector<16xi1>
        %convert_element_type3A_1657 = arith.extui %and3A_1641 : vector<16xi1> to vector<16xi32>
        %add3A_1658 = arith.addi %add3A_1574, %convert_element_type3A_1657 : vector<16xi32>
        %convert_element_type3A_1659 = arith.extui %and3A_1656 : vector<16xi1> to vector<16xi32>
        %add3A_1660 = arith.addi %add3A_1576, %convert_element_type3A_1659 : vector<16xi32>
        %sub3A_1661 = vector.broadcast %mul3A_2 : i32 to vector<16xi32>
        %sub3A_1662 = arith.subi %get3A_386, %sub3A_1661 : vector<16xi32>
        %jit3A_1663 = arith.constant 0 : i32
        %broadcast_in_dim3A_1664 = vector.broadcast %jit3A_1663 : i32 to vector<16xi32>
        %select_n3A_1665 = arith.select %and3A_390, %sub3A_1662, %broadcast_in_dim3A_1664 : vector<16xi1>, vector<16xi32>
        %gather3A_1666 = tpu.vector_load_idx %arg13[%select_n3A_1665] : memref<320xi32, #tpu.memory_space<vmem>>[vector<16xi32>], vector<16xi32>,
        %eq3A_1667 = arith.constant 0 : i32
        %eq3A_1668 = vector.broadcast %eq3A_1667 : i32 to vector<16xi32>
        %eq3A_1669 = arith.cmpi eq, %add3A_1660, %eq3A_1668 : vector<16xi32>
        %and3A_1670 = arith.andi %and3A_390, %eq3A_1669 : vector<16xi1>
        %add3A_1671 = arith.addi %gather3A_1666, %add3A_1658 : vector<16xi32>
        %add3A_1672 = arith.addi %add3A_1671, %add3A_1660 : vector<16xi32>
        %add3A_1673 = arith.constant 1 : i32
        %add3A_1674 = vector.broadcast %add3A_1673 : i32 to vector<16xi32>
        %add3A_1675 = arith.addi %add3A_1672, %add3A_1674 : vector<16xi32>
        tpu.vector_store_idx %arg13[%select_n3A_1665], %add3A_1675 masked %and3A_1670 : memref<320xi32, #tpu.memory_space<vmem>>[vector<16xi32>], vector<16xi32>, vector<16xi1>
        %convert_element_type3A_1676 = arith.extui %and3A_390 : vector<16xi1> to vector<16xi32>
        %broadcast_in_dim3A_1677 = arith.constant true
        %broadcast_in_dim3A_1678 = vector.broadcast %broadcast_in_dim3A_1677 : i1 to vector<16xi1>
        %masked_cumsum3A = tpu.scan <sum>, %convert_element_type3A_1676 masked %broadcast_in_dim3A_1678 : vector<16xi32>, vector<16xi1> -> vector<16xi32>
        %add3A_1679 = vector.broadcast %scan3A_383 : i32 to vector<16xi32>
        %add3A_1680 = arith.addi %add3A_1679, %masked_cumsum3A : vector<16xi32>
        %sub3A_1681 = arith.constant 1 : i32
        %sub3A_1682 = vector.broadcast %sub3A_1681 : i32 to vector<16xi32>
        %sub3A_1683 = arith.subi %add3A_1680, %sub3A_1682 : vector<16xi32>
        tpu.vector_store_idx %arg11[%sub3A_1683], %add3A_398 masked %and3A_390 : memref<8320xi32, #tpu.memory_space<vmem>>[vector<16xi32>], vector<16xi32>, vector<16xi1>
        tpu.vector_store_idx %arg12[%sub3A_1683], %get3A_386 masked %and3A_390 : memref<8320xi32, #tpu.memory_space<vmem>>[vector<16xi32>], vector<16xi32>, vector<16xi1>
        %reduce_max3A = arith.constant true
        %reduce_max3A_1684 = vector.broadcast %reduce_max3A : i1 to vector<16xi1>
        %reduce_max3A_1685 = arith.constant -2147483648 : i32
        %reduce_max3A_1686 = vector.broadcast %reduce_max3A_1685 : i32 to vector<16xi32>
        %reduce_max3A_1687 = arith.xori %masked_cumsum3A, %reduce_max3A_1686 : vector<16xi32>
        %reduce_max3A_1688 = tpu.scan <max>, %reduce_max3A_1687 masked %reduce_max3A_1684 : vector<16xi32>, vector<16xi1> -> vector<16xi32>
        %reduce_max3A_1689 = arith.xori %reduce_max3A_1688, %reduce_max3A_1686 : vector<16xi32>
        %reduce_max3A_1690 = vector.extract %reduce_max3A_1689[15] : i32 from vector<16xi32>
        %add3A_1691 = arith.addi %scan3A_383, %reduce_max3A_1690 : i32
        scf.yield %add3A_1691 : i32
      }
      %scan3A_50 = arith.constant 512 : i32
      %add3A_51 = arith.constant 0 : i32
      %add3A_52 = arith.addi %scan3A_49, %add3A_51 : i32
      %add3A_53 = vector.broadcast %add3A_52 : i32 to vector<16xi32>
      %add3A_54 = arith.addi %add3A_53, %iota3A : vector<16xi32>
      %add3A_55 = arith.constant 0 : i32
      %add3A_56 = vector.broadcast %add3A_55 : i32 to vector<16xi32>
      %add3A_57 = arith.addi %iota3A, %add3A_56 : vector<16xi32>
      %jit3A = arith.constant 128 : i32
      %eq3A = arith.constant 0 : i32
      %eq3A_58 = arith.cmpi eq, %jit3A, %eq3A : i32
      %jit3A_59 = arith.constant 1 : i32
      %select_n3A = arith.select %eq3A_58, %jit3A_59, %jit3A : i32
      %rem3A = vector.broadcast %select_n3A : i32 to vector<16xi32>
      %rem3A_60 = arith.remsi %add3A_57, %rem3A : vector<16xi32>
      %ne3A = arith.constant 0 : i32
      %ne3A_61 = vector.broadcast %ne3A : i32 to vector<16xi32>
      %ne3A_62 = arith.cmpi ne, %rem3A_60, %ne3A_61 : vector<16xi32>
      %lt3A = arith.constant 0 : i32
      %lt3A_63 = vector.broadcast %lt3A : i32 to vector<16xi32>
      %lt3A_64 = arith.cmpi slt, %rem3A_60, %lt3A_63 : vector<16xi32>
      %lt3A_65 = arith.constant 0 : i32
      %lt3A_66 = arith.cmpi slt, %select_n3A, %lt3A_65 : i32
      %ne3A_67 = vector.broadcast %lt3A_66 : i1 to vector<16xi1>
      %ne3A_68 = vector.broadcast %ne3A_67 : vector<16xi1> to vector<16xi1>
      %ne3A_69 = arith.xori %lt3A_64, %ne3A_68 : vector<16xi1>
      %and3A = arith.andi %ne3A_69, %ne3A_62 : vector<16xi1>
      %add3A_70 = vector.broadcast %select_n3A : i32 to vector<16xi32>
      %add3A_71 = arith.addi %rem3A_60, %add3A_70 : vector<16xi32>
      %select_n3A_72 = arith.select %and3A, %add3A_71, %rem3A_60 : vector<16xi1>, vector<16xi32>
      %add3A_73 = arith.constant 80000 : i32
      %add3A_74 = vector.broadcast %add3A_73 : i32 to vector<16xi32>
      %add3A_75 = arith.addi %add3A_74, %select_n3A_72 : vector<16xi32>
      tpu.vector_store_idx %arg11[%add3A_54], %add3A_75 : memref<8320xi32, #tpu.memory_space<vmem>>[vector<16xi32>], vector<16xi32>,
      %broadcast_in_dim3A = arith.constant 10240 : i32
      %broadcast_in_dim3A_76 = vector.broadcast %broadcast_in_dim3A : i32 to vector<16xi32>
      tpu.vector_store_idx %arg12[%add3A_54], %broadcast_in_dim3A_76 : memref<8320xi32, #tpu.memory_space<vmem>>[vector<16xi32>], vector<16xi32>,
      %add3A_77 = arith.constant 16 : i32
      %add3A_78 = arith.addi %scan3A_49, %add3A_77 : i32
      %add3A_79 = vector.broadcast %add3A_78 : i32 to vector<16xi32>
      %add3A_80 = arith.addi %add3A_79, %iota3A : vector<16xi32>
      %add3A_81 = arith.constant 16 : i32
      %add3A_82 = vector.broadcast %add3A_81 : i32 to vector<16xi32>
      %add3A_83 = arith.addi %iota3A, %add3A_82 : vector<16xi32>
      %jit3A_84 = arith.constant 128 : i32
      %eq3A_85 = arith.constant 0 : i32
      %eq3A_86 = arith.cmpi eq, %jit3A_84, %eq3A_85 : i32
      %jit3A_87 = arith.constant 1 : i32
      %select_n3A_88 = arith.select %eq3A_86, %jit3A_87, %jit3A_84 : i32
      %rem3A_89 = vector.broadcast %select_n3A_88 : i32 to vector<16xi32>
      %rem3A_90 = arith.remsi %add3A_83, %rem3A_89 : vector<16xi32>
      %ne3A_91 = arith.constant 0 : i32
      %ne3A_92 = vector.broadcast %ne3A_91 : i32 to vector<16xi32>
      %ne3A_93 = arith.cmpi ne, %rem3A_90, %ne3A_92 : vector<16xi32>
      %lt3A_94 = arith.constant 0 : i32
      %lt3A_95 = vector.broadcast %lt3A_94 : i32 to vector<16xi32>
      %lt3A_96 = arith.cmpi slt, %rem3A_90, %lt3A_95 : vector<16xi32>
      %lt3A_97 = arith.constant 0 : i32
      %lt3A_98 = arith.cmpi slt, %select_n3A_88, %lt3A_97 : i32
      %ne3A_99 = vector.broadcast %lt3A_98 : i1 to vector<16xi1>
      %ne3A_100 = vector.broadcast %ne3A_99 : vector<16xi1> to vector<16xi1>
      %ne3A_101 = arith.xori %lt3A_96, %ne3A_100 : vector<16xi1>
      %and3A_102 = arith.andi %ne3A_101, %ne3A_93 : vector<16xi1>
      %add3A_103 = vector.broadcast %select_n3A_88 : i32 to vector<16xi32>
      %add3A_104 = arith.addi %rem3A_90, %add3A_103 : vector<16xi32>
      %select_n3A_105 = arith.select %and3A_102, %add3A_104, %rem3A_90 : vector<16xi1>, vector<16xi32>
      %add3A_106 = arith.constant 80000 : i32
      %add3A_107 = vector.broadcast %add3A_106 : i32 to vector<16xi32>
      %add3A_108 = arith.addi %add3A_107, %select_n3A_105 : vector<16xi32>
      tpu.vector_store_idx %arg11[%add3A_80], %add3A_108 : memref<8320xi32, #tpu.memory_space<vmem>>[vector<16xi32>], vector<16xi32>,
      %broadcast_in_dim3A_109 = arith.constant 10240 : i32
      %broadcast_in_dim3A_110 = vector.broadcast %broadcast_in_dim3A_109 : i32 to vector<16xi32>
      tpu.vector_store_idx %arg12[%add3A_80], %broadcast_in_dim3A_110 : memref<8320xi32, #tpu.memory_space<vmem>>[vector<16xi32>], vector<16xi32>,
      %add3A_111 = arith.constant 32 : i32
      %add3A_112 = arith.addi %scan3A_49, %add3A_111 : i32
      %add3A_113 = vector.broadcast %add3A_112 : i32 to vector<16xi32>
      %add3A_114 = arith.addi %add3A_113, %iota3A : vector<16xi32>
      %add3A_115 = arith.constant 32 : i32
      %add3A_116 = vector.broadcast %add3A_115 : i32 to vector<16xi32>
      %add3A_117 = arith.addi %iota3A, %add3A_116 : vector<16xi32>
      %jit3A_118 = arith.constant 128 : i32
      %eq3A_119 = arith.constant 0 : i32
      %eq3A_120 = arith.cmpi eq, %jit3A_118, %eq3A_119 : i32
      %jit3A_121 = arith.constant 1 : i32
      %select_n3A_122 = arith.select %eq3A_120, %jit3A_121, %jit3A_118 : i32
      %rem3A_123 = vector.broadcast %select_n3A_122 : i32 to vector<16xi32>
      %rem3A_124 = arith.remsi %add3A_117, %rem3A_123 : vector<16xi32>
      %ne3A_125 = arith.constant 0 : i32
      %ne3A_126 = vector.broadcast %ne3A_125 : i32 to vector<16xi32>
      %ne3A_127 = arith.cmpi ne, %rem3A_124, %ne3A_126 : vector<16xi32>
      %lt3A_128 = arith.constant 0 : i32
      %lt3A_129 = vector.broadcast %lt3A_128 : i32 to vector<16xi32>
      %lt3A_130 = arith.cmpi slt, %rem3A_124, %lt3A_129 : vector<16xi32>
      %lt3A_131 = arith.constant 0 : i32
      %lt3A_132 = arith.cmpi slt, %select_n3A_122, %lt3A_131 : i32
      %ne3A_133 = vector.broadcast %lt3A_132 : i1 to vector<16xi1>
      %ne3A_134 = vector.broadcast %ne3A_133 : vector<16xi1> to vector<16xi1>
      %ne3A_135 = arith.xori %lt3A_130, %ne3A_134 : vector<16xi1>
      %and3A_136 = arith.andi %ne3A_135, %ne3A_127 : vector<16xi1>
      %add3A_137 = vector.broadcast %select_n3A_122 : i32 to vector<16xi32>
      %add3A_138 = arith.addi %rem3A_124, %add3A_137 : vector<16xi32>
      %select_n3A_139 = arith.select %and3A_136, %add3A_138, %rem3A_124 : vector<16xi1>, vector<16xi32>
      %add3A_140 = arith.constant 80000 : i32
      %add3A_141 = vector.broadcast %add3A_140 : i32 to vector<16xi32>
      %add3A_142 = arith.addi %add3A_141, %select_n3A_139 : vector<16xi32>
      tpu.vector_store_idx %arg11[%add3A_114], %add3A_142 : memref<8320xi32, #tpu.memory_space<vmem>>[vector<16xi32>], vector<16xi32>,
      %broadcast_in_dim3A_143 = arith.constant 10240 : i32
      %broadcast_in_dim3A_144 = vector.broadcast %broadcast_in_dim3A_143 : i32 to vector<16xi32>
      tpu.vector_store_idx %arg12[%add3A_114], %broadcast_in_dim3A_144 : memref<8320xi32, #tpu.memory_space<vmem>>[vector<16xi32>], vector<16xi32>,
      %add3A_145 = arith.constant 48 : i32
      %add3A_146 = arith.addi %scan3A_49, %add3A_145 : i32
      %add3A_147 = vector.broadcast %add3A_146 : i32 to vector<16xi32>
      %add3A_148 = arith.addi %add3A_147, %iota3A : vector<16xi32>
      %add3A_149 = arith.constant 48 : i32
      %add3A_150 = vector.broadcast %add3A_149 : i32 to vector<16xi32>
      %add3A_151 = arith.addi %iota3A, %add3A_150 : vector<16xi32>
      %jit3A_152 = arith.constant 128 : i32
      %eq3A_153 = arith.constant 0 : i32
      %eq3A_154 = arith.cmpi eq, %jit3A_152, %eq3A_153 : i32
      %jit3A_155 = arith.constant 1 : i32
      %select_n3A_156 = arith.select %eq3A_154, %jit3A_155, %jit3A_152 : i32
      %rem3A_157 = vector.broadcast %select_n3A_156 : i32 to vector<16xi32>
      %rem3A_158 = arith.remsi %add3A_151, %rem3A_157 : vector<16xi32>
      %ne3A_159 = arith.constant 0 : i32
      %ne3A_160 = vector.broadcast %ne3A_159 : i32 to vector<16xi32>
      %ne3A_161 = arith.cmpi ne, %rem3A_158, %ne3A_160 : vector<16xi32>
      %lt3A_162 = arith.constant 0 : i32
      %lt3A_163 = vector.broadcast %lt3A_162 : i32 to vector<16xi32>
      %lt3A_164 = arith.cmpi slt, %rem3A_158, %lt3A_163 : vector<16xi32>
      %lt3A_165 = arith.constant 0 : i32
      %lt3A_166 = arith.cmpi slt, %select_n3A_156, %lt3A_165 : i32
      %ne3A_167 = vector.broadcast %lt3A_166 : i1 to vector<16xi1>
      %ne3A_168 = vector.broadcast %ne3A_167 : vector<16xi1> to vector<16xi1>
      %ne3A_169 = arith.xori %lt3A_164, %ne3A_168 : vector<16xi1>
      %and3A_170 = arith.andi %ne3A_169, %ne3A_161 : vector<16xi1>
      %add3A_171 = vector.broadcast %select_n3A_156 : i32 to vector<16xi32>
      %add3A_172 = arith.addi %rem3A_158, %add3A_171 : vector<16xi32>
      %select_n3A_173 = arith.select %and3A_170, %add3A_172, %rem3A_158 : vector<16xi1>, vector<16xi32>
      %add3A_174 = arith.constant 80000 : i32
      %add3A_175 = vector.broadcast %add3A_174 : i32 to vector<16xi32>
      %add3A_176 = arith.addi %add3A_175, %select_n3A_173 : vector<16xi32>
      tpu.vector_store_idx %arg11[%add3A_148], %add3A_176 : memref<8320xi32, #tpu.memory_space<vmem>>[vector<16xi32>], vector<16xi32>,
      %broadcast_in_dim3A_177 = arith.constant 10240 : i32
      %broadcast_in_dim3A_178 = vector.broadcast %broadcast_in_dim3A_177 : i32 to vector<16xi32>
      tpu.vector_store_idx %arg12[%add3A_148], %broadcast_in_dim3A_178 : memref<8320xi32, #tpu.memory_space<vmem>>[vector<16xi32>], vector<16xi32>,
      %add3A_179 = arith.constant 64 : i32
      %add3A_180 = arith.addi %scan3A_49, %add3A_179 : i32
      %add3A_181 = vector.broadcast %add3A_180 : i32 to vector<16xi32>
      %add3A_182 = arith.addi %add3A_181, %iota3A : vector<16xi32>
      %add3A_183 = arith.constant 64 : i32
      %add3A_184 = vector.broadcast %add3A_183 : i32 to vector<16xi32>
      %add3A_185 = arith.addi %iota3A, %add3A_184 : vector<16xi32>
      %jit3A_186 = arith.constant 128 : i32
      %eq3A_187 = arith.constant 0 : i32
      %eq3A_188 = arith.cmpi eq, %jit3A_186, %eq3A_187 : i32
      %jit3A_189 = arith.constant 1 : i32
      %select_n3A_190 = arith.select %eq3A_188, %jit3A_189, %jit3A_186 : i32
      %rem3A_191 = vector.broadcast %select_n3A_190 : i32 to vector<16xi32>
      %rem3A_192 = arith.remsi %add3A_185, %rem3A_191 : vector<16xi32>
      %ne3A_193 = arith.constant 0 : i32
      %ne3A_194 = vector.broadcast %ne3A_193 : i32 to vector<16xi32>
      %ne3A_195 = arith.cmpi ne, %rem3A_192, %ne3A_194 : vector<16xi32>
      %lt3A_196 = arith.constant 0 : i32
      %lt3A_197 = vector.broadcast %lt3A_196 : i32 to vector<16xi32>
      %lt3A_198 = arith.cmpi slt, %rem3A_192, %lt3A_197 : vector<16xi32>
      %lt3A_199 = arith.constant 0 : i32
      %lt3A_200 = arith.cmpi slt, %select_n3A_190, %lt3A_199 : i32
      %ne3A_201 = vector.broadcast %lt3A_200 : i1 to vector<16xi1>
      %ne3A_202 = vector.broadcast %ne3A_201 : vector<16xi1> to vector<16xi1>
      %ne3A_203 = arith.xori %lt3A_198, %ne3A_202 : vector<16xi1>
      %and3A_204 = arith.andi %ne3A_203, %ne3A_195 : vector<16xi1>
      %add3A_205 = vector.broadcast %select_n3A_190 : i32 to vector<16xi32>
      %add3A_206 = arith.addi %rem3A_192, %add3A_205 : vector<16xi32>
      %select_n3A_207 = arith.select %and3A_204, %add3A_206, %rem3A_192 : vector<16xi1>, vector<16xi32>
      %add3A_208 = arith.constant 80000 : i32
      %add3A_209 = vector.broadcast %add3A_208 : i32 to vector<16xi32>
      %add3A_210 = arith.addi %add3A_209, %select_n3A_207 : vector<16xi32>
      tpu.vector_store_idx %arg11[%add3A_182], %add3A_210 : memref<8320xi32, #tpu.memory_space<vmem>>[vector<16xi32>], vector<16xi32>,
      %broadcast_in_dim3A_211 = arith.constant 10240 : i32
      %broadcast_in_dim3A_212 = vector.broadcast %broadcast_in_dim3A_211 : i32 to vector<16xi32>
      tpu.vector_store_idx %arg12[%add3A_182], %broadcast_in_dim3A_212 : memref<8320xi32, #tpu.memory_space<vmem>>[vector<16xi32>], vector<16xi32>,
      %add3A_213 = arith.constant 80 : i32
      %add3A_214 = arith.addi %scan3A_49, %add3A_213 : i32
      %add3A_215 = vector.broadcast %add3A_214 : i32 to vector<16xi32>
      %add3A_216 = arith.addi %add3A_215, %iota3A : vector<16xi32>
      %add3A_217 = arith.constant 80 : i32
      %add3A_218 = vector.broadcast %add3A_217 : i32 to vector<16xi32>
      %add3A_219 = arith.addi %iota3A, %add3A_218 : vector<16xi32>
      %jit3A_220 = arith.constant 128 : i32
      %eq3A_221 = arith.constant 0 : i32
      %eq3A_222 = arith.cmpi eq, %jit3A_220, %eq3A_221 : i32
      %jit3A_223 = arith.constant 1 : i32
      %select_n3A_224 = arith.select %eq3A_222, %jit3A_223, %jit3A_220 : i32
      %rem3A_225 = vector.broadcast %select_n3A_224 : i32 to vector<16xi32>
      %rem3A_226 = arith.remsi %add3A_219, %rem3A_225 : vector<16xi32>
      %ne3A_227 = arith.constant 0 : i32
      %ne3A_228 = vector.broadcast %ne3A_227 : i32 to vector<16xi32>
      %ne3A_229 = arith.cmpi ne, %rem3A_226, %ne3A_228 : vector<16xi32>
      %lt3A_230 = arith.constant 0 : i32
      %lt3A_231 = vector.broadcast %lt3A_230 : i32 to vector<16xi32>
      %lt3A_232 = arith.cmpi slt, %rem3A_226, %lt3A_231 : vector<16xi32>
      %lt3A_233 = arith.constant 0 : i32
      %lt3A_234 = arith.cmpi slt, %select_n3A_224, %lt3A_233 : i32
      %ne3A_235 = vector.broadcast %lt3A_234 : i1 to vector<16xi1>
      %ne3A_236 = vector.broadcast %ne3A_235 : vector<16xi1> to vector<16xi1>
      %ne3A_237 = arith.xori %lt3A_232, %ne3A_236 : vector<16xi1>
      %and3A_238 = arith.andi %ne3A_237, %ne3A_229 : vector<16xi1>
      %add3A_239 = vector.broadcast %select_n3A_224 : i32 to vector<16xi32>
      %add3A_240 = arith.addi %rem3A_226, %add3A_239 : vector<16xi32>
      %select_n3A_241 = arith.select %and3A_238, %add3A_240, %rem3A_226 : vector<16xi1>, vector<16xi32>
      %add3A_242 = arith.constant 80000 : i32
      %add3A_243 = vector.broadcast %add3A_242 : i32 to vector<16xi32>
      %add3A_244 = arith.addi %add3A_243, %select_n3A_241 : vector<16xi32>
      tpu.vector_store_idx %arg11[%add3A_216], %add3A_244 : memref<8320xi32, #tpu.memory_space<vmem>>[vector<16xi32>], vector<16xi32>,
      %broadcast_in_dim3A_245 = arith.constant 10240 : i32
      %broadcast_in_dim3A_246 = vector.broadcast %broadcast_in_dim3A_245 : i32 to vector<16xi32>
      tpu.vector_store_idx %arg12[%add3A_216], %broadcast_in_dim3A_246 : memref<8320xi32, #tpu.memory_space<vmem>>[vector<16xi32>], vector<16xi32>,
      %add3A_247 = arith.constant 96 : i32
      %add3A_248 = arith.addi %scan3A_49, %add3A_247 : i32
      %add3A_249 = vector.broadcast %add3A_248 : i32 to vector<16xi32>
      %add3A_250 = arith.addi %add3A_249, %iota3A : vector<16xi32>
      %add3A_251 = arith.constant 96 : i32
      %add3A_252 = vector.broadcast %add3A_251 : i32 to vector<16xi32>
      %add3A_253 = arith.addi %iota3A, %add3A_252 : vector<16xi32>
      %jit3A_254 = arith.constant 128 : i32
      %eq3A_255 = arith.constant 0 : i32
      %eq3A_256 = arith.cmpi eq, %jit3A_254, %eq3A_255 : i32
      %jit3A_257 = arith.constant 1 : i32
      %select_n3A_258 = arith.select %eq3A_256, %jit3A_257, %jit3A_254 : i32
      %rem3A_259 = vector.broadcast %select_n3A_258 : i32 to vector<16xi32>
      %rem3A_260 = arith.remsi %add3A_253, %rem3A_259 : vector<16xi32>
      %ne3A_261 = arith.constant 0 : i32
      %ne3A_262 = vector.broadcast %ne3A_261 : i32 to vector<16xi32>
      %ne3A_263 = arith.cmpi ne, %rem3A_260, %ne3A_262 : vector<16xi32>
      %lt3A_264 = arith.constant 0 : i32
      %lt3A_265 = vector.broadcast %lt3A_264 : i32 to vector<16xi32>
      %lt3A_266 = arith.cmpi slt, %rem3A_260, %lt3A_265 : vector<16xi32>
      %lt3A_267 = arith.constant 0 : i32
      %lt3A_268 = arith.cmpi slt, %select_n3A_258, %lt3A_267 : i32
      %ne3A_269 = vector.broadcast %lt3A_268 : i1 to vector<16xi1>
      %ne3A_270 = vector.broadcast %ne3A_269 : vector<16xi1> to vector<16xi1>
      %ne3A_271 = arith.xori %lt3A_266, %ne3A_270 : vector<16xi1>
      %and3A_272 = arith.andi %ne3A_271, %ne3A_263 : vector<16xi1>
      %add3A_273 = vector.broadcast %select_n3A_258 : i32 to vector<16xi32>
      %add3A_274 = arith.addi %rem3A_260, %add3A_273 : vector<16xi32>
      %select_n3A_275 = arith.select %and3A_272, %add3A_274, %rem3A_260 : vector<16xi1>, vector<16xi32>
      %add3A_276 = arith.constant 80000 : i32
      %add3A_277 = vector.broadcast %add3A_276 : i32 to vector<16xi32>
      %add3A_278 = arith.addi %add3A_277, %select_n3A_275 : vector<16xi32>
      tpu.vector_store_idx %arg11[%add3A_250], %add3A_278 : memref<8320xi32, #tpu.memory_space<vmem>>[vector<16xi32>], vector<16xi32>,
      %broadcast_in_dim3A_279 = arith.constant 10240 : i32
      %broadcast_in_dim3A_280 = vector.broadcast %broadcast_in_dim3A_279 : i32 to vector<16xi32>
      tpu.vector_store_idx %arg12[%add3A_250], %broadcast_in_dim3A_280 : memref<8320xi32, #tpu.memory_space<vmem>>[vector<16xi32>], vector<16xi32>,
      %add3A_281 = arith.constant 112 : i32
      %add3A_282 = arith.addi %scan3A_49, %add3A_281 : i32
      %add3A_283 = vector.broadcast %add3A_282 : i32 to vector<16xi32>
      %add3A_284 = arith.addi %add3A_283, %iota3A : vector<16xi32>
      %add3A_285 = arith.constant 112 : i32
      %add3A_286 = vector.broadcast %add3A_285 : i32 to vector<16xi32>
      %add3A_287 = arith.addi %iota3A, %add3A_286 : vector<16xi32>
      %jit3A_288 = arith.constant 128 : i32
      %eq3A_289 = arith.constant 0 : i32
      %eq3A_290 = arith.cmpi eq, %jit3A_288, %eq3A_289 : i32
      %jit3A_291 = arith.constant 1 : i32
      %select_n3A_292 = arith.select %eq3A_290, %jit3A_291, %jit3A_288 : i32
      %rem3A_293 = vector.broadcast %select_n3A_292 : i32 to vector<16xi32>
      %rem3A_294 = arith.remsi %add3A_287, %rem3A_293 : vector<16xi32>
      %ne3A_295 = arith.constant 0 : i32
      %ne3A_296 = vector.broadcast %ne3A_295 : i32 to vector<16xi32>
      %ne3A_297 = arith.cmpi ne, %rem3A_294, %ne3A_296 : vector<16xi32>
      %lt3A_298 = arith.constant 0 : i32
      %lt3A_299 = vector.broadcast %lt3A_298 : i32 to vector<16xi32>
      %lt3A_300 = arith.cmpi slt, %rem3A_294, %lt3A_299 : vector<16xi32>
      %lt3A_301 = arith.constant 0 : i32
      %lt3A_302 = arith.cmpi slt, %select_n3A_292, %lt3A_301 : i32
      %ne3A_303 = vector.broadcast %lt3A_302 : i1 to vector<16xi1>
      %ne3A_304 = vector.broadcast %ne3A_303 : vector<16xi1> to vector<16xi1>
      %ne3A_305 = arith.xori %lt3A_300, %ne3A_304 : vector<16xi1>
      %and3A_306 = arith.andi %ne3A_305, %ne3A_297 : vector<16xi1>
      %add3A_307 = vector.broadcast %select_n3A_292 : i32 to vector<16xi32>
      %add3A_308 = arith.addi %rem3A_294, %add3A_307 : vector<16xi32>
      %select_n3A_309 = arith.select %and3A_306, %add3A_308, %rem3A_294 : vector<16xi1>, vector<16xi32>
      %add3A_310 = arith.constant 80000 : i32
      %add3A_311 = vector.broadcast %add3A_310 : i32 to vector<16xi32>
      %add3A_312 = arith.addi %add3A_311, %select_n3A_309 : vector<16xi32>
      tpu.vector_store_idx %arg11[%add3A_284], %add3A_312 : memref<8320xi32, #tpu.memory_space<vmem>>[vector<16xi32>], vector<16xi32>,
      %broadcast_in_dim3A_313 = arith.constant 10240 : i32
      %broadcast_in_dim3A_314 = vector.broadcast %broadcast_in_dim3A_313 : i32 to vector<16xi32>
      tpu.vector_store_idx %arg12[%add3A_284], %broadcast_in_dim3A_314 : memref<8320xi32, #tpu.memory_space<vmem>>[vector<16xi32>], vector<16xi32>,
      %add3A_315 = arith.constant 128 : i32
      %add3A_316 = arith.addi %scan3A_49, %add3A_315 : i32
      %sub3A = arith.constant 1 : i32
      %sub3A_317 = arith.subi %add3A_316, %sub3A : i32
      %jit3A_318 = arith.constant 128 : i32
      %div3A = arith.divsi %sub3A_317, %jit3A_318 : i32
      %sign3A = arith.constant 0 : i32
      %sign3A_319 = arith.cmpi sgt, %sub3A_317, %sign3A : i32
      %sign3A_320 = arith.extui %sign3A_319 : i1 to i32
      %sign3A_321 = arith.constant 0 : i32
      %sign3A_322 = arith.cmpi slt, %sub3A_317, %sign3A_321 : i32
      %sign3A_323 = arith.extui %sign3A_322 : i1 to i32
      %sign3A_324 = arith.subi %sign3A_320, %sign3A_323 : i32
      %sign3A_325 = arith.constant 0 : i32
      %sign3A_326 = arith.cmpi sgt, %jit3A_318, %sign3A_325 : i32
      %sign3A_327 = arith.extui %sign3A_326 : i1 to i32
      %sign3A_328 = arith.constant 0 : i32
      %sign3A_329 = arith.cmpi slt, %jit3A_318, %sign3A_328 : i32
      %sign3A_330 = arith.extui %sign3A_329 : i1 to i32
      %sign3A_331 = arith.subi %sign3A_327, %sign3A_330 : i32
      %ne3A_332 = arith.cmpi ne, %sign3A_324, %sign3A_331 : i32
      %rem3A_333 = arith.remsi %sub3A_317, %jit3A_318 : i32
      %ne3A_334 = arith.constant 0 : i32
      %ne3A_335 = arith.cmpi ne, %rem3A_333, %ne3A_334 : i32
      %and3A_336 = arith.andi %ne3A_332, %ne3A_335 : i1
      %sub3A_337 = arith.constant 1 : i32
      %sub3A_338 = arith.subi %div3A, %sub3A_337 : i32
      %select_n3A_339 = arith.select %and3A_336, %sub3A_338, %div3A : i32
      %mul3A_340 = arith.constant 128 : i32
      %mul3A_341 = arith.muli %select_n3A_339, %mul3A_340 : i32
      %sub3A_342 = arith.constant 7680 : i32
      %sub3A_343 = arith.subi %sub3A_342, %scan3A_40 : i32
      %min3A = arith.minsi %mul3A_341, %sub3A_343 : i32
      %jit3A_344 = arith.constant 128 : i32
      %div3A_345 = arith.divsi %min3A, %jit3A_344 : i32
      %sign3A_346 = arith.constant 0 : i32
      %sign3A_347 = arith.cmpi sgt, %min3A, %sign3A_346 : i32
      %sign3A_348 = arith.extui %sign3A_347 : i1 to i32
      %sign3A_349 = arith.constant 0 : i32
      %sign3A_350 = arith.cmpi slt, %min3A, %sign3A_349 : i32
      %sign3A_351 = arith.extui %sign3A_350 : i1 to i32
      %sign3A_352 = arith.subi %sign3A_348, %sign3A_351 : i32
      %sign3A_353 = arith.constant 0 : i32
      %sign3A_354 = arith.cmpi sgt, %jit3A_344, %sign3A_353 : i32
      %sign3A_355 = arith.extui %sign3A_354 : i1 to i32
      %sign3A_356 = arith.constant 0 : i32
      %sign3A_357 = arith.cmpi slt, %jit3A_344, %sign3A_356 : i32
      %sign3A_358 = arith.extui %sign3A_357 : i1 to i32
      %sign3A_359 = arith.subi %sign3A_355, %sign3A_358 : i32
      %ne3A_360 = arith.cmpi ne, %sign3A_352, %sign3A_359 : i32
      %rem3A_361 = arith.remsi %min3A, %jit3A_344 : i32
      %ne3A_362 = arith.constant 0 : i32
      %ne3A_363 = arith.cmpi ne, %rem3A_361, %ne3A_362 : i32
      %and3A_364 = arith.andi %ne3A_360, %ne3A_363 : i1
      %sub3A_365 = arith.constant 1 : i32
      %sub3A_366 = arith.subi %div3A_345, %sub3A_365 : i32
      %select_n3A_367 = arith.select %and3A_364, %sub3A_366, %div3A_345 : i32
      %while3A = arith.constant 0 : i32
      %while3A_368 = arith.constant 0 : i32
      %while3A_369 = arith.subi %select_n3A_367, %while3A : i32
      %while3A_370 = arith.addi %while3A, %while3A_369 : i32
      %while3A_371 = arith.constant 1 : i32
      %while3A_372 = arith.divsi %while3A_369, %while3A_371 : i32
      %while3A_373 = arith.muli %while3A_372, %while3A_371 : i32
      %while3A_374 = arith.addi %while3A, %while3A_373 : i32
      %while3A_375 = arith.constant 1 : i32
      %while3A_376 = scf.for %while3A_382 = %while3A to %while3A_374 step %while3A_375 iter_args(%while3A_383 = %while3A_368) -> (i32)  : i32 {
        %mul3A_384 = arith.constant 128 : i32
        %mul3A_385 = arith.muli %while3A_382, %mul3A_384 : i32
        %mul3A_386 = arith.constant 7680 : i32
        %mul3A_387 = arith.muli %add3A, %mul3A_386 : i32
        %add3A_388 = arith.addi %mul3A_387, %scan3A_40 : i32
        %mul3A_389 = arith.constant 128 : i32
        %mul3A_390 = arith.muli %while3A_382, %mul3A_389 : i32
        %add3A_391 = arith.addi %add3A_388, %mul3A_390 : i32
        %multiple_of3A_392 = tpu.assume_multiple %add3A_391, 128 : i32
        "tpu.region"() ({
          %run_scoped3A = tpu.sem_alloc : memref<!tpu.dma_semaphore, #tpu.memory_space<semaphore_mem>>
          %dma_start3A = tpu.memref_slice %arg11[%mul3A_385] : memref<8320xi32, #tpu.memory_space<vmem>> -> memref<128xi32, #tpu.memory_space<vmem>>
          %dma_start3A_394 = tpu.memref_slice %arg5[%multiple_of3A_392] : memref<245760xi32, #tpu.memory_space<hbm>> -> memref<128xi32, #tpu.memory_space<hbm>>
          %dma_start3A_395 = tpu.memref_slice %arg5[%multiple_of3A_392] : memref<245760xi32, #tpu.memory_space<hbm>> -> memref<128xi32, #tpu.memory_space<hbm>>
          %dma_start3A_396 = tpu.memref_slice %arg11[%mul3A_385] : memref<8320xi32, #tpu.memory_space<vmem>> -> memref<128xi32, #tpu.memory_space<vmem>>
          tpu.enqueue_dma source(%dma_start3A_396 : memref<128xi32, #tpu.memory_space<vmem>>) target(%dma_start3A_395 : memref<128xi32, #tpu.memory_space<hbm>>) target_semaphore(%run_scoped3A : memref<!tpu.dma_semaphore, #tpu.memory_space<semaphore_mem>>)
          %dma_wait3A = tpu.memref_slice %arg11[%mul3A_385] : memref<8320xi32, #tpu.memory_space<vmem>> -> memref<128xi32, #tpu.memory_space<vmem>>
          %dma_wait3A_397 = tpu.memref_slice %arg5[%multiple_of3A_392] : memref<245760xi32, #tpu.memory_space<hbm>> -> memref<128xi32, #tpu.memory_space<hbm>>
          %dma_wait3A_398 = tpu.memref_slice %arg5[%multiple_of3A_392] : memref<245760xi32, #tpu.memory_space<hbm>> -> memref<128xi32, #tpu.memory_space<hbm>>
          %dma_wait3A_399 = tpu.memref_slice %arg11[%mul3A_385] : memref<8320xi32, #tpu.memory_space<vmem>> -> memref<128xi32, #tpu.memory_space<vmem>>
          tpu.wait_dma2 semaphore(%run_scoped3A : memref<!tpu.dma_semaphore, #tpu.memory_space<semaphore_mem>>) src(%dma_wait3A_399 : memref<128xi32, #tpu.memory_space<vmem>>) dst(%dma_wait3A_398 : memref<128xi32, #tpu.memory_space<hbm>>)
          tpu.yield
        }) : () -> ()
        "tpu.region"() ({
          %run_scoped3A = tpu.sem_alloc : memref<!tpu.dma_semaphore, #tpu.memory_space<semaphore_mem>>
          %dma_start3A = tpu.memref_slice %arg12[%mul3A_385] : memref<8320xi32, #tpu.memory_space<vmem>> -> memref<128xi32, #tpu.memory_space<vmem>>
          %dma_start3A_394 = tpu.memref_slice %arg6[%multiple_of3A_392] : memref<245760xi32, #tpu.memory_space<hbm>> -> memref<128xi32, #tpu.memory_space<hbm>>
          %dma_start3A_395 = tpu.memref_slice %arg6[%multiple_of3A_392] : memref<245760xi32, #tpu.memory_space<hbm>> -> memref<128xi32, #tpu.memory_space<hbm>>
          %dma_start3A_396 = tpu.memref_slice %arg12[%mul3A_385] : memref<8320xi32, #tpu.memory_space<vmem>> -> memref<128xi32, #tpu.memory_space<vmem>>
          tpu.enqueue_dma source(%dma_start3A_396 : memref<128xi32, #tpu.memory_space<vmem>>) target(%dma_start3A_395 : memref<128xi32, #tpu.memory_space<hbm>>) target_semaphore(%run_scoped3A : memref<!tpu.dma_semaphore, #tpu.memory_space<semaphore_mem>>)
          %dma_wait3A = tpu.memref_slice %arg12[%mul3A_385] : memref<8320xi32, #tpu.memory_space<vmem>> -> memref<128xi32, #tpu.memory_space<vmem>>
          %dma_wait3A_397 = tpu.memref_slice %arg6[%multiple_of3A_392] : memref<245760xi32, #tpu.memory_space<hbm>> -> memref<128xi32, #tpu.memory_space<hbm>>
          %dma_wait3A_398 = tpu.memref_slice %arg6[%multiple_of3A_392] : memref<245760xi32, #tpu.memory_space<hbm>> -> memref<128xi32, #tpu.memory_space<hbm>>
          %dma_wait3A_399 = tpu.memref_slice %arg12[%mul3A_385] : memref<8320xi32, #tpu.memory_space<vmem>> -> memref<128xi32, #tpu.memory_space<vmem>>
          tpu.wait_dma2 semaphore(%run_scoped3A : memref<!tpu.dma_semaphore, #tpu.memory_space<semaphore_mem>>) src(%dma_wait3A_399 : memref<128xi32, #tpu.memory_space<vmem>>) dst(%dma_wait3A_398 : memref<128xi32, #tpu.memory_space<hbm>>)
          tpu.yield
        }) : () -> ()
        %while3A_393 = arith.constant 0 : i32
        scf.yield %while3A_393 : i32
      }
      %while3A_377 = arith.constant 1 : i32
      %while3A_378 = scf.for %while3A_382 = %while3A_374 to %while3A_370 step %while3A_377 iter_args(%while3A_383 = %while3A_376) -> (i32)  : i32 {
        %mul3A_384 = arith.constant 128 : i32
        %mul3A_385 = arith.muli %while3A_382, %mul3A_384 : i32
        %mul3A_386 = arith.constant 7680 : i32
        %mul3A_387 = arith.muli %add3A, %mul3A_386 : i32
        %add3A_388 = arith.addi %mul3A_387, %scan3A_40 : i32
        %mul3A_389 = arith.constant 128 : i32
        %mul3A_390 = arith.muli %while3A_382, %mul3A_389 : i32
        %add3A_391 = arith.addi %add3A_388, %mul3A_390 : i32
        %multiple_of3A_392 = tpu.assume_multiple %add3A_391, 128 : i32
        "tpu.region"() ({
          %run_scoped3A = tpu.sem_alloc : memref<!tpu.dma_semaphore, #tpu.memory_space<semaphore_mem>>
          %dma_start3A = tpu.memref_slice %arg11[%mul3A_385] : memref<8320xi32, #tpu.memory_space<vmem>> -> memref<128xi32, #tpu.memory_space<vmem>>
          %dma_start3A_394 = tpu.memref_slice %arg5[%multiple_of3A_392] : memref<245760xi32, #tpu.memory_space<hbm>> -> memref<128xi32, #tpu.memory_space<hbm>>
          %dma_start3A_395 = tpu.memref_slice %arg5[%multiple_of3A_392] : memref<245760xi32, #tpu.memory_space<hbm>> -> memref<128xi32, #tpu.memory_space<hbm>>
          %dma_start3A_396 = tpu.memref_slice %arg11[%mul3A_385] : memref<8320xi32, #tpu.memory_space<vmem>> -> memref<128xi32, #tpu.memory_space<vmem>>
          tpu.enqueue_dma source(%dma_start3A_396 : memref<128xi32, #tpu.memory_space<vmem>>) target(%dma_start3A_395 : memref<128xi32, #tpu.memory_space<hbm>>) target_semaphore(%run_scoped3A : memref<!tpu.dma_semaphore, #tpu.memory_space<semaphore_mem>>)
          %dma_wait3A = tpu.memref_slice %arg11[%mul3A_385] : memref<8320xi32, #tpu.memory_space<vmem>> -> memref<128xi32, #tpu.memory_space<vmem>>
          %dma_wait3A_397 = tpu.memref_slice %arg5[%multiple_of3A_392] : memref<245760xi32, #tpu.memory_space<hbm>> -> memref<128xi32, #tpu.memory_space<hbm>>
          %dma_wait3A_398 = tpu.memref_slice %arg5[%multiple_of3A_392] : memref<245760xi32, #tpu.memory_space<hbm>> -> memref<128xi32, #tpu.memory_space<hbm>>
          %dma_wait3A_399 = tpu.memref_slice %arg11[%mul3A_385] : memref<8320xi32, #tpu.memory_space<vmem>> -> memref<128xi32, #tpu.memory_space<vmem>>
          tpu.wait_dma2 semaphore(%run_scoped3A : memref<!tpu.dma_semaphore, #tpu.memory_space<semaphore_mem>>) src(%dma_wait3A_399 : memref<128xi32, #tpu.memory_space<vmem>>) dst(%dma_wait3A_398 : memref<128xi32, #tpu.memory_space<hbm>>)
          tpu.yield
        }) : () -> ()
        "tpu.region"() ({
          %run_scoped3A = tpu.sem_alloc : memref<!tpu.dma_semaphore, #tpu.memory_space<semaphore_mem>>
          %dma_start3A = tpu.memref_slice %arg12[%mul3A_385] : memref<8320xi32, #tpu.memory_space<vmem>> -> memref<128xi32, #tpu.memory_space<vmem>>
          %dma_start3A_394 = tpu.memref_slice %arg6[%multiple_of3A_392] : memref<245760xi32, #tpu.memory_space<hbm>> -> memref<128xi32, #tpu.memory_space<hbm>>
          %dma_start3A_395 = tpu.memref_slice %arg6[%multiple_of3A_392] : memref<245760xi32, #tpu.memory_space<hbm>> -> memref<128xi32, #tpu.memory_space<hbm>>
          %dma_start3A_396 = tpu.memref_slice %arg12[%mul3A_385] : memref<8320xi32, #tpu.memory_space<vmem>> -> memref<128xi32, #tpu.memory_space<vmem>>
          tpu.enqueue_dma source(%dma_start3A_396 : memref<128xi32, #tpu.memory_space<vmem>>) target(%dma_start3A_395 : memref<128xi32, #tpu.memory_space<hbm>>) target_semaphore(%run_scoped3A : memref<!tpu.dma_semaphore, #tpu.memory_space<semaphore_mem>>)
          %dma_wait3A = tpu.memref_slice %arg12[%mul3A_385] : memref<8320xi32, #tpu.memory_space<vmem>> -> memref<128xi32, #tpu.memory_space<vmem>>
          %dma_wait3A_397 = tpu.memref_slice %arg6[%multiple_of3A_392] : memref<245760xi32, #tpu.memory_space<hbm>> -> memref<128xi32, #tpu.memory_space<hbm>>
          %dma_wait3A_398 = tpu.memref_slice %arg6[%multiple_of3A_392] : memref<245760xi32, #tpu.memory_space<hbm>> -> memref<128xi32, #tpu.memory_space<hbm>>
          %dma_wait3A_399 = tpu.memref_slice %arg12[%mul3A_385] : memref<8320xi32, #tpu.memory_space<vmem>> -> memref<128xi32, #tpu.memory_space<vmem>>
          tpu.wait_dma2 semaphore(%run_scoped3A : memref<!tpu.dma_semaphore, #tpu.memory_space<semaphore_mem>>) src(%dma_wait3A_399 : memref<128xi32, #tpu.memory_space<vmem>>) dst(%dma_wait3A_398 : memref<128xi32, #tpu.memory_space<hbm>>)
          tpu.yield
        }) : () -> ()
        %while3A_393 = arith.constant 0 : i32
        scf.yield %while3A_393 : i32
      }
      %mul3A_379 = arith.constant 128 : i32
      %mul3A_380 = arith.muli %select_n3A_367, %mul3A_379 : i32
      %add3A_381 = arith.addi %scan3A_40, %mul3A_380 : i32
      scf.yield %add3A_381 : i32
    }
    %scan3A_31 = arith.constant 20 : i32
    %scan3A_32 = arith.constant 0 : i32
    %scan3A_33 = arith.constant 0 : i32
    %scan3A_34 = arith.constant 20 : i32
    %scan3A_35 = arith.addi %scan3A_33, %scan3A_34 : i32
    %scan3A_36 = arith.constant 1 : i32
    %scan3A_37 = scf.for %scan3A_39 = %scan3A_33 to %scan3A_35 step %scan3A_36 iter_args(%scan3A_40 = %scan3A_32) -> (i32)  : i32 {
      %mul3A_41 = arith.constant 16 : i32
      %mul3A_42 = arith.muli %scan3A_39, %mul3A_41 : i32
      %get3A = arith.index_cast %mul3A_42 : i32 to index
      %get3A_43 = tpu.vector_load %arg13[%get3A] {strides = array<i32>} : memref<320xi32, #tpu.memory_space<vmem>>, vector<16xi32>,
      %convert_element_type3A = arith.sitofp %get3A_43 : vector<16xi32> to vector<16xf32>
      %mul3A_44 = arith.constant 16 : i32
      %mul3A_45 = arith.muli %scan3A_39, %mul3A_44 : i32
      %swap3A = arith.index_cast %mul3A_45 : i32 to index
      %swap3A_46 = tpu.vector_load %arg16[%swap3A] {strides = array<i32>} : memref<320xf32, #tpu.memory_space<vmem>>, vector<16xf32>,
      tpu.vector_store %arg16[%swap3A], %convert_element_type3A {strides = array<i32>} : memref<320xf32, #tpu.memory_space<vmem>>, vector<16xf32>,
      %scan3A_47 = arith.constant 0 : i32
      scf.yield %scan3A_47 : i32
    }
    %scan3A_38 = arith.constant 20 : i32
    %multiple_of3A = tpu.assume_multiple %mul3A_2, 320 : i32
    "tpu.region"() ({
      %run_scoped3A = tpu.sem_alloc : memref<!tpu.dma_semaphore, #tpu.memory_space<semaphore_mem>>
      %dma_start3A = tpu.memref_slice %arg7[%multiple_of3A] : memref<10240xf32, #tpu.memory_space<hbm>> -> memref<320xf32, #tpu.memory_space<hbm>>
      %dma_start3A_39 = tpu.memref_slice %arg7[%multiple_of3A] : memref<10240xf32, #tpu.memory_space<hbm>> -> memref<320xf32, #tpu.memory_space<hbm>>
      tpu.enqueue_dma source(%arg16 : memref<320xf32, #tpu.memory_space<vmem>>) target(%dma_start3A_39 : memref<320xf32, #tpu.memory_space<hbm>>) target_semaphore(%run_scoped3A : memref<!tpu.dma_semaphore, #tpu.memory_space<semaphore_mem>>)
      %dma_wait3A = tpu.memref_slice %arg7[%multiple_of3A] : memref<10240xf32, #tpu.memory_space<hbm>> -> memref<320xf32, #tpu.memory_space<hbm>>
      %dma_wait3A_40 = tpu.memref_slice %arg7[%multiple_of3A] : memref<10240xf32, #tpu.memory_space<hbm>> -> memref<320xf32, #tpu.memory_space<hbm>>
      tpu.wait_dma2 semaphore(%run_scoped3A : memref<!tpu.dma_semaphore, #tpu.memory_space<semaphore_mem>>) src(%arg16 : memref<320xf32, #tpu.memory_space<vmem>>) dst(%dma_wait3A_40 : memref<320xf32, #tpu.memory_space<hbm>>)
      tpu.yield
    }) : () -> ()
    return
  }
}

#map = affine_map<(d0, d1) -> (0, 0)>
#map1 = affine_map<(d0, d1) -> (0)>
module attributes {stable_mosaic.version = 14 : i64} {
  func.func @body(%arg0: i32, %arg1: i32, %arg2: memref<10000x256xf32, #tpu.memory_space<hbm>>, %arg3: memref<4096xi32, #tpu.memory_space<hbm>>, %arg4: memref<4096xi32, #tpu.memory_space<hbm>>, %arg5: memref<4096x256xf32, #tpu.memory_space<hbm>>, %arg6: memref<4096x256xf32, #tpu.memory_space<hbm>>, %arg7: memref<128xi32, #tpu.memory_space<vmem>>, %arg8: memref<128x256xf32, #tpu.memory_space<vmem>>, %arg9: memref<!tpu.dma_semaphore, #tpu.memory_space<semaphore_mem>>) attributes {dimension_semantics = [#tpu.dimension_semantics<core_parallel>, #tpu.dimension_semantics<subcore_parallel>], iteration_bounds = array<i64: 2, 16>, scalar_prefetch = 0 : i64, scratch_operands = 3 : i64, tpu.core_type = #tpu.core_type<sc_vector_subcore>, window_params = [{transform_indices = #map}, {transform_indices = #map1}, {transform_indices = #map1}, {transform_indices = #map}, {transform_indices = #map}]} {
    %mul3A = arith.constant 2 : i32
    %mul3A_0 = arith.muli %arg1, %mul3A : i32
    %add3A = arith.addi %mul3A_0, %arg0 : i32
    %mul3A_1 = arith.constant 128 : i32
    %mul3A_2 = arith.muli %add3A, %mul3A_1 : i32
    %multiple_of3A = tpu.assume_multiple %mul3A_2, 128 : i32
    "tpu.region"() ({
      %run_scoped3A = tpu.sem_alloc : memref<!tpu.dma_semaphore, #tpu.memory_space<semaphore_mem>>
      %dma_start3A_13 = tpu.memref_slice %arg3[%multiple_of3A] : memref<4096xi32, #tpu.memory_space<hbm>> -> memref<128xi32, #tpu.memory_space<hbm>>
      %dma_start3A_14 = tpu.memref_slice %arg3[%multiple_of3A] : memref<4096xi32, #tpu.memory_space<hbm>> -> memref<128xi32, #tpu.memory_space<hbm>>
      tpu.enqueue_dma source(%dma_start3A_14 : memref<128xi32, #tpu.memory_space<hbm>>) target(%arg7 : memref<128xi32, #tpu.memory_space<vmem>>) target_semaphore(%run_scoped3A : memref<!tpu.dma_semaphore, #tpu.memory_space<semaphore_mem>>)
      %dma_wait3A_15 = tpu.memref_slice %arg3[%multiple_of3A] : memref<4096xi32, #tpu.memory_space<hbm>> -> memref<128xi32, #tpu.memory_space<hbm>>
      %dma_wait3A_16 = tpu.memref_slice %arg3[%multiple_of3A] : memref<4096xi32, #tpu.memory_space<hbm>> -> memref<128xi32, #tpu.memory_space<hbm>>
      tpu.wait_dma2 semaphore(%run_scoped3A : memref<!tpu.dma_semaphore, #tpu.memory_space<semaphore_mem>>) src(%dma_wait3A_16 : memref<128xi32, #tpu.memory_space<hbm>>) dst(%arg7 : memref<128xi32, #tpu.memory_space<vmem>>)
      tpu.yield
    }) : () -> ()
    %dma_start3A = arith.constant 0 : i32
    %dma_start3A_3 = arith.constant 0 : i32
    %dma_start3A_4 = tpu.memref_slice %arg2[%dma_start3A, %dma_start3A_3] : memref<10000x256xf32, #tpu.memory_space<hbm>> -> memref<10000x256xf32, #tpu.memory_space<hbm>>
    tpu.enqueue_indirect_dma source(%dma_start3A_4 : memref<10000x256xf32, #tpu.memory_space<hbm>>) target(%arg8 : memref<128x256xf32, #tpu.memory_space<vmem>>) offsets(%arg7 : memref<128xi32, #tpu.memory_space<vmem>>) semaphore(%arg9 : memref<!tpu.dma_semaphore, #tpu.memory_space<semaphore_mem>>)
    %dma_wait3A = arith.constant 0 : i32
    %dma_wait3A_5 = arith.constant 0 : i32
    %dma_wait3A_6 = tpu.memref_slice %arg2[%dma_wait3A, %dma_wait3A_5] : memref<10000x256xf32, #tpu.memory_space<hbm>> -> memref<10000x256xf32, #tpu.memory_space<hbm>>
    tpu.wait_indirect_dma semaphore(%arg9 : memref<!tpu.dma_semaphore, #tpu.memory_space<semaphore_mem>>) src(%dma_wait3A_6 : memref<10000x256xf32, #tpu.memory_space<hbm>>) dst(%arg8 : memref<128x256xf32, #tpu.memory_space<vmem>>)
    "tpu.region"() ({
      %run_scoped3A = tpu.sem_alloc : memref<!tpu.dma_semaphore, #tpu.memory_space<semaphore_mem>>
      %dma_start3A_13 = arith.constant 0 : i32
      %dma_start3A_14 = tpu.memref_slice %arg5[%multiple_of3A, %dma_start3A_13] : memref<4096x256xf32, #tpu.memory_space<hbm>> -> memref<128x256xf32, #tpu.memory_space<hbm>>
      %dma_start3A_15 = arith.constant 0 : i32
      %dma_start3A_16 = tpu.memref_slice %arg5[%multiple_of3A, %dma_start3A_15] : memref<4096x256xf32, #tpu.memory_space<hbm>> -> memref<128x256xf32, #tpu.memory_space<hbm>>
      tpu.enqueue_dma source(%arg8 : memref<128x256xf32, #tpu.memory_space<vmem>>) target(%dma_start3A_16 : memref<128x256xf32, #tpu.memory_space<hbm>>) target_semaphore(%run_scoped3A : memref<!tpu.dma_semaphore, #tpu.memory_space<semaphore_mem>>)
      %dma_wait3A_17 = arith.constant 0 : i32
      %dma_wait3A_18 = tpu.memref_slice %arg5[%multiple_of3A, %dma_wait3A_17] : memref<4096x256xf32, #tpu.memory_space<hbm>> -> memref<128x256xf32, #tpu.memory_space<hbm>>
      %dma_wait3A_19 = arith.constant 0 : i32
      %dma_wait3A_20 = tpu.memref_slice %arg5[%multiple_of3A, %dma_wait3A_19] : memref<4096x256xf32, #tpu.memory_space<hbm>> -> memref<128x256xf32, #tpu.memory_space<hbm>>
      tpu.wait_dma2 semaphore(%run_scoped3A : memref<!tpu.dma_semaphore, #tpu.memory_space<semaphore_mem>>) src(%arg8 : memref<128x256xf32, #tpu.memory_space<vmem>>) dst(%dma_wait3A_20 : memref<128x256xf32, #tpu.memory_space<hbm>>)
      tpu.yield
    }) : () -> ()
    "tpu.region"() ({
      %run_scoped3A = tpu.sem_alloc : memref<!tpu.dma_semaphore, #tpu.memory_space<semaphore_mem>>
      %dma_start3A_13 = tpu.memref_slice %arg4[%multiple_of3A] : memref<4096xi32, #tpu.memory_space<hbm>> -> memref<128xi32, #tpu.memory_space<hbm>>
      %dma_start3A_14 = tpu.memref_slice %arg4[%multiple_of3A] : memref<4096xi32, #tpu.memory_space<hbm>> -> memref<128xi32, #tpu.memory_space<hbm>>
      tpu.enqueue_dma source(%dma_start3A_14 : memref<128xi32, #tpu.memory_space<hbm>>) target(%arg7 : memref<128xi32, #tpu.memory_space<vmem>>) target_semaphore(%run_scoped3A : memref<!tpu.dma_semaphore, #tpu.memory_space<semaphore_mem>>)
      %dma_wait3A_15 = tpu.memref_slice %arg4[%multiple_of3A] : memref<4096xi32, #tpu.memory_space<hbm>> -> memref<128xi32, #tpu.memory_space<hbm>>
      %dma_wait3A_16 = tpu.memref_slice %arg4[%multiple_of3A] : memref<4096xi32, #tpu.memory_space<hbm>> -> memref<128xi32, #tpu.memory_space<hbm>>
      tpu.wait_dma2 semaphore(%run_scoped3A : memref<!tpu.dma_semaphore, #tpu.memory_space<semaphore_mem>>) src(%dma_wait3A_16 : memref<128xi32, #tpu.memory_space<hbm>>) dst(%arg7 : memref<128xi32, #tpu.memory_space<vmem>>)
      tpu.yield
    }) : () -> ()
    %dma_start3A_7 = arith.constant 0 : i32
    %dma_start3A_8 = arith.constant 0 : i32
    %dma_start3A_9 = tpu.memref_slice %arg2[%dma_start3A_7, %dma_start3A_8] : memref<10000x256xf32, #tpu.memory_space<hbm>> -> memref<10000x256xf32, #tpu.memory_space<hbm>>
    tpu.enqueue_indirect_dma source(%dma_start3A_9 : memref<10000x256xf32, #tpu.memory_space<hbm>>) target(%arg8 : memref<128x256xf32, #tpu.memory_space<vmem>>) offsets(%arg7 : memref<128xi32, #tpu.memory_space<vmem>>) semaphore(%arg9 : memref<!tpu.dma_semaphore, #tpu.memory_space<semaphore_mem>>)
    %dma_wait3A_10 = arith.constant 0 : i32
    %dma_wait3A_11 = arith.constant 0 : i32
    %dma_wait3A_12 = tpu.memref_slice %arg2[%dma_wait3A_10, %dma_wait3A_11] : memref<10000x256xf32, #tpu.memory_space<hbm>> -> memref<10000x256xf32, #tpu.memory_space<hbm>>
    tpu.wait_indirect_dma semaphore(%arg9 : memref<!tpu.dma_semaphore, #tpu.memory_space<semaphore_mem>>) src(%dma_wait3A_12 : memref<10000x256xf32, #tpu.memory_space<hbm>>) dst(%arg8 : memref<128x256xf32, #tpu.memory_space<vmem>>)
    "tpu.region"() ({
      %run_scoped3A = tpu.sem_alloc : memref<!tpu.dma_semaphore, #tpu.memory_space<semaphore_mem>>
      %dma_start3A_13 = arith.constant 0 : i32
      %dma_start3A_14 = tpu.memref_slice %arg6[%multiple_of3A, %dma_start3A_13] : memref<4096x256xf32, #tpu.memory_space<hbm>> -> memref<128x256xf32, #tpu.memory_space<hbm>>
      %dma_start3A_15 = arith.constant 0 : i32
      %dma_start3A_16 = tpu.memref_slice %arg6[%multiple_of3A, %dma_start3A_15] : memref<4096x256xf32, #tpu.memory_space<hbm>> -> memref<128x256xf32, #tpu.memory_space<hbm>>
      tpu.enqueue_dma source(%arg8 : memref<128x256xf32, #tpu.memory_space<vmem>>) target(%dma_start3A_16 : memref<128x256xf32, #tpu.memory_space<hbm>>) target_semaphore(%run_scoped3A : memref<!tpu.dma_semaphore, #tpu.memory_space<semaphore_mem>>)
      %dma_wait3A_17 = arith.constant 0 : i32
      %dma_wait3A_18 = tpu.memref_slice %arg6[%multiple_of3A, %dma_wait3A_17] : memref<4096x256xf32, #tpu.memory_space<hbm>> -> memref<128x256xf32, #tpu.memory_space<hbm>>
      %dma_wait3A_19 = arith.constant 0 : i32
      %dma_wait3A_20 = tpu.memref_slice %arg6[%multiple_of3A, %dma_wait3A_19] : memref<4096x256xf32, #tpu.memory_space<hbm>> -> memref<128x256xf32, #tpu.memory_space<hbm>>
      tpu.wait_dma2 semaphore(%run_scoped3A : memref<!tpu.dma_semaphore, #tpu.memory_space<semaphore_mem>>) src(%arg8 : memref<128x256xf32, #tpu.memory_space<vmem>>) dst(%dma_wait3A_20 : memref<128x256xf32, #tpu.memory_space<hbm>>)
      tpu.yield
    }) : () -> ()
    return
  }
}

#map = affine_map<(d0, d1) -> (0, 0)>
#map1 = affine_map<(d0, d1) -> (0)>
module attributes {stable_mosaic.version = 14 : i64} {
  func.func @body(%arg0: i32, %arg1: i32, %arg2: memref<80400x256xf32, #tpu.memory_space<hbm>>, %arg3: memref<245760xi32, #tpu.memory_space<hbm>>, %arg4: memref<245760x256xf32, #tpu.memory_space<hbm>>, %arg5: memref<128xi32, #tpu.memory_space<vmem>>, %arg6: memref<128x256xf32, #tpu.memory_space<vmem>>, %arg7: memref<!tpu.dma_semaphore, #tpu.memory_space<semaphore_mem>>) attributes {dimension_semantics = [#tpu.dimension_semantics<core_parallel>, #tpu.dimension_semantics<subcore_parallel>], iteration_bounds = array<i64: 2, 16>, scalar_prefetch = 0 : i64, scratch_operands = 3 : i64, tpu.core_type = #tpu.core_type<sc_vector_subcore>, window_params = [{transform_indices = #map}, {transform_indices = #map1}, {transform_indices = #map}]} {
    %mul3A = arith.constant 2 : i32
    %mul3A_0 = arith.muli %arg1, %mul3A : i32
    %add3A = arith.addi %mul3A_0, %arg0 : i32
    %scan3A = arith.constant 0 : i32
    %scan3A_1 = arith.constant 0 : i32
    %scan3A_2 = arith.constant 60 : i32
    %scan3A_3 = arith.addi %scan3A_1, %scan3A_2 : i32
    %scan3A_4 = arith.constant 1 : i32
    %scan3A_5 = scf.for %scan3A_7 = %scan3A_1 to %scan3A_3 step %scan3A_4 iter_args(%scan3A_8 = %scan3A) -> (i32)  : i32 {
      %mul3A_9 = arith.constant 7680 : i32
      %mul3A_10 = arith.muli %add3A, %mul3A_9 : i32
      %mul3A_11 = arith.constant 128 : i32
      %mul3A_12 = arith.muli %scan3A_7, %mul3A_11 : i32
      %add3A_13 = arith.addi %mul3A_10, %mul3A_12 : i32
      %multiple_of3A = tpu.assume_multiple %add3A_13, 128 : i32
      "tpu.region"() ({
        %run_scoped3A = tpu.sem_alloc : memref<!tpu.dma_semaphore, #tpu.memory_space<semaphore_mem>>
        %dma_start3A_19 = tpu.memref_slice %arg3[%multiple_of3A] : memref<245760xi32, #tpu.memory_space<hbm>> -> memref<128xi32, #tpu.memory_space<hbm>>
        %dma_start3A_20 = tpu.memref_slice %arg3[%multiple_of3A] : memref<245760xi32, #tpu.memory_space<hbm>> -> memref<128xi32, #tpu.memory_space<hbm>>
        tpu.enqueue_dma source(%dma_start3A_20 : memref<128xi32, #tpu.memory_space<hbm>>) target(%arg5 : memref<128xi32, #tpu.memory_space<vmem>>) target_semaphore(%run_scoped3A : memref<!tpu.dma_semaphore, #tpu.memory_space<semaphore_mem>>)
        %dma_wait3A_21 = tpu.memref_slice %arg3[%multiple_of3A] : memref<245760xi32, #tpu.memory_space<hbm>> -> memref<128xi32, #tpu.memory_space<hbm>>
        %dma_wait3A_22 = tpu.memref_slice %arg3[%multiple_of3A] : memref<245760xi32, #tpu.memory_space<hbm>> -> memref<128xi32, #tpu.memory_space<hbm>>
        tpu.wait_dma2 semaphore(%run_scoped3A : memref<!tpu.dma_semaphore, #tpu.memory_space<semaphore_mem>>) src(%dma_wait3A_22 : memref<128xi32, #tpu.memory_space<hbm>>) dst(%arg5 : memref<128xi32, #tpu.memory_space<vmem>>)
        tpu.yield
      }) : () -> ()
      %dma_start3A = arith.constant 0 : i32
      %dma_start3A_14 = arith.constant 0 : i32
      %dma_start3A_15 = tpu.memref_slice %arg2[%dma_start3A, %dma_start3A_14] : memref<80400x256xf32, #tpu.memory_space<hbm>> -> memref<80400x256xf32, #tpu.memory_space<hbm>>
      tpu.enqueue_indirect_dma source(%dma_start3A_15 : memref<80400x256xf32, #tpu.memory_space<hbm>>) target(%arg6 : memref<128x256xf32, #tpu.memory_space<vmem>>) offsets(%arg5 : memref<128xi32, #tpu.memory_space<vmem>>) semaphore(%arg7 : memref<!tpu.dma_semaphore, #tpu.memory_space<semaphore_mem>>)
      %dma_wait3A = arith.constant 0 : i32
      %dma_wait3A_16 = arith.constant 0 : i32
      %dma_wait3A_17 = tpu.memref_slice %arg2[%dma_wait3A, %dma_wait3A_16] : memref<80400x256xf32, #tpu.memory_space<hbm>> -> memref<80400x256xf32, #tpu.memory_space<hbm>>
      tpu.wait_indirect_dma semaphore(%arg7 : memref<!tpu.dma_semaphore, #tpu.memory_space<semaphore_mem>>) src(%dma_wait3A_17 : memref<80400x256xf32, #tpu.memory_space<hbm>>) dst(%arg6 : memref<128x256xf32, #tpu.memory_space<vmem>>)
      "tpu.region"() ({
        %run_scoped3A = tpu.sem_alloc : memref<!tpu.dma_semaphore, #tpu.memory_space<semaphore_mem>>
        %dma_start3A_19 = arith.constant 0 : i32
        %dma_start3A_20 = tpu.memref_slice %arg4[%multiple_of3A, %dma_start3A_19] : memref<245760x256xf32, #tpu.memory_space<hbm>> -> memref<128x256xf32, #tpu.memory_space<hbm>>
        %dma_start3A_21 = arith.constant 0 : i32
        %dma_start3A_22 = tpu.memref_slice %arg4[%multiple_of3A, %dma_start3A_21] : memref<245760x256xf32, #tpu.memory_space<hbm>> -> memref<128x256xf32, #tpu.memory_space<hbm>>
        tpu.enqueue_dma source(%arg6 : memref<128x256xf32, #tpu.memory_space<vmem>>) target(%dma_start3A_22 : memref<128x256xf32, #tpu.memory_space<hbm>>) target_semaphore(%run_scoped3A : memref<!tpu.dma_semaphore, #tpu.memory_space<semaphore_mem>>)
        %dma_wait3A_23 = arith.constant 0 : i32
        %dma_wait3A_24 = tpu.memref_slice %arg4[%multiple_of3A, %dma_wait3A_23] : memref<245760x256xf32, #tpu.memory_space<hbm>> -> memref<128x256xf32, #tpu.memory_space<hbm>>
        %dma_wait3A_25 = arith.constant 0 : i32
        %dma_wait3A_26 = tpu.memref_slice %arg4[%multiple_of3A, %dma_wait3A_25] : memref<245760x256xf32, #tpu.memory_space<hbm>> -> memref<128x256xf32, #tpu.memory_space<hbm>>
        tpu.wait_dma2 semaphore(%run_scoped3A : memref<!tpu.dma_semaphore, #tpu.memory_space<semaphore_mem>>) src(%arg6 : memref<128x256xf32, #tpu.memory_space<vmem>>) dst(%dma_wait3A_26 : memref<128x256xf32, #tpu.memory_space<hbm>>)
        tpu.yield
      }) : () -> ()
      %scan3A_18 = arith.constant 0 : i32
      scf.yield %scan3A_18 : i32
    }
    %scan3A_6 = arith.constant 60 : i32
    return
  }
}

#map = affine_map<(d0, d1) -> (0, 0)>
#map1 = affine_map<(d0, d1) -> (0)>
module attributes {stable_mosaic.version = 14 : i64} {
  func.func @body(%arg0: i32, %arg1: i32, %arg2: memref<80400x256xf32, #tpu.memory_space<hbm>>, %arg3: memref<245760xi32, #tpu.memory_space<hbm>>, %arg4: memref<245760x256xf32, #tpu.memory_space<hbm>>, %arg5: memref<128xi32, #tpu.memory_space<vmem>>, %arg6: memref<128x256xf32, #tpu.memory_space<vmem>>, %arg7: memref<!tpu.dma_semaphore, #tpu.memory_space<semaphore_mem>>) attributes {dimension_semantics = [#tpu.dimension_semantics<core_parallel>, #tpu.dimension_semantics<subcore_parallel>], iteration_bounds = array<i64: 2, 16>, scalar_prefetch = 0 : i64, scratch_operands = 3 : i64, tpu.core_type = #tpu.core_type<sc_vector_subcore>, window_params = [{transform_indices = #map}, {transform_indices = #map1}, {transform_indices = #map}]} {
    %mul3A = arith.constant 2 : i32
    %mul3A_0 = arith.muli %arg1, %mul3A : i32
    %add3A = arith.addi %mul3A_0, %arg0 : i32
    %scan3A = arith.constant 0 : i32
    %scan3A_1 = arith.constant 0 : i32
    %scan3A_2 = arith.constant 60 : i32
    %scan3A_3 = arith.addi %scan3A_1, %scan3A_2 : i32
    %scan3A_4 = arith.constant 1 : i32
    %scan3A_5 = scf.for %scan3A_7 = %scan3A_1 to %scan3A_3 step %scan3A_4 iter_args(%scan3A_8 = %scan3A) -> (i32)  : i32 {
      %mul3A_9 = arith.constant 7680 : i32
      %mul3A_10 = arith.muli %add3A, %mul3A_9 : i32
      %mul3A_11 = arith.constant 128 : i32
      %mul3A_12 = arith.muli %scan3A_7, %mul3A_11 : i32
      %add3A_13 = arith.addi %mul3A_10, %mul3A_12 : i32
      %multiple_of3A = tpu.assume_multiple %add3A_13, 128 : i32
      "tpu.region"() ({
        %run_scoped3A = tpu.sem_alloc : memref<!tpu.dma_semaphore, #tpu.memory_space<semaphore_mem>>
        %dma_start3A_19 = tpu.memref_slice %arg3[%multiple_of3A] : memref<245760xi32, #tpu.memory_space<hbm>> -> memref<128xi32, #tpu.memory_space<hbm>>
        %dma_start3A_20 = tpu.memref_slice %arg3[%multiple_of3A] : memref<245760xi32, #tpu.memory_space<hbm>> -> memref<128xi32, #tpu.memory_space<hbm>>
        tpu.enqueue_dma source(%dma_start3A_20 : memref<128xi32, #tpu.memory_space<hbm>>) target(%arg5 : memref<128xi32, #tpu.memory_space<vmem>>) target_semaphore(%run_scoped3A : memref<!tpu.dma_semaphore, #tpu.memory_space<semaphore_mem>>)
        %dma_wait3A_21 = tpu.memref_slice %arg3[%multiple_of3A] : memref<245760xi32, #tpu.memory_space<hbm>> -> memref<128xi32, #tpu.memory_space<hbm>>
        %dma_wait3A_22 = tpu.memref_slice %arg3[%multiple_of3A] : memref<245760xi32, #tpu.memory_space<hbm>> -> memref<128xi32, #tpu.memory_space<hbm>>
        tpu.wait_dma2 semaphore(%run_scoped3A : memref<!tpu.dma_semaphore, #tpu.memory_space<semaphore_mem>>) src(%dma_wait3A_22 : memref<128xi32, #tpu.memory_space<hbm>>) dst(%arg5 : memref<128xi32, #tpu.memory_space<vmem>>)
        tpu.yield
      }) : () -> ()
      %dma_start3A = arith.constant 0 : i32
      %dma_start3A_14 = arith.constant 0 : i32
      %dma_start3A_15 = tpu.memref_slice %arg2[%dma_start3A, %dma_start3A_14] : memref<80400x256xf32, #tpu.memory_space<hbm>> -> memref<80400x256xf32, #tpu.memory_space<hbm>>
      tpu.enqueue_indirect_dma source(%dma_start3A_15 : memref<80400x256xf32, #tpu.memory_space<hbm>>) target(%arg6 : memref<128x256xf32, #tpu.memory_space<vmem>>) offsets(%arg5 : memref<128xi32, #tpu.memory_space<vmem>>) semaphore(%arg7 : memref<!tpu.dma_semaphore, #tpu.memory_space<semaphore_mem>>)
      %dma_wait3A = arith.constant 0 : i32
      %dma_wait3A_16 = arith.constant 0 : i32
      %dma_wait3A_17 = tpu.memref_slice %arg2[%dma_wait3A, %dma_wait3A_16] : memref<80400x256xf32, #tpu.memory_space<hbm>> -> memref<80400x256xf32, #tpu.memory_space<hbm>>
      tpu.wait_indirect_dma semaphore(%arg7 : memref<!tpu.dma_semaphore, #tpu.memory_space<semaphore_mem>>) src(%dma_wait3A_17 : memref<80400x256xf32, #tpu.memory_space<hbm>>) dst(%arg6 : memref<128x256xf32, #tpu.memory_space<vmem>>)
      "tpu.region"() ({
        %run_scoped3A = tpu.sem_alloc : memref<!tpu.dma_semaphore, #tpu.memory_space<semaphore_mem>>
        %dma_start3A_19 = arith.constant 0 : i32
        %dma_start3A_20 = tpu.memref_slice %arg4[%multiple_of3A, %dma_start3A_19] : memref<245760x256xf32, #tpu.memory_space<hbm>> -> memref<128x256xf32, #tpu.memory_space<hbm>>
        %dma_start3A_21 = arith.constant 0 : i32
        %dma_start3A_22 = tpu.memref_slice %arg4[%multiple_of3A, %dma_start3A_21] : memref<245760x256xf32, #tpu.memory_space<hbm>> -> memref<128x256xf32, #tpu.memory_space<hbm>>
        tpu.enqueue_dma source(%arg6 : memref<128x256xf32, #tpu.memory_space<vmem>>) target(%dma_start3A_22 : memref<128x256xf32, #tpu.memory_space<hbm>>) target_semaphore(%run_scoped3A : memref<!tpu.dma_semaphore, #tpu.memory_space<semaphore_mem>>)
        %dma_wait3A_23 = arith.constant 0 : i32
        %dma_wait3A_24 = tpu.memref_slice %arg4[%multiple_of3A, %dma_wait3A_23] : memref<245760x256xf32, #tpu.memory_space<hbm>> -> memref<128x256xf32, #tpu.memory_space<hbm>>
        %dma_wait3A_25 = arith.constant 0 : i32
        %dma_wait3A_26 = tpu.memref_slice %arg4[%multiple_of3A, %dma_wait3A_25] : memref<245760x256xf32, #tpu.memory_space<hbm>> -> memref<128x256xf32, #tpu.memory_space<hbm>>
        tpu.wait_dma2 semaphore(%run_scoped3A : memref<!tpu.dma_semaphore, #tpu.memory_space<semaphore_mem>>) src(%arg6 : memref<128x256xf32, #tpu.memory_space<vmem>>) dst(%dma_wait3A_26 : memref<128x256xf32, #tpu.memory_space<hbm>>)
        tpu.yield
      }) : () -> ()
      %scan3A_18 = arith.constant 0 : i32
      scf.yield %scan3A_18 : i32
    }
    %scan3A_6 = arith.constant 60 : i32
    return
  }
}

module attributes {stable_mosaic.version = 14 : i64} {
  func.func @_xr_body(%arg0: i32, %arg1: memref<400x256xf32, #tpu.memory_space<vmem>>, %arg2: memref<1x256x256xf32, #tpu.memory_space<vmem>>, %arg3: memref<400x256xf32, #tpu.memory_space<vmem>>) attributes {dimension_semantics = [#tpu.dimension_semantics<arbitrary>], iteration_bounds = array<i64: 201>, scalar_prefetch = 0 : i64, scratch_operands = 0 : i64, tpu.core_type = #tpu.core_type<tc>, window_params = [{transform_indices = @transform_0, window_bounds = array<i64: 400, 256>}, {transform_indices = @transform_1, window_bounds = array<i64: 1, 256, 256>}, {transform_indices = @transform_2, window_bounds = array<i64: 400, 256>}]} {
    %lt3A = arith.constant 200 : i32
    %lt3A_0 = arith.cmpi slt, %arg0, %lt3A : i32
    %convert_element_type3A = arith.extui %lt3A_0 : i1 to i32
    %cond3A = arith.constant 0 : i32
    %cond3A_1 = arith.cmpi ne, %convert_element_type3A, %cond3A : i32
    scf.if %cond3A_1 {
      %get3A = arith.constant 0 : index
      %get3A_6 = arith.constant 0 : index
      %get3A_7 = vector.load %arg1[%get3A, %get3A_6] : memref<400x256xf32, #tpu.memory_space<vmem>>, vector<400x256xf32>
      %get3A_8 = arith.constant 0 : index
      %get3A_9 = arith.constant 0 : index
      %get3A_10 = arith.constant 0 : index
      %get3A_11 = vector.load %arg2[%get3A_8, %get3A_9, %get3A_10] : memref<1x256x256xf32, #tpu.memory_space<vmem>>, vector<1x256x256xf32>
      %get3A_12 = vector.shape_cast %get3A_11 : vector<1x256x256xf32> to vector<256x256xf32>
      %dot_general3A = arith.constant dense<0.000000e+00> : vector<400x256xf32>
      %dot_general3A_13 = tpu.matmul %get3A_7, %get3A_12, %dot_general3A {dimension_numbers = #tpu.dot_dimension_numbers<[1], [0], [0], [1], [0, 0, 1, 1], [], []>, transpose_lhs_hint = false} : vector<400x256xf32>, vector<256x256xf32>, vector<400x256xf32> -> vector<400x256xf32>
      %swap3A = arith.constant 0 : index
      %swap3A_14 = arith.constant 0 : index
      %swap3A_15 = vector.load %arg3[%swap3A, %swap3A_14] : memref<400x256xf32, #tpu.memory_space<vmem>>, vector<400x256xf32>
      tpu.vector_store %arg3[%swap3A, %swap3A_14], %dot_general3A_13 {strides = array<i32>} : memref<400x256xf32, #tpu.memory_space<vmem>>, vector<400x256xf32>,
    } else {
    }
    %ge3A = arith.constant 200 : i32
    %ge3A_2 = arith.cmpi sge, %arg0, %ge3A : i32
    %convert_element_type3A_3 = arith.extui %ge3A_2 : i1 to i32
    %cond3A_4 = arith.constant 0 : i32
    %cond3A_5 = arith.cmpi ne, %convert_element_type3A_3, %cond3A_4 : i32
    scf.if %cond3A_5 {
      %broadcast_in_dim3A = arith.constant 0.000000e+00 : f32
      %broadcast_in_dim3A_6 = vector.broadcast %broadcast_in_dim3A : f32 to vector<400x256xf32>
      %swap3A = arith.constant 0 : index
      %swap3A_7 = arith.constant 0 : index
      %swap3A_8 = vector.load %arg3[%swap3A, %swap3A_7] : memref<400x256xf32, #tpu.memory_space<vmem>>, vector<400x256xf32>
      tpu.vector_store %arg3[%swap3A, %swap3A_7], %broadcast_in_dim3A_6 {strides = array<i32>} : memref<400x256xf32, #tpu.memory_space<vmem>>, vector<400x256xf32>,
    } else {
    }
    return
  }
  func.func @transform_0(%arg0: i32) -> (i32, i32) {
    %jit3A = arith.constant 25 : i32
    %eq3A = arith.constant 0 : i32
    %eq3A_0 = arith.cmpi eq, %jit3A, %eq3A : i32
    %jit3A_1 = arith.constant 1 : i32
    %select_n3A = arith.select %eq3A_0, %jit3A_1, %jit3A : i32
    %rem3A = arith.remsi %arg0, %select_n3A : i32
    %ne3A = arith.constant 0 : i32
    %ne3A_2 = arith.cmpi ne, %rem3A, %ne3A : i32
    %lt3A = arith.constant 0 : i32
    %lt3A_3 = arith.cmpi slt, %rem3A, %lt3A : i32
    %lt3A_4 = arith.constant 0 : i32
    %lt3A_5 = arith.cmpi slt, %select_n3A, %lt3A_4 : i32
    %ne3A_6 = arith.xori %lt3A_3, %lt3A_5 : i1
    %and3A = arith.andi %ne3A_6, %ne3A_2 : i1
    %add3A = arith.addi %rem3A, %select_n3A : i32
    %select_n3A_7 = arith.select %and3A, %add3A, %rem3A : i32
    %c0_i32 = arith.constant 0 : i32
    %c0_i32_8 = arith.constant 0 : i32
    return %select_n3A_7, %c0_i32 : i32, i32
  }
  func.func @transform_1(%arg0: i32) -> (i32, i32, i32) {
    %jit3A = arith.constant 25 : i32
    %div3A = arith.divsi %arg0, %jit3A : i32
    %sign3A = arith.constant 0 : i32
    %sign3A_0 = arith.cmpi sgt, %arg0, %sign3A : i32
    %sign3A_1 = arith.extui %sign3A_0 : i1 to i32
    %sign3A_2 = arith.constant 0 : i32
    %sign3A_3 = arith.cmpi slt, %arg0, %sign3A_2 : i32
    %sign3A_4 = arith.extui %sign3A_3 : i1 to i32
    %sign3A_5 = arith.subi %sign3A_1, %sign3A_4 : i32
    %sign3A_6 = arith.constant 0 : i32
    %sign3A_7 = arith.cmpi sgt, %jit3A, %sign3A_6 : i32
    %sign3A_8 = arith.extui %sign3A_7 : i1 to i32
    %sign3A_9 = arith.constant 0 : i32
    %sign3A_10 = arith.cmpi slt, %jit3A, %sign3A_9 : i32
    %sign3A_11 = arith.extui %sign3A_10 : i1 to i32
    %sign3A_12 = arith.subi %sign3A_8, %sign3A_11 : i32
    %ne3A = arith.cmpi ne, %sign3A_5, %sign3A_12 : i32
    %rem3A = arith.remsi %arg0, %jit3A : i32
    %ne3A_13 = arith.constant 0 : i32
    %ne3A_14 = arith.cmpi ne, %rem3A, %ne3A_13 : i32
    %and3A = arith.andi %ne3A, %ne3A_14 : i1
    %sub3A = arith.constant 1 : i32
    %sub3A_15 = arith.subi %div3A, %sub3A : i32
    %select_n3A = arith.select %and3A, %sub3A_15, %div3A : i32
    %min3A = arith.constant 7 : i32
    %min3A_16 = arith.minsi %select_n3A, %min3A : i32
    %c0_i32 = arith.constant 0 : i32
    %c0_i32_17 = arith.constant 0 : i32
    %c0_i32_18 = arith.constant 0 : i32
    return %min3A_16, %c0_i32, %c0_i32_17 : i32, i32, i32
  }
  func.func @transform_2(%arg0: i32) -> (i32, i32) {
    %c0_i32 = arith.constant 0 : i32
    %c0_i32_0 = arith.constant 0 : i32
    return %arg0, %c0_i32 : i32, i32
  }
}

module attributes {stable_mosaic.version = 14 : i64} {
  func.func @_reduce_body(%arg0: i32, %arg1: i32, %arg2: memref<512x256xf32, #tpu.memory_space<vmem>>, %arg3: memref<512x1xi32, #tpu.memory_space<vmem>>, %arg4: memref<320x256xf32, #tpu.memory_space<vmem>>) attributes {dimension_semantics = [#tpu.dimension_semantics<arbitrary>, #tpu.dimension_semantics<arbitrary>], iteration_bounds = array<i64: 32, 15>, scalar_prefetch = 0 : i64, scratch_operands = 0 : i64, tpu.core_type = #tpu.core_type<tc>, window_params = [{transform_indices = @transform_0, window_bounds = array<i64: 512, 256>}, {transform_indices = @transform_1, window_bounds = array<i64: 512, 1>}, {transform_indices = @transform_2, window_bounds = array<i64: 320, 256>}]} {
    %get3A = arith.constant 0 : index
    %get3A_0 = arith.constant 0 : index
    %get3A_1 = vector.load %arg3[%get3A, %get3A_0] : memref<512x1xi32, #tpu.memory_space<vmem>>, vector<512x1xi32>
    %mul3A = arith.constant 320 : i32
    %mul3A_2 = arith.muli %arg0, %mul3A : i32
    %sub3A = vector.broadcast %mul3A_2 : i32 to vector<512x1xi32>
    %sub3A_3 = arith.subi %get3A_1, %sub3A : vector<512x1xi32>
    %iota3A = tpu.iota {dimensions = array<i32: 1>} : vector<512x320xi32>
    %eq3A = vector.broadcast %sub3A_3 : vector<512x1xi32> to vector<512x320xi32>
    %eq3A_4 = arith.cmpi eq, %eq3A, %iota3A : vector<512x320xi32>
    %convert_element_type3A = arith.extui %eq3A_4 : vector<512x320xi1> to vector<512x320xi32>
    %convert_element_type3A_5 = arith.sitofp %convert_element_type3A : vector<512x320xi32> to vector<512x320xf32>
    %get3A_6 = arith.constant 0 : index
    %get3A_7 = arith.constant 0 : index
    %get3A_8 = vector.load %arg2[%get3A_6, %get3A_7] : memref<512x256xf32, #tpu.memory_space<vmem>>, vector<512x256xf32>
    %dot_general3A = arith.constant dense<0.000000e+00> : vector<320x256xf32>
    %dot_general3A_9 = tpu.matmul %convert_element_type3A_5, %get3A_8, %dot_general3A {dimension_numbers = #tpu.dot_dimension_numbers<[0], [0], [1], [1], [0, 1, 1, 1], [], []>, transpose_lhs_hint = false} : vector<512x320xf32>, vector<512x256xf32>, vector<320x256xf32> -> vector<320x256xf32>
    %eq3A_10 = arith.constant 0 : i32
    %eq3A_11 = arith.cmpi eq, %arg1, %eq3A_10 : i32
    %convert_element_type3A_12 = arith.extui %eq3A_11 : i1 to i32
    %cond3A = arith.constant 0 : i32
    %cond3A_13 = arith.cmpi ne, %convert_element_type3A_12, %cond3A : i32
    scf.if %cond3A_13 {
      %swap3A = arith.constant 0 : index
      %swap3A_18 = arith.constant 0 : index
      %swap3A_19 = vector.load %arg4[%swap3A, %swap3A_18] : memref<320x256xf32, #tpu.memory_space<vmem>>, vector<320x256xf32>
      tpu.vector_store %arg4[%swap3A, %swap3A_18], %dot_general3A_9 {strides = array<i32>} : memref<320x256xf32, #tpu.memory_space<vmem>>, vector<320x256xf32>,
    } else {
    }
    %gt3A = arith.constant 0 : i32
    %gt3A_14 = arith.cmpi sgt, %arg1, %gt3A : i32
    %convert_element_type3A_15 = arith.extui %gt3A_14 : i1 to i32
    %cond3A_16 = arith.constant 0 : i32
    %cond3A_17 = arith.cmpi ne, %convert_element_type3A_15, %cond3A_16 : i32
    scf.if %cond3A_17 {
      %get3A_18 = arith.constant 0 : index
      %get3A_19 = arith.constant 0 : index
      %get3A_20 = vector.load %arg4[%get3A_18, %get3A_19] : memref<320x256xf32, #tpu.memory_space<vmem>>, vector<320x256xf32>
      %add3A = arith.addf %get3A_20, %dot_general3A_9 : vector<320x256xf32>
      %swap3A = arith.constant 0 : index
      %swap3A_21 = arith.constant 0 : index
      %swap3A_22 = vector.load %arg4[%swap3A, %swap3A_21] : memref<320x256xf32, #tpu.memory_space<vmem>>, vector<320x256xf32>
      tpu.vector_store %arg4[%swap3A, %swap3A_21], %add3A {strides = array<i32>} : memref<320x256xf32, #tpu.memory_space<vmem>>, vector<320x256xf32>,
    } else {
    }
    return
  }
  func.func @transform_0(%arg0: i32, %arg1: i32) -> (i32, i32) {
    %mul3A = arith.constant 15 : i32
    %mul3A_0 = arith.muli %arg0, %mul3A : i32
    %add3A = arith.addi %mul3A_0, %arg1 : i32
    %c0_i32 = arith.constant 0 : i32
    %c0_i32_1 = arith.constant 0 : i32
    return %add3A, %c0_i32 : i32, i32
  }
  func.func @transform_1(%arg0: i32, %arg1: i32) -> (i32, i32) {
    %mul3A = arith.constant 15 : i32
    %mul3A_0 = arith.muli %arg0, %mul3A : i32
    %add3A = arith.addi %mul3A_0, %arg1 : i32
    %c0_i32 = arith.constant 0 : i32
    %c0_i32_1 = arith.constant 0 : i32
    return %add3A, %c0_i32 : i32, i32
  }
  func.func @transform_2(%arg0: i32, %arg1: i32) -> (i32, i32) {
    %c0_i32 = arith.constant 0 : i32
    %c0_i32_0 = arith.constant 0 : i32
    return %arg0, %c0_i32 : i32, i32
  }
}

module attributes {stable_mosaic.version = 14 : i64} {
  func.func @_comb_body(%arg0: i32, %arg1: memref<400x256xf32, #tpu.memory_space<vmem>>, %arg2: memref<400x1xf32, #tpu.memory_space<vmem>>, %arg3: memref<400x256xf32, #tpu.memory_space<vmem>>, %arg4: memref<256x256xf32, #tpu.memory_space<vmem>>, %arg5: memref<1x256xf32, #tpu.memory_space<vmem>>, %arg6: memref<400x256xf32, #tpu.memory_space<vmem>>) attributes {dimension_semantics = [#tpu.dimension_semantics<arbitrary>], iteration_bounds = array<i64: 25>, scalar_prefetch = 0 : i64, scratch_operands = 0 : i64, tpu.core_type = #tpu.core_type<tc>, window_params = [{transform_indices = @transform_0, window_bounds = array<i64: 400, 256>}, {transform_indices = @transform_1, window_bounds = array<i64: 400, 1>}, {transform_indices = @transform_2, window_bounds = array<i64: 400, 256>}, {pipeline_mode = #tpu.pipeline_mode<synchronous>, transform_indices = @transform_3, window_bounds = array<i64: 256, 256>}, {pipeline_mode = #tpu.pipeline_mode<synchronous>, transform_indices = @transform_4, window_bounds = array<i64: 1, 256>}, {transform_indices = @transform_5, window_bounds = array<i64: 400, 256>}]} {
    %get3A = arith.constant 0 : index
    %get3A_0 = arith.constant 0 : index
    %get3A_1 = vector.load %arg2[%get3A, %get3A_0] : memref<400x1xf32, #tpu.memory_space<vmem>>, vector<400x1xf32>
    %max3A = arith.constant 1.000000e+00 : f32
    %max3A_2 = vector.broadcast %max3A : f32 to vector<400x1xf32>
    %max3A_3 = arith.maximumf %get3A_1, %max3A_2 : vector<400x1xf32>
    %get3A_4 = arith.constant 0 : index
    %get3A_5 = arith.constant 0 : index
    %get3A_6 = vector.load %arg1[%get3A_4, %get3A_5] : memref<400x256xf32, #tpu.memory_space<vmem>>, vector<400x256xf32>
    %div3A = vector.broadcast %max3A_3 : vector<400x1xf32> to vector<400x256xf32>
    %div3A_7 = arith.divf %get3A_6, %div3A : vector<400x256xf32>
    %get3A_8 = arith.constant 0 : index
    %get3A_9 = arith.constant 0 : index
    %get3A_10 = vector.load %arg3[%get3A_8, %get3A_9] : memref<400x256xf32, #tpu.memory_space<vmem>>, vector<400x256xf32>
    %get3A_11 = arith.constant 0 : index
    %get3A_12 = arith.constant 0 : index
    %get3A_13 = vector.load %arg4[%get3A_11, %get3A_12] : memref<256x256xf32, #tpu.memory_space<vmem>>, vector<256x256xf32>
    %dot_general3A = arith.constant dense<0.000000e+00> : vector<400x256xf32>
    %dot_general3A_14 = tpu.matmul %get3A_10, %get3A_13, %dot_general3A {dimension_numbers = #tpu.dot_dimension_numbers<[1], [0], [0], [1], [0, 0, 1, 1], [], []>, transpose_lhs_hint = false} : vector<400x256xf32>, vector<256x256xf32>, vector<400x256xf32> -> vector<400x256xf32>
    %add3A = arith.addf %div3A_7, %dot_general3A_14 : vector<400x256xf32>
    %get3A_15 = arith.constant 0 : index
    %get3A_16 = arith.constant 0 : index
    %get3A_17 = vector.load %arg5[%get3A_15, %get3A_16] : memref<1x256xf32, #tpu.memory_space<vmem>>, vector<1x256xf32>
    %add3A_18 = vector.broadcast %get3A_17 : vector<1x256xf32> to vector<400x256xf32>
    %add3A_19 = arith.addf %add3A, %add3A_18 : vector<400x256xf32>
    %max3A_20 = arith.constant 0.000000e+00 : f32
    %max3A_21 = vector.broadcast %max3A_20 : f32 to vector<400x256xf32>
    %max3A_22 = arith.maximumf %add3A_19, %max3A_21 : vector<400x256xf32>
    %swap3A = arith.constant 0 : index
    %swap3A_23 = arith.constant 0 : index
    %swap3A_24 = vector.load %arg6[%swap3A, %swap3A_23] : memref<400x256xf32, #tpu.memory_space<vmem>>, vector<400x256xf32>
    tpu.vector_store %arg6[%swap3A, %swap3A_23], %max3A_22 {strides = array<i32>} : memref<400x256xf32, #tpu.memory_space<vmem>>, vector<400x256xf32>,
    return
  }
  func.func @transform_0(%arg0: i32) -> (i32, i32) {
    %c0_i32 = arith.constant 0 : i32
    %c0_i32_0 = arith.constant 0 : i32
    return %arg0, %c0_i32 : i32, i32
  }
  func.func @transform_1(%arg0: i32) -> (i32, i32) {
    %c0_i32 = arith.constant 0 : i32
    %c0_i32_0 = arith.constant 0 : i32
    return %arg0, %c0_i32 : i32, i32
  }
  func.func @transform_2(%arg0: i32) -> (i32, i32) {
    %c0_i32 = arith.constant 0 : i32
    %c0_i32_0 = arith.constant 0 : i32
    return %arg0, %c0_i32 : i32, i32
  }
  func.func @transform_3(%arg0: i32) -> (i32, i32) {
    %c0_i32 = arith.constant 0 : i32
    %c0_i32_0 = arith.constant 0 : i32
    %c0_i32_1 = arith.constant 0 : i32
    return %c0_i32, %c0_i32_0 : i32, i32
  }
  func.func @transform_4(%arg0: i32) -> (i32, i32) {
    %c0_i32 = arith.constant 0 : i32
    %c0_i32_0 = arith.constant 0 : i32
    %c0_i32_1 = arith.constant 0 : i32
    return %c0_i32, %c0_i32_0 : i32, i32
  }
  func.func @transform_5(%arg0: i32) -> (i32, i32) {
    %c0_i32 = arith.constant 0 : i32
    %c0_i32_0 = arith.constant 0 : i32
    return %arg0, %c0_i32 : i32, i32
  }
}

module attributes {stable_mosaic.version = 14 : i64} {
  func.func @_score_body(%arg0: i32, %arg1: memref<512x256xf32, #tpu.memory_space<vmem>>, %arg2: memref<512x256xf32, #tpu.memory_space<vmem>>, %arg3: memref<512x5xf32, #tpu.memory_space<vmem>>, %arg4: memref<512x1xi32, #tpu.memory_space<vmem>>, %arg5: memref<5x256xf32, #tpu.memory_space<vmem>>, %arg6: memref<1x256xf32, #tpu.memory_space<vmem>>, %arg7: memref<256x256xf32, #tpu.memory_space<vmem>>, %arg8: memref<1x256xf32, #tpu.memory_space<vmem>>, %arg9: memref<1x256xf32, #tpu.memory_space<vmem>>, %arg10: memref<1x256xf32, #tpu.memory_space<vmem>>, %arg11: memref<256x256xf32, #tpu.memory_space<vmem>>, %arg12: memref<256x256xf32, #tpu.memory_space<vmem>>, %arg13: memref<1x256xf32, #tpu.memory_space<vmem>>, %arg14: memref<8x256xf32, #tpu.memory_space<vmem>>, %arg15: memref<512x1xf32, #tpu.memory_space<vmem>>) attributes {dimension_semantics = [#tpu.dimension_semantics<arbitrary>], iteration_bounds = array<i64: 8>, scalar_prefetch = 0 : i64, scratch_operands = 0 : i64, tpu.core_type = #tpu.core_type<tc>, window_params = [{transform_indices = @transform_0, window_bounds = array<i64: 512, 256>}, {transform_indices = @transform_1, window_bounds = array<i64: 512, 256>}, {transform_indices = @transform_2, window_bounds = array<i64: 512, 5>}, {transform_indices = @transform_3, window_bounds = array<i64: 512, 1>}, {pipeline_mode = #tpu.pipeline_mode<synchronous>, transform_indices = @transform_4, window_bounds = array<i64: 5, 256>}, {pipeline_mode = #tpu.pipeline_mode<synchronous>, transform_indices = @transform_5, window_bounds = array<i64: 1, 256>}, {pipeline_mode = #tpu.pipeline_mode<synchronous>, transform_indices = @transform_6, window_bounds = array<i64: 256, 256>}, {pipeline_mode = #tpu.pipeline_mode<synchronous>, transform_indices = @transform_7, window_bounds = array<i64: 1, 256>}, {pipeline_mode = #tpu.pipeline_mode<synchronous>, transform_indices = @transform_8, window_bounds = array<i64: 1, 256>}, {pipeline_mode = #tpu.pipeline_mode<synchronous>, transform_indices = @transform_9, window_bounds = array<i64: 1, 256>}, {pipeline_mode = #tpu.pipeline_mode<synchronous>, transform_indices = @transform_10, window_bounds = array<i64: 256, 256>}, {pipeline_mode = #tpu.pipeline_mode<synchronous>, transform_indices = @transform_11, window_bounds = array<i64: 256, 256>}, {pipeline_mode = #tpu.pipeline_mode<synchronous>, transform_indices = @transform_12, window_bounds = array<i64: 1, 256>}, {pipeline_mode = #tpu.pipeline_mode<synchronous>, transform_indices = @transform_13, window_bounds = array<i64: 8, 256>}, {transform_indices = @transform_14, window_bounds = array<i64: 512, 1>}]} {
    %get3A = arith.constant 0 : index
    %get3A_0 = arith.constant 0 : index
    %get3A_1 = vector.load %arg3[%get3A, %get3A_0] : memref<512x5xf32, #tpu.memory_space<vmem>>, vector<512x5xf32>
    %get3A_2 = arith.constant 0 : index
    %get3A_3 = arith.constant 0 : index
    %get3A_4 = vector.load %arg5[%get3A_2, %get3A_3] : memref<5x256xf32, #tpu.memory_space<vmem>>, vector<5x256xf32>
    %dot_general3A = arith.constant dense<0.000000e+00> : vector<512x256xf32>
    %dot_general3A_5 = tpu.matmul %get3A_1, %get3A_4, %dot_general3A {dimension_numbers = #tpu.dot_dimension_numbers<[1], [0], [0], [1], [0, 0, 1, 1], [], []>, transpose_lhs_hint = false} : vector<512x5xf32>, vector<5x256xf32>, vector<512x256xf32> -> vector<512x256xf32>
    %get3A_6 = arith.constant 0 : index
    %get3A_7 = arith.constant 0 : index
    %get3A_8 = vector.load %arg6[%get3A_6, %get3A_7] : memref<1x256xf32, #tpu.memory_space<vmem>>, vector<1x256xf32>
    %add3A = vector.broadcast %get3A_8 : vector<1x256xf32> to vector<512x256xf32>
    %add3A_9 = arith.addf %dot_general3A_5, %add3A : vector<512x256xf32>
    %max3A = arith.constant 0.000000e+00 : f32
    %max3A_10 = vector.broadcast %max3A : f32 to vector<512x256xf32>
    %max3A_11 = arith.maximumf %add3A_9, %max3A_10 : vector<512x256xf32>
    %get3A_12 = arith.constant 0 : index
    %get3A_13 = arith.constant 0 : index
    %get3A_14 = vector.load %arg7[%get3A_12, %get3A_13] : memref<256x256xf32, #tpu.memory_space<vmem>>, vector<256x256xf32>
    %dot_general3A_15 = arith.constant dense<0.000000e+00> : vector<512x256xf32>
    %dot_general3A_16 = tpu.matmul %max3A_11, %get3A_14, %dot_general3A_15 {dimension_numbers = #tpu.dot_dimension_numbers<[1], [0], [0], [1], [0, 0, 1, 1], [], []>, transpose_lhs_hint = false} : vector<512x256xf32>, vector<256x256xf32>, vector<512x256xf32> -> vector<512x256xf32>
    %get3A_17 = arith.constant 0 : index
    %get3A_18 = arith.constant 0 : index
    %get3A_19 = vector.load %arg8[%get3A_17, %get3A_18] : memref<1x256xf32, #tpu.memory_space<vmem>>, vector<1x256xf32>
    %add3A_20 = vector.broadcast %get3A_19 : vector<1x256xf32> to vector<512x256xf32>
    %add3A_21 = arith.addf %dot_general3A_16, %add3A_20 : vector<512x256xf32>
    %reduce_sum3A = arith.constant dense<0.000000e+00> : vector<512xf32>
    %reduce_sum3A_22 = vector.multi_reduction <add>, %add3A_21, %reduce_sum3A [1] : vector<512x256xf32> to vector<512xf32>
    %broadcast_in_dim3A = vector.shape_cast %reduce_sum3A_22 : vector<512xf32> to vector<512x1xf32>
    %div3A = arith.constant 2.560000e+02 : f32
    %div3A_23 = vector.broadcast %div3A : f32 to vector<512x1xf32>
    %div3A_24 = arith.divf %broadcast_in_dim3A, %div3A_23 : vector<512x1xf32>
    %sub3A = vector.broadcast %div3A_24 : vector<512x1xf32> to vector<512x256xf32>
    %sub3A_25 = arith.subf %add3A_21, %sub3A : vector<512x256xf32>
    %integer_pow3A = arith.mulf %sub3A_25, %sub3A_25 : vector<512x256xf32>
    %reduce_sum3A_26 = arith.constant dense<0.000000e+00> : vector<512xf32>
    %reduce_sum3A_27 = vector.multi_reduction <add>, %integer_pow3A, %reduce_sum3A_26 [1] : vector<512x256xf32> to vector<512xf32>
    %broadcast_in_dim3A_28 = vector.shape_cast %reduce_sum3A_27 : vector<512xf32> to vector<512x1xf32>
    %div3A_29 = arith.constant 2.560000e+02 : f32
    %div3A_30 = vector.broadcast %div3A_29 : f32 to vector<512x1xf32>
    %div3A_31 = arith.divf %broadcast_in_dim3A_28, %div3A_30 : vector<512x1xf32>
    %sub3A_32 = vector.broadcast %div3A_24 : vector<512x1xf32> to vector<512x256xf32>
    %sub3A_33 = arith.subf %add3A_21, %sub3A_32 : vector<512x256xf32>
    %add3A_34 = arith.constant 9.99999974E-6 : f32
    %add3A_35 = vector.broadcast %add3A_34 : f32 to vector<512x1xf32>
    %add3A_36 = arith.addf %div3A_31, %add3A_35 : vector<512x1xf32>
    %sqrt3A = math.sqrt %add3A_36 : vector<512x1xf32>
    %div3A_37 = vector.broadcast %sqrt3A : vector<512x1xf32> to vector<512x256xf32>
    %div3A_38 = arith.divf %sub3A_33, %div3A_37 : vector<512x256xf32>
    %get3A_39 = arith.constant 0 : index
    %get3A_40 = arith.constant 0 : index
    %get3A_41 = vector.load %arg9[%get3A_39, %get3A_40] : memref<1x256xf32, #tpu.memory_space<vmem>>, vector<1x256xf32>
    %mul3A = vector.broadcast %get3A_41 : vector<1x256xf32> to vector<512x256xf32>
    %mul3A_42 = arith.mulf %div3A_38, %mul3A : vector<512x256xf32>
    %get3A_43 = arith.constant 0 : index
    %get3A_44 = arith.constant 0 : index
    %get3A_45 = vector.load %arg10[%get3A_43, %get3A_44] : memref<1x256xf32, #tpu.memory_space<vmem>>, vector<1x256xf32>
    %add3A_46 = vector.broadcast %get3A_45 : vector<1x256xf32> to vector<512x256xf32>
    %add3A_47 = arith.addf %mul3A_42, %add3A_46 : vector<512x256xf32>
    %max3A_48 = arith.constant 0.000000e+00 : f32
    %max3A_49 = vector.broadcast %max3A_48 : f32 to vector<512x256xf32>
    %max3A_50 = arith.maximumf %add3A_47, %max3A_49 : vector<512x256xf32>
    %get3A_51 = arith.constant 0 : index
    %get3A_52 = arith.constant 0 : index
    %get3A_53 = vector.load %arg2[%get3A_51, %get3A_52] : memref<512x256xf32, #tpu.memory_space<vmem>>, vector<512x256xf32>
    %get3A_54 = arith.constant 0 : index
    %get3A_55 = arith.constant 0 : index
    %get3A_56 = vector.load %arg11[%get3A_54, %get3A_55] : memref<256x256xf32, #tpu.memory_space<vmem>>, vector<256x256xf32>
    %dot_general3A_57 = arith.constant dense<0.000000e+00> : vector<512x256xf32>
    %dot_general3A_58 = tpu.matmul %get3A_53, %get3A_56, %dot_general3A_57 {dimension_numbers = #tpu.dot_dimension_numbers<[1], [0], [0], [1], [0, 0, 1, 1], [], []>, transpose_lhs_hint = false} : vector<512x256xf32>, vector<256x256xf32>, vector<512x256xf32> -> vector<512x256xf32>
    %get3A_59 = arith.constant 0 : index
    %get3A_60 = arith.constant 0 : index
    %get3A_61 = vector.load %arg12[%get3A_59, %get3A_60] : memref<256x256xf32, #tpu.memory_space<vmem>>, vector<256x256xf32>
    %dot_general3A_62 = arith.constant dense<0.000000e+00> : vector<512x256xf32>
    %dot_general3A_63 = tpu.matmul %max3A_50, %get3A_61, %dot_general3A_62 {dimension_numbers = #tpu.dot_dimension_numbers<[1], [0], [0], [1], [0, 0, 1, 1], [], []>, transpose_lhs_hint = false} : vector<512x256xf32>, vector<256x256xf32>, vector<512x256xf32> -> vector<512x256xf32>
    %add3A_64 = arith.addf %dot_general3A_58, %dot_general3A_63 : vector<512x256xf32>
    %get3A_65 = arith.constant 0 : index
    %get3A_66 = arith.constant 0 : index
    %get3A_67 = vector.load %arg13[%get3A_65, %get3A_66] : memref<1x256xf32, #tpu.memory_space<vmem>>, vector<1x256xf32>
    %add3A_68 = vector.broadcast %get3A_67 : vector<1x256xf32> to vector<512x256xf32>
    %add3A_69 = arith.addf %add3A_64, %add3A_68 : vector<512x256xf32>
    %logistic3A = arith.negf %add3A_69 : vector<512x256xf32>
    %logistic3A_70 = math.exp %logistic3A : vector<512x256xf32>
    %logistic3A_71 = arith.constant 1.000000e+00 : f32
    %logistic3A_72 = vector.broadcast %logistic3A_71 : f32 to vector<512x256xf32>
    %logistic3A_73 = arith.addf %logistic3A_72, %logistic3A_70 : vector<512x256xf32>
    %logistic3A_74 = arith.divf %logistic3A_72, %logistic3A_73 : vector<512x256xf32>
    %mul3A_75 = arith.mulf %logistic3A_74, %max3A_50 : vector<512x256xf32>
    %add3A_76 = arith.addf %get3A_53, %mul3A_75 : vector<512x256xf32>
    %get3A_77 = arith.constant 0 : index
    %get3A_78 = arith.constant 0 : index
    %get3A_79 = vector.load %arg4[%get3A_77, %get3A_78] : memref<512x1xi32, #tpu.memory_space<vmem>>, vector<512x1xi32>
    %iota3A = tpu.iota {dimensions = array<i32: 1>} : vector<512x8xi32>
    %eq3A = vector.broadcast %get3A_79 : vector<512x1xi32> to vector<512x8xi32>
    %eq3A_80 = arith.cmpi eq, %eq3A, %iota3A : vector<512x8xi32>
    %convert_element_type3A = arith.extui %eq3A_80 : vector<512x8xi1> to vector<512x8xi32>
    %convert_element_type3A_81 = arith.sitofp %convert_element_type3A : vector<512x8xi32> to vector<512x8xf32>
    %get3A_82 = arith.constant 0 : index
    %get3A_83 = arith.constant 0 : index
    %get3A_84 = vector.load %arg14[%get3A_82, %get3A_83] : memref<8x256xf32, #tpu.memory_space<vmem>>, vector<8x256xf32>
    %dot_general3A_85 = arith.constant dense<0.000000e+00> : vector<512x256xf32>
    %dot_general3A_86 = tpu.matmul %convert_element_type3A_81, %get3A_84, %dot_general3A_85 {dimension_numbers = #tpu.dot_dimension_numbers<[1], [0], [0], [1], [0, 0, 1, 1], [], []>, transpose_lhs_hint = false} : vector<512x8xf32>, vector<8x256xf32>, vector<512x256xf32> -> vector<512x256xf32>
    %get3A_87 = arith.constant 0 : index
    %get3A_88 = arith.constant 0 : index
    %get3A_89 = vector.load %arg1[%get3A_87, %get3A_88] : memref<512x256xf32, #tpu.memory_space<vmem>>, vector<512x256xf32>
    %mul3A_90 = arith.mulf %get3A_89, %dot_general3A_86 : vector<512x256xf32>
    %mul3A_91 = arith.mulf %mul3A_90, %add3A_76 : vector<512x256xf32>
    %reduce_sum3A_92 = arith.constant dense<0.000000e+00> : vector<512xf32>
    %reduce_sum3A_93 = vector.multi_reduction <add>, %mul3A_91, %reduce_sum3A_92 [1] : vector<512x256xf32> to vector<512xf32>
    %broadcast_in_dim3A_94 = vector.shape_cast %reduce_sum3A_93 : vector<512xf32> to vector<512x1xf32>
    %swap3A = arith.constant 0 : index
    %swap3A_95 = arith.constant 0 : index
    %swap3A_96 = vector.load %arg15[%swap3A, %swap3A_95] : memref<512x1xf32, #tpu.memory_space<vmem>>, vector<512x1xf32>
    tpu.vector_store %arg15[%swap3A, %swap3A_95], %broadcast_in_dim3A_94 {strides = array<i32>} : memref<512x1xf32, #tpu.memory_space<vmem>>, vector<512x1xf32>,
    return
  }
  func.func @transform_0(%arg0: i32) -> (i32, i32) {
    %c0_i32 = arith.constant 0 : i32
    %c0_i32_0 = arith.constant 0 : i32
    return %arg0, %c0_i32 : i32, i32
  }
  func.func @transform_1(%arg0: i32) -> (i32, i32) {
    %c0_i32 = arith.constant 0 : i32
    %c0_i32_0 = arith.constant 0 : i32
    return %arg0, %c0_i32 : i32, i32
  }
  func.func @transform_2(%arg0: i32) -> (i32, i32) {
    %c0_i32 = arith.constant 0 : i32
    %c0_i32_0 = arith.constant 0 : i32
    return %arg0, %c0_i32 : i32, i32
  }
  func.func @transform_3(%arg0: i32) -> (i32, i32) {
    %c0_i32 = arith.constant 0 : i32
    %c0_i32_0 = arith.constant 0 : i32
    return %arg0, %c0_i32 : i32, i32
  }
  func.func @transform_4(%arg0: i32) -> (i32, i32) {
    %c0_i32 = arith.constant 0 : i32
    %c0_i32_0 = arith.constant 0 : i32
    %c0_i32_1 = arith.constant 0 : i32
    return %c0_i32, %c0_i32_0 : i32, i32
  }
  func.func @transform_5(%arg0: i32) -> (i32, i32) {
    %c0_i32 = arith.constant 0 : i32
    %c0_i32_0 = arith.constant 0 : i32
    %c0_i32_1 = arith.constant 0 : i32
    return %c0_i32, %c0_i32_0 : i32, i32
  }
  func.func @transform_6(%arg0: i32) -> (i32, i32) {
    %c0_i32 = arith.constant 0 : i32
    %c0_i32_0 = arith.constant 0 : i32
    %c0_i32_1 = arith.constant 0 : i32
    return %c0_i32, %c0_i32_0 : i32, i32
  }
  func.func @transform_7(%arg0: i32) -> (i32, i32) {
    %c0_i32 = arith.constant 0 : i32
    %c0_i32_0 = arith.constant 0 : i32
    %c0_i32_1 = arith.constant 0 : i32
    return %c0_i32, %c0_i32_0 : i32, i32
  }
  func.func @transform_8(%arg0: i32) -> (i32, i32) {
    %c0_i32 = arith.constant 0 : i32
    %c0_i32_0 = arith.constant 0 : i32
    %c0_i32_1 = arith.constant 0 : i32
    return %c0_i32, %c0_i32_0 : i32, i32
  }
  func.func @transform_9(%arg0: i32) -> (i32, i32) {
    %c0_i32 = arith.constant 0 : i32
    %c0_i32_0 = arith.constant 0 : i32
    %c0_i32_1 = arith.constant 0 : i32
    return %c0_i32, %c0_i32_0 : i32, i32
  }
  func.func @transform_10(%arg0: i32) -> (i32, i32) {
    %c0_i32 = arith.constant 0 : i32
    %c0_i32_0 = arith.constant 0 : i32
    %c0_i32_1 = arith.constant 0 : i32
    return %c0_i32, %c0_i32_0 : i32, i32
  }
  func.func @transform_11(%arg0: i32) -> (i32, i32) {
    %c0_i32 = arith.constant 0 : i32
    %c0_i32_0 = arith.constant 0 : i32
    %c0_i32_1 = arith.constant 0 : i32
    return %c0_i32, %c0_i32_0 : i32, i32
  }
  func.func @transform_12(%arg0: i32) -> (i32, i32) {
    %c0_i32 = arith.constant 0 : i32
    %c0_i32_0 = arith.constant 0 : i32
    %c0_i32_1 = arith.constant 0 : i32
    return %c0_i32, %c0_i32_0 : i32, i32
  }
  func.func @transform_13(%arg0: i32) -> (i32, i32) {
    %c0_i32 = arith.constant 0 : i32
    %c0_i32_0 = arith.constant 0 : i32
    %c0_i32_1 = arith.constant 0 : i32
    return %c0_i32, %c0_i32_0 : i32, i32
  }
  func.func @transform_14(%arg0: i32) -> (i32, i32) {
    %c0_i32 = arith.constant 0 : i32
    %c0_i32_0 = arith.constant 0 : i32
    return %arg0, %c0_i32 : i32, i32
  }
}

</mosaic_0001>

<sc_bundles>
// kernel: kernel.13.cloned.1.call-start
scs
__scs_entry_jumppad:
0x0: {  	(pc) =	sbr.rel $0x88, $3  }
0x1: {  	(tag) =	ssettag $0x0;
	lr =	simm.s32 $0x1  }
0x2: {  	[smem:$0x3F8E] =	sst lr;
	_ =	strace $0xD0000000  }
0x3: {  	_ = 	snop  }
0x4: {  	_ = 	snop  }
0x5: {  	_ = 	snop  }
0x6: {  	_ = 	snop  }
0x7: {  	_ = 	snop  }
__scs_overlays_trampoline_lowered:
0x8: {  	[smem:$0x3F9D] =	sst s0  }
0x9: {  	[smem:$0x3F9E] =	sst s1  }
0xa: {  	[smem:$0x3F9F] =	sst s2  }
0xb: {  	[smem:$0x3FA0] =	sst s3  }
0xc: {  	[smem:$0x3FA1] =	sst s4  }
0xd: {  	[smem:$0x3FA2] =	sst s5  }
0xe: {  	[smem:$0x3FA3] =	sst s6  }
0xf: {  	[smem:$0x3FA4] =	sst s7  }
0x10: {  	[smem:$0x3FA5] =	sst s8  }
0x11: {  	[smem:$0x3FA6] =	sst s9;
	s0 =	simm.s32 @!p0 $0x0  }
0x12: {  	s1 =	sld [smem:$0x3F8C];
	s0 =	simm.s32 @p0 $0x1  }
0x13: {  	[smem:$0x3FA7] =	sst s0;
	s0 =	simm.s32 @!p1 $0x0  }
0x14: {  	s2 =	sld [smem:$0x3F8B];
	s0 =	simm.s32 @p1 $0x1  }
0x15: {  	[smem:$0x3FA8] =	sst s0;
	s0 =	simm.s32 @!p2 $0x0  }
0x16: {  	s3 =	sld [smem:$0x3FDB];
	s0 =	simm.s32 @p2 $0x1  }
0x17: {  	s4 =	simm.s32 $0x1BF5;
	[smem:$0x3FAA] =	sst s0  }
0x18: {  	s0 =	sld [smem:$0x3F8D];
	_ =	swait.ge [sflag:s4], $0x0  }
0x19: {  	s7 =	sld [smem:$0x3F8E]  }
0x1a: {  	s8 =	sadd.s32 $0xFFFFE003, lr  }
0x1b: {  	s9 =	sadd.s32 $0xFFFFFEF7, lr;
	s5 =	simm.s32 $0xFFFFFFFF;
	p2 =	slt.u32 s8, $0xFFFFF086  }
0x1c: {  	p1 =	slt.u32 s9, $0xF7A;
	s5 =	simm.s32 @!p2 $0x0  }
0x1d: {  	s5 =	simm.s32 @p1 $0x1;
	p0 =	seq.s32 s7, s2  }
0x1e: {  	s7 =	smul.u32 @!p0 $0xF7A, s2;
	p2 =	seq.s32 @!p0 s5, $0x0  }
0x1f: {  	s9 =	smul.u32 $0xF7A, s1;
	s8 =	simm.s32 @!p0 $0x1BF5;
	p2 =	por !p2, p0  }
0x20: {  	[sflag:s8] =	ssyncset.s32 @!p0 $0xFFFFF086;
	s6 =	sadd.s32 @!p0 s3, s7;
	s7 =	simm.s32 @!p0 $0x108  }
0x21: {  	s3 =	sadd.s32 s3, s9;
	s6 =	sadd.s32 @!p0 $0x88, s6;
	s7 =	simm.s32 @p2 $0x1082  }
0x22: {  	[simem:s7], [sflag:s8] =	dma.local @!p0 [hbm:s6], $0xF7A  }
0x23: {  	s9 =	sor.u32 $0xD0000000, s2;
	s6 =	simm.s32 $0x108;
	_ =	swait.ge @!p0 [sflag:s8], $0x0  }
0x24: {  	s3 =	sadd.s32 $0x88, s3;
	s6 =	simm.s32 @!p1 $0x1082;
	[sflag:s4] =	ssyncset.s32 $0xFFFFF086  }
0x25: {  	[simem:s6], [sflag:s4] =	dma.local [hbm:s3], $0xF7A  }
0x26: {  	[smem:$0x3F8E] =	sst s1;
	(tag) =	ssettag s2;
	_ =	strace s9  }
0x27: {  	s1 =	sld [smem:$0x3F9E]  }
0x28: {  	s2 =	sld [smem:$0x3F9F]  }
0x29: {  	s4 =	sld [smem:$0x3FA1]  }
0x2a: {  	p0 =	seq.s32 s5, $0x0;
	s5 =	sld [smem:$0x3FA2]  }
0x2b: {  	s6 =	sld [smem:$0x3FA3]  }
0x2c: {  	s7 =	sld [smem:$0x3FA4]  }
0x2d: {  	s3 =	simm.s32 $0x108;
	s8 =	sld [smem:$0x3FA5]  }
0x2e: {  	s3 =	simm.s32 @!p0 $0x1082;
	s9 =	sld [smem:$0x3FA6]  }
0x2f: {  	lr =	sadd.s32 s0, s3;
	s0 =	sld [smem:$0x3F9D]  }
0x30: {  	s3 =	sld [smem:$0x3FA0]  }
0x31: {  	[smem:$0x3FA9] =	sst s10  }
0x32: {  	s10 =	sld [smem:$0x3FA7];
	_ =	sdelay $0x3  }
0x33: {  	p0 =	seq.s32 s10, $0x1;
	s10 =	sld [smem:$0x3FA9];
	_ =	sdelay $0x3  }
0x34: {  	[smem:$0x3FA9] =	sst s10  }
0x35: {  	s10 =	sld [smem:$0x3FA8];
	_ =	sdelay $0x3  }
0x36: {  	p1 =	seq.s32 s10, $0x1;
	s10 =	sld [smem:$0x3FA9];
	_ =	sdelay $0x3  }
0x37: {  	[smem:$0x3FA9] =	sst s10  }
0x38: {  	s10 =	sld [smem:$0x3FAA]  }
0x39: {  	_ = 	snop;
	(pc) =	sbr.ind lr, $3  }
0x3a: {  	_ = 	snop  }
0x3b: {  	_ = 	snop  }
0x3c: {  	p2 =	seq.s32 s10, $0x1;
	s10 =	sld [smem:$0x3FA9]  }
0x3d: {  	_ =	shalt  }
0x3e: {  	_ =	shalt  }
0x3f: {  	_ =	shalt  }
0x40: {  	_ =	shalt  }
0x41: {  	_ =	shalt  }
0x42: {  	_ =	shalt  }
0x43: {  	_ =	shalt  }
0x44: {  	_ =	shalt  }
0x45: {  	_ =	shalt  }
0x46: {  	_ =	shalt  }
0x47: {  	_ =	shalt  }
0x48: {  	_ =	shalt  }
0x49: {  	_ =	shalt  }
0x4a: {  	_ =	shalt  }
0x4b: {  	_ =	shalt  }
0x4c: {  	_ =	shalt  }
0x4d: {  	_ =	shalt  }
0x4e: {  	_ =	shalt  }
0x4f: {  	_ =	shalt  }
0x50: {  	_ =	shalt  }
0x51: {  	_ =	shalt  }
0x52: {  	_ =	shalt  }
0x53: {  	_ =	shalt  }
0x54: {  	_ =	shalt  }
0x55: {  	_ =	shalt  }
0x56: {  	_ =	shalt  }
0x57: {  	_ =	shalt  }
0x58: {  	_ =	shalt  }
0x59: {  	_ =	shalt  }
0x5a: {  	_ =	shalt  }
0x5b: {  	_ =	shalt  }
0x5c: {  	_ =	shalt  }
0x5d: {  	_ =	shalt  }
0x5e: {  	_ =	shalt  }
0x5f: {  	_ =	shalt  }
0x60: {  	_ =	shalt  }
0x61: {  	_ =	shalt  }
0x62: {  	_ =	shalt  }
0x63: {  	_ =	shalt  }
0x64: {  	_ =	shalt  }
0x65: {  	_ =	shalt  }
0x66: {  	_ =	shalt  }
0x67: {  	_ =	shalt  }
0x68: {  	_ =	shalt  }
0x69: {  	_ =	shalt  }
0x6a: {  	_ =	shalt  }
0x6b: {  	_ =	shalt  }
0x6c: {  	_ =	shalt  }
0x6d: {  	_ =	shalt  }
0x6e: {  	_ =	shalt  }
0x6f: {  	_ =	shalt  }
0x70: {  	_ =	shalt  }
0x71: {  	_ =	shalt  }
0x72: {  	_ =	shalt  }
0x73: {  	_ =	shalt  }
0x74: {  	_ =	shalt  }
0x75: {  	_ =	shalt  }
0x76: {  	_ =	shalt  }
0x77: {  	_ =	shalt  }
0x78: {  	_ =	shalt  }
0x79: {  	_ =	shalt  }
0x7a: {  	_ =	shalt  }
0x7b: {  	_ =	shalt  }
0x7c: {  	_ =	shalt  }
0x7d: {  	_ =	shalt  }
0x7e: {  	_ =	shalt  }
0x7f: {  	_ =	shalt  }
0x80: {  	_ =	shalt  }
0x81: {  	_ =	shalt  }
0x82: {  	_ =	shalt  }
0x83: {  	_ =	shalt  }
0x84: {  	_ =	shalt  }
0x85: {  	_ =	shalt  }
0x86: {  	_ =	shalt  }
0x87: {  	_ =	shalt  }
.Lfunc_end0:
.L_simem_size_0:
called_computation_lowered:
.L_overlay_start_0:
0x88: {  	s2 =	sld [smem:$0x3FD9]  }
0x89: {  	s3 =	sld [smem:$0x3FFE];
	_ =	sdelay $0x1  }
0x8a: {  	s1 =	srdreg.scid  }
0x8b: {  	s0 =	sand.u32 $0x1, s1  }
0x8c: {  	s16 =	sshll.u32 s0, $0xA;
	s2 =	sadd.s32 s3, s2  }
0x8d: {  	s2 =	sadd.s32 s2, s16  }
0x8e: {  	[smem:$0x3FB5] =	sst s2  }
0x8f: {  	_ = 	snop  }
0x90: {  	(tm) =	ssettm $0x1  }
0x91: {  	s17 =	sld [smem:$0x3FFB];
	_ =	sdelay $0x3  }
0x92: {  	_ =	strace s17  }
0x93: {  	s2 =	sld [smem:$0x3FFC];
	_ =	sdelay $0x3  }
0x94: {  	_ =	strace s2  }
0x95: {  	s2 =	sld [smem:$0x3FFD];
	_ =	sdelay $0x3  }
0x96: {  	_ =	strace s2  }
0x97: {  	_ =	strace $0x8FFFFFFF  }
0x98: {  	s18 =	sld [smem:$0x3FDB];
	_ =	sdelay $0x1  }
0x99: {  	s19 =	simm.s32 $_scs_section_size  }
0x9a: {  	s4 =	simm.s32 $_size__tile_overlayer_lowered;
	s5 =	simm.s32 $_tile_overlayer_lowered  }
0x9b: {  	s22 =	simm.s32 $0x1BFF;
	s21 =	sshll.u32 s5, $0x1;
	s2 =	sadd.s32 s19, s18  }
0x9c: {  	s6 =	simm.s32 $0x0;
	s20 =	sshll.u32 s4, $0x1;
	s4 =	sadd.s32 s21, s2  }
0x9d: {  	[timem:s6], [sflag:s22] =	dma.local [hbm:s4], s20  }
0x9e: {  	_ =	swait.ge [sflag:s22], s20  }
0x9f: {  	s3 =	ssub.s32 $0x0, s20;
	[sflag:s22] =	ssyncset.done $0x0  }
0xa0: {  	[sflag:s22] =	ssyncadd.s32 s3;
	_ =	sdelay $0x1  }
0xa1: {  	s23 =	simm.s32 $0x1B8B  }
0xa2: {  	_ =	swait.ge [sflag:s23], $0x1  }
0xa3: {  	[sflag:s23] =	ssyncset.done $0x0  }
0xa4: {  	s25 =	simm.s32 $0x1B8E;
	s24 =	sld [smem:$0x3FFE];
	[sflag:s23] =	ssyncadd.s32 $0xFFFFFFFF  }
0xa5: {  	s26 =	simm.s32 $execute0_lowered;
	[smem:$0x3FD2] =	sst s25  }
0xa6: {  	s4 =	sshll.u32 s26, $0x1;
	_ =	strace $0x80000046;
	[dreg:$0x1] =	wrdreg $0xFFFFFFFF  }
0xa7: {  	s28 =	simm.s32 $_size_execute0_lowered;
	s2 =	sadd.s32 s2, s4;
	[dreg:$0x0] =	wrdreg $0x0  }
0xa8: {  	s4 =	sshll.u32 s28, $0x1;
	[dreg:$0x2] =	wrdreg s2  }
0xa9: {  	[dreg:$0x3] =	wrdreg s4  }
0xaa: {  	[dreg:$0x4] =	wrdreg $0xC0  }
0xab: {  	_ =	task [dreg:s6], $0x5FFFF  }
0xac: {  	[dreg:$0x1] =	wrdreg $0xFFFFFFFF  }
0xad: {  	[dreg:$0x0] =	wrdreg $0x60  }
0xae: {  	[dreg:$0x2] =	wrdreg s24  }
0xaf: {  	[dreg:$0x3] =	wrdreg $0x9  }
0xb0: {  	_ =	task.clear_ibuf [dreg:s6], $0x4FFFF;
	_ =	strace $0x90000046  }
0xb1: {  	s29 =	simm.s32 $0x9;
	_ =	strace $0x80000048  }
0xb2: {  	_ =	swait.ge [sflag:s29], $0x1  }
0xb3: {  	[sflag:s29] =	ssyncadd.s32 $0xFFFFFFFF  }
0xb4: {  	_ =	strace $0x90000048  }
0xb5: {  	_ =	sfence  }
0xb6: {  	s30 =	sld [smem:$0x0];
	_ =	sdelay $0x2  }
0xb7: {  	s31 =	sshll.u32 s1, $0xD;
	s1 =	sshrl.u32 s1, $0x2  }
0xb8: {  	s3 =	sand.u32 $0x4000, s31;
	s1 =	sadd.s32 s1, s30  }
0xb9: {  	s0 =	sor.u32 s3, s0;
	s1 =	sshll.u32 s1, $0x11  }
0xba: {  	s0 =	sor.u32 s1, s0  }
0xbb: {  	s0 =	sadd.s32 $0x8F2B, s0  }
0xbc: {  	[sflag:s0] =	ssyncadd.remote.s32 $0x1  }
0xbd: {  	_ =	sfence.sel $0xFFFF  }
0xbe: {  	[dreg:$0x0] =	wrdreg $0xFFFFFFFF;
	(pc) =	sbr.abs _section_cstart, $3  }
0xbf: {  	[dreg:$0x1] =	wrdreg $0xFFFFFFFF  }
0xc0: {  	_ =	task.clear_ibuf [dreg:s6], $0x2FFFF;
	_ =	strace $0x9FFFFFFF  }
0xc1: {  	(tm) =	ssettm $0x7FFFFFFF  }
tec
execute0_lowered:
.L_overlay_start_1:
0x0: {  	(tag) =	ssettag $0x1  }
0x1: {  	v0 =	vimm.s32 $0xEDCBA987  }
0x2: {  	v1 =	vimm.s32 $0x6543210F;
	v6 =	vimm.s32 $0xFEDCBA9;
	v7 =	vimm.s32 $0x87654321  }
0x3: {  	v8 =	vimm.s32 $0xDCBA9876;
	v9 =	vimm.s32 $0x543210FE;
	v10 =	vimm.s32 $0x10FEDCBA  }
0x4: {  	v11 =	vimm.s32 $0x98765432;
	v12 =	vimm.s32 $0xBA987654;
	v13 =	vimm.s32 $0x3210FEDC  }
0x5: {  	vm0 =	vmmov $0x3ff;
	v2 =	vunpack.c.l.s4.s8 v0;
	v1 =	vunpack.c.l.s4.s8 v1  }
0x6: {  	v6 =	vunpack.c.l.s4.s8 v6;
	v7 =	vunpack.c.l.s4.s8 v7;
	v8 =	vunpack.c.l.s4.s8 v8  }
0x7: {  	v9 =	vunpack.c.l.s4.s8 v9;
	v12 =	vunpack.c.l.s4.s8 v12;
	v13 =	vunpack.c.l.s4.s8 v13  }
0x8: {  	v18 =	vunpack.c.0.s8.s32 v2;
	v19 =	vunpack.c.0.s8.s32 v1;
	v17 =	vunpack.c.0.s8.s32 v6  }
0x9: {  	v6 =	vunpack.c.l.s4.s8 v10;
	v10 =	vunpack.c.l.s4.s8 v11;
	v20 =	vunpack.c.0.s8.s32 v7  }
0xa: {  	s0 =	srdreg.scid;
	s12 =	stileid.u32;
	v16 =	vunpack.c.0.s8.s32 v8;
	v21 =	vunpack.c.0.s8.s32 v9;
	v7 =	vimm.s32 $0xCBA98765  }
0xb: {  	s0 =	sand.u32 $0x1, s0;
	s1 =	sshll.u32 s12, $0x1;
	v11 =	vimm.s32 $0xA9876543;
	v12 =	vunpack.c.0.s8.s32 v12;
	v13 =	vunpack.c.0.s8.s32 v13  }
0xc: {  	s1 =	sor.u32 s0, s1;
	v9 =	vunpack.c.l.s4.s8 v7;
	v11 =	vunpack.c.l.s4.s8 v11;
	v15 =	vunpack.c.0.s8.s32 v6  }
0xd: {  	s7 =	smul.u32 $0x140, s1;
	v22 =	vunpack.c.0.s8.s32 v10;
	v7 =	vcombine.low v21, v16;
	v10 =	vimm.s32 $0x210FEDCB  }
0xe: {  	v14 =	vunpack.c.0.s8.s32 v9;
	v9 =	vimm.s32 $0x43210FED;
	v10 =	vunpack.c.l.s4.s8 v10  }
0xf: {  	s2 =	sadd.s32 $0x140, s7;
	v16 =	vcombine.low v16, v21;
	v21 =	vimm.s32 $0x0;
	v9 =	vunpack.c.l.s4.s8 v9  }
0x10: {  	v1 =	vmov s2;
	v25 =	vunpack.c.0.s8.s32 v11;
	v24 =	vunpack.c.0.s8.s32 v10  }
0x11: {  	v11 =	vcombine.low v13, v12;
	v12 =	vcombine.low v12, v13;
	v23 =	vunpack.c.0.s8.s32 v9  }
0x12: {  	v10 =	vcombine.low v25, v24;
	v13 =	vcombine.low v24, v25;
	v24 =	vimm.s32 $0xFEDCBA98  }
0x13: {  	v21 =	vsel vm0, $0xFFFFFFFF, v21;
	v25 =	vimm.s32 $0x76543210;
	v24 =	vunpack.c.l.s4.s8 v24  }
0x14: {  	s2 =	simm.s32 $0x0;
	v9 =	vcombine.low v23, v14;
	v14 =	vcombine.low v14, v23;
	v23 =	vunpack.c.l.s4.s8 v25  }
0x15: {  	v8 =	vcombine.low v22, v15;
	[smem:$0x7FF] =	sst s2;
	v15 =	vcombine.low v15, v22;
	v22 =	vunpack.c.0.s8.s32 v24  }
0x16: {  	s8 =	rddreg [dreg:$0x0];
	v5 =	vcombine.low v19, v18;
	v6 =	vcombine.low v20, v17;
	_ =	strace $0x80000047;
	[tilespmem:$0x1FF30] =	vst v21;
	v21 =	vunpack.c.0.s8.s32 v23  }
0x17: {  	v17 =	vcombine.low v17, v20;
	v18 =	vcombine.low v18, v19;
	v20 =	vand.u32 $0xF, v22  }
0x18: {  	vm0 =	vcmask $0x300;
	v19 =	vcombine.low v20, v21;
	v20 =	vimm.s32 $0x2  }
0x19: {  	v29 =	vimm.s32 $0x0;
	v20 =	vsel vm0, $0x1, v20;
	vm0 =	vmmov $0x7f  }
0x1a: {  	v29 =	vsel vm0, $0xFFFFFFFF, v29  }
0x1b: {  	vm0 =	vmmov $0x3f;
	[tilespmem:$0x1FF40] =	vst v29;
	v29 =	vimm.s32 $0x0  }
0x1c: {  	v29 =	vsel vm0, $0xFFFFFFFF, v29  }
0x1d: {  	vm0 =	vmmov $0x1f;
	[tilespmem:$0x1FF50] =	vst v29;
	v29 =	vimm.s32 $0x0  }
0x1e: {  	v29 =	vsel vm0, $0xFFFFFFFF, v29  }
0x1f: {  	vm0 =	vmmov $0xf;
	[tilespmem:$0x1FF60] =	vst v29;
	v29 =	vimm.s32 $0x0  }
0x20: {  	s28 =	simm.s32 $0x4000;
	s29 =	simm.s32 $0xA100;
	s30 =	simm.s32 $0x6000;
	v29 =	vsel vm0, $0xFFFFFFFF, v29  }
0x21: {  	s31 =	simm.s32 $0x8080;
	s3 =	sadd.s32 $0x5200, s8;
	s4 =	sadd.s32 $0xF200, s8;
	vm0 =	vmmov $0x7;
	[tilespmem:$0x1FF70] =	vst v29;
	v29 =	vimm.s32 $0x0  }
0x22: {  	s5 =	sadd.s32 $0xA200, s8;
	s6 =	sadd.s32 $0x1C000, s8;
	s9 =	ssub.s32 $0x2, s0;
	v29 =	vsel vm0, $0xFFFFFFFF, v29  }
0x23: {  	s25 =	smul.u32 $0x3C00, s12;
	s11 =	sshrl.u32 s9, $0x1;
	s10 =	sshrl.u32 s7, $0x3;
	vm0 =	vmmov $0x3;
	[tilespmem:$0x1FF80] =	vst v29;
	v29 =	vimm.s32 $0x0  }
0x24: {  	s1 =	smul.u32 $0x1E00, s1;
	v0 =	vmov s7;
	s7 =	sadd.s32 $0x14200, s8;
	s8 =	sadd.s32 s10, s8;
	v29 =	vsel vm0, $0xFFFFFFFF, v29  }
0x25: {  	s0 =	smul.u32 $0x1E00, s0;
	s9 =	ssub.s32 s9, s11;
	s8 =	sadd.s32 $0x1BA00, s8;
	vm0 =	vmmov $0x1;
	[tilespmem:$0x1FF90] =	vst v29;
	v29 =	vimm.s32 $0x0  }
0x26: {  	s16 =	smax.u32 s9, $0x1;
	s1 =	sshrl.u32 s1, $0x3;
	[dreg:$0x2] =	wrdreg s8;
	v29 =	vsel vm0, $0xFFFFFFFF, v29  }
0x27: {  	vm2 =	vmmov $0x1ff;
	s17 =	sadd.s32 s6, s1;
	s18 =	sadd.s32 s7, s1;
	[dreg:$0x3] =	wrdreg s16;
	[tilespmem:$0x1FFA0] =	vst v29;
	v29 =	vimm.s32 $0x0  }
0x28: {  	v3 =	vimm.s32 $0x2800;
	v4 =	vimm.s32 $0x0;
	s19 =	sadd.s32 $0xA0, s1;
	s21 =	sadd.s32 $0x140, s1;
	[dreg:$0x4] =	wrdreg s17;
	v29 =	vsel vm2, $0xFFFFFFFF, v29  }
0x29: {  	vm5 =	vmmov $0x7fff;
	vm4 =	vmmov $0xff;
	s23 =	sadd.s32 $0x1E0, s1;
	s20 =	sadd.s32 s6, s19;
	[dreg:$0x5] =	wrdreg s18;
	[tilespmem:$0x1FFB0] =	vst v29;
	v29 =	vimm.s32 $0x0  }
0x2a: {  	vm11 =	vcmask $0x3F08;
	vm9 =	vmmov $0x3fff;
	s26 =	sadd.s32 $0x280, s1;
	s22 =	sadd.s32 s6, s21;
	[dreg:$0x6] =	wrdreg s20;
	v29 =	vsel vm4, $0xFFFFFFFF, v29  }
0x2b: {  	vm13 =	vcmask $0x3F0C;
	vm1 =	vmmov $0x1fff;
	s1 =	sadd.s32 $0x320, s1;
	s24 =	sadd.s32 s6, s23;
	[dreg:$0x8] =	wrdreg s22;
	[tilespmem:$0x1FFC0] =	vst v29;
	v29 =	vimm.s32 $0x0  }
0x2c: {  	vm15 =	vcmask $0x3F10;
	vm7 =	vmmov $0xfff;
	s8 =	sadd.s32 s7, s19;
	[dreg:$0xa] =	wrdreg s24;
	s18 =	sadd.s32 s6, s26;
	v29 =	vsel vm1, $0xFFFFFFFF, v29  }
.Ltmp0:
0x2d: {  	vm12 =	vcmask $0x3F14;
	v2 =	vlaneseq.u32;
	s19 =	sadd.s32 s7, s26;
	s20 =	sadd.s32 s6, s1;
	[tilespmem:$0x1FFD0] =	vst v29;
	v29 =	vimm.s32 $0x0;
	(pc) =	sbr.rel .LBB2_1-.Ltmp0, $4  }
0x2e: {  	vm14 =	vmmov $0x7ff;
	v26 =	vor.u32 $0x138D0, v2;
	s22 =	sadd.s32 s0, s25;
	s24 =	simm.s32 $0x1;
	s25 =	simm.s32 $0xA780;
	v29 =	vsel vm7, $0xFFFFFFFF, v29  }
0x2f: {  	v27 =	vor.u32 $0x138E0, v2;
	v28 =	vor.u32 $0x138F0, v2;
	s26 =	simm.s32 $0x2000;
	[dreg:$0x7] =	wrdreg s8;
	s8 =	sadd.s32 s7, s21;
	[tilespmem:$0x1FFE0] =	vst v29;
	v29 =	vimm.s32 $0x0  }
0x30: {  	s0 =	simm.s32 $0x0;
	[dreg:$0x9] =	wrdreg s8;
	s8 =	sadd.s32 s7, s23;
	v25 =	vor.u32 $0x138C0, v2;
	v23 =	vor.u32 $0x138A0, v2;
	v29 =	vsel vm14, $0xFFFFFFFF, v29  }
0x31: {  	s21 =	sadd.s32 s7, s1;
	s23 =	simm.s32 $0xA280;
	[dreg:$0xb] =	wrdreg s8;
	v24 =	vor.u32 $0x138B0, v2;
	v22 =	vor.u32 $0x13890, v2;
	v21 =	vor.u32 $0x13880, v2;
	[tilespmem:$0x1FFF0] =	vst v29  }
.LBB2_14:
0x32: {  	v29 =	vld [tilespmem:$0xA100]  }
0x33: {  	v30 =	vld [tilespmem:$0xA110]  }
0x34: {  	v31 =	vld [tilespmem:$0xA120]  }
0x35: {  	v32 =	vld [tilespmem:$0xA130]  }
0x36: {  	v33 =	vld [tilespmem:$0xA140]  }
0x37: {  	v34 =	vld [tilespmem:$0xA150];
	v29 =	vcvt.s32.f32 v29  }
0x38: {  	v35 =	vld [tilespmem:$0xA160];
	v30 =	vcvt.s32.f32 v30  }
0x39: {  	[tilespmem:$0xAC80] =	vst v29;
	v29 =	vcvt.s32.f32 v31;
	v31 =	vld [tilespmem:$0xA170]  }
0x3a: {  	v54 =	vld [tilespmem:$0xA180];
	[tilespmem:$0xAC90] =	vst v30;
	v30 =	vcvt.s32.f32 v32  }
0x3b: {  	v55 =	vld [tilespmem:$0xA190];
	[tilespmem:$0xACA0] =	vst v29;
	v29 =	vcvt.s32.f32 v33  }
0x3c: {  	v56 =	vld [tilespmem:$0xA1A0];
	[tilespmem:$0xACB0] =	vst v30;
	v30 =	vcvt.s32.f32 v34  }
0x3d: {  	v57 =	vld [tilespmem:$0xA1B0];
	[tilespmem:$0xACC0] =	vst v29;
	v29 =	vcvt.s32.f32 v35  }
0x3e: {  	[tilespmem:$0xACD0] =	vst v30;
	v30 =	vcvt.s32.f32 v31;
	v31 =	vld [tilespmem:$0xA1C0]  }
0x3f: {  	v58 =	vld [tilespmem:$0xA1D0];
	[tilespmem:$0xACE0] =	vst v29;
	v29 =	vcvt.s32.f32 v54  }
0x40: {  	v59 =	vld [tilespmem:$0xA1E0];
	[tilespmem:$0xACF0] =	vst v30;
	v30 =	vcvt.s32.f32 v55  }
0x41: {  	v60 =	vld [tilespmem:$0xA1F0];
	[tilespmem:$0xAD00] =	vst v29;
	v29 =	vcvt.s32.f32 v56  }
0x42: {  	v61 =	vld [tilespmem:$0xA200];
	[tilespmem:$0xAD10] =	vst v30;
	v30 =	vcvt.s32.f32 v57  }
0x43: {  	[tilespmem:$0xAD20] =	vst v29;
	v29 =	vcvt.s32.f32 v31;
	v31 =	vld [tilespmem:$0xA210]  }
0x44: {  	v62 =	vld [tilespmem:$0xA220];
	[tilespmem:$0xAD30] =	vst v30;
	v30 =	vcvt.s32.f32 v58  }
0x45: {  	v63 =	vld [tilespmem:$0xA230];
	[tilespmem:$0xAD40] =	vst v29;
	v29 =	vcvt.s32.f32 v59  }
0x46: {  	[tilespmem:$0xAD50] =	vst v30;
	v30 =	vcvt.s32.f32 v60  }
0x47: {  	[tilespmem:$0xAD60] =	vst v29;
	v29 =	vcvt.s32.f32 v61  }
0x48: {  	[tilespmem:$0xAD70] =	vst v30;
	v30 =	vcvt.s32.f32 v31  }
0x49: {  	[tilespmem:$0xAD80] =	vst v29;
	v29 =	vcvt.s32.f32 v62  }
0x4a: {  	[tilespmem:$0xAD90] =	vst v30;
	v30 =	vcvt.s32.f32 v63  }
0x4b: {  	[tilespmem:$0xADA0] =	vst v29  }
0x4c: {  	s1 =	rddreg [dreg:$0x2];
	s8 =	simm.s32 $0xAC80;
	[tilespmem:$0xADB0] =	vst v30  }
0x4d: {  	[hbm4b:s1+s2] =	stream.linear.scatter [tilespmem:s8], [sflag:$0x1], $0x140, $0x38;
	[tilespmem:$0xAE00] =	vst v63  }
0x4e: {  	_ =	swait.ge [sflag:s24], $0x140  }
0x4f: {  	s0 =	sadd.s32 $0x1, s0;
	s17 =	rddreg [dreg:$0x3]  }
0x50: {  	p0 =	sne.s32 s0, s17  }
.Ltmp1:
0x51: {  	_ = 	snop;
	(pc) =	sbr.rel @!p0 .LBB2_15-.Ltmp1, $3  }
0x52: {  	_ =	sdelay $0x1  }
0x53: {  	[sflag:s24] =	ssyncset.done $0x0  }
0x54: {  	[sflag:s24] =	ssyncadd.s32 $0xFFFFFEC0  }
.LBB2_1:
0x55: {  	v29 =	vor.u32 s2, v2  }
0x56: {  	v29 =	vand.u32 $0x7F, v29  }
0x57: {  	v29 =	vor.u32 $0x13880, v29  }
0x58: {  	[tilespmem:s23+$0x0] =	vst v29  }
0x59: {  	s1 =	simm.s32 $0x10;
	s8 =	simm.s32 $0xA280;
	s9 =	simm.s32 $0xA780;
	[tilespmem:s25+$0x0] =	vst v3  }
.LBB2_2:
0x5a: {  	p0 =	sne.s32 s1, $0x4F0  }
.Ltmp2:
0x5b: {  	v29 =	vor.u32 s1, v2;
	(pc) =	sbr.rel @p0 .LBB2_2-.Ltmp2, $4  }
0x5c: {  	s1 =	sadd.s32 $0x10, s1;
	v29 =	vand.u32 $0x7F, v29  }
0x5d: {  	s8 =	sadd.s32 $0x10, s8;
	v29 =	vor.u32 $0x13880, v29  }
0x5e: {  	s9 =	sadd.s32 $0x10, s9;
	[tilespmem:s8+$0x0] =	vst v29  }
0x5f: {  	[tilespmem:s9+$0x0] =	vst v3  }
0x60: {  	[tilespmem:$0xA100] =	vst v4  }
0x61: {  	[tilespmem:$0xA110] =	vst v4  }
0x62: {  	[tilespmem:$0xA120] =	vst v4  }
0x63: {  	[tilespmem:$0xA130] =	vst v4  }
0x64: {  	[tilespmem:$0xA140] =	vst v4  }
0x65: {  	[tilespmem:$0xA150] =	vst v4  }
0x66: {  	[tilespmem:$0xA160] =	vst v4  }
0x67: {  	[tilespmem:$0xA170] =	vst v4  }
0x68: {  	[tilespmem:$0xA180] =	vst v4  }
0x69: {  	[tilespmem:$0xA190] =	vst v4  }
0x6a: {  	[tilespmem:$0xA1A0] =	vst v4  }
0x6b: {  	[tilespmem:$0xA1B0] =	vst v4  }
0x6c: {  	[tilespmem:$0xA1C0] =	vst v4  }
0x6d: {  	[tilespmem:$0xA1D0] =	vst v4  }
0x6e: {  	[tilespmem:$0xA1E0] =	vst v4  }
0x6f: {  	[tilespmem:$0xA1F0] =	vst v4  }
0x70: {  	[tilespmem:$0xA200] =	vst v4  }
0x71: {  	[tilespmem:$0xA210] =	vst v4  }
0x72: {  	[tilespmem:$0xA220] =	vst v4  }
0x73: {  	[tilespmem:$0xA230] =	vst v4;
	s1 =	simm.s32 $0x0;
	s8 =	rddreg [dreg:$0x4]  }
0x74: {  	[hbm4b:s8+s1] =	stream.linear.scatter [tilespmem:s23], [sflag:$0x1], $0x500, $0x38;
	[tilespmem:$0xAE00] =	vst v63  }
0x75: {  	_ =	swait.ge [sflag:s24], $0x500  }
0x76: {  	[sflag:s24] =	ssyncset.done $0x0  }
0x77: {  	s11 =	rddreg [dreg:$0x5];
	[sflag:s24] =	ssyncadd.s32 $0xFFFFFB00  }
0x78: {  	[hbm4b:s11+s1] =	stream.linear.scatter [tilespmem:s25], [sflag:$0x1], $0x500, $0x38;
	[tilespmem:$0xAE00] =	vst v63  }
0x79: {  	_ =	swait.ge [sflag:s24], $0x500  }
0x7a: {  	[sflag:s24] =	ssyncset.done $0x0  }
0x7b: {  	s12 =	rddreg [dreg:$0x6];
	[sflag:s24] =	ssyncadd.s32 $0xFFFFFB00  }
0x7c: {  	[hbm4b:s12+s1] =	stream.linear.scatter [tilespmem:s23], [sflag:$0x1], $0x500, $0x38;
	[tilespmem:$0xAE00] =	vst v63  }
0x7d: {  	_ =	swait.ge [sflag:s24], $0x500  }
0x7e: {  	[sflag:s24] =	ssyncset.done $0x0  }
0x7f: {  	s13 =	rddreg [dreg:$0x7];
	[sflag:s24] =	ssyncadd.s32 $0xFFFFFB00  }
0x80: {  	[hbm4b:s13+s1] =	stream.linear.scatter [tilespmem:s25], [sflag:$0x1], $0x500, $0x38;
	[tilespmem:$0xAE00] =	vst v63  }
0x81: {  	_ =	swait.ge [sflag:s24], $0x500  }
0x82: {  	[sflag:s24] =	ssyncset.done $0x0  }
0x83: {  	s14 =	rddreg [dreg:$0x8];
	[sflag:s24] =	ssyncadd.s32 $0xFFFFFB00  }
0x84: {  	[hbm4b:s14+s1] =	stream.linear.scatter [tilespmem:s23], [sflag:$0x1], $0x500, $0x38;
	[tilespmem:$0xAE00] =	vst v63  }
0x85: {  	_ =	swait.ge [sflag:s24], $0x500  }
0x86: {  	[sflag:s24] =	ssyncset.done $0x0  }
0x87: {  	s15 =	rddreg [dreg:$0x9];
	[sflag:s24] =	ssyncadd.s32 $0xFFFFFB00  }
0x88: {  	[hbm4b:s15+s1] =	stream.linear.scatter [tilespmem:s25], [sflag:$0x1], $0x500, $0x38;
	[tilespmem:$0xAE00] =	vst v63  }
0x89: {  	_ =	swait.ge [sflag:s24], $0x500  }
0x8a: {  	[sflag:s24] =	ssyncset.done $0x0  }
0x8b: {  	s16 =	rddreg [dreg:$0xa];
	[sflag:s24] =	ssyncadd.s32 $0xFFFFFB00  }
0x8c: {  	[hbm4b:s16+s1] =	stream.linear.scatter [tilespmem:s23], [sflag:$0x1], $0x500, $0x38;
	[tilespmem:$0xAE00] =	vst v63  }
0x8d: {  	_ =	swait.ge [sflag:s24], $0x500  }
0x8e: {  	[sflag:s24] =	ssyncset.done $0x0  }
0x8f: {  	s17 =	rddreg [dreg:$0xb];
	[sflag:s24] =	ssyncadd.s32 $0xFFFFFB00  }
0x90: {  	[hbm4b:s17+s1] =	stream.linear.scatter [tilespmem:s25], [sflag:$0x1], $0x500, $0x38;
	[tilespmem:$0xAE00] =	vst v63  }
0x91: {  	_ =	swait.ge [sflag:s24], $0x500  }
0x92: {  	[sflag:s24] =	ssyncset.done $0x0  }
0x93: {  	[sflag:s24] =	ssyncadd.s32 $0xFFFFFB00  }
0x94: {  	[hbm4b:s18+s1] =	stream.linear.scatter [tilespmem:s23], [sflag:$0x1], $0x500, $0x38;
	[tilespmem:$0xAE00] =	vst v63  }
0x95: {  	_ =	swait.ge [sflag:s24], $0x500  }
0x96: {  	[sflag:s24] =	ssyncset.done $0x0  }
0x97: {  	[sflag:s24] =	ssyncadd.s32 $0xFFFFFB00  }
0x98: {  	[hbm4b:s19+s1] =	stream.linear.scatter [tilespmem:s25], [sflag:$0x1], $0x500, $0x38;
	[tilespmem:$0xAE00] =	vst v63  }
0x99: {  	_ =	swait.ge [sflag:s24], $0x500  }
0x9a: {  	[sflag:s24] =	ssyncset.done $0x0  }
0x9b: {  	[sflag:s24] =	ssyncadd.s32 $0xFFFFFB00  }
0x9c: {  	[hbm4b:s20+s1] =	stream.linear.scatter [tilespmem:s23], [sflag:$0x1], $0x500, $0x38;
	[tilespmem:$0xAE00] =	vst v63  }
0x9d: {  	_ =	swait.ge [sflag:s24], $0x500  }
0x9e: {  	[sflag:s24] =	ssyncset.done $0x0  }
.Ltmp3:
0x9f: {  	[sflag:s24] =	ssyncadd.s32 $0xFFFFFB00;
	(pc) =	sbr.rel .LBB2_4-.Ltmp3, $4  }
0xa0: {  	[hbm4b:s21+s1] =	stream.linear.scatter [tilespmem:s25], [sflag:$0x1], $0x500, $0x38;
	[tilespmem:$0xAE00] =	vst v63  }
0xa1: {  	_ =	swait.ge [sflag:s24], $0x500  }
0xa2: {  	[sflag:s24] =	ssyncset.done $0x0  }
0xa3: {  	s9 =	simm.s32 $0x0;
	s8 =	simm.s32 $0x0;
	[sflag:s24] =	ssyncadd.s32 $0xFFFFFB00  }
.LBB2_8:
0xa4: {  	s15 =	simm.s32 $0x8080  }
.LBB2_12:
0xa5: {  	s14 =	sadd.s32 s6, s13;
	[sflag:s24] =	ssyncadd.s32 @p0 $0xFFFFFF80  }
0xa6: {  	[hbm4b:s14+s2] =	stream.linear.scatter [tilespmem:s12], [sflag:$0x1], $0x80, $0x38;
	[tilespmem:$0xAE00] =	vst v63  }
0xa7: {  	_ =	swait.ge [sflag:s24], $0x80  }
0xa8: {  	s12 =	sadd.s32 @p0 $0x80, s15;
	[sflag:s24] =	ssyncset.done $0x0  }
0xa9: {  	s17 =	sadd.s32 s7, s13;
	s11 =	smov.u32 @p0 s12;
	[sflag:s24] =	ssyncadd.s32 $0xFFFFFF80  }
0xaa: {  	[hbm4b:s17+s2] =	stream.linear.scatter [tilespmem:s11], [sflag:$0x1], $0x80, $0x38;
	[tilespmem:$0xAE00] =	vst v63  }
0xab: {  	_ =	swait.ge [sflag:s24], $0x80  }
0xac: {  	[sflag:s24] =	ssyncset.done $0x0  }
0xad: {  	[sflag:s24] =	ssyncadd.s32 $0xFFFFFF80  }
.LBB2_13:
0xae: {  	s9 =	sadd.s32 $0x1, s9  }
0xaf: {  	p0 =	sne.s32 s9, $0x14  }
.Ltmp4:
0xb0: {  	_ = 	snop;
	(pc) =	sbr.rel @!p0 .LBB2_14-.Ltmp4, $2  }
0xb1: {  	_ =	sdelay $0x2  }
0xb2: {  	s8 =	sadd.s32 s8, s10  }
.LBB2_4:
0xb3: {  	s10 =	sshll.u32 s9, $0xA  }
0xb4: {  	s11 =	sadd.s32 s3, s10  }
0xb5: {  	[tilespmem:s1], [sflag:$0x1] =	stream.linear.gather [hbm4b:s11+s1], $0x2000, $0x38;
	[tilespmem:$0xAE00] =	vst v63  }
0xb6: {  	_ =	swait.ge [sflag:s24], $0x2000  }
0xb7: {  	[sflag:s24] =	ssyncset.done $0x0  }
0xb8: {  	s17 =	sadd.s32 s4, s10;
	[sflag:s24] =	ssyncadd.s32 $0xFFFFE000  }
0xb9: {  	[tilespmem:s26], [sflag:$0x1] =	stream.linear.gather [hbm4b:s17+s1], $0x2000, $0x38;
	[tilespmem:$0xAE00] =	vst v63  }
0xba: {  	_ =	swait.ge [sflag:s24], $0x2000  }
0xbb: {  	[sflag:s24] =	ssyncset.done $0x0  }
0xbc: {  	s10 =	sadd.s32 s5, s10;
	[sflag:s24] =	ssyncadd.s32 $0xFFFFE000  }
0xbd: {  	[tilespmem:s28], [sflag:$0x1] =	stream.linear.gather [hbm4b:s10+s1], $0x2000, $0x38;
	[tilespmem:$0xAE00] =	vst v63  }
0xbe: {  	_ =	swait.ge [sflag:s24], $0x2000  }
0xbf: {  	[sflag:s24] =	ssyncset.done $0x0  }
0xc0: {  	s10 =	simm.s32 $0x0;
	[sflag:s24] =	ssyncadd.s32 $0xFFFFE000  }
0xc1: {  	v29 =	vld [tilespmem:s10+$0x4000];
	_ =	sdelay $0x4  }
0xc2: {  	vm3 =	vmmov vm7;
	v30 =	vperm.xlane v29, v6  }
0xc3: {  	vm7 =	vmmov vm1;
	vm0 =	vge.s32 v29, v0;
	vm2 =	vlt.s32 v29, v1  }
0xc4: {  	vm1 =	vmand vm0, vm2;
	vm0 =	veq.s32 v29, v30;
	v30 =	vperm.xlane v29, v15  }
0xc5: {  	vm2 =	vmand vm0, vm5  }
0xc6: {  	v34 =	vsel vm2, $0x1, v4;
	vm2 =	veq.s32 v29, v30;
	v30 =	vld [tilespmem:$0x1FF50];
	_ =	sdelay $0x2  }
0xc7: {  	v31 =	vperm.xlane v29, v8;
	v33 =	vperm.xlane v29, v11  }
0xc8: {  	v52 =	vperm.xlane v29, v7;
	v53 =	vperm.xlane v29, v5  }
0xc9: {  	v37 =	vperm.xlane v29, v16;
	v38 =	vperm.xlane v29, v17;
	vm10 =	vnez.u8 v30;
	v30 =	vld [tilespmem:$0x1FF90]  }
0xca: {  	v40 =	vperm.xlane v29, v13;
	v56 =	vperm.xlane v29, v12  }
0xcb: {  	v42 =	vperm.xlane v29, v9;
	v59 =	vperm.xlane v29, v10;
	vm4 =	veq.s32 v29, v31  }
0xcc: {  	v55 =	vld [tilespmem:$0x1FFA0];
	v32 =	vsel vm1, $0x1, v4;
	vm6 =	vmand vm4, vm9;
	vm10 =	vmand vm2, vm10  }
0xcd: {  	(xrf0) =	vadd.scan.msk.s32 $0xffff, v32;
	v32 =	vsel vm6, $0x1, v4;
	v31 =	vsel vm10, $0x1, v4;
	vm10 =	vcmask $0x3F3C  }
0xce: {  	vm0 =	vmand vm0, vm10;
	vm10 =	vcmask $0x3F38;
	vm6 =	vnez.u8 v30;
	v30 =	vld [tilespmem:$0x1FF70]  }
0xcf: {  	v50 =	vperm.xlane v29, v14;
	vm8 =	veq.s32 v29, v52;
	vm4 =	vmand vm4, vm10  }
0xd0: {  	v36 =	vsel vm0, $0x1, v4;
	vm10 =	vcmask $0x3F30;
	v41 =	vsel vm4, $0x1, v4  }
0xd1: {  	vm4 =	vnez.u8 v55;
	v55 =	vmov s1;
	vm6 =	vmand vm8, vm6  }
0xd2: {  	vm8 =	vmand vm8, vm11;
	v35 =	vsel vm6, $0x1, v4;
	vm6 =	veq.s32 v29, v33  }
0xd3: {  	v46 =	vld [tilespmem:$0x1FF80];
	v43 =	vsel vm8, $0x1, v4;
	vm8 =	veq.s32 v29, v42;
	vm0 =	vnez.u8 v30;
	v30, _, _ =	vpop (xrf0)  }
0xd4: {  	vm0 =	vmand vm6, vm0;
	v54 =	vxor.u32 $0x80000000, v30;
	vm6 =	vmand vm6, vm15  }
0xd5: {  	v62 =	vld [tilespmem:$0x1FF60];
	v39 =	vsel vm0, $0x1, v4;
	vm0 =	veq.s32 v29, v53;
	v44 =	vsel vm6, $0x1, v4  }
0xd6: {  	(xrf0) =	vmax.scan.msk.u32 $0xffff, v54;
	vm4 =	vmand vm0, vm4;
	v57 =	vnsel vm0, $0x1, v20;
	vm0 =	veq.s32 v29, v56  }
0xd7: {  	vm6 =	veq.s32 v29, v40;
	v58 =	vsel vm4, $0x1, v4;
	vm4 =	vmand vm0, vm3  }
0xd8: {  	vm3 =	vnez.u8 v46;
	vm0 =	vmand vm0, vm10;
	v36 =	vadd.s32 v36, v57  }
0xd9: {  	v57 =	vsub.s32 v29, v0;
	v45 =	vsel vm4, $0x1, v4;
	vm4 =	vmand vm8, vm3  }
0xda: {  	vm8 =	vmand vm8, vm13;
	v61 =	vsel vm0, $0x1, v4;
	vm3 =	vnez.u8 v62  }
0xdb: {  	v36 =	vadd.s32 v43, v36;
	v33 =	vadd.s32 v58, v34;
	v60 =	vsel vm4, $0x1, v4  }
0xdc: {  	vm4 =	vmand vm6, vm12;
	v48 =	vsel vm8, $0x1, v4;
	vm8 =	veq.s32 v29, v59;
	v47, _, _ =	vpop (xrf0)  }
0xdd: {  	vm6 =	vmand vm6, vm3;
	v53 =	vadd.s32 v41, v36;
	(v2sf) =	vpush v47, $0xF  }
0xde: {  	v33 =	vadd.s32 v35, v33;
	v59 =	vperm.xlane v29, v18;
	vm0 =	vmand vm8, vm7  }
0xdf: {  	v63 =	vld [tilespmem:$0x1FF40];
	v52 =	vsel vm6, $0x1, v4;
	v32 =	vadd.s32 v32, v33;
	v49 =	vsel vm0, $0x1, v4  }
0xe0: {  	vm0 =	vcmask $0x3F28;
	v47 =	vsel vm4, $0x1, v4;
	vm4 =	veq.s32 v29, v37  }
0xe1: {  	v56 =	vadd.s32 v60, v32;
	vm10 =	vmand vm4, vm0;
	vm0 =	vcmask $0x3F34  }
0xe2: {  	v34 =	vadd.s32 v48, v53;
	v36 =	vadd.s32 v49, v56;
	vm0 =	vmand vm8, vm0  }
0xe3: {  	v36 =	vadd.s32 v39, v36;
	v37 =	vsel vm10, $0x1, v4;
	v51 =	vsel vm0, $0x1, v4  }
0xe4: {  	vm10 =	vmmov vm1;
	vm1 =	vnez.u8 v63;
	v58 =	vadd.s32 v51, v34  }
0xe5: {  	v36 =	vadd.s32 v45, v36;
	vm0 =	veq.s32 v29, v38;
	v41 =	vadd.s32 v44, v58  }
0xe6: {  	vm6 =	vmand vm0, vm1;
	vm1 =	vcmask $0x3F18;
	v60 =	vadd.s32 v61, v41;
	v61 =	vld [tilespmem:$0x1FF30]  }
0xe7: {  	v33 =	vnsel vm10, $0x0, v57;
	vm2 =	vmand vm2, vm1;
	v38 =	vsel vm6, $0x1, v4  }
0xe8: {  	vm6 =	veq.s32 v29, v50;
	v50 =	vsel vm2, $0x1, v4;
	vm2 =	vcmask $0x3F2C  }
0xe9: {  	v32 =	vadd.s32 $0xFFFFFFFF, v55;
	v63 =	vadd.s32 v52, v36;
	vm2 =	vmand vm6, vm2  }
0xea: {  	v34 =	vperm.xlane v29, v19;
	v40 =	vsel vm2, $0x1, v4;
	vm2 =	vmand vm6, vm14  }
0xeb: {  	v62 =	vadd.s32 v47, v60;
	v54 =	vsel vm2, $0x1, v4;
	vm2 =	vnez.u8 v61  }
0xec: {  	v41 =	vadd.s32 v40, v62;
	v40 =	vadd.s32 v54, v63;
	vm2 =	vmand vm4, vm2;
	s12 =	spop (v2sf)  }
0xed: {  	s11 =	simm.s32 $0x40;
	v36 =	vld.idx.msk [tilespmem:v33+s29+$0x0], $0xffff;
	v35 =	vadd.s32 v50, v41;
	v39 =	vsel vm2, $0x1, v4;
	vm2 =	veq.s32 v29, v59;
	s12 =	sadd.s32 $0x0, s12  }
.LBB2_5:
0xee: {  	v41 =	vld [tilespmem:$0x1FFB0]  }
0xef: {  	v49 =	vld [tilespmem:$0x1FFC0];
	_ =	sdelay $0x3  }
0xf0: {  	v31 =	vadd.s32 v31, v40;
	vm6 =	veq.s32 v29, v34;
	vm1 =	vnez.u8 v41  }
0xf1: {  	v31 =	vadd.s32 v39, v31;
	vm4 =	vmand vm2, vm1;
	vm1 =	vnez.u8 v49  }
0xf2: {  	v48 =	vsel vm4, $0x1, v4;
	vm4 =	vmand vm6, vm1;
	vm1 =	vcmask $0x3F20  }
0xf3: {  	v31 =	vadd.s32 v38, v31;
	vm6 =	vmand vm6, vm1;
	vm1 =	vcmask $0x3F1C  }
0xf4: {  	v50 =	vsel vm4, $0x1, v4;
	v31 =	vadd.s32 v48, v31;
	vm0 =	vmand vm0, vm1  }
0xf5: {  	v31 =	vadd.s32 v50, v31;
	v52 =	vsel vm0, $0x1, v4;
	vm0 =	vcmask $0x3F24  }
0xf6: {  	v32 =	vbroadcast v32, $0x0;
	v51 =	vld [tilespmem:s10+$0x2000];
	vm0 =	vmand vm2, vm0;
	vm2 =	veq.s32 v31, $0x0  }
0xf7: {  	v35 =	vadd.s32 v37, v35;
	v54 =	vsel vm0, $0x1, v4;
	vm0 =	vmand vm10, vm2  }
0xf8: {  	v53 =	vld [tilespmem:s10+$0x0];
	v35 =	vadd.s32 v52, v35  }
0xf9: {  	v30 =	vadd.s32 v30, v32;
	v35 =	vadd.s32 v36, v35  }
0xfa: {  	v55 =	vsel vm6, $0x1, v4;
	v35 =	vadd.s32 v54, v35  }
0xfb: {  	v34 =	vmul.u32 $0x2710, v51;
	v56 =	vadd.s32 v55, v35  }
0xfc: {  	v31 =	vadd.s32 v31, v56  }
0xfd: {  	v57 =	vadd.s32 v53, v34;
	[tilespmem:v33+s29+$0x0] =	vst.idx.msk vm0, v31  }
0xfe: {  	s13 =	smov.u32 s11;
	[tilespmem:v30+s30+$0x0] =	vst.idx.msk vm10, v57  }
0xff: {  	s10 =	sshra.s32 s13, $0x2;
	[tilespmem:v30+s31+$0x0] =	vst.idx.msk vm10, v29  }
0x100: {  	v29 =	vld [tilespmem:s10+$0x4000];
	_ =	sdelay $0x2  }
0x101: {  	v42 =	vld [tilespmem:$0x1FFA0];
	_ =	sdelay $0x1  }
0x102: {  	v30 =	vperm.xlane v29, v6  }
0x103: {  	vm0 =	vge.s32 v29, v0;
	vm2 =	vlt.s32 v29, v1  }
0x104: {  	vm3 =	vmand vm0, vm2;
	vm0 =	veq.s32 v29, v30;
	v30 =	vperm.xlane v29, v11  }
0x105: {  	s12 =	sadd.s32 $0x80000000, s12;
	v61 =	vimm.s32 $0x0;
	v45 =	vimm.s32 $0x0;
	vm7 =	vnez.u8 v42  }
0x106: {  	vm1 =	vcmask $0x3F28;
	v31 =	vmov s12;
	vm10 =	veq.s32 v29, v30;
	v30 =	vld [tilespmem:$0x1FF50]  }
0x107: {  	v32 =	vadd.s32 $0xFFFFFFFF, v31;
	v34 =	vperm.xlane v29, v19;
	v58 =	vperm.xlane v29, v16  }
0x108: {  	v35 =	vperm.xlane v29, v18;
	v31 =	vperm.xlane v29, v8;
	vm2 =	vmand vm0, vm5  }
0x109: {  	v37 =	vperm.xlane v29, v17;
	v38 =	vsel vm2, $0x1, v4;
	vm2 =	veq.s32 v29, v58  }
0x10a: {  	v60 =	vperm.xlane v29, v7;
	v59 =	vsel vm3, $0x1, v4;
	vm1 =	vmand vm2, vm1  }
0x10b: {  	v62 =	vperm.xlane v29, v5;
	(xrf0) =	vadd.scan.msk.s32 $0xffff, v59;
	v36 =	vsel vm1, $0xFFFFFFFF, v61;
	vm1 =	vnez.u8 v30;
	v30 =	vld [tilespmem:$0x1FF90]  }
0x10c: {  	v63 =	vsub.s32 v29, v0;
	v47 =	vperm.xlane v29, v14;
	v48 =	vperm.xlane v29, v13  }
0x10d: {  	v51 =	vperm.xlane v29, v9;
	vm8 =	veq.s32 v29, v31;
	v31 =	vperm.xlane v29, v15  }
0x10e: {  	v54 =	vperm.xlane v29, v10;
	vm12 =	veq.s32 v29, v60;
	vm4 =	vmand vm8, vm9  }
0x10f: {  	v49 =	vld [tilespmem:$0x1FF70];
	v33 =	vnsel vm3, $0x0, v63;
	v39 =	vsel vm4, $0x1, v4;
	vm6 =	veq.s32 v29, v31  }
0x110: {  	vm14 =	vmand vm6, vm1;
	vm1 =	veq.s32 v29, v62;
	vm4 =	vnez.u8 v30  }
0x111: {  	v31 =	vsel vm14, $0x1, v4;
	v52 =	vnsel vm1, $0x1, v20;
	v30, _, _ =	vpop (xrf0);
	vm14 =	vmand vm12, vm4  }
0x112: {  	vm4 =	vcmask $0x3F18;
	v46 =	vxor.u32 $0x80000000, v30;
	vm12 =	vmand vm12, vm11  }
0x113: {  	vm4 =	vmand vm6, vm4;
	v40 =	vsel vm14, $0x1, v4;
	vm14 =	vmand vm1, vm7  }
0x114: {  	vm7 =	vmmov vm9;
	vm9 =	vnez.u8 v49;
	vm1 =	vcmask $0x3F14  }
0x115: {  	v56 =	vld [tilespmem:$0x1FFE0];
	[tilespmem:$0x1FF10] =	vst v36;
	vm6 =	vcmask $0x3F30;
	v36 =	vsel vm4, $0xFFFFFFFF, v45;
	vm4 =	vcmask $0x3F3C  }
0x116: {  	vm9 =	vmand vm10, vm9;
	v45 =	vsel vm12, $0x1, v4;
	v57 =	vsel vm14, $0x1, v4  }
0x117: {  	vm14 =	veq.s32 v29, v54;
	vm0 =	vmand vm0, vm4;
	vm4 =	vmmov vm5  }
0x118: {  	vm5 =	vcmask $0x3F38;
	v43 =	vsel vm9, $0x1, v4;
	v38 =	vadd.s32 v57, v38  }
0x119: {  	(xrf0) =	vmax.scan.msk.u32 $0xffff, v46;
	vm5 =	vmand vm8, vm5;
	vm8 =	veq.s32 v29, v47;
	v50 =	vsel vm0, $0x1, v4  }
0x11a: {  	vm0 =	vmand vm10, vm15;
	v47 =	vperm.xlane v29, v12;
	vm10 =	vnez.u8 v56  }
0x11b: {  	v59 =	vld [tilespmem:$0x1FF80];
	v38 =	vadd.s32 v40, v38;
	v44 =	vsel vm5, $0x1, v4;
	v46 =	vsel vm0, $0x1, v4  }
0x11c: {  	[tilespmem:$0x1FF20] =	vst v36;
	vm0 =	veq.s32 v29, v48;
	v36 =	vadd.s32 v50, v52;
	v38 =	vadd.s32 v39, v38  }
0x11d: {  	v60 =	vld [tilespmem:$0x1FFD0];
	vm12 =	vmand vm0, vm1;
	vm1 =	veq.s32 v29, v51;
	v36 =	vadd.s32 v45, v36  }
0x11e: {  	v63 =	vld [tilespmem:$0x1FFF0];
	vm5 =	veq.s32 v29, v47;
	v55 =	vadd.s32 v44, v36;
	vm9 =	vmand vm1, vm13  }
0x11f: {  	v53, _, _ =	vpop (xrf0);
	vm10 =	vmand vm5, vm10;
	vm5 =	vmand vm5, vm6;
	v50 =	vsel vm12, $0x1, v4  }
0x120: {  	(v2sf) =	vpush v53, $0xF;
	v58 =	vsel vm10, $0x1, v4;
	vm10 =	vnez.u8 v59  }
0x121: {  	v52 =	vld [tilespmem:$0x1FF60];
	v62 =	vsel vm9, $0x1, v4;
	vm9 =	vmmov vm7;
	v48 =	vsel vm5, $0x1, v4  }
0x122: {  	vm1 =	vmand vm1, vm10;
	vm10 =	vmmov vm15;
	vm15 =	vmmov vm13  }
0x123: {  	v57 =	vld [tilespmem:$0x1FF10];
	vm13 =	vnez.u8 v60;
	v61 =	vsel vm1, $0x1, v4;
	vm1 =	vnez.u8 v63  }
0x124: {  	v49 =	vadd.s32 v62, v55;
	vm13 =	vmand vm14, vm13;
	vm7 =	vmand vm8, vm1  }
0x125: {  	v59 =	vld [tilespmem:$0x1FF30];
	vm1 =	vcmask $0x3F34;
	v51 =	vsel vm13, $0x1, v4;
	vm13 =	vmmov vm15  }
0x126: {  	v55 =	vld [tilespmem:$0x1FF40];
	vm15 =	vmmov vm10;
	vm10 =	vmmov vm3;
	vm3 =	vnez.u8 v52  }
0x127: {  	v38 =	vadd.s32 v61, v38;
	vm1 =	vmand vm14, vm1;
	vm5 =	vmand vm0, vm3  }
0x128: {  	vm0 =	veq.s32 v29, v37;
	v38 =	vadd.s32 v51, v38;
	vm3 =	vnez.u8 v57  }
0x129: {  	v63 =	vsel vm7, $0x1, v4;
	v53 =	vsel vm1, $0x1, v4;
	v54 =	vsel vm5, $0x1, v4  }
0x12a: {  	v60 =	vld [tilespmem:$0x1FF20];
	vm5 =	vmmov vm4;
	v38 =	vadd.s32 v43, v38;
	vm4 =	vnez.u8 v59  }
0x12b: {  	v37 =	vadd.s32 v53, v49;
	vm1 =	vnez.u8 v55;
	v38 =	vadd.s32 v58, v38  }
0x12c: {  	p0 =	sne.s32 s11, $0x7FC0;
	vm2 =	vmand vm2, vm4;
	vm1 =	vmand vm0, vm1;
	v56 =	vadd.s32 v46, v37  }
.Ltmp5:
0x12d: {  	v41 =	vadd.s32 v54, v38;
	v38 =	vsel vm1, $0x1, v4;
	vm1 =	vcmask $0x3F2C;
	(pc) =	sbr.rel @p0 .LBB2_5-.Ltmp5, $4  }
0x12e: {  	v37 =	vsel vm3, $0x1, v4;
	v58 =	vadd.s32 v48, v56;
	vm1 =	vmand vm8, vm1  }
0x12f: {  	vm3 =	vnez.u8 v60;
	v42 =	vadd.s32 v50, v58;
	v62 =	vsel vm1, $0x1, v4  }
0x130: {  	v39 =	vsel vm2, $0x1, v4;
	v61 =	vsel vm3, $0x1, v4;
	v42 =	vadd.s32 v62, v42;
	s17 =	spop (v2sf)  }
0x131: {  	s11 =	sadd.s32 $0x40, s11;
	v36 =	vld.idx.msk [tilespmem:v33+s29+$0x0], $0xffff;
	vm2 =	veq.s32 v29, v35;
	v40 =	vadd.s32 v63, v41;
	v35 =	vadd.s32 v61, v42;
	s12 =	sadd.s32 s17, s12  }
0x132: {  	v52 =	vld [tilespmem:$0x1FFB0]  }
0x133: {  	v54 =	vld [tilespmem:$0x1FFC0];
	_ =	sdelay $0x3  }
0x134: {  	v31 =	vadd.s32 v31, v40;
	vm4 =	veq.s32 v29, v34;
	vm6 =	vnez.u8 v52  }
0x135: {  	v31 =	vadd.s32 v39, v31;
	vm8 =	vnez.u8 v54;
	vm1 =	vmand vm2, vm6  }
0x136: {  	v31 =	vadd.s32 v38, v31;
	v53 =	vsel vm1, $0x1, v4;
	vm1 =	vmand vm4, vm8  }
0x137: {  	v32 =	vbroadcast v32, $0x0;
	v55 =	vsel vm1, $0x1, v4;
	v31 =	vadd.s32 v53, v31  }
0x138: {  	v35 =	vadd.s32 v37, v35;
	vm1 =	vcmask $0x3F1C;
	v31 =	vadd.s32 v55, v31  }
0x139: {  	v56 =	vld [tilespmem:s10+$0x2000];
	vm3 =	vcmask $0x3F24;
	vm0 =	vmand vm0, vm1;
	vm1 =	veq.s32 v31, $0x0  }
0x13a: {  	v30 =	vadd.s32 v30, v32;
	v57 =	vsel vm0, $0x1, v4;
	vm0 =	vmand vm10, vm1  }
0x13b: {  	v58 =	vld [tilespmem:s10+$0x0];
	vm2 =	vmand vm2, vm3;
	vm1 =	vcmask $0x3F20;
	v35 =	vadd.s32 v57, v35  }
0x13c: {  	v59 =	vsel vm2, $0x1, v4;
	vm1 =	vmand vm4, vm1;
	v35 =	vadd.s32 v36, v35  }
0x13d: {  	s10 =	sadd.s32 $0x80000000, s12;
	v60 =	vsel vm1, $0x1, v4;
	v35 =	vadd.s32 v59, v35  }
0x13e: {  	v61 =	vadd.s32 s10, v2;
	v34 =	vmul.u32 $0x2710, v56;
	v32 =	vadd.s32 v60, v35  }
0x13f: {  	s11 =	sadd.s32 $0x10, s10;
	v31 =	vadd.s32 v31, v32  }
0x140: {  	v62 =	vadd.s32 v58, v34;
	[tilespmem:v33+s29+$0x0] =	vst.idx.msk vm0, v31;
	v31 =	vadd.s32 s11, v2  }
0x141: {  	s17 =	sadd.s32 $0x20, s10;
	[tilespmem:v30+s30+$0x0] =	vst.idx.msk vm10, v62  }
0x142: {  	[tilespmem:v30+s31+$0x0] =	vst.idx.msk vm10, v29;
	v29 =	vadd.s32 s17, v2  }
0x143: {  	s12 =	sadd.s32 $0x30, s10;
	[tilespmem:v61+s30+$0x0] =	vst.idx.msk $0xffff, v21  }
0x144: {  	v30 =	vadd.s32 s12, v2;
	[tilespmem:v61+s31+$0x0] =	vst.idx.msk $0xffff, v3  }
0x145: {  	s13 =	sadd.s32 $0x40, s10;
	[tilespmem:v31+s30+$0x0] =	vst.idx.msk $0xffff, v22  }
0x146: {  	[tilespmem:v31+s31+$0x0] =	vst.idx.msk $0xffff, v3;
	v31 =	vadd.s32 s13, v2  }
0x147: {  	s12 =	sadd.s32 $0x50, s10;
	[tilespmem:v29+s30+$0x0] =	vst.idx.msk $0xffff, v23  }
0x148: {  	[tilespmem:v29+s31+$0x0] =	vst.idx.msk $0xffff, v3;
	v29 =	vadd.s32 s12, v2  }
0x149: {  	[tilespmem:v30+s30+$0x0] =	vst.idx.msk $0xffff, v24  }
0x14a: {  	[tilespmem:v30+s31+$0x0] =	vst.idx.msk $0xffff, v3  }
0x14b: {  	[tilespmem:v31+s30+$0x0] =	vst.idx.msk $0xffff, v25  }
0x14c: {  	[tilespmem:v31+s31+$0x0] =	vst.idx.msk $0xffff, v3  }
0x14d: {  	s14 =	sadd.s32 $0x7F, s10;
	[tilespmem:v29+s30+$0x0] =	vst.idx.msk $0xffff, v26  }
0x14e: {  	s13 =	sand.u32 $0x7F, s14;
	[tilespmem:v29+s31+$0x0] =	vst.idx.msk $0xffff, v3;
	v29 =	vld [tilespmem:$0x1FFD0]  }
0x14f: {  	s15 =	sshra.s32 s14, $0x1F;
	p0 =	slt.s32 s14, $0x1;
	p1 =	sne.s32 s13, $0x0  }
0x150: {  	s12 =	sshrl.u32 s15, $0x19;
	p0 =	por !p0, !p1  }
0x151: {  	s11 =	sadd.s32 s12, s14;
	p0 =	por !p0, !p0;
	s12 =	simm.s32 $0x1  }
0x152: {  	s11 =	sshrl.u32 s11, $0x7;
	s12 =	simm.s32 @!p0 $0x0  }
0x153: {  	s16 =	sadd.s32 $0x60, s10;
	s10 =	sadd.s32 $0x70, s10;
	s17 =	ssub.s32 s11, s12;
	vm1 =	vnez.u8 v29;
	v29 =	vld [tilespmem:$0x1FFE0]  }
0x154: {  	v30 =	vadd.s32 s10, v2;
	s10 =	ssub.s32 $0x1E00, s8;
	s11 =	sshll.u32 s17, $0x7  }
0x155: {  	v63 =	vadd.s32 s16, v2;
	p0 =	slt.s32 s11, s10  }
0x156: {  	s10 =	smov.u32 @p0 s11  }
0x157: {  	s13 =	sshra.s32 s10, $0x7  }
0x158: {  	p0 =	slt.s32 s13, $0x1;
	vm7 =	vnez.u8 v29;
	v29 =	vld [tilespmem:$0x1FFF0]  }
.Ltmp6:
0x159: {  	_ = 	snop;
	(pc) =	sbr.rel @p0 .LBB2_13-.Ltmp6, $4  }
0x15a: {  	[tilespmem:v63+s30+$0x0] =	vst.idx.msk $0xffff, v27  }
0x15b: {  	[tilespmem:v63+s31+$0x0] =	vst.idx.msk $0xffff, v3  }
0x15c: {  	[tilespmem:v30+s30+$0x0] =	vst.idx.msk $0xffff, v28  }
0x15d: {  	vm12 =	vcmask $0x3F14;
	[tilespmem:v30+s31+$0x0] =	vst.idx.msk $0xffff, v3;
	vm14 =	vnez.u8 v29  }
0x15e: {  	p1 =	sne.s32 s13, $0x1  }
.Ltmp7:
0x15f: {  	_ = 	snop;
	(pc) =	sbr.rel @!p1 .LBB2_8-.Ltmp7, $4  }
0x160: {  	_ = 	snop  }
0x161: {  	s14 =	sadd.s32 s8, s22  }
0x162: {  	s11 =	simm.s32 $0x8080;
	s12 =	simm.s32 $0x6000;
	s16 =	sshrl.u32 s14, $0x3  }
0x163: {  	s15 =	sadd.s32 $0xFFFFFFFF, s13;
	p0 =	por $0x0, $0x0;
	s13 =	sand.u32 $0x1FFFFFF0, s16  }
0x164: {  	s16 =	sadd.s32 s6, s13  }
0x165: {  	[hbm4b:s16+s2] =	stream.linear.scatter [tilespmem:s12], [sflag:$0x1], $0x80, $0x38;
	[tilespmem:$0xAE00] =	vst v63  }
0x166: {  	s14 =	sadd.s32 $0x80, s14;
	p1 =	sne.s32 s15, $0x1;
	_ =	swait.ge [sflag:s24], $0x80  }
.Ltmp8:
0x167: {  	p0 =	por $0x1, $0x1;
	[sflag:s24] =	ssyncset.done $0x0;
	(pc) =	sbr.rel @!p1 .LBB2_10-.Ltmp8, $4  }
0x168: {  	s16 =	sadd.s32 s7, s13;
	s17 =	sshrl.u32 s14, $0x3;
	[sflag:s24] =	ssyncadd.s32 $0xFFFFFF80  }
0x169: {  	[hbm4b:s16+s2] =	stream.linear.scatter [tilespmem:s11], [sflag:$0x1], $0x80, $0x38;
	[tilespmem:$0xAE00] =	vst v63  }
0x16a: {  	s12 =	simm.s32 $0x6080;
	s13 =	sand.u32 $0x1FFFFFF0, s17;
	_ =	swait.ge [sflag:s24], $0x80  }
0x16b: {  	s16 =	sadd.s32 $0xFFFFFFFF, s15;
	s15 =	simm.s32 $0x8080;
	[sflag:s24] =	ssyncset.done $0x0  }
.LBB2_11:
0x16c: {  	s17 =	sadd.s32 s6, s13;
	[sflag:s24] =	ssyncadd.s32 $0xFFFFFF80;
	s15 =	sadd.s32 $0x80, s15  }
0x16d: {  	[hbm4b:s17+s2] =	stream.linear.scatter [tilespmem:s12], [sflag:$0x1], $0x80, $0x38;
	[tilespmem:$0xAE00] =	vst v63  }
0x16e: {  	p1 =	sne.s32 s16, $0x1;
	s16 =	sadd.s32 $0xFFFFFFFF, s16;
	_ =	swait.ge [sflag:s24], $0x80  }
.Ltmp9:
0x16f: {  	[sflag:s24] =	ssyncset.done $0x0;
	(pc) =	sbr.rel @p1 .LBB2_11-.Ltmp9, $4  }
0x170: {  	s13 =	sadd.s32 s7, s13;
	s14 =	sadd.s32 $0x80, s14;
	[sflag:s24] =	ssyncadd.s32 $0xFFFFFF80  }
0x171: {  	[hbm4b:s13+s2] =	stream.linear.scatter [tilespmem:s15], [sflag:$0x1], $0x80, $0x38;
	[tilespmem:$0xAE00] =	vst v63  }
0x172: {  	s13 =	sshrl.u32 s14, $0x3;
	_ =	swait.ge [sflag:s24], $0x80  }
0x173: {  	s12 =	sadd.s32 $0x80, s12;
	s13 =	sand.u32 $0x1FFFFFF0, s13;
	[sflag:s24] =	ssyncset.done $0x0  }
.Ltmp10:
0x174: {  	_ = 	snop;
	(pc) =	sbr.rel .LBB2_12-.Ltmp10, $1  }
0x175: {  	_ =	sdelay $0x3  }
.LBB2_10:
.Ltmp11:
0x176: {  	(pc) =	sbr.rel .LBB2_12-.Ltmp11, $2  }
0x177: {  	_ =	sdelay $0x2  }
0x178: {  	s15 =	simm.s32 $0x8080  }
.LBB2_15:
0x179: {  	_ =	sfence.sel $0x180000  }
0x17a: {  	[bflag:$0x0] =	sbarrier.arrive $0xFFFF  }
0x17b: {  	_ =	strace $0x90000047  }
0x17c: {  	s0 =	stileid.u32;
	[bflag:$0x2] =	sbarrier.arrive $0xFFFF  }
0x17d: {  	p0 =	sne.s32 s0, $0x0;
	s0 =	rddreg [dreg:$0x1]  }
0x17e: {  	s0 =	sadd.s32 @!p0 $0x100000, s0  }
0x17f: {  	[sflag:s0] =	ssyncadd.tile.s32 @!p0 $0x1;
	_ =	shalt  }
.Lfunc_end2:
_tile_overlayer_lowered:
.L_overlay_start_2:
0x180: {  	(tag) =	ssettag $0x2  }
0x181: {  	s0 =	rddreg [dreg:$0x0];
	s2 =	stileid.u32  }
0x182: {  	s1 =	rddreg [dreg:$0x1];
	p0 =	sne.s32 s2, $0x0  }
0x183: {  	s3 =	rddreg [dreg:$0x2];
	[bflag:$0x3] =	sbarrier.arrive $0xFFFF;
	s2 =	simm.s32 @!p0 $0x1C01  }
0x184: {  	[timem:s3], [sflag:s2] =	dma.local @!p0 [hbm:s0], s1  }
0x185: {  	s0 =	simm.s32 @!p0 $0x1  }
0x186: {  	_ =	swait.ge @!p0 [sflag:s0], s1  }
0x187: {  	s1 =	ssub.s32 @!p0 $0x0, s1;
	[sflag:s0] =	ssyncset.done @!p0 $0x0  }
0x188: {  	[sflag:s0] =	ssyncadd.s32 @!p0 s1  }
0x189: {  	[bflag:$0x3] =	sbarrier.arrive $0xFFFF  }
0x18a: {  	_ =	shalt  }

// kernel: kernel.16.cloned.1.call-start
scs
__scs_entry_jumppad:
0x0: {  	(pc) =	sbr.rel $0x88, $3  }
0x1: {  	(tag) =	ssettag $0x0;
	lr =	simm.s32 $0x1  }
0x2: {  	[smem:$0x3F8E] =	sst lr;
	_ =	strace $0xD0000000  }
0x3: {  	_ = 	snop  }
0x4: {  	_ = 	snop  }
0x5: {  	_ = 	snop  }
0x6: {  	_ = 	snop  }
0x7: {  	_ = 	snop  }
__scs_overlays_trampoline_lowered:
0x8: {  	[smem:$0x3F9D] =	sst s0  }
0x9: {  	[smem:$0x3F9E] =	sst s1  }
0xa: {  	[smem:$0x3F9F] =	sst s2  }
0xb: {  	[smem:$0x3FA0] =	sst s3  }
0xc: {  	[smem:$0x3FA1] =	sst s4  }
0xd: {  	[smem:$0x3FA2] =	sst s5  }
0xe: {  	[smem:$0x3FA3] =	sst s6  }
0xf: {  	[smem:$0x3FA4] =	sst s7  }
0x10: {  	[smem:$0x3FA5] =	sst s8  }
0x11: {  	[smem:$0x3FA6] =	sst s9;
	s0 =	simm.s32 @!p0 $0x0  }
0x12: {  	s1 =	sld [smem:$0x3F8C];
	s0 =	simm.s32 @p0 $0x1  }
0x13: {  	[smem:$0x3FA7] =	sst s0;
	s0 =	simm.s32 @!p1 $0x0  }
0x14: {  	s2 =	sld [smem:$0x3F8B];
	s0 =	simm.s32 @p1 $0x1  }
0x15: {  	[smem:$0x3FA8] =	sst s0;
	s0 =	simm.s32 @!p2 $0x0  }
0x16: {  	s3 =	sld [smem:$0x3FDB];
	s0 =	simm.s32 @p2 $0x1  }
0x17: {  	s4 =	simm.s32 $0x1BF5;
	[smem:$0x3FAA] =	sst s0  }
0x18: {  	s0 =	sld [smem:$0x3F8D];
	_ =	swait.ge [sflag:s4], $0x0  }
0x19: {  	s7 =	sld [smem:$0x3F8E]  }
0x1a: {  	s8 =	sadd.s32 $0xFFFFE003, lr  }
0x1b: {  	s9 =	sadd.s32 $0xFFFFFEF7, lr;
	s5 =	simm.s32 $0xFFFFFFFF;
	p2 =	slt.u32 s8, $0xFFFFF086  }
0x1c: {  	p1 =	slt.u32 s9, $0xF7A;
	s5 =	simm.s32 @!p2 $0x0  }
0x1d: {  	s5 =	simm.s32 @p1 $0x1;
	p0 =	seq.s32 s7, s2  }
0x1e: {  	s7 =	smul.u32 @!p0 $0xF7A, s2;
	p2 =	seq.s32 @!p0 s5, $0x0  }
0x1f: {  	s9 =	smul.u32 $0xF7A, s1;
	s8 =	simm.s32 @!p0 $0x1BF5;
	p2 =	por !p2, p0  }
0x20: {  	[sflag:s8] =	ssyncset.s32 @!p0 $0xFFFFF086;
	s6 =	sadd.s32 @!p0 s3, s7;
	s7 =	simm.s32 @!p0 $0x108  }
0x21: {  	s3 =	sadd.s32 s3, s9;
	s6 =	sadd.s32 @!p0 $0x88, s6;
	s7 =	simm.s32 @p2 $0x1082  }
0x22: {  	[simem:s7], [sflag:s8] =	dma.local @!p0 [hbm:s6], $0xF7A  }
0x23: {  	s9 =	sor.u32 $0xD0000000, s2;
	s6 =	simm.s32 $0x108;
	_ =	swait.ge @!p0 [sflag:s8], $0x0  }
0x24: {  	s3 =	sadd.s32 $0x88, s3;
	s6 =	simm.s32 @!p1 $0x1082;
	[sflag:s4] =	ssyncset.s32 $0xFFFFF086  }
0x25: {  	[simem:s6], [sflag:s4] =	dma.local [hbm:s3], $0xF7A  }
0x26: {  	[smem:$0x3F8E] =	sst s1;
	(tag) =	ssettag s2;
	_ =	strace s9  }
0x27: {  	s1 =	sld [smem:$0x3F9E]  }
0x28: {  	s2 =	sld [smem:$0x3F9F]  }
0x29: {  	s4 =	sld [smem:$0x3FA1]  }
0x2a: {  	p0 =	seq.s32 s5, $0x0;
	s5 =	sld [smem:$0x3FA2]  }
0x2b: {  	s6 =	sld [smem:$0x3FA3]  }
0x2c: {  	s7 =	sld [smem:$0x3FA4]  }
0x2d: {  	s3 =	simm.s32 $0x108;
	s8 =	sld [smem:$0x3FA5]  }
0x2e: {  	s3 =	simm.s32 @!p0 $0x1082;
	s9 =	sld [smem:$0x3FA6]  }
0x2f: {  	lr =	sadd.s32 s0, s3;
	s0 =	sld [smem:$0x3F9D]  }
0x30: {  	s3 =	sld [smem:$0x3FA0]  }
0x31: {  	[smem:$0x3FA9] =	sst s10  }
0x32: {  	s10 =	sld [smem:$0x3FA7];
	_ =	sdelay $0x3  }
0x33: {  	p0 =	seq.s32 s10, $0x1;
	s10 =	sld [smem:$0x3FA9];
	_ =	sdelay $0x3  }
0x34: {  	[smem:$0x3FA9] =	sst s10  }
0x35: {  	s10 =	sld [smem:$0x3FA8];
	_ =	sdelay $0x3  }
0x36: {  	p1 =	seq.s32 s10, $0x1;
	s10 =	sld [smem:$0x3FA9];
	_ =	sdelay $0x3  }
0x37: {  	[smem:$0x3FA9] =	sst s10  }
0x38: {  	s10 =	sld [smem:$0x3FAA]  }
0x39: {  	_ = 	snop;
	(pc) =	sbr.ind lr, $3  }
0x3a: {  	_ = 	snop  }
0x3b: {  	_ = 	snop  }
0x3c: {  	p2 =	seq.s32 s10, $0x1;
	s10 =	sld [smem:$0x3FA9]  }
0x3d: {  	_ =	shalt  }
0x3e: {  	_ =	shalt  }
0x3f: {  	_ =	shalt  }
0x40: {  	_ =	shalt  }
0x41: {  	_ =	shalt  }
0x42: {  	_ =	shalt  }
0x43: {  	_ =	shalt  }
0x44: {  	_ =	shalt  }
0x45: {  	_ =	shalt  }
0x46: {  	_ =	shalt  }
0x47: {  	_ =	shalt  }
0x48: {  	_ =	shalt  }
0x49: {  	_ =	shalt  }
0x4a: {  	_ =	shalt  }
0x4b: {  	_ =	shalt  }
0x4c: {  	_ =	shalt  }
0x4d: {  	_ =	shalt  }
0x4e: {  	_ =	shalt  }
0x4f: {  	_ =	shalt  }
0x50: {  	_ =	shalt  }
0x51: {  	_ =	shalt  }
0x52: {  	_ =	shalt  }
0x53: {  	_ =	shalt  }
0x54: {  	_ =	shalt  }
0x55: {  	_ =	shalt  }
0x56: {  	_ =	shalt  }
0x57: {  	_ =	shalt  }
0x58: {  	_ =	shalt  }
0x59: {  	_ =	shalt  }
0x5a: {  	_ =	shalt  }
0x5b: {  	_ =	shalt  }
0x5c: {  	_ =	shalt  }
0x5d: {  	_ =	shalt  }
0x5e: {  	_ =	shalt  }
0x5f: {  	_ =	shalt  }
0x60: {  	_ =	shalt  }
0x61: {  	_ =	shalt  }
0x62: {  	_ =	shalt  }
0x63: {  	_ =	shalt  }
0x64: {  	_ =	shalt  }
0x65: {  	_ =	shalt  }
0x66: {  	_ =	shalt  }
0x67: {  	_ =	shalt  }
0x68: {  	_ =	shalt  }
0x69: {  	_ =	shalt  }
0x6a: {  	_ =	shalt  }
0x6b: {  	_ =	shalt  }
0x6c: {  	_ =	shalt  }
0x6d: {  	_ =	shalt  }
0x6e: {  	_ =	shalt  }
0x6f: {  	_ =	shalt  }
0x70: {  	_ =	shalt  }
0x71: {  	_ =	shalt  }
0x72: {  	_ =	shalt  }
0x73: {  	_ =	shalt  }
0x74: {  	_ =	shalt  }
0x75: {  	_ =	shalt  }
0x76: {  	_ =	shalt  }
0x77: {  	_ =	shalt  }
0x78: {  	_ =	shalt  }
0x79: {  	_ =	shalt  }
0x7a: {  	_ =	shalt  }
0x7b: {  	_ =	shalt  }
0x7c: {  	_ =	shalt  }
0x7d: {  	_ =	shalt  }
0x7e: {  	_ =	shalt  }
0x7f: {  	_ =	shalt  }
0x80: {  	_ =	shalt  }
0x81: {  	_ =	shalt  }
0x82: {  	_ =	shalt  }
0x83: {  	_ =	shalt  }
0x84: {  	_ =	shalt  }
0x85: {  	_ =	shalt  }
0x86: {  	_ =	shalt  }
0x87: {  	_ =	shalt  }
.Lfunc_end0:
.L_simem_size_0:
called_computation.1_lowered:
.L_overlay_start_0:
0x88: {  	s2 =	sld [smem:$0x3FD9]  }
0x89: {  	s3 =	sld [smem:$0x3FFE];
	_ =	sdelay $0x1  }
0x8a: {  	s1 =	srdreg.scid  }
0x8b: {  	s0 =	sand.u32 $0x1, s1  }
0x8c: {  	s16 =	sshll.u32 s0, $0xA;
	s2 =	sadd.s32 s3, s2  }
0x8d: {  	s2 =	sadd.s32 s2, s16  }
0x8e: {  	[smem:$0x3FB5] =	sst s2  }
0x8f: {  	_ = 	snop  }
0x90: {  	(tm) =	ssettm $0x1  }
0x91: {  	s17 =	sld [smem:$0x3FFB];
	_ =	sdelay $0x3  }
0x92: {  	_ =	strace s17  }
0x93: {  	s2 =	sld [smem:$0x3FFC];
	_ =	sdelay $0x3  }
0x94: {  	_ =	strace s2  }
0x95: {  	s2 =	sld [smem:$0x3FFD];
	_ =	sdelay $0x3  }
0x96: {  	_ =	strace s2  }
0x97: {  	_ =	strace $0x8FFFFFFF  }
0x98: {  	s18 =	sld [smem:$0x3FDB];
	_ =	sdelay $0x1  }
0x99: {  	s19 =	simm.s32 $_scs_section_size  }
0x9a: {  	s4 =	simm.s32 $_size__tile_overlayer_lowered;
	s5 =	simm.s32 $_tile_overlayer_lowered  }
0x9b: {  	s22 =	simm.s32 $0x1BFF;
	s21 =	sshll.u32 s5, $0x1;
	s2 =	sadd.s32 s19, s18  }
0x9c: {  	s6 =	simm.s32 $0x0;
	s20 =	sshll.u32 s4, $0x1;
	s4 =	sadd.s32 s21, s2  }
0x9d: {  	[timem:s6], [sflag:s22] =	dma.local [hbm:s4], s20  }
0x9e: {  	_ =	swait.ge [sflag:s22], s20  }
0x9f: {  	s3 =	ssub.s32 $0x0, s20;
	[sflag:s22] =	ssyncset.done $0x0  }
0xa0: {  	[sflag:s22] =	ssyncadd.s32 s3;
	_ =	sdelay $0x1  }
0xa1: {  	s23 =	simm.s32 $0x1B8B  }
0xa2: {  	_ =	swait.ge [sflag:s23], $0x1  }
0xa3: {  	[sflag:s23] =	ssyncset.done $0x0  }
0xa4: {  	s25 =	simm.s32 $0x1B8E;
	s24 =	sld [smem:$0x3FFE];
	[sflag:s23] =	ssyncadd.s32 $0xFFFFFFFF  }
0xa5: {  	s26 =	simm.s32 $execute0_lowered;
	[smem:$0x3FD2] =	sst s25  }
0xa6: {  	s4 =	sshll.u32 s26, $0x1;
	_ =	strace $0x80000049;
	[dreg:$0x1] =	wrdreg $0xFFFFFFFF  }
0xa7: {  	s28 =	simm.s32 $_size_execute0_lowered;
	s2 =	sadd.s32 s2, s4;
	[dreg:$0x0] =	wrdreg $0x0  }
0xa8: {  	s4 =	sshll.u32 s28, $0x1;
	[dreg:$0x2] =	wrdreg s2  }
0xa9: {  	[dreg:$0x3] =	wrdreg s4  }
0xaa: {  	[dreg:$0x4] =	wrdreg $0xC0  }
0xab: {  	_ =	task [dreg:s6], $0x5FFFF  }
0xac: {  	[dreg:$0x1] =	wrdreg $0xFFFFFFFF  }
0xad: {  	[dreg:$0x0] =	wrdreg $0x60  }
0xae: {  	[dreg:$0x2] =	wrdreg s24  }
0xaf: {  	[dreg:$0x3] =	wrdreg $0x9  }
0xb0: {  	_ =	task.clear_ibuf [dreg:s6], $0x4FFFF;
	_ =	strace $0x90000049  }
0xb1: {  	s29 =	simm.s32 $0x9;
	_ =	strace $0x8000004B  }
0xb2: {  	_ =	swait.ge [sflag:s29], $0x1  }
0xb3: {  	[sflag:s29] =	ssyncadd.s32 $0xFFFFFFFF  }
0xb4: {  	_ =	strace $0x9000004B  }
0xb5: {  	_ =	sfence  }
0xb6: {  	s30 =	sld [smem:$0x0];
	_ =	sdelay $0x2  }
0xb7: {  	s31 =	sshll.u32 s1, $0xD;
	s1 =	sshrl.u32 s1, $0x2  }
0xb8: {  	s3 =	sand.u32 $0x4000, s31;
	s1 =	sadd.s32 s1, s30  }
0xb9: {  	s0 =	sor.u32 s3, s0;
	s1 =	sshll.u32 s1, $0x11  }
0xba: {  	s0 =	sor.u32 s1, s0  }
0xbb: {  	s0 =	sadd.s32 $0x8F2B, s0  }
0xbc: {  	[sflag:s0] =	ssyncadd.remote.s32 $0x1  }
0xbd: {  	_ =	sfence.sel $0xFFFF  }
0xbe: {  	[dreg:$0x0] =	wrdreg $0xFFFFFFFF;
	(pc) =	sbr.abs _section_cstart, $3  }
0xbf: {  	[dreg:$0x1] =	wrdreg $0xFFFFFFFF  }
0xc0: {  	_ =	task.clear_ibuf [dreg:s6], $0x2FFFF;
	_ =	strace $0x9FFFFFFF  }
0xc1: {  	(tm) =	ssettm $0x7FFFFFFF  }
tec
execute0_lowered:
.L_overlay_start_1:
0x0: {  	(tag) =	ssettag $0x1  }
0x1: {  	s4 =	rddreg [dreg:$0x0]  }
0x2: {  	s0 =	rddreg [dreg:$0x1];
	s2 =	simm.s32 $0x0;
	s3 =	srdreg.scid  }
0x3: {  	s1 =	stileid.u32;
	s10 =	simm.s32 $0x1080;
	s11 =	simm.s32 $0x1880  }
0x4: {  	s12 =	simm.s32 $0x2080;
	s13 =	simm.s32 $0x2880;
	s14 =	simm.s32 $0x3080  }
0x5: {  	s15 =	simm.s32 $0x3880;
	s16 =	simm.s32 $0x4080;
	s17 =	simm.s32 $0x4880  }
0x6: {  	s18 =	simm.s32 $0x5080;
	s19 =	simm.s32 $0x5880;
	s20 =	simm.s32 $0x6080  }
0x7: {  	s21 =	simm.s32 $0x6880;
	s22 =	simm.s32 $0x7080;
	s23 =	simm.s32 $0x7880  }
0x8: {  	s24 =	simm.s32 $0x1;
	s25 =	simm.s32 $0x0;
	s6 =	smul.u32 $0x3C00, s1  }
0x9: {  	[smem:$0x7FF] =	sst s2;
	s5 =	sand.u32 $0x1, s3;
	s8 =	smul.u32 $0x78000, s1  }
0xa: {  	s3 =	sadd.s32 $0x33800, s4;
	s7 =	smul.u32 $0x1E00, s5;
	s9 =	ssub.s32 $0x2, s5  }
0xb: {  	_ =	strace $0x8000004A;
	s5 =	smul.u32 $0x3C000, s5;
	s31 =	sshrl.u32 s9, $0x1  }
0xc: {  	s8 =	sadd.s32 s8, s4;
	s6 =	sadd.s32 s7, s6;
	s7 =	ssub.s32 s9, s31  }
0xd: {  	v2 =	vlaneseq.u32;
	s5 =	sadd.s32 s5, s8;
	s8 =	simm.s32 $0x80;
	s6 =	sshrl.u32 s6, $0x3  }
0xe: {  	vm0 =	vmmov $0xffff;
	v1 =	vshrl.u32 v2, $0x3;
	s9 =	simm.s32 $0x880;
	s5 =	sadd.s32 $0x2A7A00, s5;
	s6 =	sadd.s32 s6, s4  }
0xf: {  	v0 =	vand.u32 $0x7, v2;
	v2 =	vor.u32 $0x8, v2;
	v1 =	vmul.u32 $0x8, v1;
	s4 =	smax.u32 s7, $0x1;
	s7 =	simm.s32 $0x2;
	s6 =	sadd.s32 $0x1C000, s6  }
.LBB2_1:
0x10: {  	s26 =	smov.u32 s5;
	s28 =	simm.s32 $0x0  }
.LBB2_2:
0x11: {  	s29 =	sadd.s32 s28, s6  }
0x12: {  	[tilespmem:s2], [sflag:$0x2] =	stream.linear.gather [hbm4b:s29+s2], $0x80, $0x38;
	[tilespmem:$0x8080] =	vst v63  }
0x13: {  	_ =	swait.ge [sflag:s7], $0x80  }
0x14: {  	[sflag:s7] =	ssyncset.done $0x0  }
0x15: {  	[sflag:s7] =	ssyncadd.s32 $0xFFFFFF80  }
0x16: {  	v3 =	vld [tilespmem:$0x0];
	_ =	sdelay $0x4  }
0x17: {  	v4 =	vshll.u32 v3, $0x1  }
0x18: {  	v3 =	vand.u32 $0x7, v3;
	v4 =	vand.u32 $0xFFFFFFF0, v4  }
0x19: {  	v3 =	vor.u32 v3, v4  }
0x1a: {  	v4 =	vperm.xlane v3, v0;
	_ =	sdelay $0x1  }
0x1b: {  	v3 =	vperm.xlane v3, v2;
	v4 =	vadd.s32 v1, v4;
	_ =	sdelay $0x1  }
0x1c: {  	v3 =	vadd.s32 v1, v3;
	_ =	sdelay $0x2  }
0x1d: {  	[tilespmem:s8], [sflag:$0x1] =	stream.indirect_vreg.gather [hbm4b:s3+s2], $0x80, v4, vm0, $0xb8;
	[tilespmem:$0x8080] =	vst v63  }
0x1e: {  	_ = 	snop  }
0x1f: {  	[tilespmem:s9], [sflag:$0x1] =	stream.indirect_vreg.gather [hbm4b:s3+s2], $0x80, v3, vm0, $0xb8;
	[tilespmem:$0x8080] =	vst v63  }
0x20: {  	v3 =	vld [tilespmem:$0x10];
	_ =	sdelay $0x4  }
0x21: {  	v57 =	vshll.u32 v3, $0x1  }
0x22: {  	v3 =	vand.u32 $0x7, v3;
	v4 =	vand.u32 $0xFFFFFFF0, v57  }
0x23: {  	v3 =	vor.u32 v3, v4  }
0x24: {  	v4 =	vperm.xlane v3, v0;
	_ =	sdelay $0x1  }
0x25: {  	v3 =	vperm.xlane v3, v2;
	v4 =	vadd.s32 v1, v4;
	_ =	sdelay $0x1  }
0x26: {  	v3 =	vadd.s32 v1, v3;
	_ =	sdelay $0x2  }
0x27: {  	[tilespmem:s10], [sflag:$0x1] =	stream.indirect_vreg.gather [hbm4b:s3+s2], $0x80, v4, vm0, $0xb8;
	[tilespmem:$0x8080] =	vst v63  }
0x28: {  	_ = 	snop  }
0x29: {  	[tilespmem:s11], [sflag:$0x1] =	stream.indirect_vreg.gather [hbm4b:s3+s2], $0x80, v3, vm0, $0xb8;
	[tilespmem:$0x8080] =	vst v63  }
0x2a: {  	v3 =	vld [tilespmem:$0x20];
	_ =	sdelay $0x4  }
0x2b: {  	v58 =	vshll.u32 v3, $0x1  }
0x2c: {  	v3 =	vand.u32 $0x7, v3;
	v4 =	vand.u32 $0xFFFFFFF0, v58  }
0x2d: {  	v3 =	vor.u32 v3, v4  }
0x2e: {  	v4 =	vperm.xlane v3, v0;
	_ =	sdelay $0x1  }
0x2f: {  	v3 =	vperm.xlane v3, v2;
	v4 =	vadd.s32 v1, v4;
	_ =	sdelay $0x1  }
0x30: {  	v3 =	vadd.s32 v1, v3;
	_ =	sdelay $0x2  }
0x31: {  	[tilespmem:s12], [sflag:$0x1] =	stream.indirect_vreg.gather [hbm4b:s3+s2], $0x80, v4, vm0, $0xb8;
	[tilespmem:$0x8080] =	vst v63  }
0x32: {  	_ = 	snop  }
0x33: {  	[tilespmem:s13], [sflag:$0x1] =	stream.indirect_vreg.gather [hbm4b:s3+s2], $0x80, v3, vm0, $0xb8;
	[tilespmem:$0x8080] =	vst v63  }
0x34: {  	v3 =	vld [tilespmem:$0x30];
	_ =	sdelay $0x4  }
0x35: {  	v59 =	vshll.u32 v3, $0x1  }
0x36: {  	v3 =	vand.u32 $0x7, v3;
	v4 =	vand.u32 $0xFFFFFFF0, v59  }
0x37: {  	v3 =	vor.u32 v3, v4  }
0x38: {  	v4 =	vperm.xlane v3, v0;
	_ =	sdelay $0x1  }
0x39: {  	v3 =	vperm.xlane v3, v2;
	v4 =	vadd.s32 v1, v4;
	_ =	sdelay $0x1  }
0x3a: {  	v3 =	vadd.s32 v1, v3;
	_ =	sdelay $0x2  }
0x3b: {  	[tilespmem:s14], [sflag:$0x1] =	stream.indirect_vreg.gather [hbm4b:s3+s2], $0x80, v4, vm0, $0xb8;
	[tilespmem:$0x8080] =	vst v63  }
0x3c: {  	_ = 	snop  }
0x3d: {  	[tilespmem:s15], [sflag:$0x1] =	stream.indirect_vreg.gather [hbm4b:s3+s2], $0x80, v3, vm0, $0xb8;
	[tilespmem:$0x8080] =	vst v63  }
0x3e: {  	v3 =	vld [tilespmem:$0x40];
	_ =	sdelay $0x4  }
0x3f: {  	v60 =	vshll.u32 v3, $0x1  }
0x40: {  	v3 =	vand.u32 $0x7, v3;
	v4 =	vand.u32 $0xFFFFFFF0, v60  }
0x41: {  	v3 =	vor.u32 v3, v4  }
0x42: {  	v4 =	vperm.xlane v3, v0;
	_ =	sdelay $0x1  }
0x43: {  	v3 =	vperm.xlane v3, v2;
	v4 =	vadd.s32 v1, v4;
	_ =	sdelay $0x1  }
0x44: {  	v3 =	vadd.s32 v1, v3;
	_ =	sdelay $0x2  }
0x45: {  	[tilespmem:s16], [sflag:$0x1] =	stream.indirect_vreg.gather [hbm4b:s3+s2], $0x80, v4, vm0, $0xb8;
	[tilespmem:$0x8080] =	vst v63  }
0x46: {  	_ = 	snop  }
0x47: {  	[tilespmem:s17], [sflag:$0x1] =	stream.indirect_vreg.gather [hbm4b:s3+s2], $0x80, v3, vm0, $0xb8;
	[tilespmem:$0x8080] =	vst v63  }
0x48: {  	v3 =	vld [tilespmem:$0x50];
	_ =	sdelay $0x4  }
0x49: {  	v61 =	vshll.u32 v3, $0x1  }
0x4a: {  	v3 =	vand.u32 $0x7, v3;
	v4 =	vand.u32 $0xFFFFFFF0, v61  }
0x4b: {  	v3 =	vor.u32 v3, v4  }
0x4c: {  	v4 =	vperm.xlane v3, v0;
	_ =	sdelay $0x1  }
0x4d: {  	v3 =	vperm.xlane v3, v2;
	v4 =	vadd.s32 v1, v4;
	_ =	sdelay $0x1  }
0x4e: {  	v3 =	vadd.s32 v1, v3;
	_ =	sdelay $0x2  }
0x4f: {  	[tilespmem:s18], [sflag:$0x1] =	stream.indirect_vreg.gather [hbm4b:s3+s2], $0x80, v4, vm0, $0xb8;
	[tilespmem:$0x8080] =	vst v63  }
0x50: {  	_ = 	snop  }
0x51: {  	[tilespmem:s19], [sflag:$0x1] =	stream.indirect_vreg.gather [hbm4b:s3+s2], $0x80, v3, vm0, $0xb8;
	[tilespmem:$0x8080] =	vst v63  }
0x52: {  	v3 =	vld [tilespmem:$0x60];
	_ =	sdelay $0x4  }
0x53: {  	v62 =	vshll.u32 v3, $0x1  }
0x54: {  	v3 =	vand.u32 $0x7, v3;
	v4 =	vand.u32 $0xFFFFFFF0, v62  }
0x55: {  	v3 =	vor.u32 v3, v4  }
0x56: {  	v4 =	vperm.xlane v3, v0;
	_ =	sdelay $0x1  }
0x57: {  	v3 =	vperm.xlane v3, v2;
	v4 =	vadd.s32 v1, v4;
	_ =	sdelay $0x1  }
0x58: {  	v3 =	vadd.s32 v1, v3;
	_ =	sdelay $0x2  }
0x59: {  	[tilespmem:s20], [sflag:$0x1] =	stream.indirect_vreg.gather [hbm4b:s3+s2], $0x80, v4, vm0, $0xb8;
	[tilespmem:$0x8080] =	vst v63  }
0x5a: {  	_ = 	snop  }
0x5b: {  	[tilespmem:s21], [sflag:$0x1] =	stream.indirect_vreg.gather [hbm4b:s3+s2], $0x80, v3, vm0, $0xb8;
	[tilespmem:$0x8080] =	vst v63  }
0x5c: {  	v3 =	vld [tilespmem:$0x70];
	_ =	sdelay $0x4  }
0x5d: {  	v63 =	vshll.u32 v3, $0x1  }
0x5e: {  	v3 =	vand.u32 $0x7, v3;
	v4 =	vand.u32 $0xFFFFFFF0, v63  }
0x5f: {  	v3 =	vor.u32 v3, v4  }
0x60: {  	v4 =	vperm.xlane v3, v0;
	_ =	sdelay $0x1  }
0x61: {  	v3 =	vperm.xlane v3, v2;
	v4 =	vadd.s32 v1, v4;
	_ =	sdelay $0x1  }
0x62: {  	v3 =	vadd.s32 v1, v3;
	_ =	sdelay $0x2  }
0x63: {  	[tilespmem:s22], [sflag:$0x1] =	stream.indirect_vreg.gather [hbm4b:s3+s2], $0x80, v4, vm0, $0xb8;
	[tilespmem:$0x8080] =	vst v63  }
0x64: {  	_ = 	snop  }
0x65: {  	[tilespmem:s23], [sflag:$0x1] =	stream.indirect_vreg.gather [hbm4b:s3+s2], $0x80, v3, vm0, $0xb8;
	[tilespmem:$0x8080] =	vst v63  }
0x66: {  	_ =	swait.ge [sflag:s24], $0x8000  }
0x67: {  	p0 =	sne.s32 s28, $0x3B0;
	[sflag:s24] =	ssyncset.done $0x0  }
.Ltmp0:
0x68: {  	[sflag:s24] =	ssyncadd.s32 $0xFFFF8000;
	(pc) =	sbr.rel @p0 .LBB2_2-.Ltmp0, $4  }
0x69: {  	[hbm4b:s26+s2] =	stream.linear.scatter [tilespmem:s8], [sflag:$0x2], $0x8000, $0x38;
	[tilespmem:$0x8080] =	vst v63  }
0x6a: {  	_ =	swait.ge [sflag:s7], $0x8000  }
0x6b: {  	[sflag:s7] =	ssyncset.done $0x0  }
0x6c: {  	s28 =	sadd.s32 $0x10, s28;
	s26 =	sadd.s32 $0x1000, s26;
	[sflag:s7] =	ssyncadd.s32 $0xFFFF8000  }
0x6d: {  	s25 =	sadd.s32 $0x1, s25  }
0x6e: {  	p0 =	sne.s32 s25, s4  }
.Ltmp1:
0x6f: {  	_ = 	snop;
	(pc) =	sbr.rel @p0 .LBB2_1-.Ltmp1, $1  }
0x70: {  	_ =	sdelay $0x3  }
0x71: {  	_ =	sfence.sel $0x180000  }
0x72: {  	[bflag:$0x0] =	sbarrier.arrive $0xFFFF  }
0x73: {  	p0 =	sne.s32 s1, $0x0;
	_ =	strace $0x9000004A  }
0x74: {  	s0 =	sadd.s32 @!p0 $0x100000, s0;
	[bflag:$0x2] =	sbarrier.arrive $0xFFFF  }
0x75: {  	[sflag:s0] =	ssyncadd.tile.s32 @!p0 $0x1;
	_ =	shalt  }
.Lfunc_end2:
_tile_overlayer_lowered:
.L_overlay_start_2:
0x76: {  	(tag) =	ssettag $0x2  }
0x77: {  	s0 =	rddreg [dreg:$0x0];
	s2 =	stileid.u32  }
0x78: {  	s1 =	rddreg [dreg:$0x1];
	p0 =	sne.s32 s2, $0x0  }
0x79: {  	s3 =	rddreg [dreg:$0x2];
	[bflag:$0x3] =	sbarrier.arrive $0xFFFF;
	s2 =	simm.s32 @!p0 $0x1C02  }
0x7a: {  	[timem:s3], [sflag:s2] =	dma.local @!p0 [hbm:s0], s1  }
0x7b: {  	s0 =	simm.s32 @!p0 $0x2  }
0x7c: {  	_ =	swait.ge @!p0 [sflag:s0], s1  }
0x7d: {  	s1 =	ssub.s32 @!p0 $0x0, s1;
	[sflag:s0] =	ssyncset.done @!p0 $0x0  }
0x7e: {  	[sflag:s0] =	ssyncadd.s32 @!p0 s1  }
0x7f: {  	[bflag:$0x3] =	sbarrier.arrive $0xFFFF  }
0x80: {  	_ =	shalt  }

// kernel: kernel.19.cloned.1.call-start
scs
__scs_entry_jumppad:
0x0: {  	(pc) =	sbr.rel $0x88, $3  }
0x1: {  	(tag) =	ssettag $0x0;
	lr =	simm.s32 $0x1  }
0x2: {  	[smem:$0x3F8E] =	sst lr;
	_ =	strace $0xD0000000  }
0x3: {  	_ = 	snop  }
0x4: {  	_ = 	snop  }
0x5: {  	_ = 	snop  }
0x6: {  	_ = 	snop  }
0x7: {  	_ = 	snop  }
__scs_overlays_trampoline_lowered:
0x8: {  	[smem:$0x3F9D] =	sst s0  }
0x9: {  	[smem:$0x3F9E] =	sst s1  }
0xa: {  	[smem:$0x3F9F] =	sst s2  }
0xb: {  	[smem:$0x3FA0] =	sst s3  }
0xc: {  	[smem:$0x3FA1] =	sst s4  }
0xd: {  	[smem:$0x3FA2] =	sst s5  }
0xe: {  	[smem:$0x3FA3] =	sst s6  }
0xf: {  	[smem:$0x3FA4] =	sst s7  }
0x10: {  	[smem:$0x3FA5] =	sst s8  }
0x11: {  	[smem:$0x3FA6] =	sst s9;
	s0 =	simm.s32 @!p0 $0x0  }
0x12: {  	s1 =	sld [smem:$0x3F8C];
	s0 =	simm.s32 @p0 $0x1  }
0x13: {  	[smem:$0x3FA7] =	sst s0;
	s0 =	simm.s32 @!p1 $0x0  }
0x14: {  	s2 =	sld [smem:$0x3F8B];
	s0 =	simm.s32 @p1 $0x1  }
0x15: {  	[smem:$0x3FA8] =	sst s0;
	s0 =	simm.s32 @!p2 $0x0  }
0x16: {  	s3 =	sld [smem:$0x3FDB];
	s0 =	simm.s32 @p2 $0x1  }
0x17: {  	s4 =	simm.s32 $0x1BF5;
	[smem:$0x3FAA] =	sst s0  }
0x18: {  	s0 =	sld [smem:$0x3F8D];
	_ =	swait.ge [sflag:s4], $0x0  }
0x19: {  	s7 =	sld [smem:$0x3F8E]  }
0x1a: {  	s8 =	sadd.s32 $0xFFFFE003, lr  }
0x1b: {  	s9 =	sadd.s32 $0xFFFFFEF7, lr;
	s5 =	simm.s32 $0xFFFFFFFF;
	p2 =	slt.u32 s8, $0xFFFFF086  }
0x1c: {  	p1 =	slt.u32 s9, $0xF7A;
	s5 =	simm.s32 @!p2 $0x0  }
0x1d: {  	s5 =	simm.s32 @p1 $0x1;
	p0 =	seq.s32 s7, s2  }
0x1e: {  	s7 =	smul.u32 @!p0 $0xF7A, s2;
	p2 =	seq.s32 @!p0 s5, $0x0  }
0x1f: {  	s9 =	smul.u32 $0xF7A, s1;
	s8 =	simm.s32 @!p0 $0x1BF5;
	p2 =	por !p2, p0  }
0x20: {  	[sflag:s8] =	ssyncset.s32 @!p0 $0xFFFFF086;
	s6 =	sadd.s32 @!p0 s3, s7;
	s7 =	simm.s32 @!p0 $0x108  }
0x21: {  	s3 =	sadd.s32 s3, s9;
	s6 =	sadd.s32 @!p0 $0x88, s6;
	s7 =	simm.s32 @p2 $0x1082  }
0x22: {  	[simem:s7], [sflag:s8] =	dma.local @!p0 [hbm:s6], $0xF7A  }
0x23: {  	s9 =	sor.u32 $0xD0000000, s2;
	s6 =	simm.s32 $0x108;
	_ =	swait.ge @!p0 [sflag:s8], $0x0  }
0x24: {  	s3 =	sadd.s32 $0x88, s3;
	s6 =	simm.s32 @!p1 $0x1082;
	[sflag:s4] =	ssyncset.s32 $0xFFFFF086  }
0x25: {  	[simem:s6], [sflag:s4] =	dma.local [hbm:s3], $0xF7A  }
0x26: {  	[smem:$0x3F8E] =	sst s1;
	(tag) =	ssettag s2;
	_ =	strace s9  }
0x27: {  	s1 =	sld [smem:$0x3F9E]  }
0x28: {  	s2 =	sld [smem:$0x3F9F]  }
0x29: {  	s4 =	sld [smem:$0x3FA1]  }
0x2a: {  	p0 =	seq.s32 s5, $0x0;
	s5 =	sld [smem:$0x3FA2]  }
0x2b: {  	s6 =	sld [smem:$0x3FA3]  }
0x2c: {  	s7 =	sld [smem:$0x3FA4]  }
0x2d: {  	s3 =	simm.s32 $0x108;
	s8 =	sld [smem:$0x3FA5]  }
0x2e: {  	s3 =	simm.s32 @!p0 $0x1082;
	s9 =	sld [smem:$0x3FA6]  }
0x2f: {  	lr =	sadd.s32 s0, s3;
	s0 =	sld [smem:$0x3F9D]  }
0x30: {  	s3 =	sld [smem:$0x3FA0]  }
0x31: {  	[smem:$0x3FA9] =	sst s10  }
0x32: {  	s10 =	sld [smem:$0x3FA7];
	_ =	sdelay $0x3  }
0x33: {  	p0 =	seq.s32 s10, $0x1;
	s10 =	sld [smem:$0x3FA9];
	_ =	sdelay $0x3  }
0x34: {  	[smem:$0x3FA9] =	sst s10  }
0x35: {  	s10 =	sld [smem:$0x3FA8];
	_ =	sdelay $0x3  }
0x36: {  	p1 =	seq.s32 s10, $0x1;
	s10 =	sld [smem:$0x3FA9];
	_ =	sdelay $0x3  }
0x37: {  	[smem:$0x3FA9] =	sst s10  }
0x38: {  	s10 =	sld [smem:$0x3FAA]  }
0x39: {  	_ = 	snop;
	(pc) =	sbr.ind lr, $3  }
0x3a: {  	_ = 	snop  }
0x3b: {  	_ = 	snop  }
0x3c: {  	p2 =	seq.s32 s10, $0x1;
	s10 =	sld [smem:$0x3FA9]  }
0x3d: {  	_ =	shalt  }
0x3e: {  	_ =	shalt  }
0x3f: {  	_ =	shalt  }
0x40: {  	_ =	shalt  }
0x41: {  	_ =	shalt  }
0x42: {  	_ =	shalt  }
0x43: {  	_ =	shalt  }
0x44: {  	_ =	shalt  }
0x45: {  	_ =	shalt  }
0x46: {  	_ =	shalt  }
0x47: {  	_ =	shalt  }
0x48: {  	_ =	shalt  }
0x49: {  	_ =	shalt  }
0x4a: {  	_ =	shalt  }
0x4b: {  	_ =	shalt  }
0x4c: {  	_ =	shalt  }
0x4d: {  	_ =	shalt  }
0x4e: {  	_ =	shalt  }
0x4f: {  	_ =	shalt  }
0x50: {  	_ =	shalt  }
0x51: {  	_ =	shalt  }
0x52: {  	_ =	shalt  }
0x53: {  	_ =	shalt  }
0x54: {  	_ =	shalt  }
0x55: {  	_ =	shalt  }
0x56: {  	_ =	shalt  }
0x57: {  	_ =	shalt  }
0x58: {  	_ =	shalt  }
0x59: {  	_ =	shalt  }
0x5a: {  	_ =	shalt  }
0x5b: {  	_ =	shalt  }
0x5c: {  	_ =	shalt  }
0x5d: {  	_ =	shalt  }
0x5e: {  	_ =	shalt  }
0x5f: {  	_ =	shalt  }
0x60: {  	_ =	shalt  }
0x61: {  	_ =	shalt  }
0x62: {  	_ =	shalt  }
0x63: {  	_ =	shalt  }
0x64: {  	_ =	shalt  }
0x65: {  	_ =	shalt  }
0x66: {  	_ =	shalt  }
0x67: {  	_ =	shalt  }
0x68: {  	_ =	shalt  }
0x69: {  	_ =	shalt  }
0x6a: {  	_ =	shalt  }
0x6b: {  	_ =	shalt  }
0x6c: {  	_ =	shalt  }
0x6d: {  	_ =	shalt  }
0x6e: {  	_ =	shalt  }
0x6f: {  	_ =	shalt  }
0x70: {  	_ =	shalt  }
0x71: {  	_ =	shalt  }
0x72: {  	_ =	shalt  }
0x73: {  	_ =	shalt  }
0x74: {  	_ =	shalt  }
0x75: {  	_ =	shalt  }
0x76: {  	_ =	shalt  }
0x77: {  	_ =	shalt  }
0x78: {  	_ =	shalt  }
0x79: {  	_ =	shalt  }
0x7a: {  	_ =	shalt  }
0x7b: {  	_ =	shalt  }
0x7c: {  	_ =	shalt  }
0x7d: {  	_ =	shalt  }
0x7e: {  	_ =	shalt  }
0x7f: {  	_ =	shalt  }
0x80: {  	_ =	shalt  }
0x81: {  	_ =	shalt  }
0x82: {  	_ =	shalt  }
0x83: {  	_ =	shalt  }
0x84: {  	_ =	shalt  }
0x85: {  	_ =	shalt  }
0x86: {  	_ =	shalt  }
0x87: {  	_ =	shalt  }
.Lfunc_end0:
.L_simem_size_0:
called_computation.2_lowered:
.L_overlay_start_0:
0x88: {  	s2 =	sld [smem:$0x3FD9]  }
0x89: {  	s3 =	sld [smem:$0x3FFE];
	_ =	sdelay $0x1  }
0x8a: {  	s1 =	srdreg.scid  }
0x8b: {  	s0 =	sand.u32 $0x1, s1  }
0x8c: {  	s16 =	sshll.u32 s0, $0xA;
	s2 =	sadd.s32 s3, s2  }
0x8d: {  	s2 =	sadd.s32 s2, s16  }
0x8e: {  	[smem:$0x3FB5] =	sst s2  }
0x8f: {  	_ = 	snop  }
0x90: {  	(tm) =	ssettm $0x1  }
0x91: {  	s17 =	sld [smem:$0x3FFB];
	_ =	sdelay $0x3  }
0x92: {  	_ =	strace s17  }
0x93: {  	s2 =	sld [smem:$0x3FFC];
	_ =	sdelay $0x3  }
0x94: {  	_ =	strace s2  }
0x95: {  	s2 =	sld [smem:$0x3FFD];
	_ =	sdelay $0x3  }
0x96: {  	_ =	strace s2  }
0x97: {  	_ =	strace $0x8FFFFFFF  }
0x98: {  	s18 =	sld [smem:$0x3FDB];
	_ =	sdelay $0x1  }
0x99: {  	s19 =	simm.s32 $_scs_section_size  }
0x9a: {  	s4 =	simm.s32 $_size__tile_overlayer_lowered;
	s5 =	simm.s32 $_tile_overlayer_lowered  }
0x9b: {  	s22 =	simm.s32 $0x1BFF;
	s21 =	sshll.u32 s5, $0x1;
	s2 =	sadd.s32 s19, s18  }
0x9c: {  	s6 =	simm.s32 $0x0;
	s20 =	sshll.u32 s4, $0x1;
	s4 =	sadd.s32 s21, s2  }
0x9d: {  	[timem:s6], [sflag:s22] =	dma.local [hbm:s4], s20  }
0x9e: {  	_ =	swait.ge [sflag:s22], s20  }
0x9f: {  	s3 =	ssub.s32 $0x0, s20;
	[sflag:s22] =	ssyncset.done $0x0  }
0xa0: {  	[sflag:s22] =	ssyncadd.s32 s3;
	_ =	sdelay $0x1  }
0xa1: {  	s23 =	simm.s32 $0x1B8B  }
0xa2: {  	_ =	swait.ge [sflag:s23], $0x1  }
0xa3: {  	[sflag:s23] =	ssyncset.done $0x0  }
0xa4: {  	s25 =	simm.s32 $0x1B8E;
	s24 =	sld [smem:$0x3FFE];
	[sflag:s23] =	ssyncadd.s32 $0xFFFFFFFF  }
0xa5: {  	s26 =	simm.s32 $execute0_lowered;
	[smem:$0x3FD2] =	sst s25  }
0xa6: {  	s4 =	sshll.u32 s26, $0x1;
	_ =	strace $0x8000004C;
	[dreg:$0x1] =	wrdreg $0xFFFFFFFF  }
0xa7: {  	s28 =	simm.s32 $_size_execute0_lowered;
	s2 =	sadd.s32 s2, s4;
	[dreg:$0x0] =	wrdreg $0x0  }
0xa8: {  	s4 =	sshll.u32 s28, $0x1;
	[dreg:$0x2] =	wrdreg s2  }
0xa9: {  	[dreg:$0x3] =	wrdreg s4  }
0xaa: {  	[dreg:$0x4] =	wrdreg $0xC0  }
0xab: {  	_ =	task [dreg:s6], $0x5FFFF  }
0xac: {  	[dreg:$0x1] =	wrdreg $0xFFFFFFFF  }
0xad: {  	[dreg:$0x0] =	wrdreg $0x60  }
0xae: {  	[dreg:$0x2] =	wrdreg s24  }
0xaf: {  	[dreg:$0x3] =	wrdreg $0x9  }
0xb0: {  	_ =	task.clear_ibuf [dreg:s6], $0x4FFFF;
	_ =	strace $0x9000004C  }
0xb1: {  	s29 =	simm.s32 $0x9;
	_ =	strace $0x8000004E  }
0xb2: {  	_ =	swait.ge [sflag:s29], $0x1  }
0xb3: {  	[sflag:s29] =	ssyncadd.s32 $0xFFFFFFFF  }
0xb4: {  	_ =	strace $0x9000004E  }
0xb5: {  	_ =	sfence  }
0xb6: {  	s30 =	sld [smem:$0x0];
	_ =	sdelay $0x2  }
0xb7: {  	s31 =	sshll.u32 s1, $0xD;
	s1 =	sshrl.u32 s1, $0x2  }
0xb8: {  	s3 =	sand.u32 $0x4000, s31;
	s1 =	sadd.s32 s1, s30  }
0xb9: {  	s0 =	sor.u32 s3, s0;
	s1 =	sshll.u32 s1, $0x11  }
0xba: {  	s0 =	sor.u32 s1, s0  }
0xbb: {  	s0 =	sadd.s32 $0x8F2B, s0  }
0xbc: {  	[sflag:s0] =	ssyncadd.remote.s32 $0x1  }
0xbd: {  	_ =	sfence.sel $0xFFFF  }
0xbe: {  	[dreg:$0x0] =	wrdreg $0xFFFFFFFF;
	(pc) =	sbr.abs _section_cstart, $3  }
0xbf: {  	[dreg:$0x1] =	wrdreg $0xFFFFFFFF  }
0xc0: {  	_ =	task.clear_ibuf [dreg:s6], $0x2FFFF;
	_ =	strace $0x9FFFFFFF  }
0xc1: {  	(tm) =	ssettm $0x7FFFFFFF  }
tec
execute0_lowered:
.L_overlay_start_1:
0x0: {  	(tag) =	ssettag $0x1  }
0x1: {  	s4 =	rddreg [dreg:$0x0]  }
0x2: {  	s0 =	rddreg [dreg:$0x1];
	s2 =	simm.s32 $0x0;
	s3 =	srdreg.scid  }
0x3: {  	s1 =	stileid.u32;
	s10 =	simm.s32 $0x1080;
	s11 =	simm.s32 $0x1880  }
0x4: {  	s12 =	simm.s32 $0x2080;
	s13 =	simm.s32 $0x2880;
	s14 =	simm.s32 $0x3080  }
0x5: {  	s15 =	simm.s32 $0x3880;
	s16 =	simm.s32 $0x4080;
	s17 =	simm.s32 $0x4880  }
0x6: {  	s18 =	simm.s32 $0x5080;
	s19 =	simm.s32 $0x5880;
	s20 =	simm.s32 $0x6080  }
0x7: {  	s21 =	simm.s32 $0x6880;
	s22 =	simm.s32 $0x7080;
	s23 =	simm.s32 $0x7880  }
0x8: {  	s24 =	simm.s32 $0x1;
	s25 =	simm.s32 $0x0;
	s6 =	smul.u32 $0x3C00, s1  }
0x9: {  	[smem:$0x7FF] =	sst s2;
	s5 =	sand.u32 $0x1, s3;
	s8 =	smul.u32 $0x78000, s1  }
0xa: {  	s3 =	sadd.s32 $0x81A00, s4;
	s7 =	smul.u32 $0x1E00, s5;
	s9 =	ssub.s32 $0x2, s5  }
0xb: {  	_ =	strace $0x8000004D;
	s5 =	smul.u32 $0x3C000, s5;
	s31 =	sshrl.u32 s9, $0x1  }
0xc: {  	s8 =	sadd.s32 s8, s4;
	s6 =	sadd.s32 s7, s6;
	s7 =	ssub.s32 s9, s31  }
0xd: {  	v2 =	vlaneseq.u32;
	s5 =	sadd.s32 s5, s8;
	s8 =	simm.s32 $0x80;
	s6 =	sshrl.u32 s6, $0x3  }
0xe: {  	vm0 =	vmmov $0xffff;
	v1 =	vshrl.u32 v2, $0x3;
	s9 =	simm.s32 $0x880;
	s5 =	sadd.s32 $0xE0FA00, s5;
	s6 =	sadd.s32 s6, s4  }
0xf: {  	v0 =	vand.u32 $0x7, v2;
	v2 =	vor.u32 $0x8, v2;
	v1 =	vmul.u32 $0x8, v1;
	s4 =	smax.u32 s7, $0x1;
	s7 =	simm.s32 $0x2;
	s6 =	sadd.s32 $0x1C000, s6  }
.LBB2_1:
0x10: {  	s26 =	smov.u32 s5;
	s28 =	simm.s32 $0x0  }
.LBB2_2:
0x11: {  	s29 =	sadd.s32 s28, s6  }
0x12: {  	[tilespmem:s2], [sflag:$0x2] =	stream.linear.gather [hbm4b:s29+s2], $0x80, $0x38;
	[tilespmem:$0x8080] =	vst v63  }
0x13: {  	_ =	swait.ge [sflag:s7], $0x80  }
0x14: {  	[sflag:s7] =	ssyncset.done $0x0  }
0x15: {  	[sflag:s7] =	ssyncadd.s32 $0xFFFFFF80  }
0x16: {  	v3 =	vld [tilespmem:$0x0];
	_ =	sdelay $0x4  }
0x17: {  	v4 =	vshll.u32 v3, $0x1  }
0x18: {  	v3 =	vand.u32 $0x7, v3;
	v4 =	vand.u32 $0xFFFFFFF0, v4  }
0x19: {  	v3 =	vor.u32 v3, v4  }
0x1a: {  	v4 =	vperm.xlane v3, v0;
	_ =	sdelay $0x1  }
0x1b: {  	v3 =	vperm.xlane v3, v2;
	v4 =	vadd.s32 v1, v4;
	_ =	sdelay $0x1  }
0x1c: {  	v3 =	vadd.s32 v1, v3;
	_ =	sdelay $0x2  }
0x1d: {  	[tilespmem:s8], [sflag:$0x1] =	stream.indirect_vreg.gather [hbm4b:s3+s2], $0x80, v4, vm0, $0xb8;
	[tilespmem:$0x8080] =	vst v63  }
0x1e: {  	_ = 	snop  }
0x1f: {  	[tilespmem:s9], [sflag:$0x1] =	stream.indirect_vreg.gather [hbm4b:s3+s2], $0x80, v3, vm0, $0xb8;
	[tilespmem:$0x8080] =	vst v63  }
0x20: {  	v3 =	vld [tilespmem:$0x10];
	_ =	sdelay $0x4  }
0x21: {  	v57 =	vshll.u32 v3, $0x1  }
0x22: {  	v3 =	vand.u32 $0x7, v3;
	v4 =	vand.u32 $0xFFFFFFF0, v57  }
0x23: {  	v3 =	vor.u32 v3, v4  }
0x24: {  	v4 =	vperm.xlane v3, v0;
	_ =	sdelay $0x1  }
0x25: {  	v3 =	vperm.xlane v3, v2;
	v4 =	vadd.s32 v1, v4;
	_ =	sdelay $0x1  }
0x26: {  	v3 =	vadd.s32 v1, v3;
	_ =	sdelay $0x2  }
0x27: {  	[tilespmem:s10], [sflag:$0x1] =	stream.indirect_vreg.gather [hbm4b:s3+s2], $0x80, v4, vm0, $0xb8;
	[tilespmem:$0x8080] =	vst v63  }
0x28: {  	_ = 	snop  }
0x29: {  	[tilespmem:s11], [sflag:$0x1] =	stream.indirect_vreg.gather [hbm4b:s3+s2], $0x80, v3, vm0, $0xb8;
	[tilespmem:$0x8080] =	vst v63  }
0x2a: {  	v3 =	vld [tilespmem:$0x20];
	_ =	sdelay $0x4  }
0x2b: {  	v58 =	vshll.u32 v3, $0x1  }
0x2c: {  	v3 =	vand.u32 $0x7, v3;
	v4 =	vand.u32 $0xFFFFFFF0, v58  }
0x2d: {  	v3 =	vor.u32 v3, v4  }
0x2e: {  	v4 =	vperm.xlane v3, v0;
	_ =	sdelay $0x1  }
0x2f: {  	v3 =	vperm.xlane v3, v2;
	v4 =	vadd.s32 v1, v4;
	_ =	sdelay $0x1  }
0x30: {  	v3 =	vadd.s32 v1, v3;
	_ =	sdelay $0x2  }
0x31: {  	[tilespmem:s12], [sflag:$0x1] =	stream.indirect_vreg.gather [hbm4b:s3+s2], $0x80, v4, vm0, $0xb8;
	[tilespmem:$0x8080] =	vst v63  }
0x32: {  	_ = 	snop  }
0x33: {  	[tilespmem:s13], [sflag:$0x1] =	stream.indirect_vreg.gather [hbm4b:s3+s2], $0x80, v3, vm0, $0xb8;
	[tilespmem:$0x8080] =	vst v63  }
0x34: {  	v3 =	vld [tilespmem:$0x30];
	_ =	sdelay $0x4  }
0x35: {  	v59 =	vshll.u32 v3, $0x1  }
0x36: {  	v3 =	vand.u32 $0x7, v3;
	v4 =	vand.u32 $0xFFFFFFF0, v59  }
0x37: {  	v3 =	vor.u32 v3, v4  }
0x38: {  	v4 =	vperm.xlane v3, v0;
	_ =	sdelay $0x1  }
0x39: {  	v3 =	vperm.xlane v3, v2;
	v4 =	vadd.s32 v1, v4;
	_ =	sdelay $0x1  }
0x3a: {  	v3 =	vadd.s32 v1, v3;
	_ =	sdelay $0x2  }
0x3b: {  	[tilespmem:s14], [sflag:$0x1] =	stream.indirect_vreg.gather [hbm4b:s3+s2], $0x80, v4, vm0, $0xb8;
	[tilespmem:$0x8080] =	vst v63  }
0x3c: {  	_ = 	snop  }
0x3d: {  	[tilespmem:s15], [sflag:$0x1] =	stream.indirect_vreg.gather [hbm4b:s3+s2], $0x80, v3, vm0, $0xb8;
	[tilespmem:$0x8080] =	vst v63  }
0x3e: {  	v3 =	vld [tilespmem:$0x40];
	_ =	sdelay $0x4  }
0x3f: {  	v60 =	vshll.u32 v3, $0x1  }
0x40: {  	v3 =	vand.u32 $0x7, v3;
	v4 =	vand.u32 $0xFFFFFFF0, v60  }
0x41: {  	v3 =	vor.u32 v3, v4  }
0x42: {  	v4 =	vperm.xlane v3, v0;
	_ =	sdelay $0x1  }
0x43: {  	v3 =	vperm.xlane v3, v2;
	v4 =	vadd.s32 v1, v4;
	_ =	sdelay $0x1  }
0x44: {  	v3 =	vadd.s32 v1, v3;
	_ =	sdelay $0x2  }
0x45: {  	[tilespmem:s16], [sflag:$0x1] =	stream.indirect_vreg.gather [hbm4b:s3+s2], $0x80, v4, vm0, $0xb8;
	[tilespmem:$0x8080] =	vst v63  }
0x46: {  	_ = 	snop  }
0x47: {  	[tilespmem:s17], [sflag:$0x1] =	stream.indirect_vreg.gather [hbm4b:s3+s2], $0x80, v3, vm0, $0xb8;
	[tilespmem:$0x8080] =	vst v63  }
0x48: {  	v3 =	vld [tilespmem:$0x50];
	_ =	sdelay $0x4  }
0x49: {  	v61 =	vshll.u32 v3, $0x1  }
0x4a: {  	v3 =	vand.u32 $0x7, v3;
	v4 =	vand.u32 $0xFFFFFFF0, v61  }
0x4b: {  	v3 =	vor.u32 v3, v4  }
0x4c: {  	v4 =	vperm.xlane v3, v0;
	_ =	sdelay $0x1  }
0x4d: {  	v3 =	vperm.xlane v3, v2;
	v4 =	vadd.s32 v1, v4;
	_ =	sdelay $0x1  }
0x4e: {  	v3 =	vadd.s32 v1, v3;
	_ =	sdelay $0x2  }
0x4f: {  	[tilespmem:s18], [sflag:$0x1] =	stream.indirect_vreg.gather [hbm4b:s3+s2], $0x80, v4, vm0, $0xb8;
	[tilespmem:$0x8080] =	vst v63  }
0x50: {  	_ = 	snop  }
0x51: {  	[tilespmem:s19], [sflag:$0x1] =	stream.indirect_vreg.gather [hbm4b:s3+s2], $0x80, v3, vm0, $0xb8;
	[tilespmem:$0x8080] =	vst v63  }
0x52: {  	v3 =	vld [tilespmem:$0x60];
	_ =	sdelay $0x4  }
0x53: {  	v62 =	vshll.u32 v3, $0x1  }
0x54: {  	v3 =	vand.u32 $0x7, v3;
	v4 =	vand.u32 $0xFFFFFFF0, v62  }
0x55: {  	v3 =	vor.u32 v3, v4  }
0x56: {  	v4 =	vperm.xlane v3, v0;
	_ =	sdelay $0x1  }
0x57: {  	v3 =	vperm.xlane v3, v2;
	v4 =	vadd.s32 v1, v4;
	_ =	sdelay $0x1  }
0x58: {  	v3 =	vadd.s32 v1, v3;
	_ =	sdelay $0x2  }
0x59: {  	[tilespmem:s20], [sflag:$0x1] =	stream.indirect_vreg.gather [hbm4b:s3+s2], $0x80, v4, vm0, $0xb8;
	[tilespmem:$0x8080] =	vst v63  }
0x5a: {  	_ = 	snop  }
0x5b: {  	[tilespmem:s21], [sflag:$0x1] =	stream.indirect_vreg.gather [hbm4b:s3+s2], $0x80, v3, vm0, $0xb8;
	[tilespmem:$0x8080] =	vst v63  }
0x5c: {  	v3 =	vld [tilespmem:$0x70];
	_ =	sdelay $0x4  }
0x5d: {  	v63 =	vshll.u32 v3, $0x1  }
0x5e: {  	v3 =	vand.u32 $0x7, v3;
	v4 =	vand.u32 $0xFFFFFFF0, v63  }
0x5f: {  	v3 =	vor.u32 v3, v4  }
0x60: {  	v4 =	vperm.xlane v3, v0;
	_ =	sdelay $0x1  }
0x61: {  	v3 =	vperm.xlane v3, v2;
	v4 =	vadd.s32 v1, v4;
	_ =	sdelay $0x1  }
0x62: {  	v3 =	vadd.s32 v1, v3;
	_ =	sdelay $0x2  }
0x63: {  	[tilespmem:s22], [sflag:$0x1] =	stream.indirect_vreg.gather [hbm4b:s3+s2], $0x80, v4, vm0, $0xb8;
	[tilespmem:$0x8080] =	vst v63  }
0x64: {  	_ = 	snop  }
0x65: {  	[tilespmem:s23], [sflag:$0x1] =	stream.indirect_vreg.gather [hbm4b:s3+s2], $0x80, v3, vm0, $0xb8;
	[tilespmem:$0x8080] =	vst v63  }
0x66: {  	_ =	swait.ge [sflag:s24], $0x8000  }
0x67: {  	p0 =	sne.s32 s28, $0x3B0;
	[sflag:s24] =	ssyncset.done $0x0  }
.Ltmp0:
0x68: {  	[sflag:s24] =	ssyncadd.s32 $0xFFFF8000;
	(pc) =	sbr.rel @p0 .LBB2_2-.Ltmp0, $4  }
0x69: {  	[hbm4b:s26+s2] =	stream.linear.scatter [tilespmem:s8], [sflag:$0x2], $0x8000, $0x38;
	[tilespmem:$0x8080] =	vst v63  }
0x6a: {  	_ =	swait.ge [sflag:s7], $0x8000  }
0x6b: {  	[sflag:s7] =	ssyncset.done $0x0  }
0x6c: {  	s28 =	sadd.s32 $0x10, s28;
	s26 =	sadd.s32 $0x1000, s26;
	[sflag:s7] =	ssyncadd.s32 $0xFFFF8000  }
0x6d: {  	s25 =	sadd.s32 $0x1, s25  }
0x6e: {  	p0 =	sne.s32 s25, s4  }
.Ltmp1:
0x6f: {  	_ = 	snop;
	(pc) =	sbr.rel @p0 .LBB2_1-.Ltmp1, $1  }
0x70: {  	_ =	sdelay $0x3  }
0x71: {  	_ =	sfence.sel $0x180000  }
0x72: {  	[bflag:$0x0] =	sbarrier.arrive $0xFFFF  }
0x73: {  	p0 =	sne.s32 s1, $0x0;
	_ =	strace $0x9000004D  }
0x74: {  	s0 =	sadd.s32 @!p0 $0x100000, s0;
	[bflag:$0x2] =	sbarrier.arrive $0xFFFF  }
0x75: {  	[sflag:s0] =	ssyncadd.tile.s32 @!p0 $0x1;
	_ =	shalt  }
.Lfunc_end2:
_tile_overlayer_lowered:
.L_overlay_start_2:
0x76: {  	(tag) =	ssettag $0x2  }
0x77: {  	s0 =	rddreg [dreg:$0x0];
	s2 =	stileid.u32  }
0x78: {  	s1 =	rddreg [dreg:$0x1];
	p0 =	sne.s32 s2, $0x0  }
0x79: {  	s3 =	rddreg [dreg:$0x2];
	[bflag:$0x3] =	sbarrier.arrive $0xFFFF;
	s2 =	simm.s32 @!p0 $0x1C02  }
0x7a: {  	[timem:s3], [sflag:s2] =	dma.local @!p0 [hbm:s0], s1  }
0x7b: {  	s0 =	simm.s32 @!p0 $0x2  }
0x7c: {  	_ =	swait.ge @!p0 [sflag:s0], s1  }
0x7d: {  	s1 =	ssub.s32 @!p0 $0x0, s1;
	[sflag:s0] =	ssyncset.done @!p0 $0x0  }
0x7e: {  	[sflag:s0] =	ssyncadd.s32 @!p0 s1  }
0x7f: {  	[bflag:$0x3] =	sbarrier.arrive $0xFFFF  }
0x80: {  	_ =	shalt  }

// kernel: kernel.22.cloned.1.call-start
scs
__scs_entry_jumppad:
0x0: {  	(pc) =	sbr.rel $0x88, $3  }
0x1: {  	(tag) =	ssettag $0x0;
	lr =	simm.s32 $0x1  }
0x2: {  	[smem:$0x3F8E] =	sst lr;
	_ =	strace $0xD0000000  }
0x3: {  	_ = 	snop  }
0x4: {  	_ = 	snop  }
0x5: {  	_ = 	snop  }
0x6: {  	_ = 	snop  }
0x7: {  	_ = 	snop  }
__scs_overlays_trampoline_lowered:
0x8: {  	[smem:$0x3F9D] =	sst s0  }
0x9: {  	[smem:$0x3F9E] =	sst s1  }
0xa: {  	[smem:$0x3F9F] =	sst s2  }
0xb: {  	[smem:$0x3FA0] =	sst s3  }
0xc: {  	[smem:$0x3FA1] =	sst s4  }
0xd: {  	[smem:$0x3FA2] =	sst s5  }
0xe: {  	[smem:$0x3FA3] =	sst s6  }
0xf: {  	[smem:$0x3FA4] =	sst s7  }
0x10: {  	[smem:$0x3FA5] =	sst s8  }
0x11: {  	[smem:$0x3FA6] =	sst s9;
	s0 =	simm.s32 @!p0 $0x0  }
0x12: {  	s1 =	sld [smem:$0x3F8C];
	s0 =	simm.s32 @p0 $0x1  }
0x13: {  	[smem:$0x3FA7] =	sst s0;
	s0 =	simm.s32 @!p1 $0x0  }
0x14: {  	s2 =	sld [smem:$0x3F8B];
	s0 =	simm.s32 @p1 $0x1  }
0x15: {  	[smem:$0x3FA8] =	sst s0;
	s0 =	simm.s32 @!p2 $0x0  }
0x16: {  	s3 =	sld [smem:$0x3FDB];
	s0 =	simm.s32 @p2 $0x1  }
0x17: {  	s4 =	simm.s32 $0x1BF5;
	[smem:$0x3FAA] =	sst s0  }
0x18: {  	s0 =	sld [smem:$0x3F8D];
	_ =	swait.ge [sflag:s4], $0x0  }
0x19: {  	s7 =	sld [smem:$0x3F8E]  }
0x1a: {  	s8 =	sadd.s32 $0xFFFFE003, lr  }
0x1b: {  	s9 =	sadd.s32 $0xFFFFFEF7, lr;
	s5 =	simm.s32 $0xFFFFFFFF;
	p2 =	slt.u32 s8, $0xFFFFF086  }
0x1c: {  	p1 =	slt.u32 s9, $0xF7A;
	s5 =	simm.s32 @!p2 $0x0  }
0x1d: {  	s5 =	simm.s32 @p1 $0x1;
	p0 =	seq.s32 s7, s2  }
0x1e: {  	s7 =	smul.u32 @!p0 $0xF7A, s2;
	p2 =	seq.s32 @!p0 s5, $0x0  }
0x1f: {  	s9 =	smul.u32 $0xF7A, s1;
	s8 =	simm.s32 @!p0 $0x1BF5;
	p2 =	por !p2, p0  }
0x20: {  	[sflag:s8] =	ssyncset.s32 @!p0 $0xFFFFF086;
	s6 =	sadd.s32 @!p0 s3, s7;
	s7 =	simm.s32 @!p0 $0x108  }
0x21: {  	s3 =	sadd.s32 s3, s9;
	s6 =	sadd.s32 @!p0 $0x88, s6;
	s7 =	simm.s32 @p2 $0x1082  }
0x22: {  	[simem:s7], [sflag:s8] =	dma.local @!p0 [hbm:s6], $0xF7A  }
0x23: {  	s9 =	sor.u32 $0xD0000000, s2;
	s6 =	simm.s32 $0x108;
	_ =	swait.ge @!p0 [sflag:s8], $0x0  }
0x24: {  	s3 =	sadd.s32 $0x88, s3;
	s6 =	simm.s32 @!p1 $0x1082;
	[sflag:s4] =	ssyncset.s32 $0xFFFFF086  }
0x25: {  	[simem:s6], [sflag:s4] =	dma.local [hbm:s3], $0xF7A  }
0x26: {  	[smem:$0x3F8E] =	sst s1;
	(tag) =	ssettag s2;
	_ =	strace s9  }
0x27: {  	s1 =	sld [smem:$0x3F9E]  }
0x28: {  	s2 =	sld [smem:$0x3F9F]  }
0x29: {  	s4 =	sld [smem:$0x3FA1]  }
0x2a: {  	p0 =	seq.s32 s5, $0x0;
	s5 =	sld [smem:$0x3FA2]  }
0x2b: {  	s6 =	sld [smem:$0x3FA3]  }
0x2c: {  	s7 =	sld [smem:$0x3FA4]  }
0x2d: {  	s3 =	simm.s32 $0x108;
	s8 =	sld [smem:$0x3FA5]  }
0x2e: {  	s3 =	simm.s32 @!p0 $0x1082;
	s9 =	sld [smem:$0x3FA6]  }
0x2f: {  	lr =	sadd.s32 s0, s3;
	s0 =	sld [smem:$0x3F9D]  }
0x30: {  	s3 =	sld [smem:$0x3FA0]  }
0x31: {  	[smem:$0x3FA9] =	sst s10  }
0x32: {  	s10 =	sld [smem:$0x3FA7];
	_ =	sdelay $0x3  }
0x33: {  	p0 =	seq.s32 s10, $0x1;
	s10 =	sld [smem:$0x3FA9];
	_ =	sdelay $0x3  }
0x34: {  	[smem:$0x3FA9] =	sst s10  }
0x35: {  	s10 =	sld [smem:$0x3FA8];
	_ =	sdelay $0x3  }
0x36: {  	p1 =	seq.s32 s10, $0x1;
	s10 =	sld [smem:$0x3FA9];
	_ =	sdelay $0x3  }
0x37: {  	[smem:$0x3FA9] =	sst s10  }
0x38: {  	s10 =	sld [smem:$0x3FAA]  }
0x39: {  	_ = 	snop;
	(pc) =	sbr.ind lr, $3  }
0x3a: {  	_ = 	snop  }
0x3b: {  	_ = 	snop  }
0x3c: {  	p2 =	seq.s32 s10, $0x1;
	s10 =	sld [smem:$0x3FA9]  }
0x3d: {  	_ =	shalt  }
0x3e: {  	_ =	shalt  }
0x3f: {  	_ =	shalt  }
0x40: {  	_ =	shalt  }
0x41: {  	_ =	shalt  }
0x42: {  	_ =	shalt  }
0x43: {  	_ =	shalt  }
0x44: {  	_ =	shalt  }
0x45: {  	_ =	shalt  }
0x46: {  	_ =	shalt  }
0x47: {  	_ =	shalt  }
0x48: {  	_ =	shalt  }
0x49: {  	_ =	shalt  }
0x4a: {  	_ =	shalt  }
0x4b: {  	_ =	shalt  }
0x4c: {  	_ =	shalt  }
0x4d: {  	_ =	shalt  }
0x4e: {  	_ =	shalt  }
0x4f: {  	_ =	shalt  }
0x50: {  	_ =	shalt  }
0x51: {  	_ =	shalt  }
0x52: {  	_ =	shalt  }
0x53: {  	_ =	shalt  }
0x54: {  	_ =	shalt  }
0x55: {  	_ =	shalt  }
0x56: {  	_ =	shalt  }
0x57: {  	_ =	shalt  }
0x58: {  	_ =	shalt  }
0x59: {  	_ =	shalt  }
0x5a: {  	_ =	shalt  }
0x5b: {  	_ =	shalt  }
0x5c: {  	_ =	shalt  }
0x5d: {  	_ =	shalt  }
0x5e: {  	_ =	shalt  }
0x5f: {  	_ =	shalt  }
0x60: {  	_ =	shalt  }
0x61: {  	_ =	shalt  }
0x62: {  	_ =	shalt  }
0x63: {  	_ =	shalt  }
0x64: {  	_ =	shalt  }
0x65: {  	_ =	shalt  }
0x66: {  	_ =	shalt  }
0x67: {  	_ =	shalt  }
0x68: {  	_ =	shalt  }
0x69: {  	_ =	shalt  }
0x6a: {  	_ =	shalt  }
0x6b: {  	_ =	shalt  }
0x6c: {  	_ =	shalt  }
0x6d: {  	_ =	shalt  }
0x6e: {  	_ =	shalt  }
0x6f: {  	_ =	shalt  }
0x70: {  	_ =	shalt  }
0x71: {  	_ =	shalt  }
0x72: {  	_ =	shalt  }
0x73: {  	_ =	shalt  }
0x74: {  	_ =	shalt  }
0x75: {  	_ =	shalt  }
0x76: {  	_ =	shalt  }
0x77: {  	_ =	shalt  }
0x78: {  	_ =	shalt  }
0x79: {  	_ =	shalt  }
0x7a: {  	_ =	shalt  }
0x7b: {  	_ =	shalt  }
0x7c: {  	_ =	shalt  }
0x7d: {  	_ =	shalt  }
0x7e: {  	_ =	shalt  }
0x7f: {  	_ =	shalt  }
0x80: {  	_ =	shalt  }
0x81: {  	_ =	shalt  }
0x82: {  	_ =	shalt  }
0x83: {  	_ =	shalt  }
0x84: {  	_ =	shalt  }
0x85: {  	_ =	shalt  }
0x86: {  	_ =	shalt  }
0x87: {  	_ =	shalt  }
.Lfunc_end0:
.L_simem_size_0:
called_computation.3_lowered:
.L_overlay_start_0:
0x88: {  	s2 =	sld [smem:$0x3FD9]  }
0x89: {  	s3 =	sld [smem:$0x3FFE];
	_ =	sdelay $0x1  }
0x8a: {  	s1 =	srdreg.scid  }
0x8b: {  	s0 =	sand.u32 $0x1, s1  }
0x8c: {  	s17 =	sshll.u32 s0, $0xA;
	s2 =	sadd.s32 s3, s2  }
0x8d: {  	s2 =	sadd.s32 s2, s17  }
0x8e: {  	[smem:$0x3FB5] =	sst s2  }
0x8f: {  	_ = 	snop  }
0x90: {  	s2 =	sld [smem:$0x3FC7]  }
0x91: {  	s18 =	sld [smem:$0x3FC5];
	(tm) =	ssettm $0x1  }
0x92: {  	s4 =	sld [smem:$0x3FFB];
	_ =	sdelay $0x3  }
0x93: {  	_ =	strace s4  }
0x94: {  	s4 =	sld [smem:$0x3FFC];
	_ =	sdelay $0x3  }
0x95: {  	_ =	strace s4  }
0x96: {  	s4 =	sld [smem:$0x3FFD];
	_ =	sdelay $0x3  }
0x97: {  	_ =	strace s4  }
0x98: {  	_ =	strace $0x8FFFFFFF  }
0x99: {  	s19 =	sld [smem:$0x3FDB];
	_ =	sdelay $0x1  }
0x9a: {  	s5 =	simm.s32 $_scs_section_size  }
0x9b: {  	s6 =	simm.s32 $_size__tile_overlayer_lowered;
	s7 =	simm.s32 $_tile_overlayer_lowered  }
0x9c: {  	s22 =	simm.s32 $0x1BFF;
	s21 =	sshll.u32 s7, $0x1;
	s4 =	sadd.s32 s5, s19  }
0x9d: {  	s8 =	simm.s32 $0x0;
	s20 =	sshll.u32 s6, $0x1;
	s6 =	sadd.s32 s21, s4  }
0x9e: {  	[timem:s8], [sflag:s22] =	dma.local [hbm:s6], s20  }
0x9f: {  	_ =	swait.ge [sflag:s22], s20  }
0xa0: {  	s5 =	ssub.s32 $0x0, s20;
	[sflag:s22] =	ssyncset.done $0x0  }
0xa1: {  	[sflag:s22] =	ssyncadd.s32 s5;
	_ =	sdelay $0x1  }
0xa2: {  	s23 =	simm.s32 $0x1B8B  }
0xa3: {  	_ =	swait.ge [sflag:s23], $0x1  }
0xa4: {  	[sflag:s23] =	ssyncset.done $0x0  }
0xa5: {  	s25 =	simm.s32 $0x1B8E;
	s24 =	sld [smem:$0x3FFE];
	[sflag:s23] =	ssyncadd.s32 $0xFFFFFFFF  }
0xa6: {  	s26 =	simm.s32 $execute0_lowered;
	[smem:$0x3FD2] =	sst s25  }
0xa7: {  	s6 =	sshll.u32 s26, $0x1;
	_ =	strace $0x8000004F;
	[dreg:$0x1] =	wrdreg $0xFFFFFFFF  }
0xa8: {  	s28 =	simm.s32 $_size_execute0_lowered;
	s4 =	sadd.s32 s4, s6;
	[dreg:$0x0] =	wrdreg $0x0  }
0xa9: {  	s6 =	sshll.u32 s28, $0x1;
	[dreg:$0x2] =	wrdreg s4  }
0xaa: {  	[dreg:$0x3] =	wrdreg s6  }
0xab: {  	[dreg:$0x4] =	wrdreg $0xC0  }
0xac: {  	_ =	task [dreg:s8], $0x5FFFF  }
0xad: {  	[dreg:$0x1] =	wrdreg $0xFFFFFFFF  }
0xae: {  	[dreg:$0x0] =	wrdreg $0x60  }
0xaf: {  	[dreg:$0x2] =	wrdreg s24  }
0xb0: {  	[dreg:$0x3] =	wrdreg s2  }
0xb1: {  	[dreg:$0x4] =	wrdreg s18  }
0xb2: {  	[dreg:$0x5] =	wrdreg $0x9  }
0xb3: {  	_ =	task.clear_ibuf [dreg:s8], $0x6FFFF;
	_ =	strace $0x9000004F  }
0xb4: {  	s29 =	simm.s32 $0x9;
	_ =	strace $0x80000051  }
0xb5: {  	_ =	swait.ge [sflag:s29], $0x1  }
0xb6: {  	[sflag:s29] =	ssyncadd.s32 $0xFFFFFFFF  }
0xb7: {  	_ =	strace $0x90000051  }
0xb8: {  	_ =	sfence  }
0xb9: {  	s30 =	sld [smem:$0x0];
	_ =	sdelay $0x2  }
0xba: {  	s31 =	sshll.u32 s1, $0xD;
	s1 =	sshrl.u32 s1, $0x2  }
0xbb: {  	s3 =	sand.u32 $0x4000, s31;
	s1 =	sadd.s32 s1, s30  }
0xbc: {  	s0 =	sor.u32 s3, s0;
	s1 =	sshll.u32 s1, $0x11  }
0xbd: {  	s0 =	sor.u32 s1, s0  }
0xbe: {  	s0 =	sadd.s32 $0x8F2B, s0  }
0xbf: {  	[sflag:s0] =	ssyncadd.remote.s32 $0x1  }
0xc0: {  	_ =	sfence.sel $0xFFFF  }
0xc1: {  	[dreg:$0x0] =	wrdreg $0xFFFFFFFF;
	(pc) =	sbr.abs _section_cstart, $3  }
0xc2: {  	[dreg:$0x1] =	wrdreg $0xFFFFFFFF  }
0xc3: {  	_ =	task.clear_ibuf [dreg:s8], $0x2FFFF;
	_ =	strace $0x9FFFFFFF  }
0xc4: {  	(tm) =	ssettm $0x7FFFFFFF  }
0xc5: {  	_ =	shalt  }
tec
execute0_lowered:
.L_overlay_start_1:
0x0: {  	(tag) =	ssettag $0x1  }
0x1: {  	s4 =	rddreg [dreg:$0x0]  }
0x2: {  	s5 =	rddreg [dreg:$0x1]  }
0x3: {  	s6 =	rddreg [dreg:$0x2]  }
0x4: {  	s0 =	rddreg [dreg:$0x3]  }
0x5: {  	s3 =	srdreg.scid;
	s2 =	simm.s32 $0x0;
	s1 =	stileid.u32  }
0x6: {  	s11 =	simm.s32 $0x880;
	s12 =	simm.s32 $0x1080;
	s13 =	simm.s32 $0x1880  }
0x7: {  	s14 =	simm.s32 $0x2080;
	s15 =	simm.s32 $0x2880;
	s16 =	simm.s32 $0x3080  }
0x8: {  	s17 =	simm.s32 $0x3880;
	s18 =	simm.s32 $0x4080;
	s19 =	simm.s32 $0x4880  }
0x9: {  	s20 =	simm.s32 $0x5080;
	s21 =	simm.s32 $0x5880;
	s22 =	simm.s32 $0x6080  }
0xa: {  	s23 =	simm.s32 $0x6880;
	s24 =	simm.s32 $0x7080;
	s25 =	simm.s32 $0x7880  }
0xb: {  	s26 =	simm.s32 $0x1;
	s7 =	sand.u32 $0x1, s3;
	[smem:$0x7FF] =	sst s2  }
0xc: {  	s30 =	sshll.u32 s1, $0x8;
	s3 =	sadd.s32 $0x5200, s4;
	s8 =	sshll.u32 s7, $0x7  }
0xd: {  	_ =	strace $0x80000050;
	s7 =	ssub.s32 $0x2, s7;
	s8 =	sor.u32 s8, s30  }
0xe: {  	s31 =	sshrl.u32 s7, $0x1;
	s9 =	sshll.u32 s8, $0x5;
	s8 =	sshrl.u32 s8, $0x3  }
0xf: {  	v2 =	vlaneseq.u32;
	s10 =	ssub.s32 s7, s31;
	s9 =	sadd.s32 s9, s4;
	s4 =	sadd.s32 s5, s8  }
0x10: {  	vm0 =	vmmov $0xffff;
	v1 =	vshrl.u32 v2, $0x3;
	s6 =	sadd.s32 s6, s8;
	s8 =	smax.u32 s10, $0x1;
	s10 =	simm.s32 $0x80  }
0x11: {  	v0 =	vand.u32 $0x7, v2;
	v2 =	vor.u32 $0x8, v2;
	v1 =	vmul.u32 $0x8, v1;
	s5 =	sadd.s32 $0x53400, s9;
	s7 =	sadd.s32 $0x73400, s9;
	s9 =	simm.s32 $0x2  }
.LBB2_1:
0x12: {  	[tilespmem:s2], [sflag:$0x2] =	stream.linear.gather [hbm4b:s4+s2], $0x80, $0x38;
	[tilespmem:$0x8080] =	vst v63  }
0x13: {  	_ =	swait.ge [sflag:s9], $0x80  }
0x14: {  	[sflag:s9] =	ssyncset.done $0x0  }
0x15: {  	[sflag:s9] =	ssyncadd.s32 $0xFFFFFF80  }
0x16: {  	v3 =	vld [tilespmem:$0x0];
	_ =	sdelay $0x4  }
0x17: {  	v4 =	vshll.u32 v3, $0x1  }
0x18: {  	v3 =	vand.u32 $0x7, v3;
	v4 =	vand.u32 $0xFFFFFFF0, v4  }
0x19: {  	v3 =	vor.u32 v3, v4  }
0x1a: {  	v4 =	vperm.xlane v3, v0;
	_ =	sdelay $0x1  }
0x1b: {  	v3 =	vperm.xlane v3, v2;
	v4 =	vadd.s32 v1, v4;
	_ =	sdelay $0x1  }
0x1c: {  	v3 =	vadd.s32 v1, v3;
	_ =	sdelay $0x2  }
0x1d: {  	[tilespmem:s10], [sflag:$0x1] =	stream.indirect_vreg.gather [hbm4b:s3+s2], $0x80, v4, vm0, $0xb8;
	[tilespmem:$0x8080] =	vst v63  }
0x1e: {  	_ = 	snop  }
0x1f: {  	[tilespmem:s11], [sflag:$0x1] =	stream.indirect_vreg.gather [hbm4b:s3+s2], $0x80, v3, vm0, $0xb8;
	[tilespmem:$0x8080] =	vst v63  }
0x20: {  	v3 =	vld [tilespmem:$0x10];
	_ =	sdelay $0x4  }
0x21: {  	v49 =	vshll.u32 v3, $0x1  }
0x22: {  	v3 =	vand.u32 $0x7, v3;
	v4 =	vand.u32 $0xFFFFFFF0, v49  }
0x23: {  	v3 =	vor.u32 v3, v4  }
0x24: {  	v4 =	vperm.xlane v3, v0;
	_ =	sdelay $0x1  }
0x25: {  	v3 =	vperm.xlane v3, v2;
	v4 =	vadd.s32 v1, v4;
	_ =	sdelay $0x1  }
0x26: {  	v3 =	vadd.s32 v1, v3;
	_ =	sdelay $0x2  }
0x27: {  	[tilespmem:s12], [sflag:$0x1] =	stream.indirect_vreg.gather [hbm4b:s3+s2], $0x80, v4, vm0, $0xb8;
	[tilespmem:$0x8080] =	vst v63  }
0x28: {  	_ = 	snop  }
0x29: {  	[tilespmem:s13], [sflag:$0x1] =	stream.indirect_vreg.gather [hbm4b:s3+s2], $0x80, v3, vm0, $0xb8;
	[tilespmem:$0x8080] =	vst v63  }
0x2a: {  	v3 =	vld [tilespmem:$0x20];
	_ =	sdelay $0x4  }
0x2b: {  	v50 =	vshll.u32 v3, $0x1  }
0x2c: {  	v3 =	vand.u32 $0x7, v3;
	v4 =	vand.u32 $0xFFFFFFF0, v50  }
0x2d: {  	v3 =	vor.u32 v3, v4  }
0x2e: {  	v4 =	vperm.xlane v3, v0;
	_ =	sdelay $0x1  }
0x2f: {  	v3 =	vperm.xlane v3, v2;
	v4 =	vadd.s32 v1, v4;
	_ =	sdelay $0x1  }
0x30: {  	v3 =	vadd.s32 v1, v3;
	_ =	sdelay $0x2  }
0x31: {  	[tilespmem:s14], [sflag:$0x1] =	stream.indirect_vreg.gather [hbm4b:s3+s2], $0x80, v4, vm0, $0xb8;
	[tilespmem:$0x8080] =	vst v63  }
0x32: {  	_ = 	snop  }
0x33: {  	[tilespmem:s15], [sflag:$0x1] =	stream.indirect_vreg.gather [hbm4b:s3+s2], $0x80, v3, vm0, $0xb8;
	[tilespmem:$0x8080] =	vst v63  }
0x34: {  	v3 =	vld [tilespmem:$0x30];
	_ =	sdelay $0x4  }
0x35: {  	v51 =	vshll.u32 v3, $0x1  }
0x36: {  	v3 =	vand.u32 $0x7, v3;
	v4 =	vand.u32 $0xFFFFFFF0, v51  }
0x37: {  	v3 =	vor.u32 v3, v4  }
0x38: {  	v4 =	vperm.xlane v3, v0;
	_ =	sdelay $0x1  }
0x39: {  	v3 =	vperm.xlane v3, v2;
	v4 =	vadd.s32 v1, v4;
	_ =	sdelay $0x1  }
0x3a: {  	v3 =	vadd.s32 v1, v3;
	_ =	sdelay $0x2  }
0x3b: {  	[tilespmem:s16], [sflag:$0x1] =	stream.indirect_vreg.gather [hbm4b:s3+s2], $0x80, v4, vm0, $0xb8;
	[tilespmem:$0x8080] =	vst v63  }
0x3c: {  	_ = 	snop  }
0x3d: {  	[tilespmem:s17], [sflag:$0x1] =	stream.indirect_vreg.gather [hbm4b:s3+s2], $0x80, v3, vm0, $0xb8;
	[tilespmem:$0x8080] =	vst v63  }
0x3e: {  	v3 =	vld [tilespmem:$0x40];
	_ =	sdelay $0x4  }
0x3f: {  	v52 =	vshll.u32 v3, $0x1  }
0x40: {  	v3 =	vand.u32 $0x7, v3;
	v4 =	vand.u32 $0xFFFFFFF0, v52  }
0x41: {  	v3 =	vor.u32 v3, v4  }
0x42: {  	v4 =	vperm.xlane v3, v0;
	_ =	sdelay $0x1  }
0x43: {  	v3 =	vperm.xlane v3, v2;
	v4 =	vadd.s32 v1, v4;
	_ =	sdelay $0x1  }
0x44: {  	v3 =	vadd.s32 v1, v3;
	_ =	sdelay $0x2  }
0x45: {  	[tilespmem:s18], [sflag:$0x1] =	stream.indirect_vreg.gather [hbm4b:s3+s2], $0x80, v4, vm0, $0xb8;
	[tilespmem:$0x8080] =	vst v63  }
0x46: {  	_ = 	snop  }
0x47: {  	[tilespmem:s19], [sflag:$0x1] =	stream.indirect_vreg.gather [hbm4b:s3+s2], $0x80, v3, vm0, $0xb8;
	[tilespmem:$0x8080] =	vst v63  }
0x48: {  	v3 =	vld [tilespmem:$0x50];
	_ =	sdelay $0x4  }
0x49: {  	v53 =	vshll.u32 v3, $0x1  }
0x4a: {  	v3 =	vand.u32 $0x7, v3;
	v4 =	vand.u32 $0xFFFFFFF0, v53  }
0x4b: {  	v3 =	vor.u32 v3, v4  }
0x4c: {  	v4 =	vperm.xlane v3, v0;
	_ =	sdelay $0x1  }
0x4d: {  	v3 =	vperm.xlane v3, v2;
	v4 =	vadd.s32 v1, v4;
	_ =	sdelay $0x1  }
0x4e: {  	v3 =	vadd.s32 v1, v3;
	_ =	sdelay $0x2  }
0x4f: {  	[tilespmem:s20], [sflag:$0x1] =	stream.indirect_vreg.gather [hbm4b:s3+s2], $0x80, v4, vm0, $0xb8;
	[tilespmem:$0x8080] =	vst v63  }
0x50: {  	_ = 	snop  }
0x51: {  	[tilespmem:s21], [sflag:$0x1] =	stream.indirect_vreg.gather [hbm4b:s3+s2], $0x80, v3, vm0, $0xb8;
	[tilespmem:$0x8080] =	vst v63  }
0x52: {  	v3 =	vld [tilespmem:$0x60];
	_ =	sdelay $0x4  }
0x53: {  	v54 =	vshll.u32 v3, $0x1  }
0x54: {  	v3 =	vand.u32 $0x7, v3;
	v4 =	vand.u32 $0xFFFFFFF0, v54  }
0x55: {  	v3 =	vor.u32 v3, v4  }
0x56: {  	v4 =	vperm.xlane v3, v0;
	_ =	sdelay $0x1  }
0x57: {  	v3 =	vperm.xlane v3, v2;
	v4 =	vadd.s32 v1, v4;
	_ =	sdelay $0x1  }
0x58: {  	v3 =	vadd.s32 v1, v3;
	_ =	sdelay $0x2  }
0x59: {  	[tilespmem:s22], [sflag:$0x1] =	stream.indirect_vreg.gather [hbm4b:s3+s2], $0x80, v4, vm0, $0xb8;
	[tilespmem:$0x8080] =	vst v63  }
0x5a: {  	_ = 	snop  }
0x5b: {  	[tilespmem:s23], [sflag:$0x1] =	stream.indirect_vreg.gather [hbm4b:s3+s2], $0x80, v3, vm0, $0xb8;
	[tilespmem:$0x8080] =	vst v63  }
0x5c: {  	v3 =	vld [tilespmem:$0x70];
	_ =	sdelay $0x4  }
0x5d: {  	v55 =	vshll.u32 v3, $0x1  }
0x5e: {  	v3 =	vand.u32 $0x7, v3;
	v4 =	vand.u32 $0xFFFFFFF0, v55  }
0x5f: {  	v3 =	vor.u32 v3, v4  }
0x60: {  	v4 =	vperm.xlane v3, v0;
	_ =	sdelay $0x1  }
0x61: {  	v3 =	vperm.xlane v3, v2;
	v4 =	vadd.s32 v1, v4;
	_ =	sdelay $0x1  }
0x62: {  	v3 =	vadd.s32 v1, v3;
	_ =	sdelay $0x2  }
0x63: {  	[tilespmem:s24], [sflag:$0x1] =	stream.indirect_vreg.gather [hbm4b:s3+s2], $0x80, v4, vm0, $0xb8;
	[tilespmem:$0x8080] =	vst v63  }
0x64: {  	_ = 	snop  }
0x65: {  	[tilespmem:s25], [sflag:$0x1] =	stream.indirect_vreg.gather [hbm4b:s3+s2], $0x80, v3, vm0, $0xb8;
	[tilespmem:$0x8080] =	vst v63  }
0x66: {  	_ =	swait.ge [sflag:s26], $0x8000  }
0x67: {  	[sflag:s26] =	ssyncset.done $0x0  }
0x68: {  	[sflag:s26] =	ssyncadd.s32 $0xFFFF8000  }
0x69: {  	[hbm4b:s5+s2] =	stream.linear.scatter [tilespmem:s10], [sflag:$0x2], $0x8000, $0x38;
	[tilespmem:$0x8080] =	vst v63  }
0x6a: {  	_ =	swait.ge [sflag:s9], $0x8000  }
0x6b: {  	[sflag:s9] =	ssyncset.done $0x0  }
0x6c: {  	[sflag:s9] =	ssyncadd.s32 $0xFFFF8000  }
0x6d: {  	[tilespmem:s2], [sflag:$0x2] =	stream.linear.gather [hbm4b:s6+s2], $0x80, $0x38;
	[tilespmem:$0x8080] =	vst v63  }
0x6e: {  	_ =	swait.ge [sflag:s9], $0x80  }
0x6f: {  	[sflag:s9] =	ssyncset.done $0x0  }
0x70: {  	[sflag:s9] =	ssyncadd.s32 $0xFFFFFF80  }
0x71: {  	v3 =	vld [tilespmem:$0x0];
	_ =	sdelay $0x4  }
0x72: {  	v56 =	vshll.u32 v3, $0x1  }
0x73: {  	v3 =	vand.u32 $0x7, v3;
	v4 =	vand.u32 $0xFFFFFFF0, v56  }
0x74: {  	v3 =	vor.u32 v3, v4  }
0x75: {  	v4 =	vperm.xlane v3, v0;
	_ =	sdelay $0x1  }
0x76: {  	v3 =	vperm.xlane v3, v2;
	v4 =	vadd.s32 v1, v4;
	_ =	sdelay $0x1  }
0x77: {  	v3 =	vadd.s32 v1, v3;
	_ =	sdelay $0x2  }
0x78: {  	[tilespmem:s10], [sflag:$0x1] =	stream.indirect_vreg.gather [hbm4b:s3+s2], $0x80, v4, vm0, $0xb8;
	[tilespmem:$0x8080] =	vst v63  }
0x79: {  	_ = 	snop  }
0x7a: {  	[tilespmem:s11], [sflag:$0x1] =	stream.indirect_vreg.gather [hbm4b:s3+s2], $0x80, v3, vm0, $0xb8;
	[tilespmem:$0x8080] =	vst v63  }
0x7b: {  	v3 =	vld [tilespmem:$0x10];
	_ =	sdelay $0x4  }
0x7c: {  	v57 =	vshll.u32 v3, $0x1  }
0x7d: {  	v3 =	vand.u32 $0x7, v3;
	v4 =	vand.u32 $0xFFFFFFF0, v57  }
0x7e: {  	v3 =	vor.u32 v3, v4  }
0x7f: {  	v4 =	vperm.xlane v3, v0;
	_ =	sdelay $0x1  }
0x80: {  	v3 =	vperm.xlane v3, v2;
	v4 =	vadd.s32 v1, v4;
	_ =	sdelay $0x1  }
0x81: {  	v3 =	vadd.s32 v1, v3;
	_ =	sdelay $0x2  }
0x82: {  	[tilespmem:s12], [sflag:$0x1] =	stream.indirect_vreg.gather [hbm4b:s3+s2], $0x80, v4, vm0, $0xb8;
	[tilespmem:$0x8080] =	vst v63  }
0x83: {  	_ = 	snop  }
0x84: {  	[tilespmem:s13], [sflag:$0x1] =	stream.indirect_vreg.gather [hbm4b:s3+s2], $0x80, v3, vm0, $0xb8;
	[tilespmem:$0x8080] =	vst v63  }
0x85: {  	v3 =	vld [tilespmem:$0x20];
	_ =	sdelay $0x4  }
0x86: {  	v58 =	vshll.u32 v3, $0x1  }
0x87: {  	v3 =	vand.u32 $0x7, v3;
	v4 =	vand.u32 $0xFFFFFFF0, v58  }
0x88: {  	v3 =	vor.u32 v3, v4  }
0x89: {  	v4 =	vperm.xlane v3, v0;
	_ =	sdelay $0x1  }
0x8a: {  	v3 =	vperm.xlane v3, v2;
	v4 =	vadd.s32 v1, v4;
	_ =	sdelay $0x1  }
0x8b: {  	v3 =	vadd.s32 v1, v3;
	_ =	sdelay $0x2  }
0x8c: {  	[tilespmem:s14], [sflag:$0x1] =	stream.indirect_vreg.gather [hbm4b:s3+s2], $0x80, v4, vm0, $0xb8;
	[tilespmem:$0x8080] =	vst v63  }
0x8d: {  	_ = 	snop  }
0x8e: {  	[tilespmem:s15], [sflag:$0x1] =	stream.indirect_vreg.gather [hbm4b:s3+s2], $0x80, v3, vm0, $0xb8;
	[tilespmem:$0x8080] =	vst v63  }
0x8f: {  	v3 =	vld [tilespmem:$0x30];
	_ =	sdelay $0x4  }
0x90: {  	v59 =	vshll.u32 v3, $0x1  }
0x91: {  	v3 =	vand.u32 $0x7, v3;
	v4 =	vand.u32 $0xFFFFFFF0, v59  }
0x92: {  	v3 =	vor.u32 v3, v4  }
0x93: {  	v4 =	vperm.xlane v3, v0;
	_ =	sdelay $0x1  }
0x94: {  	v3 =	vperm.xlane v3, v2;
	v4 =	vadd.s32 v1, v4;
	_ =	sdelay $0x1  }
0x95: {  	v3 =	vadd.s32 v1, v3;
	_ =	sdelay $0x2  }
0x96: {  	[tilespmem:s16], [sflag:$0x1] =	stream.indirect_vreg.gather [hbm4b:s3+s2], $0x80, v4, vm0, $0xb8;
	[tilespmem:$0x8080] =	vst v63  }
0x97: {  	_ = 	snop  }
0x98: {  	[tilespmem:s17], [sflag:$0x1] =	stream.indirect_vreg.gather [hbm4b:s3+s2], $0x80, v3, vm0, $0xb8;
	[tilespmem:$0x8080] =	vst v63  }
0x99: {  	v3 =	vld [tilespmem:$0x40];
	_ =	sdelay $0x4  }
0x9a: {  	v60 =	vshll.u32 v3, $0x1  }
0x9b: {  	v3 =	vand.u32 $0x7, v3;
	v4 =	vand.u32 $0xFFFFFFF0, v60  }
0x9c: {  	v3 =	vor.u32 v3, v4  }
0x9d: {  	v4 =	vperm.xlane v3, v0;
	_ =	sdelay $0x1  }
0x9e: {  	v3 =	vperm.xlane v3, v2;
	v4 =	vadd.s32 v1, v4;
	_ =	sdelay $0x1  }
0x9f: {  	v3 =	vadd.s32 v1, v3;
	_ =	sdelay $0x2  }
0xa0: {  	[tilespmem:s18], [sflag:$0x1] =	stream.indirect_vreg.gather [hbm4b:s3+s2], $0x80, v4, vm0, $0xb8;
	[tilespmem:$0x8080] =	vst v63  }
0xa1: {  	_ = 	snop  }
0xa2: {  	[tilespmem:s19], [sflag:$0x1] =	stream.indirect_vreg.gather [hbm4b:s3+s2], $0x80, v3, vm0, $0xb8;
	[tilespmem:$0x8080] =	vst v63  }
0xa3: {  	v3 =	vld [tilespmem:$0x50];
	_ =	sdelay $0x4  }
0xa4: {  	v61 =	vshll.u32 v3, $0x1  }
0xa5: {  	v3 =	vand.u32 $0x7, v3;
	v4 =	vand.u32 $0xFFFFFFF0, v61  }
0xa6: {  	v3 =	vor.u32 v3, v4  }
0xa7: {  	v4 =	vperm.xlane v3, v0;
	_ =	sdelay $0x1  }
0xa8: {  	v3 =	vperm.xlane v3, v2;
	v4 =	vadd.s32 v1, v4;
	_ =	sdelay $0x1  }
0xa9: {  	v3 =	vadd.s32 v1, v3;
	_ =	sdelay $0x2  }
0xaa: {  	[tilespmem:s20], [sflag:$0x1] =	stream.indirect_vreg.gather [hbm4b:s3+s2], $0x80, v4, vm0, $0xb8;
	[tilespmem:$0x8080] =	vst v63  }
0xab: {  	_ = 	snop  }
0xac: {  	[tilespmem:s21], [sflag:$0x1] =	stream.indirect_vreg.gather [hbm4b:s3+s2], $0x80, v3, vm0, $0xb8;
	[tilespmem:$0x8080] =	vst v63  }
0xad: {  	v3 =	vld [tilespmem:$0x60];
	_ =	sdelay $0x4  }
0xae: {  	v62 =	vshll.u32 v3, $0x1  }
0xaf: {  	v3 =	vand.u32 $0x7, v3;
	v4 =	vand.u32 $0xFFFFFFF0, v62  }
0xb0: {  	v3 =	vor.u32 v3, v4  }
0xb1: {  	v4 =	vperm.xlane v3, v0;
	_ =	sdelay $0x1  }
0xb2: {  	v3 =	vperm.xlane v3, v2;
	v4 =	vadd.s32 v1, v4;
	_ =	sdelay $0x1  }
0xb3: {  	v3 =	vadd.s32 v1, v3;
	_ =	sdelay $0x2  }
0xb4: {  	[tilespmem:s22], [sflag:$0x1] =	stream.indirect_vreg.gather [hbm4b:s3+s2], $0x80, v4, vm0, $0xb8;
	[tilespmem:$0x8080] =	vst v63  }
0xb5: {  	_ = 	snop  }
0xb6: {  	[tilespmem:s23], [sflag:$0x1] =	stream.indirect_vreg.gather [hbm4b:s3+s2], $0x80, v3, vm0, $0xb8;
	[tilespmem:$0x8080] =	vst v63  }
0xb7: {  	v3 =	vld [tilespmem:$0x70];
	_ =	sdelay $0x4  }
0xb8: {  	v63 =	vshll.u32 v3, $0x1  }
0xb9: {  	v3 =	vand.u32 $0x7, v3;
	v4 =	vand.u32 $0xFFFFFFF0, v63  }
0xba: {  	v3 =	vor.u32 v3, v4  }
0xbb: {  	v4 =	vperm.xlane v3, v0;
	_ =	sdelay $0x1  }
0xbc: {  	v3 =	vperm.xlane v3, v2;
	v4 =	vadd.s32 v1, v4;
	_ =	sdelay $0x1  }
0xbd: {  	v3 =	vadd.s32 v1, v3;
	_ =	sdelay $0x2  }
0xbe: {  	[tilespmem:s24], [sflag:$0x1] =	stream.indirect_vreg.gather [hbm4b:s3+s2], $0x80, v4, vm0, $0xb8;
	[tilespmem:$0x8080] =	vst v63  }
0xbf: {  	_ = 	snop  }
0xc0: {  	[tilespmem:s25], [sflag:$0x1] =	stream.indirect_vreg.gather [hbm4b:s3+s2], $0x80, v3, vm0, $0xb8;
	[tilespmem:$0x8080] =	vst v63  }
0xc1: {  	_ =	swait.ge [sflag:s26], $0x8000  }
0xc2: {  	p0 =	sne.s32 s8, $0x1;
	[sflag:s26] =	ssyncset.done $0x0  }
.Ltmp0:
0xc3: {  	[sflag:s26] =	ssyncadd.s32 $0xFFFF8000;
	(pc) =	sbr.rel @p0 .LBB2_1-.Ltmp0, $4  }
0xc4: {  	[hbm4b:s7+s2] =	stream.linear.scatter [tilespmem:s10], [sflag:$0x2], $0x8000, $0x38;
	[tilespmem:$0x8080] =	vst v63  }
0xc5: {  	_ =	swait.ge [sflag:s9], $0x8000  }
0xc6: {  	[sflag:s9] =	ssyncset.done $0x0  }
0xc7: {  	s8 =	sadd.s32 $0xFFFFFFFF, s8;
	[sflag:s9] =	ssyncadd.s32 $0xFFFF8000  }
0xc8: {  	_ =	sfence.sel $0x180000  }
0xc9: {  	[bflag:$0x0] =	sbarrier.arrive $0xFFFF  }
0xca: {  	p0 =	sne.s32 s1, $0x0;
	_ =	strace $0x90000050  }
0xcb: {  	s0 =	sadd.s32 @!p0 $0x100000, s0;
	[bflag:$0x2] =	sbarrier.arrive $0xFFFF  }
0xcc: {  	[sflag:s0] =	ssyncadd.tile.s32 @!p0 $0x1;
	_ =	shalt  }
.Lfunc_end2:
_tile_overlayer_lowered:
.L_overlay_start_2:
0xcd: {  	(tag) =	ssettag $0x2  }
0xce: {  	s0 =	rddreg [dreg:$0x0];
	s2 =	stileid.u32  }
0xcf: {  	s1 =	rddreg [dreg:$0x1];
	p0 =	sne.s32 s2, $0x0  }
0xd0: {  	s3 =	rddreg [dreg:$0x2];
	[bflag:$0x3] =	sbarrier.arrive $0xFFFF;
	s2 =	simm.s32 @!p0 $0x1C02  }
0xd1: {  	[timem:s3], [sflag:s2] =	dma.local @!p0 [hbm:s0], s1  }
0xd2: {  	s0 =	simm.s32 @!p0 $0x2  }
0xd3: {  	_ =	swait.ge @!p0 [sflag:s0], s1  }
0xd4: {  	s1 =	ssub.s32 @!p0 $0x0, s1;
	[sflag:s0] =	ssyncset.done @!p0 $0x0  }
0xd5: {  	[sflag:s0] =	ssyncadd.s32 @!p0 s1  }
0xd6: {  	[bflag:$0x3] =	sbarrier.arrive $0xFFFF  }
0xd7: {  	_ =	shalt  }

</sc_bundles>
